<compile_context>
chip_gen: v7x
topology: tpu7x:2x2x1
jax: 0.10.2.dev20260603
libtpu: 0.0.44.dev20260713+nightly
codegen_flags: <defaults>
</compile_context>

<pallas_src>
import functools

import jax
import jax.numpy as jnp
from jax import lax
from jax.experimental import pallas as pl
from jax.experimental.pallas import tpu as pltpu
from jax.experimental.pallas import tpu_sc as plsc

G = 4
N = 32768
DIN = 128
H = 1024
DOUT = 256
E = G * G
BLK = 256
NB = N // BLK + E
P = NB * BLK

NC = 2
NS = 16
NW = NC * NS
HALF = N // 2
SP = P // NW
NGRP = SP // 16
NCH = SP // 128

_INV_SQRT2 = 0.7071067811865476

_MESH = plsc.VectorSubcoreMesh(core_axis_name="c", subcore_axis_name="s")
_GDN = jax.lax.GatherDimensionNumbers(
    offset_dims=(), collapsed_slice_dims=(0,), start_index_map=(0,))


def _lane(v, lane):
    idx = jnp.full((16,), lane, jnp.int32)
    return lax.gather(v, idx[:, None], _GDN, (1,),
                      mode=lax.GatherScatterMode.PROMISE_IN_BOUNDS)


def _shuffle(v, idx):
    return lax.gather(v, idx[:, None], _GDN, (1,),
                      mode=lax.GatherScatterMode.PROMISE_IN_BOUNDS)


def _cumsum16(v):
    iota = lax.iota(jnp.int32, 16)
    for k in (1, 2, 4, 8):
        shifted = _shuffle(v, jnp.maximum(iota - k, 0))
        v = v + jnp.where(iota >= k, shifted, 0)
    return v


def _allsum16(v):
    return _lane(_cumsum16(v), 15)


@functools.partial(
    pl.kernel,
    mesh=_MESH,
    compiler_params=pltpu.CompilerParams(needs_layout_passes=False),
    out_type=[
        jax.ShapeDtypeStruct((NW, HALF), jnp.int32),
        jax.ShapeDtypeStruct((NW, 16), jnp.int32),
    ],
    scratch_types=[
        pltpu.VMEM((HALF,), jnp.float32),
        pltpu.VMEM((HALF,), jnp.float32),
        pltpu.VMEM((HALF + 8,), jnp.int32),
        pltpu.VMEM((16,), jnp.int32),
    ],
)
def _sc_route(s0_hbm, s1_hbm, lists_hbm, counts_hbm, s0_v, s1_v, list_v, cnt_v):
    wid = lax.axis_index("s") * NC + lax.axis_index("c")
    e = wid % E
    half = wid // E
    base = half * HALF
    pltpu.sync_copy(s0_hbm.at[pl.ds(base, HALF)], s0_v)
    pltpu.sync_copy(s1_hbm.at[pl.ds(base, HALF)], s1_v)
    iota = lax.iota(jnp.int32, 16)
    e_v = jnp.full((16,), e, jnp.int32)

    def body(k, off_v):
        v0 = s0_v[pl.ds(k * 16, 16)]
        v1 = s1_v[pl.ds(k * 16, 16)]
        gi = jnp.minimum((v0 * float(G)).astype(jnp.int32), G - 1)
        gj = jnp.minimum((v1 * float(G)).astype(jnp.int32), G - 1)
        ind = gj * G + gi
        msk = ind == e_v
        tok = base + k * 16 + iota
        mi = jnp.where(msk, 1, 0)
        incl = _cumsum16(mi)
        pos = jnp.where(msk, off_v + incl - mi, HALF)
        plsc.store_scatter(list_v, [pos], tok)
        return off_v + _lane(incl, 15)

    off_v = lax.fori_loop(0, HALF // 16, body, jnp.zeros((16,), jnp.int32))
    cnt_v[...] = off_v
    pltpu.sync_copy(list_v.at[pl.ds(0, HALF)], lists_hbm.at[wid])
    pltpu.sync_copy(cnt_v, counts_hbm.at[wid])


@functools.partial(
    pl.kernel,
    mesh=_MESH,
    compiler_params=pltpu.CompilerParams(needs_layout_passes=False),
    out_type=[
        jax.ShapeDtypeStruct((P,), jnp.int32),
        jax.ShapeDtypeStruct((P, DIN), jnp.float32),
        jax.ShapeDtypeStruct((NB,), jnp.int32),
    ],
    scratch_types=[
        pltpu.VMEM((NW * 16,), jnp.int32),
        pltpu.VMEM((16,), jnp.int32),
        pltpu.VMEM((16,), jnp.int32),
        pltpu.VMEM((16,), jnp.int32),
        pltpu.VMEM((SP,), jnp.int32),
        pltpu.VMEM((SP,), jnp.int32),
        pltpu.VMEM((SP,), jnp.int32),
        pltpu.VMEM((SP,), jnp.int32),
        pltpu.VMEM((128, DIN), jnp.float32),
        pltpu.VMEM((128, DIN), jnp.float32),
        pltpu.VMEM((NB,), jnp.int32),
        pltpu.SemaphoreType.DMA,
        pltpu.SemaphoreType.DMA,
        pltpu.SemaphoreType.DMA,
        pltpu.SemaphoreType.DMA,
        pltpu.SemaphoreType.DMA,
    ],
)
def _sc_build(counts_hbm, lists_hbm, samples_hbm, perm_hbm, xs_hbm, be_hbm,
              cnt_v, c0_v, c1_v, seg_v, src_v, val_v, tok_v, pout_v, row_a,
              row_b, be_v, sem, gs_a, gs_b, os_a, os_b):
    wid = lax.axis_index("s") * NC + lax.axis_index("c")
    p0 = wid * SP
    pltpu.sync_copy(counts_hbm, cnt_v)
    iota = lax.iota(jnp.int32, 16)
    c0 = plsc.load_gather(cnt_v, [iota * 16])
    c1 = plsc.load_gather(cnt_v, [(iota + 16) * 16])
    tot = c0 + c1
    padded = jnp.bitwise_and(tot + (BLK - 1), -BLK)
    seg = _cumsum16(padded) - padded
    c0_v[...] = c0
    c1_v[...] = c1
    seg_v[...] = seg

    def grp(g, _):
        pg = p0 + g * 16
        pv = pg + iota
        n_le = _allsum16(jnp.where(seg <= pg, 1, 0))
        e_vl = n_le - 1
        seg_e = plsc.load_gather(seg_v, [e_vl])
        c0_e = plsc.load_gather(c0_v, [e_vl])
        c1_e = plsc.load_gather(c1_v, [e_vl])
        local = pv - seg_e
        inh0 = local < c0_e
        src = jnp.where(inh0, e_vl * HALF + local,
                        E * HALF + e_vl * HALF + (local - c0_e))
        valid = local < (c0_e + c1_e)
        src_v[pl.ds(g * 16, 16)] = jnp.where(valid, src, 0)
        val_v[pl.ds(g * 16, 16)] = jnp.where(valid, 1, 0)
        return 0

    lax.fori_loop(0, NGRP, grp, 0)

    tok_cps = [
        pltpu.async_copy(
            lists_hbm.at[src_v.at[pl.ds(j * 128, 128)]],
            tok_v.at[pl.ds(j * 128, 128)], sem)
        for j in range(NCH)
    ]
    for cp in tok_cps:
        cp.wait()

    def grp2(g, _):
        t = tok_v[pl.ds(g * 16, 16)]
        t = jnp.minimum(jnp.maximum(t, 0), N - 1)
        va = val_v[pl.ds(g * 16, 16)] > 0
        pout_v[pl.ds(g * 16, 16)] = jnp.where(va, t, N)
        tok_v[pl.ds(g * 16, 16)] = jnp.where(va, t, 0)
        return 0

    lax.fori_loop(0, NGRP, grp2, 0)
    pltpu.sync_copy(pout_v, perm_hbm.at[pl.ds(p0, SP)])

    rows = (row_a, row_b)
    gsems = (gs_a, gs_b)
    osems = (os_a, os_b)

    def _gather(j, b):
        return pltpu.async_copy(
            samples_hbm.at[tok_v.at[pl.ds(j * 128, 128)]], rows[b], gsems[b])

    gcps = [None, None]
    outs = [None, None]
    gcps[0] = _gather(0, 0)
    for j in range(NCH):
        b = j % 2
        nb = (j + 1) % 2
        if j + 1 < NCH:
            if outs[nb] is not None:
                outs[nb].wait()
            gcps[nb] = _gather(j + 1, nb)
        gcps[b].wait()
        outs[b] = pltpu.async_copy(
            rows[b], xs_hbm.at[pl.ds(p0 + j * 128, 128)], osems[b])
    outs[0].wait()
    outs[1].wait()

    @pl.when(wid == 0)
    def _():
        for gb in range(NB // 16):
            bs = (gb * 16 + iota) * BLK
            acc = jnp.full((16,), -1, jnp.int32)
            for ee in range(E):
                seg_ee = plsc.load_gather(seg_v, [jnp.full((16,), ee, jnp.int32)])
                acc = acc + jnp.where(bs >= seg_ee, 1, 0)
            be_v[pl.ds(gb * 16, 16)] = acc
        pltpu.sync_copy(be_v, be_hbm)


@functools.partial(
    pl.kernel,
    mesh=_MESH,
    compiler_params=pltpu.CompilerParams(needs_layout_passes=False),
    out_type=jax.ShapeDtypeStruct((N + 8, DOUT), jnp.float32),
    scratch_types=[
        pltpu.VMEM((NCH, 128), jnp.int32),
        pltpu.VMEM((128, DOUT), jnp.float32),
        pltpu.VMEM((128, DOUT), jnp.float32),
        pltpu.SemaphoreType.DMA,
        pltpu.SemaphoreType.DMA,
        pltpu.SemaphoreType.DMA,
        pltpu.SemaphoreType.DMA,
    ],
)
def _sc_scatter(perm3d_hbm, y_hbm, out_hbm, idx_v, row_a, row_b,
                gs_a, gs_b, os_a, os_b):
    wid = lax.axis_index("s") * NC + lax.axis_index("c")
    pltpu.sync_copy(perm3d_hbm.at[wid], idx_v)
    rows = (row_a, row_b)
    gsems = (gs_a, gs_b)
    osems = (os_a, os_b)

    def _load(j, b):
        return pltpu.async_copy(
            y_hbm.at[pl.ds(wid * SP + j * 128, 128)], rows[b], gsems[b])

    gcps = [None, None]
    outs = [None, None]
    gcps[0] = _load(0, 0)
    for j in range(NCH):
        b = j % 2
        nb = (j + 1) % 2
        if j + 1 < NCH:
            if outs[nb] is not None:
                outs[nb].wait()
            gcps[nb] = _load(j + 1, nb)
        gcps[b].wait()
        outs[b] = pltpu.async_copy(rows[b], out_hbm.at[idx_v.at[j]], osems[b])
    outs[0].wait()
    outs[1].wait()


def _mlp_block(be_ref, x_ref, w1_ref, b1_ref, w2_ref, b2_ref, y_ref):
    x = x_ref[...]
    h = jnp.dot(x, w1_ref[0], preferred_element_type=jnp.float32)
    h = h + b1_ref[0]
    h = 0.5 * h * (1.0 + jax.lax.erf(h * _INV_SQRT2))
    y = jnp.dot(h, w2_ref[0], preferred_element_type=jnp.float32)
    y_ref[...] = y + b2_ref[0]


def _grouped_mlp(block_e, x_sorted, W1, b1, W2, b2):
    grid_spec = pltpu.PrefetchScalarGridSpec(
        num_scalar_prefetch=1,
        grid=(NB,),
        in_specs=[
            pl.BlockSpec((BLK, DIN), lambda b, be: (b, 0)),
            pl.BlockSpec((1, DIN, H), lambda b, be: (be[b], 0, 0)),
            pl.BlockSpec((1, 1, H), lambda b, be: (be[b], 0, 0)),
            pl.BlockSpec((1, H, DOUT), lambda b, be: (be[b], 0, 0)),
            pl.BlockSpec((1, 1, DOUT), lambda b, be: (be[b], 0, 0)),
        ],
        out_specs=pl.BlockSpec((BLK, DOUT), lambda b, be: (b, 0)),
    )
    return pl.pallas_call(
        _mlp_block,
        grid_spec=grid_spec,
        out_shape=jax.ShapeDtypeStruct((P, DOUT), jnp.float32),
    )(block_e, x_sorted, W1, b1.reshape(E, 1, H), W2, b2.reshape(E, 1, DOUT))


_STAGE = 3


@jax.jit
def kernel(samples, W1, b1, W2, b2):
    s0 = samples[:, 0]
    s1 = samples[:, 1]
    lists, counts = _sc_route(s0, s1)
    if _STAGE >= 2:
        perm_s, xs, block_e = _sc_build(
            counts.reshape(NW * 16), lists.reshape(NW * HALF), samples)
    else:
        c0 = counts[:E, 0]
        c1 = counts[E:, 0]
        tot = c0 + c1
        padded = ((tot + BLK - 1) // BLK) * BLK
        seg = jnp.cumsum(padded) - padded
        pos_p = jnp.arange(P, dtype=jnp.int32)
        e_of_p = jnp.sum(pos_p[:, None] >= seg[None, :], axis=1).astype(jnp.int32) - 1
        local = pos_p - seg[e_of_p]
        inh0 = local < c0[e_of_p]
        src = jnp.where(inh0, e_of_p * HALF + local,
                        E * HALF + e_of_p * HALF + (local - c0[e_of_p]))
        valid = local < tot[e_of_p]
        tokid = lists.reshape(NW * HALF)[jnp.where(valid, src, 0)]
        perm_s = jnp.where(valid, tokid, N)
        xs = samples[jnp.where(valid, tokid, 0)]
        bstarts = jnp.arange(NB, dtype=jnp.int32) * BLK
        block_e = jnp.sum(bstarts[:, None] >= seg[None, :], axis=1).astype(jnp.int32) - 1
    y = _grouped_mlp(block_e, xs, W1, b1, W2, b2)
    if _STAGE >= 3:
        out_ext = _sc_scatter(perm_s.reshape(NW, NCH, 128), y)
    else:
        out_ext = jnp.zeros((N + 8, DOUT), jnp.float32).at[perm_s].set(y)
    return out_ext[:N]

# --- scband reference (transcript-rebuilt; emitter-appended) ---
"""Pipeline reference for scband-split-grid-59966333387114 (READ-ONLY COPY).

The authoritative reference and input builder live on the scoring server;
editing this copy changes nothing except your own understanding.
"""

import jax, jax.numpy as jnp
import numpy as np

G = 4            # grid splits per dim -> 16 experts
N = 32768        # tokens
DIN = 128
H = 1024
DOUT = 256
E = G * G


def setup_inputs(seed: int = 0) -> dict:
    key = jax.random.key(seed)
    k0, k1, k2 = jax.random.split(key, 3)
    # samples: uniform in [0,1) so the first two columns are valid grid coordinates
    samples = jax.random.uniform(k0, (N, DIN), dtype=jnp.float32)
    # stacked expert parameters (one Linear(DIN,H) + GELU + Linear(H,DOUT) per expert)
    W1 = jax.random.normal(k1, (E, DIN, H), dtype=jnp.float32) * 0.02
    b1 = jnp.zeros((E, H), dtype=jnp.float32)
    W2 = jax.random.normal(k2, (E, H, DOUT), dtype=jnp.float32) * 0.02
    b2 = jnp.zeros((E, DOUT), dtype=jnp.float32)
    return {"samples": samples, "W1": W1, "b1": b1, "W2": W2, "b2": b2}


def reference(samples, W1, b1, W2, b2):
    # SplitGrid routing: i = floor(s[:,0]*G).clip(0,G-1), j = floor(s[:,1]*G).clip(0,G-1)
    i = jnp.clip(jnp.floor(samples[:, 0] * G), 0, G - 1)
    j = jnp.clip(jnp.floor(samples[:, 1] * G), 0, G - 1)
    inds = (j * G + i).astype(jnp.int32)
    out = jnp.zeros((samples.shape[0], DOUT), dtype=jnp.float32)
    # SplitModule: each expert processes its own token subset, results scattered back
    for e in range(E):
        mask = (inds == e)[:, None]
        h = jax.nn.gelu(samples @ W1[e] + b1[e], approximate=False)
        ye = h @ W2[e] + b2[e]
        out = jnp.where(mask, ye, out)
    return out

if __name__ == "__main__":
    import jax
    _d = setup_inputs()
    print(jax.jit(kernel)(*tuple(_d.values())))

</pallas_src>

<mosaic_0001>
#map = affine_map<(d0, d1) -> (0)>
#map1 = affine_map<(d0, d1) -> (0, 0)>
module attributes {stable_mosaic.version = 14 : i64} {
  func.func @_sc_build(%arg0: i32, %arg1: i32, %arg2: memref<512xi32, #tpu.memory_space<hbm>>, %arg3: memref<524288xi32, #tpu.memory_space<hbm>>, %arg4: memref<32768x128xf32, #tpu.memory_space<hbm>>, %arg5: memref<36864xi32, #tpu.memory_space<hbm>>, %arg6: memref<36864x128xf32, #tpu.memory_space<hbm>>, %arg7: memref<144xi32, #tpu.memory_space<hbm>>, %arg8: memref<512xi32, #tpu.memory_space<vmem>>, %arg9: memref<16xi32, #tpu.memory_space<vmem>>, %arg10: memref<16xi32, #tpu.memory_space<vmem>>, %arg11: memref<16xi32, #tpu.memory_space<vmem>>, %arg12: memref<1152xi32, #tpu.memory_space<vmem>>, %arg13: memref<1152xi32, #tpu.memory_space<vmem>>, %arg14: memref<1152xi32, #tpu.memory_space<vmem>>, %arg15: memref<1152xi32, #tpu.memory_space<vmem>>, %arg16: memref<128x128xf32, #tpu.memory_space<vmem>>, %arg17: memref<128x128xf32, #tpu.memory_space<vmem>>, %arg18: memref<144xi32, #tpu.memory_space<vmem>>, %arg19: memref<!tpu.dma_semaphore, #tpu.memory_space<semaphore_mem>>, %arg20: memref<!tpu.dma_semaphore, #tpu.memory_space<semaphore_mem>>, %arg21: memref<!tpu.dma_semaphore, #tpu.memory_space<semaphore_mem>>, %arg22: memref<!tpu.dma_semaphore, #tpu.memory_space<semaphore_mem>>, %arg23: memref<!tpu.dma_semaphore, #tpu.memory_space<semaphore_mem>>) attributes {dimension_semantics = [#tpu.dimension_semantics<core_parallel>, #tpu.dimension_semantics<subcore_parallel>], iteration_bounds = array<i64: 2, 16>, scalar_prefetch = 0 : i64, scratch_operands = 16 : i64, tpu.core_type = #tpu.core_type<sc_vector_subcore>, window_params = [{transform_indices = #map}, {transform_indices = #map}, {transform_indices = #map1}, {transform_indices = #map}, {transform_indices = #map1}, {transform_indices = #map}]} {
    %mul3A = arith.constant 2 : i32
    %mul3A_0 = arith.muli %arg1, %mul3A : i32
    %add3A = arith.addi %mul3A_0, %arg0 : i32
    %mul3A_1 = arith.constant 1152 : i32
    %mul3A_2 = arith.muli %add3A, %mul3A_1 : i32
    "tpu.region"() ({
      %run_scoped3A = tpu.sem_alloc : memref<!tpu.dma_semaphore, #tpu.memory_space<semaphore_mem>>
      tpu.enqueue_dma source(%arg2 : memref<512xi32, #tpu.memory_space<hbm>>) target(%arg8 : memref<512xi32, #tpu.memory_space<vmem>>) target_semaphore(%run_scoped3A : memref<!tpu.dma_semaphore, #tpu.memory_space<semaphore_mem>>)
      tpu.wait_dma2 semaphore(%run_scoped3A : memref<!tpu.dma_semaphore, #tpu.memory_space<semaphore_mem>>) src(%arg2 : memref<512xi32, #tpu.memory_space<hbm>>) dst(%arg8 : memref<512xi32, #tpu.memory_space<vmem>>)
      tpu.yield
    }) : () -> ()
    %iota3A = tpu.iota {dimensions = array<i32: 0>} : vector<16xi32>
    %mul3A_3 = arith.constant 16 : i32
    %mul3A_4 = vector.broadcast %mul3A_3 : i32 to vector<16xi32>
    %mul3A_5 = arith.muli %iota3A, %mul3A_4 : vector<16xi32>
    %gather3A = tpu.vector_load_idx %arg8[%mul3A_5] : memref<512xi32, #tpu.memory_space<vmem>>[vector<16xi32>], vector<16xi32>,
    %add3A_6 = arith.constant 16 : i32
    %add3A_7 = vector.broadcast %add3A_6 : i32 to vector<16xi32>
    %add3A_8 = arith.addi %iota3A, %add3A_7 : vector<16xi32>
    %mul3A_9 = arith.constant 16 : i32
    %mul3A_10 = vector.broadcast %mul3A_9 : i32 to vector<16xi32>
    %mul3A_11 = arith.muli %add3A_8, %mul3A_10 : vector<16xi32>
    %gather3A_12 = tpu.vector_load_idx %arg8[%mul3A_11] : memref<512xi32, #tpu.memory_space<vmem>>[vector<16xi32>], vector<16xi32>,
    %add3A_13 = arith.addi %gather3A, %gather3A_12 : vector<16xi32>
    %add3A_14 = arith.constant 255 : i32
    %add3A_15 = vector.broadcast %add3A_14 : i32 to vector<16xi32>
    %add3A_16 = arith.addi %add3A_13, %add3A_15 : vector<16xi32>
    %and3A = arith.constant -256 : i32
    %and3A_17 = vector.broadcast %and3A : i32 to vector<16xi32>
    %and3A_18 = arith.andi %add3A_16, %and3A_17 : vector<16xi32>
    %iota3A_19 = tpu.iota {dimensions = array<i32: 0>} : vector<16xi32>
    %sub3A = arith.constant 1 : i32
    %sub3A_20 = vector.broadcast %sub3A : i32 to vector<16xi32>
    %sub3A_21 = arith.subi %iota3A_19, %sub3A_20 : vector<16xi32>
    %max3A = arith.constant 0 : i32
    %max3A_22 = vector.broadcast %max3A : i32 to vector<16xi32>
    %max3A_23 = arith.maxsi %sub3A_21, %max3A_22 : vector<16xi32>
    %broadcast_in_dim3A = vector.shape_cast %max3A_23 : vector<16xi32> to vector<16x1xi32>
    %gather3A_24 = vector.shape_cast %broadcast_in_dim3A : vector<16x1xi32> to vector<16xi32>
    %gather3A_25 = tpu.dynamic_gather %and3A_18[%gather3A_24] in [0] : vector<16xi32>, vector<16xi32> -> vector<16xi32>
    %ge3A = arith.constant 1 : i32
    %ge3A_26 = vector.broadcast %ge3A : i32 to vector<16xi32>
    %ge3A_27 = arith.cmpi sge, %iota3A_19, %ge3A_26 : vector<16xi32>
    %jit3A = arith.constant 0 : i32
    %broadcast_in_dim3A_28 = vector.broadcast %jit3A : i32 to vector<16xi32>
    %select_n3A = arith.select %ge3A_27, %gather3A_25, %broadcast_in_dim3A_28 : vector<16xi1>, vector<16xi32>
    %add3A_29 = arith.addi %and3A_18, %select_n3A : vector<16xi32>
    %sub3A_30 = arith.constant 2 : i32
    %sub3A_31 = vector.broadcast %sub3A_30 : i32 to vector<16xi32>
    %sub3A_32 = arith.subi %iota3A_19, %sub3A_31 : vector<16xi32>
    %max3A_33 = arith.constant 0 : i32
    %max3A_34 = vector.broadcast %max3A_33 : i32 to vector<16xi32>
    %max3A_35 = arith.maxsi %sub3A_32, %max3A_34 : vector<16xi32>
    %broadcast_in_dim3A_36 = vector.shape_cast %max3A_35 : vector<16xi32> to vector<16x1xi32>
    %gather3A_37 = vector.shape_cast %broadcast_in_dim3A_36 : vector<16x1xi32> to vector<16xi32>
    %gather3A_38 = tpu.dynamic_gather %add3A_29[%gather3A_37] in [0] : vector<16xi32>, vector<16xi32> -> vector<16xi32>
    %ge3A_39 = arith.constant 2 : i32
    %ge3A_40 = vector.broadcast %ge3A_39 : i32 to vector<16xi32>
    %ge3A_41 = arith.cmpi sge, %iota3A_19, %ge3A_40 : vector<16xi32>
    %jit3A_42 = arith.constant 0 : i32
    %broadcast_in_dim3A_43 = vector.broadcast %jit3A_42 : i32 to vector<16xi32>
    %select_n3A_44 = arith.select %ge3A_41, %gather3A_38, %broadcast_in_dim3A_43 : vector<16xi1>, vector<16xi32>
    %add3A_45 = arith.addi %add3A_29, %select_n3A_44 : vector<16xi32>
    %sub3A_46 = arith.constant 4 : i32
    %sub3A_47 = vector.broadcast %sub3A_46 : i32 to vector<16xi32>
    %sub3A_48 = arith.subi %iota3A_19, %sub3A_47 : vector<16xi32>
    %max3A_49 = arith.constant 0 : i32
    %max3A_50 = vector.broadcast %max3A_49 : i32 to vector<16xi32>
    %max3A_51 = arith.maxsi %sub3A_48, %max3A_50 : vector<16xi32>
    %broadcast_in_dim3A_52 = vector.shape_cast %max3A_51 : vector<16xi32> to vector<16x1xi32>
    %gather3A_53 = vector.shape_cast %broadcast_in_dim3A_52 : vector<16x1xi32> to vector<16xi32>
    %gather3A_54 = tpu.dynamic_gather %add3A_45[%gather3A_53] in [0] : vector<16xi32>, vector<16xi32> -> vector<16xi32>
    %ge3A_55 = arith.constant 4 : i32
    %ge3A_56 = vector.broadcast %ge3A_55 : i32 to vector<16xi32>
    %ge3A_57 = arith.cmpi sge, %iota3A_19, %ge3A_56 : vector<16xi32>
    %jit3A_58 = arith.constant 0 : i32
    %broadcast_in_dim3A_59 = vector.broadcast %jit3A_58 : i32 to vector<16xi32>
    %select_n3A_60 = arith.select %ge3A_57, %gather3A_54, %broadcast_in_dim3A_59 : vector<16xi1>, vector<16xi32>
    %add3A_61 = arith.addi %add3A_45, %select_n3A_60 : vector<16xi32>
    %sub3A_62 = arith.constant 8 : i32
    %sub3A_63 = vector.broadcast %sub3A_62 : i32 to vector<16xi32>
    %sub3A_64 = arith.subi %iota3A_19, %sub3A_63 : vector<16xi32>
    %max3A_65 = arith.constant 0 : i32
    %max3A_66 = vector.broadcast %max3A_65 : i32 to vector<16xi32>
    %max3A_67 = arith.maxsi %sub3A_64, %max3A_66 : vector<16xi32>
    %broadcast_in_dim3A_68 = vector.shape_cast %max3A_67 : vector<16xi32> to vector<16x1xi32>
    %gather3A_69 = vector.shape_cast %broadcast_in_dim3A_68 : vector<16x1xi32> to vector<16xi32>
    %gather3A_70 = tpu.dynamic_gather %add3A_61[%gather3A_69] in [0] : vector<16xi32>, vector<16xi32> -> vector<16xi32>
    %ge3A_71 = arith.constant 8 : i32
    %ge3A_72 = vector.broadcast %ge3A_71 : i32 to vector<16xi32>
    %ge3A_73 = arith.cmpi sge, %iota3A_19, %ge3A_72 : vector<16xi32>
    %jit3A_74 = arith.constant 0 : i32
    %broadcast_in_dim3A_75 = vector.broadcast %jit3A_74 : i32 to vector<16xi32>
    %select_n3A_76 = arith.select %ge3A_73, %gather3A_70, %broadcast_in_dim3A_75 : vector<16xi1>, vector<16xi32>
    %add3A_77 = arith.addi %add3A_61, %select_n3A_76 : vector<16xi32>
    %sub3A_78 = arith.subi %add3A_77, %and3A_18 : vector<16xi32>
    %swap3A = arith.constant 0 : index
    %swap3A_79 = tpu.vector_load %arg9[%swap3A] {strides = array<i32>} : memref<16xi32, #tpu.memory_space<vmem>>, vector<16xi32>,
    tpu.vector_store %arg9[%swap3A], %gather3A {strides = array<i32>} : memref<16xi32, #tpu.memory_space<vmem>>, vector<16xi32>,
    %swap3A_80 = arith.constant 0 : index
    %swap3A_81 = tpu.vector_load %arg10[%swap3A_80] {strides = array<i32>} : memref<16xi32, #tpu.memory_space<vmem>>, vector<16xi32>,
    tpu.vector_store %arg10[%swap3A_80], %gather3A_12 {strides = array<i32>} : memref<16xi32, #tpu.memory_space<vmem>>, vector<16xi32>,
    %swap3A_82 = arith.constant 0 : index
    %swap3A_83 = tpu.vector_load %arg11[%swap3A_82] {strides = array<i32>} : memref<16xi32, #tpu.memory_space<vmem>>, vector<16xi32>,
    tpu.vector_store %arg11[%swap3A_82], %sub3A_78 {strides = array<i32>} : memref<16xi32, #tpu.memory_space<vmem>>, vector<16xi32>,
    %scan3A = arith.constant 0 : i32
    %scan3A_84 = arith.constant 0 : i32
    %scan3A_85 = arith.constant 72 : i32
    %scan3A_86 = arith.addi %scan3A_84, %scan3A_85 : i32
    %scan3A_87 = arith.constant 1 : i32
    %scan3A_88 = scf.for %scan3A_385 = %scan3A_84 to %scan3A_86 step %scan3A_87 iter_args(%scan3A_386 = %scan3A) -> (i32)  : i32 {
      %mul3A_387 = arith.constant 16 : i32
      %mul3A_388 = arith.muli %scan3A_385, %mul3A_387 : i32
      %add3A_389 = arith.addi %mul3A_2, %mul3A_388 : i32
      %add3A_390 = vector.broadcast %add3A_389 : i32 to vector<16xi32>
      %add3A_391 = arith.addi %add3A_390, %iota3A : vector<16xi32>
      %le3A = vector.broadcast %add3A_389 : i32 to vector<16xi32>
      %le3A_392 = arith.cmpi sle, %sub3A_78, %le3A : vector<16xi32>
      %jit3A_393 = arith.constant 1 : i32
      %jit3A_394 = arith.constant 0 : i32
      %broadcast_in_dim3A_395 = vector.broadcast %jit3A_393 : i32 to vector<16xi32>
      %broadcast_in_dim3A_396 = vector.broadcast %jit3A_394 : i32 to vector<16xi32>
      %select_n3A_397 = arith.select %le3A_392, %broadcast_in_dim3A_395, %broadcast_in_dim3A_396 : vector<16xi1>, vector<16xi32>
      %iota3A_398 = tpu.iota {dimensions = array<i32: 0>} : vector<16xi32>
      %sub3A_399 = arith.constant 1 : i32
      %sub3A_400 = vector.broadcast %sub3A_399 : i32 to vector<16xi32>
      %sub3A_401 = arith.subi %iota3A_398, %sub3A_400 : vector<16xi32>
      %max3A_402 = arith.constant 0 : i32
      %max3A_403 = vector.broadcast %max3A_402 : i32 to vector<16xi32>
      %max3A_404 = arith.maxsi %sub3A_401, %max3A_403 : vector<16xi32>
      %broadcast_in_dim3A_405 = vector.shape_cast %max3A_404 : vector<16xi32> to vector<16x1xi32>
      %gather3A_406 = vector.shape_cast %broadcast_in_dim3A_405 : vector<16x1xi32> to vector<16xi32>
      %gather3A_407 = tpu.dynamic_gather %select_n3A_397[%gather3A_406] in [0] : vector<16xi32>, vector<16xi32> -> vector<16xi32>
      %ge3A_408 = arith.constant 1 : i32
      %ge3A_409 = vector.broadcast %ge3A_408 : i32 to vector<16xi32>
      %ge3A_410 = arith.cmpi sge, %iota3A_398, %ge3A_409 : vector<16xi32>
      %jit3A_411 = arith.constant 0 : i32
      %broadcast_in_dim3A_412 = vector.broadcast %jit3A_411 : i32 to vector<16xi32>
      %select_n3A_413 = arith.select %ge3A_410, %gather3A_407, %broadcast_in_dim3A_412 : vector<16xi1>, vector<16xi32>
      %add3A_414 = arith.addi %select_n3A_397, %select_n3A_413 : vector<16xi32>
      %sub3A_415 = arith.constant 2 : i32
      %sub3A_416 = vector.broadcast %sub3A_415 : i32 to vector<16xi32>
      %sub3A_417 = arith.subi %iota3A_398, %sub3A_416 : vector<16xi32>
      %max3A_418 = arith.constant 0 : i32
      %max3A_419 = vector.broadcast %max3A_418 : i32 to vector<16xi32>
      %max3A_420 = arith.maxsi %sub3A_417, %max3A_419 : vector<16xi32>
      %broadcast_in_dim3A_421 = vector.shape_cast %max3A_420 : vector<16xi32> to vector<16x1xi32>
      %gather3A_422 = vector.shape_cast %broadcast_in_dim3A_421 : vector<16x1xi32> to vector<16xi32>
      %gather3A_423 = tpu.dynamic_gather %add3A_414[%gather3A_422] in [0] : vector<16xi32>, vector<16xi32> -> vector<16xi32>
      %ge3A_424 = arith.constant 2 : i32
      %ge3A_425 = vector.broadcast %ge3A_424 : i32 to vector<16xi32>
      %ge3A_426 = arith.cmpi sge, %iota3A_398, %ge3A_425 : vector<16xi32>
      %jit3A_427 = arith.constant 0 : i32
      %broadcast_in_dim3A_428 = vector.broadcast %jit3A_427 : i32 to vector<16xi32>
      %select_n3A_429 = arith.select %ge3A_426, %gather3A_423, %broadcast_in_dim3A_428 : vector<16xi1>, vector<16xi32>
      %add3A_430 = arith.addi %add3A_414, %select_n3A_429 : vector<16xi32>
      %sub3A_431 = arith.constant 4 : i32
      %sub3A_432 = vector.broadcast %sub3A_431 : i32 to vector<16xi32>
      %sub3A_433 = arith.subi %iota3A_398, %sub3A_432 : vector<16xi32>
      %max3A_434 = arith.constant 0 : i32
      %max3A_435 = vector.broadcast %max3A_434 : i32 to vector<16xi32>
      %max3A_436 = arith.maxsi %sub3A_433, %max3A_435 : vector<16xi32>
      %broadcast_in_dim3A_437 = vector.shape_cast %max3A_436 : vector<16xi32> to vector<16x1xi32>
      %gather3A_438 = vector.shape_cast %broadcast_in_dim3A_437 : vector<16x1xi32> to vector<16xi32>
      %gather3A_439 = tpu.dynamic_gather %add3A_430[%gather3A_438] in [0] : vector<16xi32>, vector<16xi32> -> vector<16xi32>
      %ge3A_440 = arith.constant 4 : i32
      %ge3A_441 = vector.broadcast %ge3A_440 : i32 to vector<16xi32>
      %ge3A_442 = arith.cmpi sge, %iota3A_398, %ge3A_441 : vector<16xi32>
      %jit3A_443 = arith.constant 0 : i32
      %broadcast_in_dim3A_444 = vector.broadcast %jit3A_443 : i32 to vector<16xi32>
      %select_n3A_445 = arith.select %ge3A_442, %gather3A_439, %broadcast_in_dim3A_444 : vector<16xi1>, vector<16xi32>
      %add3A_446 = arith.addi %add3A_430, %select_n3A_445 : vector<16xi32>
      %sub3A_447 = arith.constant 8 : i32
      %sub3A_448 = vector.broadcast %sub3A_447 : i32 to vector<16xi32>
      %sub3A_449 = arith.subi %iota3A_398, %sub3A_448 : vector<16xi32>
      %max3A_450 = arith.constant 0 : i32
      %max3A_451 = vector.broadcast %max3A_450 : i32 to vector<16xi32>
      %max3A_452 = arith.maxsi %sub3A_449, %max3A_451 : vector<16xi32>
      %broadcast_in_dim3A_453 = vector.shape_cast %max3A_452 : vector<16xi32> to vector<16x1xi32>
      %gather3A_454 = vector.shape_cast %broadcast_in_dim3A_453 : vector<16x1xi32> to vector<16xi32>
      %gather3A_455 = tpu.dynamic_gather %add3A_446[%gather3A_454] in [0] : vector<16xi32>, vector<16xi32> -> vector<16xi32>
      %ge3A_456 = arith.constant 8 : i32
      %ge3A_457 = vector.broadcast %ge3A_456 : i32 to vector<16xi32>
      %ge3A_458 = arith.cmpi sge, %iota3A_398, %ge3A_457 : vector<16xi32>
      %jit3A_459 = arith.constant 0 : i32
      %broadcast_in_dim3A_460 = vector.broadcast %jit3A_459 : i32 to vector<16xi32>
      %select_n3A_461 = arith.select %ge3A_458, %gather3A_455, %broadcast_in_dim3A_460 : vector<16xi1>, vector<16xi32>
      %add3A_462 = arith.addi %add3A_446, %select_n3A_461 : vector<16xi32>
      %broadcast_in_dim3A_463 = arith.constant 15 : i32
      %broadcast_in_dim3A_464 = vector.broadcast %broadcast_in_dim3A_463 : i32 to vector<16xi32>
      %broadcast_in_dim3A_465 = vector.shape_cast %broadcast_in_dim3A_464 : vector<16xi32> to vector<16x1xi32>
      %gather3A_466 = vector.shape_cast %broadcast_in_dim3A_465 : vector<16x1xi32> to vector<16xi32>
      %gather3A_467 = tpu.dynamic_gather %add3A_462[%gather3A_466] in [0] : vector<16xi32>, vector<16xi32> -> vector<16xi32>
      %sub3A_468 = arith.constant 1 : i32
      %sub3A_469 = vector.broadcast %sub3A_468 : i32 to vector<16xi32>
      %sub3A_470 = arith.subi %gather3A_467, %sub3A_469 : vector<16xi32>
      %gather3A_471 = tpu.vector_load_idx %arg11[%sub3A_470] : memref<16xi32, #tpu.memory_space<vmem>>[vector<16xi32>], vector<16xi32>,
      %gather3A_472 = tpu.vector_load_idx %arg9[%sub3A_470] : memref<16xi32, #tpu.memory_space<vmem>>[vector<16xi32>], vector<16xi32>,
      %gather3A_473 = tpu.vector_load_idx %arg10[%sub3A_470] : memref<16xi32, #tpu.memory_space<vmem>>[vector<16xi32>], vector<16xi32>,
      %sub3A_474 = arith.subi %add3A_391, %gather3A_471 : vector<16xi32>
      %lt3A = arith.cmpi slt, %sub3A_474, %gather3A_472 : vector<16xi32>
      %mul3A_475 = arith.constant 16384 : i32
      %mul3A_476 = vector.broadcast %mul3A_475 : i32 to vector<16xi32>
      %mul3A_477 = arith.muli %sub3A_470, %mul3A_476 : vector<16xi32>
      %add3A_478 = arith.addi %mul3A_477, %sub3A_474 : vector<16xi32>
      %mul3A_479 = arith.constant 16384 : i32
      %mul3A_480 = vector.broadcast %mul3A_479 : i32 to vector<16xi32>
      %mul3A_481 = arith.muli %sub3A_470, %mul3A_480 : vector<16xi32>
      %add3A_482 = arith.constant 262144 : i32
      %add3A_483 = vector.broadcast %add3A_482 : i32 to vector<16xi32>
      %add3A_484 = arith.addi %add3A_483, %mul3A_481 : vector<16xi32>
      %sub3A_485 = arith.subi %sub3A_474, %gather3A_472 : vector<16xi32>
      %add3A_486 = arith.addi %add3A_484, %sub3A_485 : vector<16xi32>
      %select_n3A_487 = arith.select %lt3A, %add3A_478, %add3A_486 : vector<16xi1>, vector<16xi32>
      %add3A_488 = arith.addi %gather3A_472, %gather3A_473 : vector<16xi32>
      %lt3A_489 = arith.cmpi slt, %sub3A_474, %add3A_488 : vector<16xi32>
      %jit3A_490 = arith.constant 0 : i32
      %broadcast_in_dim3A_491 = vector.broadcast %jit3A_490 : i32 to vector<16xi32>
      %select_n3A_492 = arith.select %lt3A_489, %select_n3A_487, %broadcast_in_dim3A_491 : vector<16xi1>, vector<16xi32>
      %mul3A_493 = arith.constant 16 : i32
      %mul3A_494 = arith.muli %scan3A_385, %mul3A_493 : i32
      %swap3A_495 = arith.index_cast %mul3A_494 : i32 to index
      %swap3A_496 = tpu.vector_load %arg12[%swap3A_495] {strides = array<i32>} : memref<1152xi32, #tpu.memory_space<vmem>>, vector<16xi32>,
      tpu.vector_store %arg12[%swap3A_495], %select_n3A_492 {strides = array<i32>} : memref<1152xi32, #tpu.memory_space<vmem>>, vector<16xi32>,
      %jit3A_497 = arith.constant 1 : i32
      %jit3A_498 = arith.constant 0 : i32
      %broadcast_in_dim3A_499 = vector.broadcast %jit3A_497 : i32 to vector<16xi32>
      %broadcast_in_dim3A_500 = vector.broadcast %jit3A_498 : i32 to vector<16xi32>
      %select_n3A_501 = arith.select %lt3A_489, %broadcast_in_dim3A_499, %broadcast_in_dim3A_500 : vector<16xi1>, vector<16xi32>
      %mul3A_502 = arith.constant 16 : i32
      %mul3A_503 = arith.muli %scan3A_385, %mul3A_502 : i32
      %swap3A_504 = arith.index_cast %mul3A_503 : i32 to index
      %swap3A_505 = tpu.vector_load %arg13[%swap3A_504] {strides = array<i32>} : memref<1152xi32, #tpu.memory_space<vmem>>, vector<16xi32>,
      tpu.vector_store %arg13[%swap3A_504], %select_n3A_501 {strides = array<i32>} : memref<1152xi32, #tpu.memory_space<vmem>>, vector<16xi32>,
      %scan3A_506 = arith.constant 0 : i32
      scf.yield %scan3A_506 : i32
    }
    %scan3A_89 = arith.constant 72 : i32
    %dma_start3A = arith.constant 0 : i32
    %dma_start3A_90 = tpu.memref_slice %arg14[%dma_start3A] : memref<1152xi32, #tpu.memory_space<vmem>> -> memref<128xi32, #tpu.memory_space<vmem>>
    %dma_start3A_91 = arith.constant 0 : i32
    %dma_start3A_92 = tpu.memref_slice %arg12[%dma_start3A_91] : memref<1152xi32, #tpu.memory_space<vmem>> -> memref<128xi32, #tpu.memory_space<vmem>>
    %dma_start3A_93 = arith.constant 0 : i32
    %dma_start3A_94 = tpu.memref_slice %arg3[%dma_start3A_93] : memref<524288xi32, #tpu.memory_space<hbm>> -> memref<524288xi32, #tpu.memory_space<hbm>>
    tpu.enqueue_indirect_dma source(%dma_start3A_94 : memref<524288xi32, #tpu.memory_space<hbm>>) target(%dma_start3A_90 : memref<128xi32, #tpu.memory_space<vmem>>) offsets(%dma_start3A_92 : memref<128xi32, #tpu.memory_space<vmem>>) semaphore(%arg19 : memref<!tpu.dma_semaphore, #tpu.memory_space<semaphore_mem>>)
    %dma_start3A_95 = arith.constant 128 : i32
    %dma_start3A_96 = tpu.memref_slice %arg14[%dma_start3A_95] : memref<1152xi32, #tpu.memory_space<vmem>> -> memref<128xi32, #tpu.memory_space<vmem>>
    %dma_start3A_97 = arith.constant 128 : i32
    %dma_start3A_98 = tpu.memref_slice %arg12[%dma_start3A_97] : memref<1152xi32, #tpu.memory_space<vmem>> -> memref<128xi32, #tpu.memory_space<vmem>>
    %dma_start3A_99 = arith.constant 0 : i32
    %dma_start3A_100 = tpu.memref_slice %arg3[%dma_start3A_99] : memref<524288xi32, #tpu.memory_space<hbm>> -> memref<524288xi32, #tpu.memory_space<hbm>>
    tpu.enqueue_indirect_dma source(%dma_start3A_100 : memref<524288xi32, #tpu.memory_space<hbm>>) target(%dma_start3A_96 : memref<128xi32, #tpu.memory_space<vmem>>) offsets(%dma_start3A_98 : memref<128xi32, #tpu.memory_space<vmem>>) semaphore(%arg19 : memref<!tpu.dma_semaphore, #tpu.memory_space<semaphore_mem>>)
    %dma_start3A_101 = arith.constant 256 : i32
    %dma_start3A_102 = tpu.memref_slice %arg14[%dma_start3A_101] : memref<1152xi32, #tpu.memory_space<vmem>> -> memref<128xi32, #tpu.memory_space<vmem>>
    %dma_start3A_103 = arith.constant 256 : i32
    %dma_start3A_104 = tpu.memref_slice %arg12[%dma_start3A_103] : memref<1152xi32, #tpu.memory_space<vmem>> -> memref<128xi32, #tpu.memory_space<vmem>>
    %dma_start3A_105 = arith.constant 0 : i32
    %dma_start3A_106 = tpu.memref_slice %arg3[%dma_start3A_105] : memref<524288xi32, #tpu.memory_space<hbm>> -> memref<524288xi32, #tpu.memory_space<hbm>>
    tpu.enqueue_indirect_dma source(%dma_start3A_106 : memref<524288xi32, #tpu.memory_space<hbm>>) target(%dma_start3A_102 : memref<128xi32, #tpu.memory_space<vmem>>) offsets(%dma_start3A_104 : memref<128xi32, #tpu.memory_space<vmem>>) semaphore(%arg19 : memref<!tpu.dma_semaphore, #tpu.memory_space<semaphore_mem>>)
    %dma_start3A_107 = arith.constant 384 : i32
    %dma_start3A_108 = tpu.memref_slice %arg14[%dma_start3A_107] : memref<1152xi32, #tpu.memory_space<vmem>> -> memref<128xi32, #tpu.memory_space<vmem>>
    %dma_start3A_109 = arith.constant 384 : i32
    %dma_start3A_110 = tpu.memref_slice %arg12[%dma_start3A_109] : memref<1152xi32, #tpu.memory_space<vmem>> -> memref<128xi32, #tpu.memory_space<vmem>>
    %dma_start3A_111 = arith.constant 0 : i32
    %dma_start3A_112 = tpu.memref_slice %arg3[%dma_start3A_111] : memref<524288xi32, #tpu.memory_space<hbm>> -> memref<524288xi32, #tpu.memory_space<hbm>>
    tpu.enqueue_indirect_dma source(%dma_start3A_112 : memref<524288xi32, #tpu.memory_space<hbm>>) target(%dma_start3A_108 : memref<128xi32, #tpu.memory_space<vmem>>) offsets(%dma_start3A_110 : memref<128xi32, #tpu.memory_space<vmem>>) semaphore(%arg19 : memref<!tpu.dma_semaphore, #tpu.memory_space<semaphore_mem>>)
    %dma_start3A_113 = arith.constant 512 : i32
    %dma_start3A_114 = tpu.memref_slice %arg14[%dma_start3A_113] : memref<1152xi32, #tpu.memory_space<vmem>> -> memref<128xi32, #tpu.memory_space<vmem>>
    %dma_start3A_115 = arith.constant 512 : i32
    %dma_start3A_116 = tpu.memref_slice %arg12[%dma_start3A_115] : memref<1152xi32, #tpu.memory_space<vmem>> -> memref<128xi32, #tpu.memory_space<vmem>>
    %dma_start3A_117 = arith.constant 0 : i32
    %dma_start3A_118 = tpu.memref_slice %arg3[%dma_start3A_117] : memref<524288xi32, #tpu.memory_space<hbm>> -> memref<524288xi32, #tpu.memory_space<hbm>>
    tpu.enqueue_indirect_dma source(%dma_start3A_118 : memref<524288xi32, #tpu.memory_space<hbm>>) target(%dma_start3A_114 : memref<128xi32, #tpu.memory_space<vmem>>) offsets(%dma_start3A_116 : memref<128xi32, #tpu.memory_space<vmem>>) semaphore(%arg19 : memref<!tpu.dma_semaphore, #tpu.memory_space<semaphore_mem>>)
    %dma_start3A_119 = arith.constant 640 : i32
    %dma_start3A_120 = tpu.memref_slice %arg14[%dma_start3A_119] : memref<1152xi32, #tpu.memory_space<vmem>> -> memref<128xi32, #tpu.memory_space<vmem>>
    %dma_start3A_121 = arith.constant 640 : i32
    %dma_start3A_122 = tpu.memref_slice %arg12[%dma_start3A_121] : memref<1152xi32, #tpu.memory_space<vmem>> -> memref<128xi32, #tpu.memory_space<vmem>>
    %dma_start3A_123 = arith.constant 0 : i32
    %dma_start3A_124 = tpu.memref_slice %arg3[%dma_start3A_123] : memref<524288xi32, #tpu.memory_space<hbm>> -> memref<524288xi32, #tpu.memory_space<hbm>>
    tpu.enqueue_indirect_dma source(%dma_start3A_124 : memref<524288xi32, #tpu.memory_space<hbm>>) target(%dma_start3A_120 : memref<128xi32, #tpu.memory_space<vmem>>) offsets(%dma_start3A_122 : memref<128xi32, #tpu.memory_space<vmem>>) semaphore(%arg19 : memref<!tpu.dma_semaphore, #tpu.memory_space<semaphore_mem>>)
    %dma_start3A_125 = arith.constant 768 : i32
    %dma_start3A_126 = tpu.memref_slice %arg14[%dma_start3A_125] : memref<1152xi32, #tpu.memory_space<vmem>> -> memref<128xi32, #tpu.memory_space<vmem>>
    %dma_start3A_127 = arith.constant 768 : i32
    %dma_start3A_128 = tpu.memref_slice %arg12[%dma_start3A_127] : memref<1152xi32, #tpu.memory_space<vmem>> -> memref<128xi32, #tpu.memory_space<vmem>>
    %dma_start3A_129 = arith.constant 0 : i32
    %dma_start3A_130 = tpu.memref_slice %arg3[%dma_start3A_129] : memref<524288xi32, #tpu.memory_space<hbm>> -> memref<524288xi32, #tpu.memory_space<hbm>>
    tpu.enqueue_indirect_dma source(%dma_start3A_130 : memref<524288xi32, #tpu.memory_space<hbm>>) target(%dma_start3A_126 : memref<128xi32, #tpu.memory_space<vmem>>) offsets(%dma_start3A_128 : memref<128xi32, #tpu.memory_space<vmem>>) semaphore(%arg19 : memref<!tpu.dma_semaphore, #tpu.memory_space<semaphore_mem>>)
    %dma_start3A_131 = arith.constant 896 : i32
    %dma_start3A_132 = tpu.memref_slice %arg14[%dma_start3A_131] : memref<1152xi32, #tpu.memory_space<vmem>> -> memref<128xi32, #tpu.memory_space<vmem>>
    %dma_start3A_133 = arith.constant 896 : i32
    %dma_start3A_134 = tpu.memref_slice %arg12[%dma_start3A_133] : memref<1152xi32, #tpu.memory_space<vmem>> -> memref<128xi32, #tpu.memory_space<vmem>>
    %dma_start3A_135 = arith.constant 0 : i32
    %dma_start3A_136 = tpu.memref_slice %arg3[%dma_start3A_135] : memref<524288xi32, #tpu.memory_space<hbm>> -> memref<524288xi32, #tpu.memory_space<hbm>>
    tpu.enqueue_indirect_dma source(%dma_start3A_136 : memref<524288xi32, #tpu.memory_space<hbm>>) target(%dma_start3A_132 : memref<128xi32, #tpu.memory_space<vmem>>) offsets(%dma_start3A_134 : memref<128xi32, #tpu.memory_space<vmem>>) semaphore(%arg19 : memref<!tpu.dma_semaphore, #tpu.memory_space<semaphore_mem>>)
    %dma_start3A_137 = arith.constant 1024 : i32
    %dma_start3A_138 = tpu.memref_slice %arg14[%dma_start3A_137] : memref<1152xi32, #tpu.memory_space<vmem>> -> memref<128xi32, #tpu.memory_space<vmem>>
    %dma_start3A_139 = arith.constant 1024 : i32
    %dma_start3A_140 = tpu.memref_slice %arg12[%dma_start3A_139] : memref<1152xi32, #tpu.memory_space<vmem>> -> memref<128xi32, #tpu.memory_space<vmem>>
    %dma_start3A_141 = arith.constant 0 : i32
    %dma_start3A_142 = tpu.memref_slice %arg3[%dma_start3A_141] : memref<524288xi32, #tpu.memory_space<hbm>> -> memref<524288xi32, #tpu.memory_space<hbm>>
    tpu.enqueue_indirect_dma source(%dma_start3A_142 : memref<524288xi32, #tpu.memory_space<hbm>>) target(%dma_start3A_138 : memref<128xi32, #tpu.memory_space<vmem>>) offsets(%dma_start3A_140 : memref<128xi32, #tpu.memory_space<vmem>>) semaphore(%arg19 : memref<!tpu.dma_semaphore, #tpu.memory_space<semaphore_mem>>)
    %dma_wait3A = arith.constant 0 : i32
    %dma_wait3A_143 = tpu.memref_slice %arg14[%dma_wait3A] : memref<1152xi32, #tpu.memory_space<vmem>> -> memref<128xi32, #tpu.memory_space<vmem>>
    %dma_wait3A_144 = arith.constant 0 : i32
    %dma_wait3A_145 = tpu.memref_slice %arg12[%dma_wait3A_144] : memref<1152xi32, #tpu.memory_space<vmem>> -> memref<128xi32, #tpu.memory_space<vmem>>
    %dma_wait3A_146 = arith.constant 0 : i32
    %dma_wait3A_147 = tpu.memref_slice %arg3[%dma_wait3A_146] : memref<524288xi32, #tpu.memory_space<hbm>> -> memref<524288xi32, #tpu.memory_space<hbm>>
    tpu.wait_indirect_dma semaphore(%arg19 : memref<!tpu.dma_semaphore, #tpu.memory_space<semaphore_mem>>) src(%dma_wait3A_147 : memref<524288xi32, #tpu.memory_space<hbm>>) dst(%dma_wait3A_143 : memref<128xi32, #tpu.memory_space<vmem>>)
    %dma_wait3A_148 = arith.constant 128 : i32
    %dma_wait3A_149 = tpu.memref_slice %arg14[%dma_wait3A_148] : memref<1152xi32, #tpu.memory_space<vmem>> -> memref<128xi32, #tpu.memory_space<vmem>>
    %dma_wait3A_150 = arith.constant 128 : i32
    %dma_wait3A_151 = tpu.memref_slice %arg12[%dma_wait3A_150] : memref<1152xi32, #tpu.memory_space<vmem>> -> memref<128xi32, #tpu.memory_space<vmem>>
    %dma_wait3A_152 = arith.constant 0 : i32
    %dma_wait3A_153 = tpu.memref_slice %arg3[%dma_wait3A_152] : memref<524288xi32, #tpu.memory_space<hbm>> -> memref<524288xi32, #tpu.memory_space<hbm>>
    tpu.wait_indirect_dma semaphore(%arg19 : memref<!tpu.dma_semaphore, #tpu.memory_space<semaphore_mem>>) src(%dma_wait3A_153 : memref<524288xi32, #tpu.memory_space<hbm>>) dst(%dma_wait3A_149 : memref<128xi32, #tpu.memory_space<vmem>>)
    %dma_wait3A_154 = arith.constant 256 : i32
    %dma_wait3A_155 = tpu.memref_slice %arg14[%dma_wait3A_154] : memref<1152xi32, #tpu.memory_space<vmem>> -> memref<128xi32, #tpu.memory_space<vmem>>
    %dma_wait3A_156 = arith.constant 256 : i32
    %dma_wait3A_157 = tpu.memref_slice %arg12[%dma_wait3A_156] : memref<1152xi32, #tpu.memory_space<vmem>> -> memref<128xi32, #tpu.memory_space<vmem>>
    %dma_wait3A_158 = arith.constant 0 : i32
    %dma_wait3A_159 = tpu.memref_slice %arg3[%dma_wait3A_158] : memref<524288xi32, #tpu.memory_space<hbm>> -> memref<524288xi32, #tpu.memory_space<hbm>>
    tpu.wait_indirect_dma semaphore(%arg19 : memref<!tpu.dma_semaphore, #tpu.memory_space<semaphore_mem>>) src(%dma_wait3A_159 : memref<524288xi32, #tpu.memory_space<hbm>>) dst(%dma_wait3A_155 : memref<128xi32, #tpu.memory_space<vmem>>)
    %dma_wait3A_160 = arith.constant 384 : i32
    %dma_wait3A_161 = tpu.memref_slice %arg14[%dma_wait3A_160] : memref<1152xi32, #tpu.memory_space<vmem>> -> memref<128xi32, #tpu.memory_space<vmem>>
    %dma_wait3A_162 = arith.constant 384 : i32
    %dma_wait3A_163 = tpu.memref_slice %arg12[%dma_wait3A_162] : memref<1152xi32, #tpu.memory_space<vmem>> -> memref<128xi32, #tpu.memory_space<vmem>>
    %dma_wait3A_164 = arith.constant 0 : i32
    %dma_wait3A_165 = tpu.memref_slice %arg3[%dma_wait3A_164] : memref<524288xi32, #tpu.memory_space<hbm>> -> memref<524288xi32, #tpu.memory_space<hbm>>
    tpu.wait_indirect_dma semaphore(%arg19 : memref<!tpu.dma_semaphore, #tpu.memory_space<semaphore_mem>>) src(%dma_wait3A_165 : memref<524288xi32, #tpu.memory_space<hbm>>) dst(%dma_wait3A_161 : memref<128xi32, #tpu.memory_space<vmem>>)
    %dma_wait3A_166 = arith.constant 512 : i32
    %dma_wait3A_167 = tpu.memref_slice %arg14[%dma_wait3A_166] : memref<1152xi32, #tpu.memory_space<vmem>> -> memref<128xi32, #tpu.memory_space<vmem>>
    %dma_wait3A_168 = arith.constant 512 : i32
    %dma_wait3A_169 = tpu.memref_slice %arg12[%dma_wait3A_168] : memref<1152xi32, #tpu.memory_space<vmem>> -> memref<128xi32, #tpu.memory_space<vmem>>
    %dma_wait3A_170 = arith.constant 0 : i32
    %dma_wait3A_171 = tpu.memref_slice %arg3[%dma_wait3A_170] : memref<524288xi32, #tpu.memory_space<hbm>> -> memref<524288xi32, #tpu.memory_space<hbm>>
    tpu.wait_indirect_dma semaphore(%arg19 : memref<!tpu.dma_semaphore, #tpu.memory_space<semaphore_mem>>) src(%dma_wait3A_171 : memref<524288xi32, #tpu.memory_space<hbm>>) dst(%dma_wait3A_167 : memref<128xi32, #tpu.memory_space<vmem>>)
    %dma_wait3A_172 = arith.constant 640 : i32
    %dma_wait3A_173 = tpu.memref_slice %arg14[%dma_wait3A_172] : memref<1152xi32, #tpu.memory_space<vmem>> -> memref<128xi32, #tpu.memory_space<vmem>>
    %dma_wait3A_174 = arith.constant 640 : i32
    %dma_wait3A_175 = tpu.memref_slice %arg12[%dma_wait3A_174] : memref<1152xi32, #tpu.memory_space<vmem>> -> memref<128xi32, #tpu.memory_space<vmem>>
    %dma_wait3A_176 = arith.constant 0 : i32
    %dma_wait3A_177 = tpu.memref_slice %arg3[%dma_wait3A_176] : memref<524288xi32, #tpu.memory_space<hbm>> -> memref<524288xi32, #tpu.memory_space<hbm>>
    tpu.wait_indirect_dma semaphore(%arg19 : memref<!tpu.dma_semaphore, #tpu.memory_space<semaphore_mem>>) src(%dma_wait3A_177 : memref<524288xi32, #tpu.memory_space<hbm>>) dst(%dma_wait3A_173 : memref<128xi32, #tpu.memory_space<vmem>>)
    %dma_wait3A_178 = arith.constant 768 : i32
    %dma_wait3A_179 = tpu.memref_slice %arg14[%dma_wait3A_178] : memref<1152xi32, #tpu.memory_space<vmem>> -> memref<128xi32, #tpu.memory_space<vmem>>
    %dma_wait3A_180 = arith.constant 768 : i32
    %dma_wait3A_181 = tpu.memref_slice %arg12[%dma_wait3A_180] : memref<1152xi32, #tpu.memory_space<vmem>> -> memref<128xi32, #tpu.memory_space<vmem>>
    %dma_wait3A_182 = arith.constant 0 : i32
    %dma_wait3A_183 = tpu.memref_slice %arg3[%dma_wait3A_182] : memref<524288xi32, #tpu.memory_space<hbm>> -> memref<524288xi32, #tpu.memory_space<hbm>>
    tpu.wait_indirect_dma semaphore(%arg19 : memref<!tpu.dma_semaphore, #tpu.memory_space<semaphore_mem>>) src(%dma_wait3A_183 : memref<524288xi32, #tpu.memory_space<hbm>>) dst(%dma_wait3A_179 : memref<128xi32, #tpu.memory_space<vmem>>)
    %dma_wait3A_184 = arith.constant 896 : i32
    %dma_wait3A_185 = tpu.memref_slice %arg14[%dma_wait3A_184] : memref<1152xi32, #tpu.memory_space<vmem>> -> memref<128xi32, #tpu.memory_space<vmem>>
    %dma_wait3A_186 = arith.constant 896 : i32
    %dma_wait3A_187 = tpu.memref_slice %arg12[%dma_wait3A_186] : memref<1152xi32, #tpu.memory_space<vmem>> -> memref<128xi32, #tpu.memory_space<vmem>>
    %dma_wait3A_188 = arith.constant 0 : i32
    %dma_wait3A_189 = tpu.memref_slice %arg3[%dma_wait3A_188] : memref<524288xi32, #tpu.memory_space<hbm>> -> memref<524288xi32, #tpu.memory_space<hbm>>
    tpu.wait_indirect_dma semaphore(%arg19 : memref<!tpu.dma_semaphore, #tpu.memory_space<semaphore_mem>>) src(%dma_wait3A_189 : memref<524288xi32, #tpu.memory_space<hbm>>) dst(%dma_wait3A_185 : memref<128xi32, #tpu.memory_space<vmem>>)
    %dma_wait3A_190 = arith.constant 1024 : i32
    %dma_wait3A_191 = tpu.memref_slice %arg14[%dma_wait3A_190] : memref<1152xi32, #tpu.memory_space<vmem>> -> memref<128xi32, #tpu.memory_space<vmem>>
    %dma_wait3A_192 = arith.constant 1024 : i32
    %dma_wait3A_193 = tpu.memref_slice %arg12[%dma_wait3A_192] : memref<1152xi32, #tpu.memory_space<vmem>> -> memref<128xi32, #tpu.memory_space<vmem>>
    %dma_wait3A_194 = arith.constant 0 : i32
    %dma_wait3A_195 = tpu.memref_slice %arg3[%dma_wait3A_194] : memref<524288xi32, #tpu.memory_space<hbm>> -> memref<524288xi32, #tpu.memory_space<hbm>>
    tpu.wait_indirect_dma semaphore(%arg19 : memref<!tpu.dma_semaphore, #tpu.memory_space<semaphore_mem>>) src(%dma_wait3A_195 : memref<524288xi32, #tpu.memory_space<hbm>>) dst(%dma_wait3A_191 : memref<128xi32, #tpu.memory_space<vmem>>)
    %scan3A_196 = arith.constant 0 : i32
    %scan3A_197 = arith.constant 0 : i32
    %scan3A_198 = arith.constant 72 : i32
    %scan3A_199 = arith.addi %scan3A_197, %scan3A_198 : i32
    %scan3A_200 = arith.constant 1 : i32
    %scan3A_201 = scf.for %scan3A_385 = %scan3A_197 to %scan3A_199 step %scan3A_200 iter_args(%scan3A_386 = %scan3A_196) -> (i32)  : i32 {
      %mul3A_387 = arith.constant 16 : i32
      %mul3A_388 = arith.muli %scan3A_385, %mul3A_387 : i32
      %get3A = arith.index_cast %mul3A_388 : i32 to index
      %get3A_389 = tpu.vector_load %arg14[%get3A] {strides = array<i32>} : memref<1152xi32, #tpu.memory_space<vmem>>, vector<16xi32>,
      %max3A_390 = arith.constant 0 : i32
      %max3A_391 = vector.broadcast %max3A_390 : i32 to vector<16xi32>
      %max3A_392 = arith.maxsi %get3A_389, %max3A_391 : vector<16xi32>
      %min3A = arith.constant 32767 : i32
      %min3A_393 = vector.broadcast %min3A : i32 to vector<16xi32>
      %min3A_394 = arith.minsi %max3A_392, %min3A_393 : vector<16xi32>
      %mul3A_395 = arith.constant 16 : i32
      %mul3A_396 = arith.muli %scan3A_385, %mul3A_395 : i32
      %get3A_397 = arith.index_cast %mul3A_396 : i32 to index
      %get3A_398 = tpu.vector_load %arg13[%get3A_397] {strides = array<i32>} : memref<1152xi32, #tpu.memory_space<vmem>>, vector<16xi32>,
      %gt3A = arith.constant 0 : i32
      %gt3A_399 = vector.broadcast %gt3A : i32 to vector<16xi32>
      %gt3A_400 = arith.cmpi sgt, %get3A_398, %gt3A_399 : vector<16xi32>
      %jit3A_401 = arith.constant 32768 : i32
      %broadcast_in_dim3A_402 = vector.broadcast %jit3A_401 : i32 to vector<16xi32>
      %select_n3A_403 = arith.select %gt3A_400, %min3A_394, %broadcast_in_dim3A_402 : vector<16xi1>, vector<16xi32>
      %mul3A_404 = arith.constant 16 : i32
      %mul3A_405 = arith.muli %scan3A_385, %mul3A_404 : i32
      %swap3A_406 = arith.index_cast %mul3A_405 : i32 to index
      %swap3A_407 = tpu.vector_load %arg15[%swap3A_406] {strides = array<i32>} : memref<1152xi32, #tpu.memory_space<vmem>>, vector<16xi32>,
      tpu.vector_store %arg15[%swap3A_406], %select_n3A_403 {strides = array<i32>} : memref<1152xi32, #tpu.memory_space<vmem>>, vector<16xi32>,
      %jit3A_408 = arith.constant 0 : i32
      %broadcast_in_dim3A_409 = vector.broadcast %jit3A_408 : i32 to vector<16xi32>
      %select_n3A_410 = arith.select %gt3A_400, %min3A_394, %broadcast_in_dim3A_409 : vector<16xi1>, vector<16xi32>
      %mul3A_411 = arith.constant 16 : i32
      %mul3A_412 = arith.muli %scan3A_385, %mul3A_411 : i32
      %swap3A_413 = arith.index_cast %mul3A_412 : i32 to index
      %swap3A_414 = tpu.vector_load %arg14[%swap3A_413] {strides = array<i32>} : memref<1152xi32, #tpu.memory_space<vmem>>, vector<16xi32>,
      tpu.vector_store %arg14[%swap3A_413], %select_n3A_410 {strides = array<i32>} : memref<1152xi32, #tpu.memory_space<vmem>>, vector<16xi32>,
      %scan3A_415 = arith.constant 0 : i32
      scf.yield %scan3A_415 : i32
    }
    %scan3A_202 = arith.constant 72 : i32
    "tpu.region"() ({
      %run_scoped3A = tpu.sem_alloc : memref<!tpu.dma_semaphore, #tpu.memory_space<semaphore_mem>>
      %dma_start3A_385 = tpu.memref_slice %arg5[%mul3A_2] : memref<36864xi32, #tpu.memory_space<hbm>> -> memref<1152xi32, #tpu.memory_space<hbm>>
      %dma_start3A_386 = tpu.memref_slice %arg5[%mul3A_2] : memref<36864xi32, #tpu.memory_space<hbm>> -> memref<1152xi32, #tpu.memory_space<hbm>>
      tpu.enqueue_dma source(%arg15 : memref<1152xi32, #tpu.memory_space<vmem>>) target(%dma_start3A_386 : memref<1152xi32, #tpu.memory_space<hbm>>) target_semaphore(%run_scoped3A : memref<!tpu.dma_semaphore, #tpu.memory_space<semaphore_mem>>)
      %dma_wait3A_387 = tpu.memref_slice %arg5[%mul3A_2] : memref<36864xi32, #tpu.memory_space<hbm>> -> memref<1152xi32, #tpu.memory_space<hbm>>
      %dma_wait3A_388 = tpu.memref_slice %arg5[%mul3A_2] : memref<36864xi32, #tpu.memory_space<hbm>> -> memref<1152xi32, #tpu.memory_space<hbm>>
      tpu.wait_dma2 semaphore(%run_scoped3A : memref<!tpu.dma_semaphore, #tpu.memory_space<semaphore_mem>>) src(%arg15 : memref<1152xi32, #tpu.memory_space<vmem>>) dst(%dma_wait3A_388 : memref<1152xi32, #tpu.memory_space<hbm>>)
      tpu.yield
    }) : () -> ()
    %dma_start3A_203 = arith.constant 0 : i32
    %dma_start3A_204 = tpu.memref_slice %arg14[%dma_start3A_203] : memref<1152xi32, #tpu.memory_space<vmem>> -> memref<128xi32, #tpu.memory_space<vmem>>
    %dma_start3A_205 = arith.constant 0 : i32
    %dma_start3A_206 = arith.constant 0 : i32
    %dma_start3A_207 = tpu.memref_slice %arg4[%dma_start3A_205, %dma_start3A_206] : memref<32768x128xf32, #tpu.memory_space<hbm>> -> memref<32768x128xf32, #tpu.memory_space<hbm>>
    tpu.enqueue_indirect_dma source(%dma_start3A_207 : memref<32768x128xf32, #tpu.memory_space<hbm>>) target(%arg16 : memref<128x128xf32, #tpu.memory_space<vmem>>) offsets(%dma_start3A_204 : memref<128xi32, #tpu.memory_space<vmem>>) semaphore(%arg20 : memref<!tpu.dma_semaphore, #tpu.memory_space<semaphore_mem>>)
    %dma_start3A_208 = arith.constant 128 : i32
    %dma_start3A_209 = tpu.memref_slice %arg14[%dma_start3A_208] : memref<1152xi32, #tpu.memory_space<vmem>> -> memref<128xi32, #tpu.memory_space<vmem>>
    %dma_start3A_210 = arith.constant 0 : i32
    %dma_start3A_211 = arith.constant 0 : i32
    %dma_start3A_212 = tpu.memref_slice %arg4[%dma_start3A_210, %dma_start3A_211] : memref<32768x128xf32, #tpu.memory_space<hbm>> -> memref<32768x128xf32, #tpu.memory_space<hbm>>
    tpu.enqueue_indirect_dma source(%dma_start3A_212 : memref<32768x128xf32, #tpu.memory_space<hbm>>) target(%arg17 : memref<128x128xf32, #tpu.memory_space<vmem>>) offsets(%dma_start3A_209 : memref<128xi32, #tpu.memory_space<vmem>>) semaphore(%arg21 : memref<!tpu.dma_semaphore, #tpu.memory_space<semaphore_mem>>)
    %dma_wait3A_213 = arith.constant 0 : i32
    %dma_wait3A_214 = tpu.memref_slice %arg14[%dma_wait3A_213] : memref<1152xi32, #tpu.memory_space<vmem>> -> memref<128xi32, #tpu.memory_space<vmem>>
    %dma_wait3A_215 = arith.constant 0 : i32
    %dma_wait3A_216 = arith.constant 0 : i32
    %dma_wait3A_217 = tpu.memref_slice %arg4[%dma_wait3A_215, %dma_wait3A_216] : memref<32768x128xf32, #tpu.memory_space<hbm>> -> memref<32768x128xf32, #tpu.memory_space<hbm>>
    tpu.wait_indirect_dma semaphore(%arg20 : memref<!tpu.dma_semaphore, #tpu.memory_space<semaphore_mem>>) src(%dma_wait3A_217 : memref<32768x128xf32, #tpu.memory_space<hbm>>) dst(%arg16 : memref<128x128xf32, #tpu.memory_space<vmem>>)
    %add3A_218 = arith.constant 0 : i32
    %add3A_219 = arith.addi %mul3A_2, %add3A_218 : i32
    %dma_start3A_220 = arith.constant 0 : i32
    %dma_start3A_221 = tpu.memref_slice %arg6[%add3A_219, %dma_start3A_220] : memref<36864x128xf32, #tpu.memory_space<hbm>> -> memref<128x128xf32, #tpu.memory_space<hbm>>
    %dma_start3A_222 = arith.constant 0 : i32
    %dma_start3A_223 = tpu.memref_slice %arg6[%add3A_219, %dma_start3A_222] : memref<36864x128xf32, #tpu.memory_space<hbm>> -> memref<128x128xf32, #tpu.memory_space<hbm>>
    tpu.enqueue_dma source(%arg16 : memref<128x128xf32, #tpu.memory_space<vmem>>) target(%dma_start3A_223 : memref<128x128xf32, #tpu.memory_space<hbm>>) target_semaphore(%arg22 : memref<!tpu.dma_semaphore, #tpu.memory_space<semaphore_mem>>)
    %dma_wait3A_224 = arith.constant 0 : i32
    %dma_wait3A_225 = tpu.memref_slice %arg6[%add3A_219, %dma_wait3A_224] : memref<36864x128xf32, #tpu.memory_space<hbm>> -> memref<128x128xf32, #tpu.memory_space<hbm>>
    %dma_wait3A_226 = arith.constant 0 : i32
    %dma_wait3A_227 = tpu.memref_slice %arg6[%add3A_219, %dma_wait3A_226] : memref<36864x128xf32, #tpu.memory_space<hbm>> -> memref<128x128xf32, #tpu.memory_space<hbm>>
    tpu.wait_dma2 semaphore(%arg22 : memref<!tpu.dma_semaphore, #tpu.memory_space<semaphore_mem>>) src(%arg16 : memref<128x128xf32, #tpu.memory_space<vmem>>) dst(%dma_wait3A_227 : memref<128x128xf32, #tpu.memory_space<hbm>>)
    %dma_start3A_228 = arith.constant 256 : i32
    %dma_start3A_229 = tpu.memref_slice %arg14[%dma_start3A_228] : memref<1152xi32, #tpu.memory_space<vmem>> -> memref<128xi32, #tpu.memory_space<vmem>>
    %dma_start3A_230 = arith.constant 0 : i32
    %dma_start3A_231 = arith.constant 0 : i32
    %dma_start3A_232 = tpu.memref_slice %arg4[%dma_start3A_230, %dma_start3A_231] : memref<32768x128xf32, #tpu.memory_space<hbm>> -> memref<32768x128xf32, #tpu.memory_space<hbm>>
    tpu.enqueue_indirect_dma source(%dma_start3A_232 : memref<32768x128xf32, #tpu.memory_space<hbm>>) target(%arg16 : memref<128x128xf32, #tpu.memory_space<vmem>>) offsets(%dma_start3A_229 : memref<128xi32, #tpu.memory_space<vmem>>) semaphore(%arg20 : memref<!tpu.dma_semaphore, #tpu.memory_space<semaphore_mem>>)
    %dma_wait3A_233 = arith.constant 128 : i32
    %dma_wait3A_234 = tpu.memref_slice %arg14[%dma_wait3A_233] : memref<1152xi32, #tpu.memory_space<vmem>> -> memref<128xi32, #tpu.memory_space<vmem>>
    %dma_wait3A_235 = arith.constant 0 : i32
    %dma_wait3A_236 = arith.constant 0 : i32
    %dma_wait3A_237 = tpu.memref_slice %arg4[%dma_wait3A_235, %dma_wait3A_236] : memref<32768x128xf32, #tpu.memory_space<hbm>> -> memref<32768x128xf32, #tpu.memory_space<hbm>>
    tpu.wait_indirect_dma semaphore(%arg21 : memref<!tpu.dma_semaphore, #tpu.memory_space<semaphore_mem>>) src(%dma_wait3A_237 : memref<32768x128xf32, #tpu.memory_space<hbm>>) dst(%arg17 : memref<128x128xf32, #tpu.memory_space<vmem>>)
    %add3A_238 = arith.constant 128 : i32
    %add3A_239 = arith.addi %mul3A_2, %add3A_238 : i32
    %dma_start3A_240 = arith.constant 0 : i32
    %dma_start3A_241 = tpu.memref_slice %arg6[%add3A_239, %dma_start3A_240] : memref<36864x128xf32, #tpu.memory_space<hbm>> -> memref<128x128xf32, #tpu.memory_space<hbm>>
    %dma_start3A_242 = arith.constant 0 : i32
    %dma_start3A_243 = tpu.memref_slice %arg6[%add3A_239, %dma_start3A_242] : memref<36864x128xf32, #tpu.memory_space<hbm>> -> memref<128x128xf32, #tpu.memory_space<hbm>>
    tpu.enqueue_dma source(%arg17 : memref<128x128xf32, #tpu.memory_space<vmem>>) target(%dma_start3A_243 : memref<128x128xf32, #tpu.memory_space<hbm>>) target_semaphore(%arg23 : memref<!tpu.dma_semaphore, #tpu.memory_space<semaphore_mem>>)
    %dma_wait3A_244 = arith.constant 0 : i32
    %dma_wait3A_245 = tpu.memref_slice %arg6[%add3A_239, %dma_wait3A_244] : memref<36864x128xf32, #tpu.memory_space<hbm>> -> memref<128x128xf32, #tpu.memory_space<hbm>>
    %dma_wait3A_246 = arith.constant 0 : i32
    %dma_wait3A_247 = tpu.memref_slice %arg6[%add3A_239, %dma_wait3A_246] : memref<36864x128xf32, #tpu.memory_space<hbm>> -> memref<128x128xf32, #tpu.memory_space<hbm>>
    tpu.wait_dma2 semaphore(%arg23 : memref<!tpu.dma_semaphore, #tpu.memory_space<semaphore_mem>>) src(%arg17 : memref<128x128xf32, #tpu.memory_space<vmem>>) dst(%dma_wait3A_247 : memref<128x128xf32, #tpu.memory_space<hbm>>)
    %dma_start3A_248 = arith.constant 384 : i32
    %dma_start3A_249 = tpu.memref_slice %arg14[%dma_start3A_248] : memref<1152xi32, #tpu.memory_space<vmem>> -> memref<128xi32, #tpu.memory_space<vmem>>
    %dma_start3A_250 = arith.constant 0 : i32
    %dma_start3A_251 = arith.constant 0 : i32
    %dma_start3A_252 = tpu.memref_slice %arg4[%dma_start3A_250, %dma_start3A_251] : memref<32768x128xf32, #tpu.memory_space<hbm>> -> memref<32768x128xf32, #tpu.memory_space<hbm>>
    tpu.enqueue_indirect_dma source(%dma_start3A_252 : memref<32768x128xf32, #tpu.memory_space<hbm>>) target(%arg17 : memref<128x128xf32, #tpu.memory_space<vmem>>) offsets(%dma_start3A_249 : memref<128xi32, #tpu.memory_space<vmem>>) semaphore(%arg21 : memref<!tpu.dma_semaphore, #tpu.memory_space<semaphore_mem>>)
    %dma_wait3A_253 = arith.constant 256 : i32
    %dma_wait3A_254 = tpu.memref_slice %arg14[%dma_wait3A_253] : memref<1152xi32, #tpu.memory_space<vmem>> -> memref<128xi32, #tpu.memory_space<vmem>>
    %dma_wait3A_255 = arith.constant 0 : i32
    %dma_wait3A_256 = arith.constant 0 : i32
    %dma_wait3A_257 = tpu.memref_slice %arg4[%dma_wait3A_255, %dma_wait3A_256] : memref<32768x128xf32, #tpu.memory_space<hbm>> -> memref<32768x128xf32, #tpu.memory_space<hbm>>
    tpu.wait_indirect_dma semaphore(%arg20 : memref<!tpu.dma_semaphore, #tpu.memory_space<semaphore_mem>>) src(%dma_wait3A_257 : memref<32768x128xf32, #tpu.memory_space<hbm>>) dst(%arg16 : memref<128x128xf32, #tpu.memory_space<vmem>>)
    %add3A_258 = arith.constant 256 : i32
    %add3A_259 = arith.addi %mul3A_2, %add3A_258 : i32
    %dma_start3A_260 = arith.constant 0 : i32
    %dma_start3A_261 = tpu.memref_slice %arg6[%add3A_259, %dma_start3A_260] : memref<36864x128xf32, #tpu.memory_space<hbm>> -> memref<128x128xf32, #tpu.memory_space<hbm>>
    %dma_start3A_262 = arith.constant 0 : i32
    %dma_start3A_263 = tpu.memref_slice %arg6[%add3A_259, %dma_start3A_262] : memref<36864x128xf32, #tpu.memory_space<hbm>> -> memref<128x128xf32, #tpu.memory_space<hbm>>
    tpu.enqueue_dma source(%arg16 : memref<128x128xf32, #tpu.memory_space<vmem>>) target(%dma_start3A_263 : memref<128x128xf32, #tpu.memory_space<hbm>>) target_semaphore(%arg22 : memref<!tpu.dma_semaphore, #tpu.memory_space<semaphore_mem>>)
    %dma_wait3A_264 = arith.constant 0 : i32
    %dma_wait3A_265 = tpu.memref_slice %arg6[%add3A_259, %dma_wait3A_264] : memref<36864x128xf32, #tpu.memory_space<hbm>> -> memref<128x128xf32, #tpu.memory_space<hbm>>
    %dma_wait3A_266 = arith.constant 0 : i32
    %dma_wait3A_267 = tpu.memref_slice %arg6[%add3A_259, %dma_wait3A_266] : memref<36864x128xf32, #tpu.memory_space<hbm>> -> memref<128x128xf32, #tpu.memory_space<hbm>>
    tpu.wait_dma2 semaphore(%arg22 : memref<!tpu.dma_semaphore, #tpu.memory_space<semaphore_mem>>) src(%arg16 : memref<128x128xf32, #tpu.memory_space<vmem>>) dst(%dma_wait3A_267 : memref<128x128xf32, #tpu.memory_space<hbm>>)
    %dma_start3A_268 = arith.constant 512 : i32
    %dma_start3A_269 = tpu.memref_slice %arg14[%dma_start3A_268] : memref<1152xi32, #tpu.memory_space<vmem>> -> memref<128xi32, #tpu.memory_space<vmem>>
    %dma_start3A_270 = arith.constant 0 : i32
    %dma_start3A_271 = arith.constant 0 : i32
    %dma_start3A_272 = tpu.memref_slice %arg4[%dma_start3A_270, %dma_start3A_271] : memref<32768x128xf32, #tpu.memory_space<hbm>> -> memref<32768x128xf32, #tpu.memory_space<hbm>>
    tpu.enqueue_indirect_dma source(%dma_start3A_272 : memref<32768x128xf32, #tpu.memory_space<hbm>>) target(%arg16 : memref<128x128xf32, #tpu.memory_space<vmem>>) offsets(%dma_start3A_269 : memref<128xi32, #tpu.memory_space<vmem>>) semaphore(%arg20 : memref<!tpu.dma_semaphore, #tpu.memory_space<semaphore_mem>>)
    %dma_wait3A_273 = arith.constant 384 : i32
    %dma_wait3A_274 = tpu.memref_slice %arg14[%dma_wait3A_273] : memref<1152xi32, #tpu.memory_space<vmem>> -> memref<128xi32, #tpu.memory_space<vmem>>
    %dma_wait3A_275 = arith.constant 0 : i32
    %dma_wait3A_276 = arith.constant 0 : i32
    %dma_wait3A_277 = tpu.memref_slice %arg4[%dma_wait3A_275, %dma_wait3A_276] : memref<32768x128xf32, #tpu.memory_space<hbm>> -> memref<32768x128xf32, #tpu.memory_space<hbm>>
    tpu.wait_indirect_dma semaphore(%arg21 : memref<!tpu.dma_semaphore, #tpu.memory_space<semaphore_mem>>) src(%dma_wait3A_277 : memref<32768x128xf32, #tpu.memory_space<hbm>>) dst(%arg17 : memref<128x128xf32, #tpu.memory_space<vmem>>)
    %add3A_278 = arith.constant 384 : i32
    %add3A_279 = arith.addi %mul3A_2, %add3A_278 : i32
    %dma_start3A_280 = arith.constant 0 : i32
    %dma_start3A_281 = tpu.memref_slice %arg6[%add3A_279, %dma_start3A_280] : memref<36864x128xf32, #tpu.memory_space<hbm>> -> memref<128x128xf32, #tpu.memory_space<hbm>>
    %dma_start3A_282 = arith.constant 0 : i32
    %dma_start3A_283 = tpu.memref_slice %arg6[%add3A_279, %dma_start3A_282] : memref<36864x128xf32, #tpu.memory_space<hbm>> -> memref<128x128xf32, #tpu.memory_space<hbm>>
    tpu.enqueue_dma source(%arg17 : memref<128x128xf32, #tpu.memory_space<vmem>>) target(%dma_start3A_283 : memref<128x128xf32, #tpu.memory_space<hbm>>) target_semaphore(%arg23 : memref<!tpu.dma_semaphore, #tpu.memory_space<semaphore_mem>>)
    %dma_wait3A_284 = arith.constant 0 : i32
    %dma_wait3A_285 = tpu.memref_slice %arg6[%add3A_279, %dma_wait3A_284] : memref<36864x128xf32, #tpu.memory_space<hbm>> -> memref<128x128xf32, #tpu.memory_space<hbm>>
    %dma_wait3A_286 = arith.constant 0 : i32
    %dma_wait3A_287 = tpu.memref_slice %arg6[%add3A_279, %dma_wait3A_286] : memref<36864x128xf32, #tpu.memory_space<hbm>> -> memref<128x128xf32, #tpu.memory_space<hbm>>
    tpu.wait_dma2 semaphore(%arg23 : memref<!tpu.dma_semaphore, #tpu.memory_space<semaphore_mem>>) src(%arg17 : memref<128x128xf32, #tpu.memory_space<vmem>>) dst(%dma_wait3A_287 : memref<128x128xf32, #tpu.memory_space<hbm>>)
    %dma_start3A_288 = arith.constant 640 : i32
    %dma_start3A_289 = tpu.memref_slice %arg14[%dma_start3A_288] : memref<1152xi32, #tpu.memory_space<vmem>> -> memref<128xi32, #tpu.memory_space<vmem>>
    %dma_start3A_290 = arith.constant 0 : i32
    %dma_start3A_291 = arith.constant 0 : i32
    %dma_start3A_292 = tpu.memref_slice %arg4[%dma_start3A_290, %dma_start3A_291] : memref<32768x128xf32, #tpu.memory_space<hbm>> -> memref<32768x128xf32, #tpu.memory_space<hbm>>
    tpu.enqueue_indirect_dma source(%dma_start3A_292 : memref<32768x128xf32, #tpu.memory_space<hbm>>) target(%arg17 : memref<128x128xf32, #tpu.memory_space<vmem>>) offsets(%dma_start3A_289 : memref<128xi32, #tpu.memory_space<vmem>>) semaphore(%arg21 : memref<!tpu.dma_semaphore, #tpu.memory_space<semaphore_mem>>)
    %dma_wait3A_293 = arith.constant 512 : i32
    %dma_wait3A_294 = tpu.memref_slice %arg14[%dma_wait3A_293] : memref<1152xi32, #tpu.memory_space<vmem>> -> memref<128xi32, #tpu.memory_space<vmem>>
    %dma_wait3A_295 = arith.constant 0 : i32
    %dma_wait3A_296 = arith.constant 0 : i32
    %dma_wait3A_297 = tpu.memref_slice %arg4[%dma_wait3A_295, %dma_wait3A_296] : memref<32768x128xf32, #tpu.memory_space<hbm>> -> memref<32768x128xf32, #tpu.memory_space<hbm>>
    tpu.wait_indirect_dma semaphore(%arg20 : memref<!tpu.dma_semaphore, #tpu.memory_space<semaphore_mem>>) src(%dma_wait3A_297 : memref<32768x128xf32, #tpu.memory_space<hbm>>) dst(%arg16 : memref<128x128xf32, #tpu.memory_space<vmem>>)
    %add3A_298 = arith.constant 512 : i32
    %add3A_299 = arith.addi %mul3A_2, %add3A_298 : i32
    %dma_start3A_300 = arith.constant 0 : i32
    %dma_start3A_301 = tpu.memref_slice %arg6[%add3A_299, %dma_start3A_300] : memref<36864x128xf32, #tpu.memory_space<hbm>> -> memref<128x128xf32, #tpu.memory_space<hbm>>
    %dma_start3A_302 = arith.constant 0 : i32
    %dma_start3A_303 = tpu.memref_slice %arg6[%add3A_299, %dma_start3A_302] : memref<36864x128xf32, #tpu.memory_space<hbm>> -> memref<128x128xf32, #tpu.memory_space<hbm>>
    tpu.enqueue_dma source(%arg16 : memref<128x128xf32, #tpu.memory_space<vmem>>) target(%dma_start3A_303 : memref<128x128xf32, #tpu.memory_space<hbm>>) target_semaphore(%arg22 : memref<!tpu.dma_semaphore, #tpu.memory_space<semaphore_mem>>)
    %dma_wait3A_304 = arith.constant 0 : i32
    %dma_wait3A_305 = tpu.memref_slice %arg6[%add3A_299, %dma_wait3A_304] : memref<36864x128xf32, #tpu.memory_space<hbm>> -> memref<128x128xf32, #tpu.memory_space<hbm>>
    %dma_wait3A_306 = arith.constant 0 : i32
    %dma_wait3A_307 = tpu.memref_slice %arg6[%add3A_299, %dma_wait3A_306] : memref<36864x128xf32, #tpu.memory_space<hbm>> -> memref<128x128xf32, #tpu.memory_space<hbm>>
    tpu.wait_dma2 semaphore(%arg22 : memref<!tpu.dma_semaphore, #tpu.memory_space<semaphore_mem>>) src(%arg16 : memref<128x128xf32, #tpu.memory_space<vmem>>) dst(%dma_wait3A_307 : memref<128x128xf32, #tpu.memory_space<hbm>>)
    %dma_start3A_308 = arith.constant 768 : i32
    %dma_start3A_309 = tpu.memref_slice %arg14[%dma_start3A_308] : memref<1152xi32, #tpu.memory_space<vmem>> -> memref<128xi32, #tpu.memory_space<vmem>>
    %dma_start3A_310 = arith.constant 0 : i32
    %dma_start3A_311 = arith.constant 0 : i32
    %dma_start3A_312 = tpu.memref_slice %arg4[%dma_start3A_310, %dma_start3A_311] : memref<32768x128xf32, #tpu.memory_space<hbm>> -> memref<32768x128xf32, #tpu.memory_space<hbm>>
    tpu.enqueue_indirect_dma source(%dma_start3A_312 : memref<32768x128xf32, #tpu.memory_space<hbm>>) target(%arg16 : memref<128x128xf32, #tpu.memory_space<vmem>>) offsets(%dma_start3A_309 : memref<128xi32, #tpu.memory_space<vmem>>) semaphore(%arg20 : memref<!tpu.dma_semaphore, #tpu.memory_space<semaphore_mem>>)
    %dma_wait3A_313 = arith.constant 640 : i32
    %dma_wait3A_314 = tpu.memref_slice %arg14[%dma_wait3A_313] : memref<1152xi32, #tpu.memory_space<vmem>> -> memref<128xi32, #tpu.memory_space<vmem>>
    %dma_wait3A_315 = arith.constant 0 : i32
    %dma_wait3A_316 = arith.constant 0 : i32
    %dma_wait3A_317 = tpu.memref_slice %arg4[%dma_wait3A_315, %dma_wait3A_316] : memref<32768x128xf32, #tpu.memory_space<hbm>> -> memref<32768x128xf32, #tpu.memory_space<hbm>>
    tpu.wait_indirect_dma semaphore(%arg21 : memref<!tpu.dma_semaphore, #tpu.memory_space<semaphore_mem>>) src(%dma_wait3A_317 : memref<32768x128xf32, #tpu.memory_space<hbm>>) dst(%arg17 : memref<128x128xf32, #tpu.memory_space<vmem>>)
    %add3A_318 = arith.constant 640 : i32
    %add3A_319 = arith.addi %mul3A_2, %add3A_318 : i32
    %dma_start3A_320 = arith.constant 0 : i32
    %dma_start3A_321 = tpu.memref_slice %arg6[%add3A_319, %dma_start3A_320] : memref<36864x128xf32, #tpu.memory_space<hbm>> -> memref<128x128xf32, #tpu.memory_space<hbm>>
    %dma_start3A_322 = arith.constant 0 : i32
    %dma_start3A_323 = tpu.memref_slice %arg6[%add3A_319, %dma_start3A_322] : memref<36864x128xf32, #tpu.memory_space<hbm>> -> memref<128x128xf32, #tpu.memory_space<hbm>>
    tpu.enqueue_dma source(%arg17 : memref<128x128xf32, #tpu.memory_space<vmem>>) target(%dma_start3A_323 : memref<128x128xf32, #tpu.memory_space<hbm>>) target_semaphore(%arg23 : memref<!tpu.dma_semaphore, #tpu.memory_space<semaphore_mem>>)
    %dma_wait3A_324 = arith.constant 0 : i32
    %dma_wait3A_325 = tpu.memref_slice %arg6[%add3A_319, %dma_wait3A_324] : memref<36864x128xf32, #tpu.memory_space<hbm>> -> memref<128x128xf32, #tpu.memory_space<hbm>>
    %dma_wait3A_326 = arith.constant 0 : i32
    %dma_wait3A_327 = tpu.memref_slice %arg6[%add3A_319, %dma_wait3A_326] : memref<36864x128xf32, #tpu.memory_space<hbm>> -> memref<128x128xf32, #tpu.memory_space<hbm>>
    tpu.wait_dma2 semaphore(%arg23 : memref<!tpu.dma_semaphore, #tpu.memory_space<semaphore_mem>>) src(%arg17 : memref<128x128xf32, #tpu.memory_space<vmem>>) dst(%dma_wait3A_327 : memref<128x128xf32, #tpu.memory_space<hbm>>)
    %dma_start3A_328 = arith.constant 896 : i32
    %dma_start3A_329 = tpu.memref_slice %arg14[%dma_start3A_328] : memref<1152xi32, #tpu.memory_space<vmem>> -> memref<128xi32, #tpu.memory_space<vmem>>
    %dma_start3A_330 = arith.constant 0 : i32
    %dma_start3A_331 = arith.constant 0 : i32
    %dma_start3A_332 = tpu.memref_slice %arg4[%dma_start3A_330, %dma_start3A_331] : memref<32768x128xf32, #tpu.memory_space<hbm>> -> memref<32768x128xf32, #tpu.memory_space<hbm>>
    tpu.enqueue_indirect_dma source(%dma_start3A_332 : memref<32768x128xf32, #tpu.memory_space<hbm>>) target(%arg17 : memref<128x128xf32, #tpu.memory_space<vmem>>) offsets(%dma_start3A_329 : memref<128xi32, #tpu.memory_space<vmem>>) semaphore(%arg21 : memref<!tpu.dma_semaphore, #tpu.memory_space<semaphore_mem>>)
    %dma_wait3A_333 = arith.constant 768 : i32
    %dma_wait3A_334 = tpu.memref_slice %arg14[%dma_wait3A_333] : memref<1152xi32, #tpu.memory_space<vmem>> -> memref<128xi32, #tpu.memory_space<vmem>>
    %dma_wait3A_335 = arith.constant 0 : i32
    %dma_wait3A_336 = arith.constant 0 : i32
    %dma_wait3A_337 = tpu.memref_slice %arg4[%dma_wait3A_335, %dma_wait3A_336] : memref<32768x128xf32, #tpu.memory_space<hbm>> -> memref<32768x128xf32, #tpu.memory_space<hbm>>
    tpu.wait_indirect_dma semaphore(%arg20 : memref<!tpu.dma_semaphore, #tpu.memory_space<semaphore_mem>>) src(%dma_wait3A_337 : memref<32768x128xf32, #tpu.memory_space<hbm>>) dst(%arg16 : memref<128x128xf32, #tpu.memory_space<vmem>>)
    %add3A_338 = arith.constant 768 : i32
    %add3A_339 = arith.addi %mul3A_2, %add3A_338 : i32
    %dma_start3A_340 = arith.constant 0 : i32
    %dma_start3A_341 = tpu.memref_slice %arg6[%add3A_339, %dma_start3A_340] : memref<36864x128xf32, #tpu.memory_space<hbm>> -> memref<128x128xf32, #tpu.memory_space<hbm>>
    %dma_start3A_342 = arith.constant 0 : i32
    %dma_start3A_343 = tpu.memref_slice %arg6[%add3A_339, %dma_start3A_342] : memref<36864x128xf32, #tpu.memory_space<hbm>> -> memref<128x128xf32, #tpu.memory_space<hbm>>
    tpu.enqueue_dma source(%arg16 : memref<128x128xf32, #tpu.memory_space<vmem>>) target(%dma_start3A_343 : memref<128x128xf32, #tpu.memory_space<hbm>>) target_semaphore(%arg22 : memref<!tpu.dma_semaphore, #tpu.memory_space<semaphore_mem>>)
    %dma_wait3A_344 = arith.constant 0 : i32
    %dma_wait3A_345 = tpu.memref_slice %arg6[%add3A_339, %dma_wait3A_344] : memref<36864x128xf32, #tpu.memory_space<hbm>> -> memref<128x128xf32, #tpu.memory_space<hbm>>
    %dma_wait3A_346 = arith.constant 0 : i32
    %dma_wait3A_347 = tpu.memref_slice %arg6[%add3A_339, %dma_wait3A_346] : memref<36864x128xf32, #tpu.memory_space<hbm>> -> memref<128x128xf32, #tpu.memory_space<hbm>>
    tpu.wait_dma2 semaphore(%arg22 : memref<!tpu.dma_semaphore, #tpu.memory_space<semaphore_mem>>) src(%arg16 : memref<128x128xf32, #tpu.memory_space<vmem>>) dst(%dma_wait3A_347 : memref<128x128xf32, #tpu.memory_space<hbm>>)
    %dma_start3A_348 = arith.constant 1024 : i32
    %dma_start3A_349 = tpu.memref_slice %arg14[%dma_start3A_348] : memref<1152xi32, #tpu.memory_space<vmem>> -> memref<128xi32, #tpu.memory_space<vmem>>
    %dma_start3A_350 = arith.constant 0 : i32
    %dma_start3A_351 = arith.constant 0 : i32
    %dma_start3A_352 = tpu.memref_slice %arg4[%dma_start3A_350, %dma_start3A_351] : memref<32768x128xf32, #tpu.memory_space<hbm>> -> memref<32768x128xf32, #tpu.memory_space<hbm>>
    tpu.enqueue_indirect_dma source(%dma_start3A_352 : memref<32768x128xf32, #tpu.memory_space<hbm>>) target(%arg16 : memref<128x128xf32, #tpu.memory_space<vmem>>) offsets(%dma_start3A_349 : memref<128xi32, #tpu.memory_space<vmem>>) semaphore(%arg20 : memref<!tpu.dma_semaphore, #tpu.memory_space<semaphore_mem>>)
    %dma_wait3A_353 = arith.constant 896 : i32
    %dma_wait3A_354 = tpu.memref_slice %arg14[%dma_wait3A_353] : memref<1152xi32, #tpu.memory_space<vmem>> -> memref<128xi32, #tpu.memory_space<vmem>>
    %dma_wait3A_355 = arith.constant 0 : i32
    %dma_wait3A_356 = arith.constant 0 : i32
    %dma_wait3A_357 = tpu.memref_slice %arg4[%dma_wait3A_355, %dma_wait3A_356] : memref<32768x128xf32, #tpu.memory_space<hbm>> -> memref<32768x128xf32, #tpu.memory_space<hbm>>
    tpu.wait_indirect_dma semaphore(%arg21 : memref<!tpu.dma_semaphore, #tpu.memory_space<semaphore_mem>>) src(%dma_wait3A_357 : memref<32768x128xf32, #tpu.memory_space<hbm>>) dst(%arg17 : memref<128x128xf32, #tpu.memory_space<vmem>>)
    %add3A_358 = arith.constant 896 : i32
    %add3A_359 = arith.addi %mul3A_2, %add3A_358 : i32
    %dma_start3A_360 = arith.constant 0 : i32
    %dma_start3A_361 = tpu.memref_slice %arg6[%add3A_359, %dma_start3A_360] : memref<36864x128xf32, #tpu.memory_space<hbm>> -> memref<128x128xf32, #tpu.memory_space<hbm>>
    %dma_start3A_362 = arith.constant 0 : i32
    %dma_start3A_363 = tpu.memref_slice %arg6[%add3A_359, %dma_start3A_362] : memref<36864x128xf32, #tpu.memory_space<hbm>> -> memref<128x128xf32, #tpu.memory_space<hbm>>
    tpu.enqueue_dma source(%arg17 : memref<128x128xf32, #tpu.memory_space<vmem>>) target(%dma_start3A_363 : memref<128x128xf32, #tpu.memory_space<hbm>>) target_semaphore(%arg23 : memref<!tpu.dma_semaphore, #tpu.memory_space<semaphore_mem>>)
    %dma_wait3A_364 = arith.constant 1024 : i32
    %dma_wait3A_365 = tpu.memref_slice %arg14[%dma_wait3A_364] : memref<1152xi32, #tpu.memory_space<vmem>> -> memref<128xi32, #tpu.memory_space<vmem>>
    %dma_wait3A_366 = arith.constant 0 : i32
    %dma_wait3A_367 = arith.constant 0 : i32
    %dma_wait3A_368 = tpu.memref_slice %arg4[%dma_wait3A_366, %dma_wait3A_367] : memref<32768x128xf32, #tpu.memory_space<hbm>> -> memref<32768x128xf32, #tpu.memory_space<hbm>>
    tpu.wait_indirect_dma semaphore(%arg20 : memref<!tpu.dma_semaphore, #tpu.memory_space<semaphore_mem>>) src(%dma_wait3A_368 : memref<32768x128xf32, #tpu.memory_space<hbm>>) dst(%arg16 : memref<128x128xf32, #tpu.memory_space<vmem>>)
    %add3A_369 = arith.constant 1024 : i32
    %add3A_370 = arith.addi %mul3A_2, %add3A_369 : i32
    %dma_start3A_371 = arith.constant 0 : i32
    %dma_start3A_372 = tpu.memref_slice %arg6[%add3A_370, %dma_start3A_371] : memref<36864x128xf32, #tpu.memory_space<hbm>> -> memref<128x128xf32, #tpu.memory_space<hbm>>
    %dma_start3A_373 = arith.constant 0 : i32
    %dma_start3A_374 = tpu.memref_slice %arg6[%add3A_370, %dma_start3A_373] : memref<36864x128xf32, #tpu.memory_space<hbm>> -> memref<128x128xf32, #tpu.memory_space<hbm>>
    tpu.enqueue_dma source(%arg16 : memref<128x128xf32, #tpu.memory_space<vmem>>) target(%dma_start3A_374 : memref<128x128xf32, #tpu.memory_space<hbm>>) target_semaphore(%arg22 : memref<!tpu.dma_semaphore, #tpu.memory_space<semaphore_mem>>)
    %dma_wait3A_375 = arith.constant 0 : i32
    %dma_wait3A_376 = tpu.memref_slice %arg6[%add3A_370, %dma_wait3A_375] : memref<36864x128xf32, #tpu.memory_space<hbm>> -> memref<128x128xf32, #tpu.memory_space<hbm>>
    %dma_wait3A_377 = arith.constant 0 : i32
    %dma_wait3A_378 = tpu.memref_slice %arg6[%add3A_370, %dma_wait3A_377] : memref<36864x128xf32, #tpu.memory_space<hbm>> -> memref<128x128xf32, #tpu.memory_space<hbm>>
    tpu.wait_dma2 semaphore(%arg22 : memref<!tpu.dma_semaphore, #tpu.memory_space<semaphore_mem>>) src(%arg16 : memref<128x128xf32, #tpu.memory_space<vmem>>) dst(%dma_wait3A_378 : memref<128x128xf32, #tpu.memory_space<hbm>>)
    %dma_wait3A_379 = arith.constant 0 : i32
    %dma_wait3A_380 = tpu.memref_slice %arg6[%add3A_359, %dma_wait3A_379] : memref<36864x128xf32, #tpu.memory_space<hbm>> -> memref<128x128xf32, #tpu.memory_space<hbm>>
    %dma_wait3A_381 = arith.constant 0 : i32
    %dma_wait3A_382 = tpu.memref_slice %arg6[%add3A_359, %dma_wait3A_381] : memref<36864x128xf32, #tpu.memory_space<hbm>> -> memref<128x128xf32, #tpu.memory_space<hbm>>
    tpu.wait_dma2 semaphore(%arg23 : memref<!tpu.dma_semaphore, #tpu.memory_space<semaphore_mem>>) src(%arg17 : memref<128x128xf32, #tpu.memory_space<vmem>>) dst(%dma_wait3A_382 : memref<128x128xf32, #tpu.memory_space<hbm>>)
    %eq3A = arith.constant 0 : i32
    %eq3A_383 = arith.cmpi eq, %add3A, %eq3A : i32
    %convert_element_type3A = arith.extui %eq3A_383 : i1 to i32
    %cond3A = arith.constant 0 : i32
    %cond3A_384 = arith.cmpi ne, %convert_element_type3A, %cond3A : i32
    scf.if %cond3A_384 {
      %add3A_385 = arith.constant 0 : i32
      %add3A_386 = vector.broadcast %add3A_385 : i32 to vector<16xi32>
      %add3A_387 = arith.addi %add3A_386, %iota3A : vector<16xi32>
      %mul3A_388 = arith.constant 256 : i32
      %mul3A_389 = vector.broadcast %mul3A_388 : i32 to vector<16xi32>
      %mul3A_390 = arith.muli %add3A_387, %mul3A_389 : vector<16xi32>
      %broadcast_in_dim3A_391 = arith.constant -1 : i32
      %broadcast_in_dim3A_392 = vector.broadcast %broadcast_in_dim3A_391 : i32 to vector<16xi32>
      %broadcast_in_dim3A_393 = arith.constant 0 : i32
      %broadcast_in_dim3A_394 = vector.broadcast %broadcast_in_dim3A_393 : i32 to vector<16xi32>
      %gather3A_395 = tpu.vector_load_idx %arg11[%broadcast_in_dim3A_394] : memref<16xi32, #tpu.memory_space<vmem>>[vector<16xi32>], vector<16xi32>,
      %ge3A_396 = arith.cmpi sge, %mul3A_390, %gather3A_395 : vector<16xi32>
      %jit3A_397 = arith.constant 1 : i32
      %jit3A_398 = arith.constant 0 : i32
      %broadcast_in_dim3A_399 = vector.broadcast %jit3A_397 : i32 to vector<16xi32>
      %broadcast_in_dim3A_400 = vector.broadcast %jit3A_398 : i32 to vector<16xi32>
      %select_n3A_401 = arith.select %ge3A_396, %broadcast_in_dim3A_399, %broadcast_in_dim3A_400 : vector<16xi1>, vector<16xi32>
      %add3A_402 = arith.addi %broadcast_in_dim3A_392, %select_n3A_401 : vector<16xi32>
      %broadcast_in_dim3A_403 = arith.constant 1 : i32
      %broadcast_in_dim3A_404 = vector.broadcast %broadcast_in_dim3A_403 : i32 to vector<16xi32>
      %gather3A_405 = tpu.vector_load_idx %arg11[%broadcast_in_dim3A_404] : memref<16xi32, #tpu.memory_space<vmem>>[vector<16xi32>], vector<16xi32>,
      %ge3A_406 = arith.cmpi sge, %mul3A_390, %gather3A_405 : vector<16xi32>
      %jit3A_407 = arith.constant 1 : i32
      %jit3A_408 = arith.constant 0 : i32
      %broadcast_in_dim3A_409 = vector.broadcast %jit3A_407 : i32 to vector<16xi32>
      %broadcast_in_dim3A_410 = vector.broadcast %jit3A_408 : i32 to vector<16xi32>
      %select_n3A_411 = arith.select %ge3A_406, %broadcast_in_dim3A_409, %broadcast_in_dim3A_410 : vector<16xi1>, vector<16xi32>
      %add3A_412 = arith.addi %add3A_402, %select_n3A_411 : vector<16xi32>
      %broadcast_in_dim3A_413 = arith.constant 2 : i32
      %broadcast_in_dim3A_414 = vector.broadcast %broadcast_in_dim3A_413 : i32 to vector<16xi32>
      %gather3A_415 = tpu.vector_load_idx %arg11[%broadcast_in_dim3A_414] : memref<16xi32, #tpu.memory_space<vmem>>[vector<16xi32>], vector<16xi32>,
      %ge3A_416 = arith.cmpi sge, %mul3A_390, %gather3A_415 : vector<16xi32>
      %jit3A_417 = arith.constant 1 : i32
      %jit3A_418 = arith.constant 0 : i32
      %broadcast_in_dim3A_419 = vector.broadcast %jit3A_417 : i32 to vector<16xi32>
      %broadcast_in_dim3A_420 = vector.broadcast %jit3A_418 : i32 to vector<16xi32>
      %select_n3A_421 = arith.select %ge3A_416, %broadcast_in_dim3A_419, %broadcast_in_dim3A_420 : vector<16xi1>, vector<16xi32>
      %add3A_422 = arith.addi %add3A_412, %select_n3A_421 : vector<16xi32>
      %broadcast_in_dim3A_423 = arith.constant 3 : i32
      %broadcast_in_dim3A_424 = vector.broadcast %broadcast_in_dim3A_423 : i32 to vector<16xi32>
      %gather3A_425 = tpu.vector_load_idx %arg11[%broadcast_in_dim3A_424] : memref<16xi32, #tpu.memory_space<vmem>>[vector<16xi32>], vector<16xi32>,
      %ge3A_426 = arith.cmpi sge, %mul3A_390, %gather3A_425 : vector<16xi32>
      %jit3A_427 = arith.constant 1 : i32
      %jit3A_428 = arith.constant 0 : i32
      %broadcast_in_dim3A_429 = vector.broadcast %jit3A_427 : i32 to vector<16xi32>
      %broadcast_in_dim3A_430 = vector.broadcast %jit3A_428 : i32 to vector<16xi32>
      %select_n3A_431 = arith.select %ge3A_426, %broadcast_in_dim3A_429, %broadcast_in_dim3A_430 : vector<16xi1>, vector<16xi32>
      %add3A_432 = arith.addi %add3A_422, %select_n3A_431 : vector<16xi32>
      %broadcast_in_dim3A_433 = arith.constant 4 : i32
      %broadcast_in_dim3A_434 = vector.broadcast %broadcast_in_dim3A_433 : i32 to vector<16xi32>
      %gather3A_435 = tpu.vector_load_idx %arg11[%broadcast_in_dim3A_434] : memref<16xi32, #tpu.memory_space<vmem>>[vector<16xi32>], vector<16xi32>,
      %ge3A_436 = arith.cmpi sge, %mul3A_390, %gather3A_435 : vector<16xi32>
      %jit3A_437 = arith.constant 1 : i32
      %jit3A_438 = arith.constant 0 : i32
      %broadcast_in_dim3A_439 = vector.broadcast %jit3A_437 : i32 to vector<16xi32>
      %broadcast_in_dim3A_440 = vector.broadcast %jit3A_438 : i32 to vector<16xi32>
      %select_n3A_441 = arith.select %ge3A_436, %broadcast_in_dim3A_439, %broadcast_in_dim3A_440 : vector<16xi1>, vector<16xi32>
      %add3A_442 = arith.addi %add3A_432, %select_n3A_441 : vector<16xi32>
      %broadcast_in_dim3A_443 = arith.constant 5 : i32
      %broadcast_in_dim3A_444 = vector.broadcast %broadcast_in_dim3A_443 : i32 to vector<16xi32>
      %gather3A_445 = tpu.vector_load_idx %arg11[%broadcast_in_dim3A_444] : memref<16xi32, #tpu.memory_space<vmem>>[vector<16xi32>], vector<16xi32>,
      %ge3A_446 = arith.cmpi sge, %mul3A_390, %gather3A_445 : vector<16xi32>
      %jit3A_447 = arith.constant 1 : i32
      %jit3A_448 = arith.constant 0 : i32
      %broadcast_in_dim3A_449 = vector.broadcast %jit3A_447 : i32 to vector<16xi32>
      %broadcast_in_dim3A_450 = vector.broadcast %jit3A_448 : i32 to vector<16xi32>
      %select_n3A_451 = arith.select %ge3A_446, %broadcast_in_dim3A_449, %broadcast_in_dim3A_450 : vector<16xi1>, vector<16xi32>
      %add3A_452 = arith.addi %add3A_442, %select_n3A_451 : vector<16xi32>
      %broadcast_in_dim3A_453 = arith.constant 6 : i32
      %broadcast_in_dim3A_454 = vector.broadcast %broadcast_in_dim3A_453 : i32 to vector<16xi32>
      %gather3A_455 = tpu.vector_load_idx %arg11[%broadcast_in_dim3A_454] : memref<16xi32, #tpu.memory_space<vmem>>[vector<16xi32>], vector<16xi32>,
      %ge3A_456 = arith.cmpi sge, %mul3A_390, %gather3A_455 : vector<16xi32>
      %jit3A_457 = arith.constant 1 : i32
      %jit3A_458 = arith.constant 0 : i32
      %broadcast_in_dim3A_459 = vector.broadcast %jit3A_457 : i32 to vector<16xi32>
      %broadcast_in_dim3A_460 = vector.broadcast %jit3A_458 : i32 to vector<16xi32>
      %select_n3A_461 = arith.select %ge3A_456, %broadcast_in_dim3A_459, %broadcast_in_dim3A_460 : vector<16xi1>, vector<16xi32>
      %add3A_462 = arith.addi %add3A_452, %select_n3A_461 : vector<16xi32>
      %broadcast_in_dim3A_463 = arith.constant 7 : i32
      %broadcast_in_dim3A_464 = vector.broadcast %broadcast_in_dim3A_463 : i32 to vector<16xi32>
      %gather3A_465 = tpu.vector_load_idx %arg11[%broadcast_in_dim3A_464] : memref<16xi32, #tpu.memory_space<vmem>>[vector<16xi32>], vector<16xi32>,
      %ge3A_466 = arith.cmpi sge, %mul3A_390, %gather3A_465 : vector<16xi32>
      %jit3A_467 = arith.constant 1 : i32
      %jit3A_468 = arith.constant 0 : i32
      %broadcast_in_dim3A_469 = vector.broadcast %jit3A_467 : i32 to vector<16xi32>
      %broadcast_in_dim3A_470 = vector.broadcast %jit3A_468 : i32 to vector<16xi32>
      %select_n3A_471 = arith.select %ge3A_466, %broadcast_in_dim3A_469, %broadcast_in_dim3A_470 : vector<16xi1>, vector<16xi32>
      %add3A_472 = arith.addi %add3A_462, %select_n3A_471 : vector<16xi32>
      %broadcast_in_dim3A_473 = arith.constant 8 : i32
      %broadcast_in_dim3A_474 = vector.broadcast %broadcast_in_dim3A_473 : i32 to vector<16xi32>
      %gather3A_475 = tpu.vector_load_idx %arg11[%broadcast_in_dim3A_474] : memref<16xi32, #tpu.memory_space<vmem>>[vector<16xi32>], vector<16xi32>,
      %ge3A_476 = arith.cmpi sge, %mul3A_390, %gather3A_475 : vector<16xi32>
      %jit3A_477 = arith.constant 1 : i32
      %jit3A_478 = arith.constant 0 : i32
      %broadcast_in_dim3A_479 = vector.broadcast %jit3A_477 : i32 to vector<16xi32>
      %broadcast_in_dim3A_480 = vector.broadcast %jit3A_478 : i32 to vector<16xi32>
      %select_n3A_481 = arith.select %ge3A_476, %broadcast_in_dim3A_479, %broadcast_in_dim3A_480 : vector<16xi1>, vector<16xi32>
      %add3A_482 = arith.addi %add3A_472, %select_n3A_481 : vector<16xi32>
      %broadcast_in_dim3A_483 = arith.constant 9 : i32
      %broadcast_in_dim3A_484 = vector.broadcast %broadcast_in_dim3A_483 : i32 to vector<16xi32>
      %gather3A_485 = tpu.vector_load_idx %arg11[%broadcast_in_dim3A_484] : memref<16xi32, #tpu.memory_space<vmem>>[vector<16xi32>], vector<16xi32>,
      %ge3A_486 = arith.cmpi sge, %mul3A_390, %gather3A_485 : vector<16xi32>
      %jit3A_487 = arith.constant 1 : i32
      %jit3A_488 = arith.constant 0 : i32
      %broadcast_in_dim3A_489 = vector.broadcast %jit3A_487 : i32 to vector<16xi32>
      %broadcast_in_dim3A_490 = vector.broadcast %jit3A_488 : i32 to vector<16xi32>
      %select_n3A_491 = arith.select %ge3A_486, %broadcast_in_dim3A_489, %broadcast_in_dim3A_490 : vector<16xi1>, vector<16xi32>
      %add3A_492 = arith.addi %add3A_482, %select_n3A_491 : vector<16xi32>
      %broadcast_in_dim3A_493 = arith.constant 10 : i32
      %broadcast_in_dim3A_494 = vector.broadcast %broadcast_in_dim3A_493 : i32 to vector<16xi32>
      %gather3A_495 = tpu.vector_load_idx %arg11[%broadcast_in_dim3A_494] : memref<16xi32, #tpu.memory_space<vmem>>[vector<16xi32>], vector<16xi32>,
      %ge3A_496 = arith.cmpi sge, %mul3A_390, %gather3A_495 : vector<16xi32>
      %jit3A_497 = arith.constant 1 : i32
      %jit3A_498 = arith.constant 0 : i32
      %broadcast_in_dim3A_499 = vector.broadcast %jit3A_497 : i32 to vector<16xi32>
      %broadcast_in_dim3A_500 = vector.broadcast %jit3A_498 : i32 to vector<16xi32>
      %select_n3A_501 = arith.select %ge3A_496, %broadcast_in_dim3A_499, %broadcast_in_dim3A_500 : vector<16xi1>, vector<16xi32>
      %add3A_502 = arith.addi %add3A_492, %select_n3A_501 : vector<16xi32>
      %broadcast_in_dim3A_503 = arith.constant 11 : i32
      %broadcast_in_dim3A_504 = vector.broadcast %broadcast_in_dim3A_503 : i32 to vector<16xi32>
      %gather3A_505 = tpu.vector_load_idx %arg11[%broadcast_in_dim3A_504] : memref<16xi32, #tpu.memory_space<vmem>>[vector<16xi32>], vector<16xi32>,
      %ge3A_506 = arith.cmpi sge, %mul3A_390, %gather3A_505 : vector<16xi32>
      %jit3A_507 = arith.constant 1 : i32
      %jit3A_508 = arith.constant 0 : i32
      %broadcast_in_dim3A_509 = vector.broadcast %jit3A_507 : i32 to vector<16xi32>
      %broadcast_in_dim3A_510 = vector.broadcast %jit3A_508 : i32 to vector<16xi32>
      %select_n3A_511 = arith.select %ge3A_506, %broadcast_in_dim3A_509, %broadcast_in_dim3A_510 : vector<16xi1>, vector<16xi32>
      %add3A_512 = arith.addi %add3A_502, %select_n3A_511 : vector<16xi32>
      %broadcast_in_dim3A_513 = arith.constant 12 : i32
      %broadcast_in_dim3A_514 = vector.broadcast %broadcast_in_dim3A_513 : i32 to vector<16xi32>
      %gather3A_515 = tpu.vector_load_idx %arg11[%broadcast_in_dim3A_514] : memref<16xi32, #tpu.memory_space<vmem>>[vector<16xi32>], vector<16xi32>,
      %ge3A_516 = arith.cmpi sge, %mul3A_390, %gather3A_515 : vector<16xi32>
      %jit3A_517 = arith.constant 1 : i32
      %jit3A_518 = arith.constant 0 : i32
      %broadcast_in_dim3A_519 = vector.broadcast %jit3A_517 : i32 to vector<16xi32>
      %broadcast_in_dim3A_520 = vector.broadcast %jit3A_518 : i32 to vector<16xi32>
      %select_n3A_521 = arith.select %ge3A_516, %broadcast_in_dim3A_519, %broadcast_in_dim3A_520 : vector<16xi1>, vector<16xi32>
      %add3A_522 = arith.addi %add3A_512, %select_n3A_521 : vector<16xi32>
      %broadcast_in_dim3A_523 = arith.constant 13 : i32
      %broadcast_in_dim3A_524 = vector.broadcast %broadcast_in_dim3A_523 : i32 to vector<16xi32>
      %gather3A_525 = tpu.vector_load_idx %arg11[%broadcast_in_dim3A_524] : memref<16xi32, #tpu.memory_space<vmem>>[vector<16xi32>], vector<16xi32>,
      %ge3A_526 = arith.cmpi sge, %mul3A_390, %gather3A_525 : vector<16xi32>
      %jit3A_527 = arith.constant 1 : i32
      %jit3A_528 = arith.constant 0 : i32
      %broadcast_in_dim3A_529 = vector.broadcast %jit3A_527 : i32 to vector<16xi32>
      %broadcast_in_dim3A_530 = vector.broadcast %jit3A_528 : i32 to vector<16xi32>
      %select_n3A_531 = arith.select %ge3A_526, %broadcast_in_dim3A_529, %broadcast_in_dim3A_530 : vector<16xi1>, vector<16xi32>
      %add3A_532 = arith.addi %add3A_522, %select_n3A_531 : vector<16xi32>
      %broadcast_in_dim3A_533 = arith.constant 14 : i32
      %broadcast_in_dim3A_534 = vector.broadcast %broadcast_in_dim3A_533 : i32 to vector<16xi32>
      %gather3A_535 = tpu.vector_load_idx %arg11[%broadcast_in_dim3A_534] : memref<16xi32, #tpu.memory_space<vmem>>[vector<16xi32>], vector<16xi32>,
      %ge3A_536 = arith.cmpi sge, %mul3A_390, %gather3A_535 : vector<16xi32>
      %jit3A_537 = arith.constant 1 : i32
      %jit3A_538 = arith.constant 0 : i32
      %broadcast_in_dim3A_539 = vector.broadcast %jit3A_537 : i32 to vector<16xi32>
      %broadcast_in_dim3A_540 = vector.broadcast %jit3A_538 : i32 to vector<16xi32>
      %select_n3A_541 = arith.select %ge3A_536, %broadcast_in_dim3A_539, %broadcast_in_dim3A_540 : vector<16xi1>, vector<16xi32>
      %add3A_542 = arith.addi %add3A_532, %select_n3A_541 : vector<16xi32>
      %broadcast_in_dim3A_543 = arith.constant 15 : i32
      %broadcast_in_dim3A_544 = vector.broadcast %broadcast_in_dim3A_543 : i32 to vector<16xi32>
      %gather3A_545 = tpu.vector_load_idx %arg11[%broadcast_in_dim3A_544] : memref<16xi32, #tpu.memory_space<vmem>>[vector<16xi32>], vector<16xi32>,
      %ge3A_546 = arith.cmpi sge, %mul3A_390, %gather3A_545 : vector<16xi32>
      %jit3A_547 = arith.constant 1 : i32
      %jit3A_548 = arith.constant 0 : i32
      %broadcast_in_dim3A_549 = vector.broadcast %jit3A_547 : i32 to vector<16xi32>
      %broadcast_in_dim3A_550 = vector.broadcast %jit3A_548 : i32 to vector<16xi32>
      %select_n3A_551 = arith.select %ge3A_546, %broadcast_in_dim3A_549, %broadcast_in_dim3A_550 : vector<16xi1>, vector<16xi32>
      %add3A_552 = arith.addi %add3A_542, %select_n3A_551 : vector<16xi32>
      %swap3A_553 = arith.constant 0 : index
      %swap3A_554 = tpu.vector_load %arg18[%swap3A_553] {strides = array<i32>} : memref<144xi32, #tpu.memory_space<vmem>>, vector<16xi32>,
      tpu.vector_store %arg18[%swap3A_553], %add3A_552 {strides = array<i32>} : memref<144xi32, #tpu.memory_space<vmem>>, vector<16xi32>,
      %add3A_555 = arith.constant 16 : i32
      %add3A_556 = vector.broadcast %add3A_555 : i32 to vector<16xi32>
      %add3A_557 = arith.addi %add3A_556, %iota3A : vector<16xi32>
      %mul3A_558 = arith.constant 256 : i32
      %mul3A_559 = vector.broadcast %mul3A_558 : i32 to vector<16xi32>
      %mul3A_560 = arith.muli %add3A_557, %mul3A_559 : vector<16xi32>
      %broadcast_in_dim3A_561 = arith.constant -1 : i32
      %broadcast_in_dim3A_562 = vector.broadcast %broadcast_in_dim3A_561 : i32 to vector<16xi32>
      %broadcast_in_dim3A_563 = arith.constant 0 : i32
      %broadcast_in_dim3A_564 = vector.broadcast %broadcast_in_dim3A_563 : i32 to vector<16xi32>
      %gather3A_565 = tpu.vector_load_idx %arg11[%broadcast_in_dim3A_564] : memref<16xi32, #tpu.memory_space<vmem>>[vector<16xi32>], vector<16xi32>,
      %ge3A_566 = arith.cmpi sge, %mul3A_560, %gather3A_565 : vector<16xi32>
      %jit3A_567 = arith.constant 1 : i32
      %jit3A_568 = arith.constant 0 : i32
      %broadcast_in_dim3A_569 = vector.broadcast %jit3A_567 : i32 to vector<16xi32>
      %broadcast_in_dim3A_570 = vector.broadcast %jit3A_568 : i32 to vector<16xi32>
      %select_n3A_571 = arith.select %ge3A_566, %broadcast_in_dim3A_569, %broadcast_in_dim3A_570 : vector<16xi1>, vector<16xi32>
      %add3A_572 = arith.addi %broadcast_in_dim3A_562, %select_n3A_571 : vector<16xi32>
      %broadcast_in_dim3A_573 = arith.constant 1 : i32
      %broadcast_in_dim3A_574 = vector.broadcast %broadcast_in_dim3A_573 : i32 to vector<16xi32>
      %gather3A_575 = tpu.vector_load_idx %arg11[%broadcast_in_dim3A_574] : memref<16xi32, #tpu.memory_space<vmem>>[vector<16xi32>], vector<16xi32>,
      %ge3A_576 = arith.cmpi sge, %mul3A_560, %gather3A_575 : vector<16xi32>
      %jit3A_577 = arith.constant 1 : i32
      %jit3A_578 = arith.constant 0 : i32
      %broadcast_in_dim3A_579 = vector.broadcast %jit3A_577 : i32 to vector<16xi32>
      %broadcast_in_dim3A_580 = vector.broadcast %jit3A_578 : i32 to vector<16xi32>
      %select_n3A_581 = arith.select %ge3A_576, %broadcast_in_dim3A_579, %broadcast_in_dim3A_580 : vector<16xi1>, vector<16xi32>
      %add3A_582 = arith.addi %add3A_572, %select_n3A_581 : vector<16xi32>
      %broadcast_in_dim3A_583 = arith.constant 2 : i32
      %broadcast_in_dim3A_584 = vector.broadcast %broadcast_in_dim3A_583 : i32 to vector<16xi32>
      %gather3A_585 = tpu.vector_load_idx %arg11[%broadcast_in_dim3A_584] : memref<16xi32, #tpu.memory_space<vmem>>[vector<16xi32>], vector<16xi32>,
      %ge3A_586 = arith.cmpi sge, %mul3A_560, %gather3A_585 : vector<16xi32>
      %jit3A_587 = arith.constant 1 : i32
      %jit3A_588 = arith.constant 0 : i32
      %broadcast_in_dim3A_589 = vector.broadcast %jit3A_587 : i32 to vector<16xi32>
      %broadcast_in_dim3A_590 = vector.broadcast %jit3A_588 : i32 to vector<16xi32>
      %select_n3A_591 = arith.select %ge3A_586, %broadcast_in_dim3A_589, %broadcast_in_dim3A_590 : vector<16xi1>, vector<16xi32>
      %add3A_592 = arith.addi %add3A_582, %select_n3A_591 : vector<16xi32>
      %broadcast_in_dim3A_593 = arith.constant 3 : i32
      %broadcast_in_dim3A_594 = vector.broadcast %broadcast_in_dim3A_593 : i32 to vector<16xi32>
      %gather3A_595 = tpu.vector_load_idx %arg11[%broadcast_in_dim3A_594] : memref<16xi32, #tpu.memory_space<vmem>>[vector<16xi32>], vector<16xi32>,
      %ge3A_596 = arith.cmpi sge, %mul3A_560, %gather3A_595 : vector<16xi32>
      %jit3A_597 = arith.constant 1 : i32
      %jit3A_598 = arith.constant 0 : i32
      %broadcast_in_dim3A_599 = vector.broadcast %jit3A_597 : i32 to vector<16xi32>
      %broadcast_in_dim3A_600 = vector.broadcast %jit3A_598 : i32 to vector<16xi32>
      %select_n3A_601 = arith.select %ge3A_596, %broadcast_in_dim3A_599, %broadcast_in_dim3A_600 : vector<16xi1>, vector<16xi32>
      %add3A_602 = arith.addi %add3A_592, %select_n3A_601 : vector<16xi32>
      %broadcast_in_dim3A_603 = arith.constant 4 : i32
      %broadcast_in_dim3A_604 = vector.broadcast %broadcast_in_dim3A_603 : i32 to vector<16xi32>
      %gather3A_605 = tpu.vector_load_idx %arg11[%broadcast_in_dim3A_604] : memref<16xi32, #tpu.memory_space<vmem>>[vector<16xi32>], vector<16xi32>,
      %ge3A_606 = arith.cmpi sge, %mul3A_560, %gather3A_605 : vector<16xi32>
      %jit3A_607 = arith.constant 1 : i32
      %jit3A_608 = arith.constant 0 : i32
      %broadcast_in_dim3A_609 = vector.broadcast %jit3A_607 : i32 to vector<16xi32>
      %broadcast_in_dim3A_610 = vector.broadcast %jit3A_608 : i32 to vector<16xi32>
      %select_n3A_611 = arith.select %ge3A_606, %broadcast_in_dim3A_609, %broadcast_in_dim3A_610 : vector<16xi1>, vector<16xi32>
      %add3A_612 = arith.addi %add3A_602, %select_n3A_611 : vector<16xi32>
      %broadcast_in_dim3A_613 = arith.constant 5 : i32
      %broadcast_in_dim3A_614 = vector.broadcast %broadcast_in_dim3A_613 : i32 to vector<16xi32>
      %gather3A_615 = tpu.vector_load_idx %arg11[%broadcast_in_dim3A_614] : memref<16xi32, #tpu.memory_space<vmem>>[vector<16xi32>], vector<16xi32>,
      %ge3A_616 = arith.cmpi sge, %mul3A_560, %gather3A_615 : vector<16xi32>
      %jit3A_617 = arith.constant 1 : i32
      %jit3A_618 = arith.constant 0 : i32
      %broadcast_in_dim3A_619 = vector.broadcast %jit3A_617 : i32 to vector<16xi32>
      %broadcast_in_dim3A_620 = vector.broadcast %jit3A_618 : i32 to vector<16xi32>
      %select_n3A_621 = arith.select %ge3A_616, %broadcast_in_dim3A_619, %broadcast_in_dim3A_620 : vector<16xi1>, vector<16xi32>
      %add3A_622 = arith.addi %add3A_612, %select_n3A_621 : vector<16xi32>
      %broadcast_in_dim3A_623 = arith.constant 6 : i32
      %broadcast_in_dim3A_624 = vector.broadcast %broadcast_in_dim3A_623 : i32 to vector<16xi32>
      %gather3A_625 = tpu.vector_load_idx %arg11[%broadcast_in_dim3A_624] : memref<16xi32, #tpu.memory_space<vmem>>[vector<16xi32>], vector<16xi32>,
      %ge3A_626 = arith.cmpi sge, %mul3A_560, %gather3A_625 : vector<16xi32>
      %jit3A_627 = arith.constant 1 : i32
      %jit3A_628 = arith.constant 0 : i32
      %broadcast_in_dim3A_629 = vector.broadcast %jit3A_627 : i32 to vector<16xi32>
      %broadcast_in_dim3A_630 = vector.broadcast %jit3A_628 : i32 to vector<16xi32>
      %select_n3A_631 = arith.select %ge3A_626, %broadcast_in_dim3A_629, %broadcast_in_dim3A_630 : vector<16xi1>, vector<16xi32>
      %add3A_632 = arith.addi %add3A_622, %select_n3A_631 : vector<16xi32>
      %broadcast_in_dim3A_633 = arith.constant 7 : i32
      %broadcast_in_dim3A_634 = vector.broadcast %broadcast_in_dim3A_633 : i32 to vector<16xi32>
      %gather3A_635 = tpu.vector_load_idx %arg11[%broadcast_in_dim3A_634] : memref<16xi32, #tpu.memory_space<vmem>>[vector<16xi32>], vector<16xi32>,
      %ge3A_636 = arith.cmpi sge, %mul3A_560, %gather3A_635 : vector<16xi32>
      %jit3A_637 = arith.constant 1 : i32
      %jit3A_638 = arith.constant 0 : i32
      %broadcast_in_dim3A_639 = vector.broadcast %jit3A_637 : i32 to vector<16xi32>
      %broadcast_in_dim3A_640 = vector.broadcast %jit3A_638 : i32 to vector<16xi32>
      %select_n3A_641 = arith.select %ge3A_636, %broadcast_in_dim3A_639, %broadcast_in_dim3A_640 : vector<16xi1>, vector<16xi32>
      %add3A_642 = arith.addi %add3A_632, %select_n3A_641 : vector<16xi32>
      %broadcast_in_dim3A_643 = arith.constant 8 : i32
      %broadcast_in_dim3A_644 = vector.broadcast %broadcast_in_dim3A_643 : i32 to vector<16xi32>
      %gather3A_645 = tpu.vector_load_idx %arg11[%broadcast_in_dim3A_644] : memref<16xi32, #tpu.memory_space<vmem>>[vector<16xi32>], vector<16xi32>,
      %ge3A_646 = arith.cmpi sge, %mul3A_560, %gather3A_645 : vector<16xi32>
      %jit3A_647 = arith.constant 1 : i32
      %jit3A_648 = arith.constant 0 : i32
      %broadcast_in_dim3A_649 = vector.broadcast %jit3A_647 : i32 to vector<16xi32>
      %broadcast_in_dim3A_650 = vector.broadcast %jit3A_648 : i32 to vector<16xi32>
      %select_n3A_651 = arith.select %ge3A_646, %broadcast_in_dim3A_649, %broadcast_in_dim3A_650 : vector<16xi1>, vector<16xi32>
      %add3A_652 = arith.addi %add3A_642, %select_n3A_651 : vector<16xi32>
      %broadcast_in_dim3A_653 = arith.constant 9 : i32
      %broadcast_in_dim3A_654 = vector.broadcast %broadcast_in_dim3A_653 : i32 to vector<16xi32>
      %gather3A_655 = tpu.vector_load_idx %arg11[%broadcast_in_dim3A_654] : memref<16xi32, #tpu.memory_space<vmem>>[vector<16xi32>], vector<16xi32>,
      %ge3A_656 = arith.cmpi sge, %mul3A_560, %gather3A_655 : vector<16xi32>
      %jit3A_657 = arith.constant 1 : i32
      %jit3A_658 = arith.constant 0 : i32
      %broadcast_in_dim3A_659 = vector.broadcast %jit3A_657 : i32 to vector<16xi32>
      %broadcast_in_dim3A_660 = vector.broadcast %jit3A_658 : i32 to vector<16xi32>
      %select_n3A_661 = arith.select %ge3A_656, %broadcast_in_dim3A_659, %broadcast_in_dim3A_660 : vector<16xi1>, vector<16xi32>
      %add3A_662 = arith.addi %add3A_652, %select_n3A_661 : vector<16xi32>
      %broadcast_in_dim3A_663 = arith.constant 10 : i32
      %broadcast_in_dim3A_664 = vector.broadcast %broadcast_in_dim3A_663 : i32 to vector<16xi32>
      %gather3A_665 = tpu.vector_load_idx %arg11[%broadcast_in_dim3A_664] : memref<16xi32, #tpu.memory_space<vmem>>[vector<16xi32>], vector<16xi32>,
      %ge3A_666 = arith.cmpi sge, %mul3A_560, %gather3A_665 : vector<16xi32>
      %jit3A_667 = arith.constant 1 : i32
      %jit3A_668 = arith.constant 0 : i32
      %broadcast_in_dim3A_669 = vector.broadcast %jit3A_667 : i32 to vector<16xi32>
      %broadcast_in_dim3A_670 = vector.broadcast %jit3A_668 : i32 to vector<16xi32>
      %select_n3A_671 = arith.select %ge3A_666, %broadcast_in_dim3A_669, %broadcast_in_dim3A_670 : vector<16xi1>, vector<16xi32>
      %add3A_672 = arith.addi %add3A_662, %select_n3A_671 : vector<16xi32>
      %broadcast_in_dim3A_673 = arith.constant 11 : i32
      %broadcast_in_dim3A_674 = vector.broadcast %broadcast_in_dim3A_673 : i32 to vector<16xi32>
      %gather3A_675 = tpu.vector_load_idx %arg11[%broadcast_in_dim3A_674] : memref<16xi32, #tpu.memory_space<vmem>>[vector<16xi32>], vector<16xi32>,
      %ge3A_676 = arith.cmpi sge, %mul3A_560, %gather3A_675 : vector<16xi32>
      %jit3A_677 = arith.constant 1 : i32
      %jit3A_678 = arith.constant 0 : i32
      %broadcast_in_dim3A_679 = vector.broadcast %jit3A_677 : i32 to vector<16xi32>
      %broadcast_in_dim3A_680 = vector.broadcast %jit3A_678 : i32 to vector<16xi32>
      %select_n3A_681 = arith.select %ge3A_676, %broadcast_in_dim3A_679, %broadcast_in_dim3A_680 : vector<16xi1>, vector<16xi32>
      %add3A_682 = arith.addi %add3A_672, %select_n3A_681 : vector<16xi32>
      %broadcast_in_dim3A_683 = arith.constant 12 : i32
      %broadcast_in_dim3A_684 = vector.broadcast %broadcast_in_dim3A_683 : i32 to vector<16xi32>
      %gather3A_685 = tpu.vector_load_idx %arg11[%broadcast_in_dim3A_684] : memref<16xi32, #tpu.memory_space<vmem>>[vector<16xi32>], vector<16xi32>,
      %ge3A_686 = arith.cmpi sge, %mul3A_560, %gather3A_685 : vector<16xi32>
      %jit3A_687 = arith.constant 1 : i32
      %jit3A_688 = arith.constant 0 : i32
      %broadcast_in_dim3A_689 = vector.broadcast %jit3A_687 : i32 to vector<16xi32>
      %broadcast_in_dim3A_690 = vector.broadcast %jit3A_688 : i32 to vector<16xi32>
      %select_n3A_691 = arith.select %ge3A_686, %broadcast_in_dim3A_689, %broadcast_in_dim3A_690 : vector<16xi1>, vector<16xi32>
      %add3A_692 = arith.addi %add3A_682, %select_n3A_691 : vector<16xi32>
      %broadcast_in_dim3A_693 = arith.constant 13 : i32
      %broadcast_in_dim3A_694 = vector.broadcast %broadcast_in_dim3A_693 : i32 to vector<16xi32>
      %gather3A_695 = tpu.vector_load_idx %arg11[%broadcast_in_dim3A_694] : memref<16xi32, #tpu.memory_space<vmem>>[vector<16xi32>], vector<16xi32>,
      %ge3A_696 = arith.cmpi sge, %mul3A_560, %gather3A_695 : vector<16xi32>
      %jit3A_697 = arith.constant 1 : i32
      %jit3A_698 = arith.constant 0 : i32
      %broadcast_in_dim3A_699 = vector.broadcast %jit3A_697 : i32 to vector<16xi32>
      %broadcast_in_dim3A_700 = vector.broadcast %jit3A_698 : i32 to vector<16xi32>
      %select_n3A_701 = arith.select %ge3A_696, %broadcast_in_dim3A_699, %broadcast_in_dim3A_700 : vector<16xi1>, vector<16xi32>
      %add3A_702 = arith.addi %add3A_692, %select_n3A_701 : vector<16xi32>
      %broadcast_in_dim3A_703 = arith.constant 14 : i32
      %broadcast_in_dim3A_704 = vector.broadcast %broadcast_in_dim3A_703 : i32 to vector<16xi32>
      %gather3A_705 = tpu.vector_load_idx %arg11[%broadcast_in_dim3A_704] : memref<16xi32, #tpu.memory_space<vmem>>[vector<16xi32>], vector<16xi32>,
      %ge3A_706 = arith.cmpi sge, %mul3A_560, %gather3A_705 : vector<16xi32>
      %jit3A_707 = arith.constant 1 : i32
      %jit3A_708 = arith.constant 0 : i32
      %broadcast_in_dim3A_709 = vector.broadcast %jit3A_707 : i32 to vector<16xi32>
      %broadcast_in_dim3A_710 = vector.broadcast %jit3A_708 : i32 to vector<16xi32>
      %select_n3A_711 = arith.select %ge3A_706, %broadcast_in_dim3A_709, %broadcast_in_dim3A_710 : vector<16xi1>, vector<16xi32>
      %add3A_712 = arith.addi %add3A_702, %select_n3A_711 : vector<16xi32>
      %broadcast_in_dim3A_713 = arith.constant 15 : i32
      %broadcast_in_dim3A_714 = vector.broadcast %broadcast_in_dim3A_713 : i32 to vector<16xi32>
      %gather3A_715 = tpu.vector_load_idx %arg11[%broadcast_in_dim3A_714] : memref<16xi32, #tpu.memory_space<vmem>>[vector<16xi32>], vector<16xi32>,
      %ge3A_716 = arith.cmpi sge, %mul3A_560, %gather3A_715 : vector<16xi32>
      %jit3A_717 = arith.constant 1 : i32
      %jit3A_718 = arith.constant 0 : i32
      %broadcast_in_dim3A_719 = vector.broadcast %jit3A_717 : i32 to vector<16xi32>
      %broadcast_in_dim3A_720 = vector.broadcast %jit3A_718 : i32 to vector<16xi32>
      %select_n3A_721 = arith.select %ge3A_716, %broadcast_in_dim3A_719, %broadcast_in_dim3A_720 : vector<16xi1>, vector<16xi32>
      %add3A_722 = arith.addi %add3A_712, %select_n3A_721 : vector<16xi32>
      %swap3A_723 = arith.constant 16 : index
      %swap3A_724 = tpu.vector_load %arg18[%swap3A_723] {strides = array<i32>} : memref<144xi32, #tpu.memory_space<vmem>>, vector<16xi32>,
      tpu.vector_store %arg18[%swap3A_723], %add3A_722 {strides = array<i32>} : memref<144xi32, #tpu.memory_space<vmem>>, vector<16xi32>,
      %add3A_725 = arith.constant 32 : i32
      %add3A_726 = vector.broadcast %add3A_725 : i32 to vector<16xi32>
      %add3A_727 = arith.addi %add3A_726, %iota3A : vector<16xi32>
      %mul3A_728 = arith.constant 256 : i32
      %mul3A_729 = vector.broadcast %mul3A_728 : i32 to vector<16xi32>
      %mul3A_730 = arith.muli %add3A_727, %mul3A_729 : vector<16xi32>
      %broadcast_in_dim3A_731 = arith.constant -1 : i32
      %broadcast_in_dim3A_732 = vector.broadcast %broadcast_in_dim3A_731 : i32 to vector<16xi32>
      %broadcast_in_dim3A_733 = arith.constant 0 : i32
      %broadcast_in_dim3A_734 = vector.broadcast %broadcast_in_dim3A_733 : i32 to vector<16xi32>
      %gather3A_735 = tpu.vector_load_idx %arg11[%broadcast_in_dim3A_734] : memref<16xi32, #tpu.memory_space<vmem>>[vector<16xi32>], vector<16xi32>,
      %ge3A_736 = arith.cmpi sge, %mul3A_730, %gather3A_735 : vector<16xi32>
      %jit3A_737 = arith.constant 1 : i32
      %jit3A_738 = arith.constant 0 : i32
      %broadcast_in_dim3A_739 = vector.broadcast %jit3A_737 : i32 to vector<16xi32>
      %broadcast_in_dim3A_740 = vector.broadcast %jit3A_738 : i32 to vector<16xi32>
      %select_n3A_741 = arith.select %ge3A_736, %broadcast_in_dim3A_739, %broadcast_in_dim3A_740 : vector<16xi1>, vector<16xi32>
      %add3A_742 = arith.addi %broadcast_in_dim3A_732, %select_n3A_741 : vector<16xi32>
      %broadcast_in_dim3A_743 = arith.constant 1 : i32
      %broadcast_in_dim3A_744 = vector.broadcast %broadcast_in_dim3A_743 : i32 to vector<16xi32>
      %gather3A_745 = tpu.vector_load_idx %arg11[%broadcast_in_dim3A_744] : memref<16xi32, #tpu.memory_space<vmem>>[vector<16xi32>], vector<16xi32>,
      %ge3A_746 = arith.cmpi sge, %mul3A_730, %gather3A_745 : vector<16xi32>
      %jit3A_747 = arith.constant 1 : i32
      %jit3A_748 = arith.constant 0 : i32
      %broadcast_in_dim3A_749 = vector.broadcast %jit3A_747 : i32 to vector<16xi32>
      %broadcast_in_dim3A_750 = vector.broadcast %jit3A_748 : i32 to vector<16xi32>
      %select_n3A_751 = arith.select %ge3A_746, %broadcast_in_dim3A_749, %broadcast_in_dim3A_750 : vector<16xi1>, vector<16xi32>
      %add3A_752 = arith.addi %add3A_742, %select_n3A_751 : vector<16xi32>
      %broadcast_in_dim3A_753 = arith.constant 2 : i32
      %broadcast_in_dim3A_754 = vector.broadcast %broadcast_in_dim3A_753 : i32 to vector<16xi32>
      %gather3A_755 = tpu.vector_load_idx %arg11[%broadcast_in_dim3A_754] : memref<16xi32, #tpu.memory_space<vmem>>[vector<16xi32>], vector<16xi32>,
      %ge3A_756 = arith.cmpi sge, %mul3A_730, %gather3A_755 : vector<16xi32>
      %jit3A_757 = arith.constant 1 : i32
      %jit3A_758 = arith.constant 0 : i32
      %broadcast_in_dim3A_759 = vector.broadcast %jit3A_757 : i32 to vector<16xi32>
      %broadcast_in_dim3A_760 = vector.broadcast %jit3A_758 : i32 to vector<16xi32>
      %select_n3A_761 = arith.select %ge3A_756, %broadcast_in_dim3A_759, %broadcast_in_dim3A_760 : vector<16xi1>, vector<16xi32>
      %add3A_762 = arith.addi %add3A_752, %select_n3A_761 : vector<16xi32>
      %broadcast_in_dim3A_763 = arith.constant 3 : i32
      %broadcast_in_dim3A_764 = vector.broadcast %broadcast_in_dim3A_763 : i32 to vector<16xi32>
      %gather3A_765 = tpu.vector_load_idx %arg11[%broadcast_in_dim3A_764] : memref<16xi32, #tpu.memory_space<vmem>>[vector<16xi32>], vector<16xi32>,
      %ge3A_766 = arith.cmpi sge, %mul3A_730, %gather3A_765 : vector<16xi32>
      %jit3A_767 = arith.constant 1 : i32
      %jit3A_768 = arith.constant 0 : i32
      %broadcast_in_dim3A_769 = vector.broadcast %jit3A_767 : i32 to vector<16xi32>
      %broadcast_in_dim3A_770 = vector.broadcast %jit3A_768 : i32 to vector<16xi32>
      %select_n3A_771 = arith.select %ge3A_766, %broadcast_in_dim3A_769, %broadcast_in_dim3A_770 : vector<16xi1>, vector<16xi32>
      %add3A_772 = arith.addi %add3A_762, %select_n3A_771 : vector<16xi32>
      %broadcast_in_dim3A_773 = arith.constant 4 : i32
      %broadcast_in_dim3A_774 = vector.broadcast %broadcast_in_dim3A_773 : i32 to vector<16xi32>
      %gather3A_775 = tpu.vector_load_idx %arg11[%broadcast_in_dim3A_774] : memref<16xi32, #tpu.memory_space<vmem>>[vector<16xi32>], vector<16xi32>,
      %ge3A_776 = arith.cmpi sge, %mul3A_730, %gather3A_775 : vector<16xi32>
      %jit3A_777 = arith.constant 1 : i32
      %jit3A_778 = arith.constant 0 : i32
      %broadcast_in_dim3A_779 = vector.broadcast %jit3A_777 : i32 to vector<16xi32>
      %broadcast_in_dim3A_780 = vector.broadcast %jit3A_778 : i32 to vector<16xi32>
      %select_n3A_781 = arith.select %ge3A_776, %broadcast_in_dim3A_779, %broadcast_in_dim3A_780 : vector<16xi1>, vector<16xi32>
      %add3A_782 = arith.addi %add3A_772, %select_n3A_781 : vector<16xi32>
      %broadcast_in_dim3A_783 = arith.constant 5 : i32
      %broadcast_in_dim3A_784 = vector.broadcast %broadcast_in_dim3A_783 : i32 to vector<16xi32>
      %gather3A_785 = tpu.vector_load_idx %arg11[%broadcast_in_dim3A_784] : memref<16xi32, #tpu.memory_space<vmem>>[vector<16xi32>], vector<16xi32>,
      %ge3A_786 = arith.cmpi sge, %mul3A_730, %gather3A_785 : vector<16xi32>
      %jit3A_787 = arith.constant 1 : i32
      %jit3A_788 = arith.constant 0 : i32
      %broadcast_in_dim3A_789 = vector.broadcast %jit3A_787 : i32 to vector<16xi32>
      %broadcast_in_dim3A_790 = vector.broadcast %jit3A_788 : i32 to vector<16xi32>
      %select_n3A_791 = arith.select %ge3A_786, %broadcast_in_dim3A_789, %broadcast_in_dim3A_790 : vector<16xi1>, vector<16xi32>
      %add3A_792 = arith.addi %add3A_782, %select_n3A_791 : vector<16xi32>
      %broadcast_in_dim3A_793 = arith.constant 6 : i32
      %broadcast_in_dim3A_794 = vector.broadcast %broadcast_in_dim3A_793 : i32 to vector<16xi32>
      %gather3A_795 = tpu.vector_load_idx %arg11[%broadcast_in_dim3A_794] : memref<16xi32, #tpu.memory_space<vmem>>[vector<16xi32>], vector<16xi32>,
      %ge3A_796 = arith.cmpi sge, %mul3A_730, %gather3A_795 : vector<16xi32>
      %jit3A_797 = arith.constant 1 : i32
      %jit3A_798 = arith.constant 0 : i32
      %broadcast_in_dim3A_799 = vector.broadcast %jit3A_797 : i32 to vector<16xi32>
      %broadcast_in_dim3A_800 = vector.broadcast %jit3A_798 : i32 to vector<16xi32>
      %select_n3A_801 = arith.select %ge3A_796, %broadcast_in_dim3A_799, %broadcast_in_dim3A_800 : vector<16xi1>, vector<16xi32>
      %add3A_802 = arith.addi %add3A_792, %select_n3A_801 : vector<16xi32>
      %broadcast_in_dim3A_803 = arith.constant 7 : i32
      %broadcast_in_dim3A_804 = vector.broadcast %broadcast_in_dim3A_803 : i32 to vector<16xi32>
      %gather3A_805 = tpu.vector_load_idx %arg11[%broadcast_in_dim3A_804] : memref<16xi32, #tpu.memory_space<vmem>>[vector<16xi32>], vector<16xi32>,
      %ge3A_806 = arith.cmpi sge, %mul3A_730, %gather3A_805 : vector<16xi32>
      %jit3A_807 = arith.constant 1 : i32
      %jit3A_808 = arith.constant 0 : i32
      %broadcast_in_dim3A_809 = vector.broadcast %jit3A_807 : i32 to vector<16xi32>
      %broadcast_in_dim3A_810 = vector.broadcast %jit3A_808 : i32 to vector<16xi32>
      %select_n3A_811 = arith.select %ge3A_806, %broadcast_in_dim3A_809, %broadcast_in_dim3A_810 : vector<16xi1>, vector<16xi32>
      %add3A_812 = arith.addi %add3A_802, %select_n3A_811 : vector<16xi32>
      %broadcast_in_dim3A_813 = arith.constant 8 : i32
      %broadcast_in_dim3A_814 = vector.broadcast %broadcast_in_dim3A_813 : i32 to vector<16xi32>
      %gather3A_815 = tpu.vector_load_idx %arg11[%broadcast_in_dim3A_814] : memref<16xi32, #tpu.memory_space<vmem>>[vector<16xi32>], vector<16xi32>,
      %ge3A_816 = arith.cmpi sge, %mul3A_730, %gather3A_815 : vector<16xi32>
      %jit3A_817 = arith.constant 1 : i32
      %jit3A_818 = arith.constant 0 : i32
      %broadcast_in_dim3A_819 = vector.broadcast %jit3A_817 : i32 to vector<16xi32>
      %broadcast_in_dim3A_820 = vector.broadcast %jit3A_818 : i32 to vector<16xi32>
      %select_n3A_821 = arith.select %ge3A_816, %broadcast_in_dim3A_819, %broadcast_in_dim3A_820 : vector<16xi1>, vector<16xi32>
      %add3A_822 = arith.addi %add3A_812, %select_n3A_821 : vector<16xi32>
      %broadcast_in_dim3A_823 = arith.constant 9 : i32
      %broadcast_in_dim3A_824 = vector.broadcast %broadcast_in_dim3A_823 : i32 to vector<16xi32>
      %gather3A_825 = tpu.vector_load_idx %arg11[%broadcast_in_dim3A_824] : memref<16xi32, #tpu.memory_space<vmem>>[vector<16xi32>], vector<16xi32>,
      %ge3A_826 = arith.cmpi sge, %mul3A_730, %gather3A_825 : vector<16xi32>
      %jit3A_827 = arith.constant 1 : i32
      %jit3A_828 = arith.constant 0 : i32
      %broadcast_in_dim3A_829 = vector.broadcast %jit3A_827 : i32 to vector<16xi32>
      %broadcast_in_dim3A_830 = vector.broadcast %jit3A_828 : i32 to vector<16xi32>
      %select_n3A_831 = arith.select %ge3A_826, %broadcast_in_dim3A_829, %broadcast_in_dim3A_830 : vector<16xi1>, vector<16xi32>
      %add3A_832 = arith.addi %add3A_822, %select_n3A_831 : vector<16xi32>
      %broadcast_in_dim3A_833 = arith.constant 10 : i32
      %broadcast_in_dim3A_834 = vector.broadcast %broadcast_in_dim3A_833 : i32 to vector<16xi32>
      %gather3A_835 = tpu.vector_load_idx %arg11[%broadcast_in_dim3A_834] : memref<16xi32, #tpu.memory_space<vmem>>[vector<16xi32>], vector<16xi32>,
      %ge3A_836 = arith.cmpi sge, %mul3A_730, %gather3A_835 : vector<16xi32>
      %jit3A_837 = arith.constant 1 : i32
      %jit3A_838 = arith.constant 0 : i32
      %broadcast_in_dim3A_839 = vector.broadcast %jit3A_837 : i32 to vector<16xi32>
      %broadcast_in_dim3A_840 = vector.broadcast %jit3A_838 : i32 to vector<16xi32>
      %select_n3A_841 = arith.select %ge3A_836, %broadcast_in_dim3A_839, %broadcast_in_dim3A_840 : vector<16xi1>, vector<16xi32>
      %add3A_842 = arith.addi %add3A_832, %select_n3A_841 : vector<16xi32>
      %broadcast_in_dim3A_843 = arith.constant 11 : i32
      %broadcast_in_dim3A_844 = vector.broadcast %broadcast_in_dim3A_843 : i32 to vector<16xi32>
      %gather3A_845 = tpu.vector_load_idx %arg11[%broadcast_in_dim3A_844] : memref<16xi32, #tpu.memory_space<vmem>>[vector<16xi32>], vector<16xi32>,
      %ge3A_846 = arith.cmpi sge, %mul3A_730, %gather3A_845 : vector<16xi32>
      %jit3A_847 = arith.constant 1 : i32
      %jit3A_848 = arith.constant 0 : i32
      %broadcast_in_dim3A_849 = vector.broadcast %jit3A_847 : i32 to vector<16xi32>
      %broadcast_in_dim3A_850 = vector.broadcast %jit3A_848 : i32 to vector<16xi32>
      %select_n3A_851 = arith.select %ge3A_846, %broadcast_in_dim3A_849, %broadcast_in_dim3A_850 : vector<16xi1>, vector<16xi32>
      %add3A_852 = arith.addi %add3A_842, %select_n3A_851 : vector<16xi32>
      %broadcast_in_dim3A_853 = arith.constant 12 : i32
      %broadcast_in_dim3A_854 = vector.broadcast %broadcast_in_dim3A_853 : i32 to vector<16xi32>
      %gather3A_855 = tpu.vector_load_idx %arg11[%broadcast_in_dim3A_854] : memref<16xi32, #tpu.memory_space<vmem>>[vector<16xi32>], vector<16xi32>,
      %ge3A_856 = arith.cmpi sge, %mul3A_730, %gather3A_855 : vector<16xi32>
      %jit3A_857 = arith.constant 1 : i32
      %jit3A_858 = arith.constant 0 : i32
      %broadcast_in_dim3A_859 = vector.broadcast %jit3A_857 : i32 to vector<16xi32>
      %broadcast_in_dim3A_860 = vector.broadcast %jit3A_858 : i32 to vector<16xi32>
      %select_n3A_861 = arith.select %ge3A_856, %broadcast_in_dim3A_859, %broadcast_in_dim3A_860 : vector<16xi1>, vector<16xi32>
      %add3A_862 = arith.addi %add3A_852, %select_n3A_861 : vector<16xi32>
      %broadcast_in_dim3A_863 = arith.constant 13 : i32
      %broadcast_in_dim3A_864 = vector.broadcast %broadcast_in_dim3A_863 : i32 to vector<16xi32>
      %gather3A_865 = tpu.vector_load_idx %arg11[%broadcast_in_dim3A_864] : memref<16xi32, #tpu.memory_space<vmem>>[vector<16xi32>], vector<16xi32>,
      %ge3A_866 = arith.cmpi sge, %mul3A_730, %gather3A_865 : vector<16xi32>
      %jit3A_867 = arith.constant 1 : i32
      %jit3A_868 = arith.constant 0 : i32
      %broadcast_in_dim3A_869 = vector.broadcast %jit3A_867 : i32 to vector<16xi32>
      %broadcast_in_dim3A_870 = vector.broadcast %jit3A_868 : i32 to vector<16xi32>
      %select_n3A_871 = arith.select %ge3A_866, %broadcast_in_dim3A_869, %broadcast_in_dim3A_870 : vector<16xi1>, vector<16xi32>
      %add3A_872 = arith.addi %add3A_862, %select_n3A_871 : vector<16xi32>
      %broadcast_in_dim3A_873 = arith.constant 14 : i32
      %broadcast_in_dim3A_874 = vector.broadcast %broadcast_in_dim3A_873 : i32 to vector<16xi32>
      %gather3A_875 = tpu.vector_load_idx %arg11[%broadcast_in_dim3A_874] : memref<16xi32, #tpu.memory_space<vmem>>[vector<16xi32>], vector<16xi32>,
      %ge3A_876 = arith.cmpi sge, %mul3A_730, %gather3A_875 : vector<16xi32>
      %jit3A_877 = arith.constant 1 : i32
      %jit3A_878 = arith.constant 0 : i32
      %broadcast_in_dim3A_879 = vector.broadcast %jit3A_877 : i32 to vector<16xi32>
      %broadcast_in_dim3A_880 = vector.broadcast %jit3A_878 : i32 to vector<16xi32>
      %select_n3A_881 = arith.select %ge3A_876, %broadcast_in_dim3A_879, %broadcast_in_dim3A_880 : vector<16xi1>, vector<16xi32>
      %add3A_882 = arith.addi %add3A_872, %select_n3A_881 : vector<16xi32>
      %broadcast_in_dim3A_883 = arith.constant 15 : i32
      %broadcast_in_dim3A_884 = vector.broadcast %broadcast_in_dim3A_883 : i32 to vector<16xi32>
      %gather3A_885 = tpu.vector_load_idx %arg11[%broadcast_in_dim3A_884] : memref<16xi32, #tpu.memory_space<vmem>>[vector<16xi32>], vector<16xi32>,
      %ge3A_886 = arith.cmpi sge, %mul3A_730, %gather3A_885 : vector<16xi32>
      %jit3A_887 = arith.constant 1 : i32
      %jit3A_888 = arith.constant 0 : i32
      %broadcast_in_dim3A_889 = vector.broadcast %jit3A_887 : i32 to vector<16xi32>
      %broadcast_in_dim3A_890 = vector.broadcast %jit3A_888 : i32 to vector<16xi32>
      %select_n3A_891 = arith.select %ge3A_886, %broadcast_in_dim3A_889, %broadcast_in_dim3A_890 : vector<16xi1>, vector<16xi32>
      %add3A_892 = arith.addi %add3A_882, %select_n3A_891 : vector<16xi32>
      %swap3A_893 = arith.constant 32 : index
      %swap3A_894 = tpu.vector_load %arg18[%swap3A_893] {strides = array<i32>} : memref<144xi32, #tpu.memory_space<vmem>>, vector<16xi32>,
      tpu.vector_store %arg18[%swap3A_893], %add3A_892 {strides = array<i32>} : memref<144xi32, #tpu.memory_space<vmem>>, vector<16xi32>,
      %add3A_895 = arith.constant 48 : i32
      %add3A_896 = vector.broadcast %add3A_895 : i32 to vector<16xi32>
      %add3A_897 = arith.addi %add3A_896, %iota3A : vector<16xi32>
      %mul3A_898 = arith.constant 256 : i32
      %mul3A_899 = vector.broadcast %mul3A_898 : i32 to vector<16xi32>
      %mul3A_900 = arith.muli %add3A_897, %mul3A_899 : vector<16xi32>
      %broadcast_in_dim3A_901 = arith.constant -1 : i32
      %broadcast_in_dim3A_902 = vector.broadcast %broadcast_in_dim3A_901 : i32 to vector<16xi32>
      %broadcast_in_dim3A_903 = arith.constant 0 : i32
      %broadcast_in_dim3A_904 = vector.broadcast %broadcast_in_dim3A_903 : i32 to vector<16xi32>
      %gather3A_905 = tpu.vector_load_idx %arg11[%broadcast_in_dim3A_904] : memref<16xi32, #tpu.memory_space<vmem>>[vector<16xi32>], vector<16xi32>,
      %ge3A_906 = arith.cmpi sge, %mul3A_900, %gather3A_905 : vector<16xi32>
      %jit3A_907 = arith.constant 1 : i32
      %jit3A_908 = arith.constant 0 : i32
      %broadcast_in_dim3A_909 = vector.broadcast %jit3A_907 : i32 to vector<16xi32>
      %broadcast_in_dim3A_910 = vector.broadcast %jit3A_908 : i32 to vector<16xi32>
      %select_n3A_911 = arith.select %ge3A_906, %broadcast_in_dim3A_909, %broadcast_in_dim3A_910 : vector<16xi1>, vector<16xi32>
      %add3A_912 = arith.addi %broadcast_in_dim3A_902, %select_n3A_911 : vector<16xi32>
      %broadcast_in_dim3A_913 = arith.constant 1 : i32
      %broadcast_in_dim3A_914 = vector.broadcast %broadcast_in_dim3A_913 : i32 to vector<16xi32>
      %gather3A_915 = tpu.vector_load_idx %arg11[%broadcast_in_dim3A_914] : memref<16xi32, #tpu.memory_space<vmem>>[vector<16xi32>], vector<16xi32>,
      %ge3A_916 = arith.cmpi sge, %mul3A_900, %gather3A_915 : vector<16xi32>
      %jit3A_917 = arith.constant 1 : i32
      %jit3A_918 = arith.constant 0 : i32
      %broadcast_in_dim3A_919 = vector.broadcast %jit3A_917 : i32 to vector<16xi32>
      %broadcast_in_dim3A_920 = vector.broadcast %jit3A_918 : i32 to vector<16xi32>
      %select_n3A_921 = arith.select %ge3A_916, %broadcast_in_dim3A_919, %broadcast_in_dim3A_920 : vector<16xi1>, vector<16xi32>
      %add3A_922 = arith.addi %add3A_912, %select_n3A_921 : vector<16xi32>
      %broadcast_in_dim3A_923 = arith.constant 2 : i32
      %broadcast_in_dim3A_924 = vector.broadcast %broadcast_in_dim3A_923 : i32 to vector<16xi32>
      %gather3A_925 = tpu.vector_load_idx %arg11[%broadcast_in_dim3A_924] : memref<16xi32, #tpu.memory_space<vmem>>[vector<16xi32>], vector<16xi32>,
      %ge3A_926 = arith.cmpi sge, %mul3A_900, %gather3A_925 : vector<16xi32>
      %jit3A_927 = arith.constant 1 : i32
      %jit3A_928 = arith.constant 0 : i32
      %broadcast_in_dim3A_929 = vector.broadcast %jit3A_927 : i32 to vector<16xi32>
      %broadcast_in_dim3A_930 = vector.broadcast %jit3A_928 : i32 to vector<16xi32>
      %select_n3A_931 = arith.select %ge3A_926, %broadcast_in_dim3A_929, %broadcast_in_dim3A_930 : vector<16xi1>, vector<16xi32>
      %add3A_932 = arith.addi %add3A_922, %select_n3A_931 : vector<16xi32>
      %broadcast_in_dim3A_933 = arith.constant 3 : i32
      %broadcast_in_dim3A_934 = vector.broadcast %broadcast_in_dim3A_933 : i32 to vector<16xi32>
      %gather3A_935 = tpu.vector_load_idx %arg11[%broadcast_in_dim3A_934] : memref<16xi32, #tpu.memory_space<vmem>>[vector<16xi32>], vector<16xi32>,
      %ge3A_936 = arith.cmpi sge, %mul3A_900, %gather3A_935 : vector<16xi32>
      %jit3A_937 = arith.constant 1 : i32
      %jit3A_938 = arith.constant 0 : i32
      %broadcast_in_dim3A_939 = vector.broadcast %jit3A_937 : i32 to vector<16xi32>
      %broadcast_in_dim3A_940 = vector.broadcast %jit3A_938 : i32 to vector<16xi32>
      %select_n3A_941 = arith.select %ge3A_936, %broadcast_in_dim3A_939, %broadcast_in_dim3A_940 : vector<16xi1>, vector<16xi32>
      %add3A_942 = arith.addi %add3A_932, %select_n3A_941 : vector<16xi32>
      %broadcast_in_dim3A_943 = arith.constant 4 : i32
      %broadcast_in_dim3A_944 = vector.broadcast %broadcast_in_dim3A_943 : i32 to vector<16xi32>
      %gather3A_945 = tpu.vector_load_idx %arg11[%broadcast_in_dim3A_944] : memref<16xi32, #tpu.memory_space<vmem>>[vector<16xi32>], vector<16xi32>,
      %ge3A_946 = arith.cmpi sge, %mul3A_900, %gather3A_945 : vector<16xi32>
      %jit3A_947 = arith.constant 1 : i32
      %jit3A_948 = arith.constant 0 : i32
      %broadcast_in_dim3A_949 = vector.broadcast %jit3A_947 : i32 to vector<16xi32>
      %broadcast_in_dim3A_950 = vector.broadcast %jit3A_948 : i32 to vector<16xi32>
      %select_n3A_951 = arith.select %ge3A_946, %broadcast_in_dim3A_949, %broadcast_in_dim3A_950 : vector<16xi1>, vector<16xi32>
      %add3A_952 = arith.addi %add3A_942, %select_n3A_951 : vector<16xi32>
      %broadcast_in_dim3A_953 = arith.constant 5 : i32
      %broadcast_in_dim3A_954 = vector.broadcast %broadcast_in_dim3A_953 : i32 to vector<16xi32>
      %gather3A_955 = tpu.vector_load_idx %arg11[%broadcast_in_dim3A_954] : memref<16xi32, #tpu.memory_space<vmem>>[vector<16xi32>], vector<16xi32>,
      %ge3A_956 = arith.cmpi sge, %mul3A_900, %gather3A_955 : vector<16xi32>
      %jit3A_957 = arith.constant 1 : i32
      %jit3A_958 = arith.constant 0 : i32
      %broadcast_in_dim3A_959 = vector.broadcast %jit3A_957 : i32 to vector<16xi32>
      %broadcast_in_dim3A_960 = vector.broadcast %jit3A_958 : i32 to vector<16xi32>
      %select_n3A_961 = arith.select %ge3A_956, %broadcast_in_dim3A_959, %broadcast_in_dim3A_960 : vector<16xi1>, vector<16xi32>
      %add3A_962 = arith.addi %add3A_952, %select_n3A_961 : vector<16xi32>
      %broadcast_in_dim3A_963 = arith.constant 6 : i32
      %broadcast_in_dim3A_964 = vector.broadcast %broadcast_in_dim3A_963 : i32 to vector<16xi32>
      %gather3A_965 = tpu.vector_load_idx %arg11[%broadcast_in_dim3A_964] : memref<16xi32, #tpu.memory_space<vmem>>[vector<16xi32>], vector<16xi32>,
      %ge3A_966 = arith.cmpi sge, %mul3A_900, %gather3A_965 : vector<16xi32>
      %jit3A_967 = arith.constant 1 : i32
      %jit3A_968 = arith.constant 0 : i32
      %broadcast_in_dim3A_969 = vector.broadcast %jit3A_967 : i32 to vector<16xi32>
      %broadcast_in_dim3A_970 = vector.broadcast %jit3A_968 : i32 to vector<16xi32>
      %select_n3A_971 = arith.select %ge3A_966, %broadcast_in_dim3A_969, %broadcast_in_dim3A_970 : vector<16xi1>, vector<16xi32>
      %add3A_972 = arith.addi %add3A_962, %select_n3A_971 : vector<16xi32>
      %broadcast_in_dim3A_973 = arith.constant 7 : i32
      %broadcast_in_dim3A_974 = vector.broadcast %broadcast_in_dim3A_973 : i32 to vector<16xi32>
      %gather3A_975 = tpu.vector_load_idx %arg11[%broadcast_in_dim3A_974] : memref<16xi32, #tpu.memory_space<vmem>>[vector<16xi32>], vector<16xi32>,
      %ge3A_976 = arith.cmpi sge, %mul3A_900, %gather3A_975 : vector<16xi32>
      %jit3A_977 = arith.constant 1 : i32
      %jit3A_978 = arith.constant 0 : i32
      %broadcast_in_dim3A_979 = vector.broadcast %jit3A_977 : i32 to vector<16xi32>
      %broadcast_in_dim3A_980 = vector.broadcast %jit3A_978 : i32 to vector<16xi32>
      %select_n3A_981 = arith.select %ge3A_976, %broadcast_in_dim3A_979, %broadcast_in_dim3A_980 : vector<16xi1>, vector<16xi32>
      %add3A_982 = arith.addi %add3A_972, %select_n3A_981 : vector<16xi32>
      %broadcast_in_dim3A_983 = arith.constant 8 : i32
      %broadcast_in_dim3A_984 = vector.broadcast %broadcast_in_dim3A_983 : i32 to vector<16xi32>
      %gather3A_985 = tpu.vector_load_idx %arg11[%broadcast_in_dim3A_984] : memref<16xi32, #tpu.memory_space<vmem>>[vector<16xi32>], vector<16xi32>,
      %ge3A_986 = arith.cmpi sge, %mul3A_900, %gather3A_985 : vector<16xi32>
      %jit3A_987 = arith.constant 1 : i32
      %jit3A_988 = arith.constant 0 : i32
      %broadcast_in_dim3A_989 = vector.broadcast %jit3A_987 : i32 to vector<16xi32>
      %broadcast_in_dim3A_990 = vector.broadcast %jit3A_988 : i32 to vector<16xi32>
      %select_n3A_991 = arith.select %ge3A_986, %broadcast_in_dim3A_989, %broadcast_in_dim3A_990 : vector<16xi1>, vector<16xi32>
      %add3A_992 = arith.addi %add3A_982, %select_n3A_991 : vector<16xi32>
      %broadcast_in_dim3A_993 = arith.constant 9 : i32
      %broadcast_in_dim3A_994 = vector.broadcast %broadcast_in_dim3A_993 : i32 to vector<16xi32>
      %gather3A_995 = tpu.vector_load_idx %arg11[%broadcast_in_dim3A_994] : memref<16xi32, #tpu.memory_space<vmem>>[vector<16xi32>], vector<16xi32>,
      %ge3A_996 = arith.cmpi sge, %mul3A_900, %gather3A_995 : vector<16xi32>
      %jit3A_997 = arith.constant 1 : i32
      %jit3A_998 = arith.constant 0 : i32
      %broadcast_in_dim3A_999 = vector.broadcast %jit3A_997 : i32 to vector<16xi32>
      %broadcast_in_dim3A_1000 = vector.broadcast %jit3A_998 : i32 to vector<16xi32>
      %select_n3A_1001 = arith.select %ge3A_996, %broadcast_in_dim3A_999, %broadcast_in_dim3A_1000 : vector<16xi1>, vector<16xi32>
      %add3A_1002 = arith.addi %add3A_992, %select_n3A_1001 : vector<16xi32>
      %broadcast_in_dim3A_1003 = arith.constant 10 : i32
      %broadcast_in_dim3A_1004 = vector.broadcast %broadcast_in_dim3A_1003 : i32 to vector<16xi32>
      %gather3A_1005 = tpu.vector_load_idx %arg11[%broadcast_in_dim3A_1004] : memref<16xi32, #tpu.memory_space<vmem>>[vector<16xi32>], vector<16xi32>,
      %ge3A_1006 = arith.cmpi sge, %mul3A_900, %gather3A_1005 : vector<16xi32>
      %jit3A_1007 = arith.constant 1 : i32
      %jit3A_1008 = arith.constant 0 : i32
      %broadcast_in_dim3A_1009 = vector.broadcast %jit3A_1007 : i32 to vector<16xi32>
      %broadcast_in_dim3A_1010 = vector.broadcast %jit3A_1008 : i32 to vector<16xi32>
      %select_n3A_1011 = arith.select %ge3A_1006, %broadcast_in_dim3A_1009, %broadcast_in_dim3A_1010 : vector<16xi1>, vector<16xi32>
      %add3A_1012 = arith.addi %add3A_1002, %select_n3A_1011 : vector<16xi32>
      %broadcast_in_dim3A_1013 = arith.constant 11 : i32
      %broadcast_in_dim3A_1014 = vector.broadcast %broadcast_in_dim3A_1013 : i32 to vector<16xi32>
      %gather3A_1015 = tpu.vector_load_idx %arg11[%broadcast_in_dim3A_1014] : memref<16xi32, #tpu.memory_space<vmem>>[vector<16xi32>], vector<16xi32>,
      %ge3A_1016 = arith.cmpi sge, %mul3A_900, %gather3A_1015 : vector<16xi32>
      %jit3A_1017 = arith.constant 1 : i32
      %jit3A_1018 = arith.constant 0 : i32
      %broadcast_in_dim3A_1019 = vector.broadcast %jit3A_1017 : i32 to vector<16xi32>
      %broadcast_in_dim3A_1020 = vector.broadcast %jit3A_1018 : i32 to vector<16xi32>
      %select_n3A_1021 = arith.select %ge3A_1016, %broadcast_in_dim3A_1019, %broadcast_in_dim3A_1020 : vector<16xi1>, vector<16xi32>
      %add3A_1022 = arith.addi %add3A_1012, %select_n3A_1021 : vector<16xi32>
      %broadcast_in_dim3A_1023 = arith.constant 12 : i32
      %broadcast_in_dim3A_1024 = vector.broadcast %broadcast_in_dim3A_1023 : i32 to vector<16xi32>
      %gather3A_1025 = tpu.vector_load_idx %arg11[%broadcast_in_dim3A_1024] : memref<16xi32, #tpu.memory_space<vmem>>[vector<16xi32>], vector<16xi32>,
      %ge3A_1026 = arith.cmpi sge, %mul3A_900, %gather3A_1025 : vector<16xi32>
      %jit3A_1027 = arith.constant 1 : i32
      %jit3A_1028 = arith.constant 0 : i32
      %broadcast_in_dim3A_1029 = vector.broadcast %jit3A_1027 : i32 to vector<16xi32>
      %broadcast_in_dim3A_1030 = vector.broadcast %jit3A_1028 : i32 to vector<16xi32>
      %select_n3A_1031 = arith.select %ge3A_1026, %broadcast_in_dim3A_1029, %broadcast_in_dim3A_1030 : vector<16xi1>, vector<16xi32>
      %add3A_1032 = arith.addi %add3A_1022, %select_n3A_1031 : vector<16xi32>
      %broadcast_in_dim3A_1033 = arith.constant 13 : i32
      %broadcast_in_dim3A_1034 = vector.broadcast %broadcast_in_dim3A_1033 : i32 to vector<16xi32>
      %gather3A_1035 = tpu.vector_load_idx %arg11[%broadcast_in_dim3A_1034] : memref<16xi32, #tpu.memory_space<vmem>>[vector<16xi32>], vector<16xi32>,
      %ge3A_1036 = arith.cmpi sge, %mul3A_900, %gather3A_1035 : vector<16xi32>
      %jit3A_1037 = arith.constant 1 : i32
      %jit3A_1038 = arith.constant 0 : i32
      %broadcast_in_dim3A_1039 = vector.broadcast %jit3A_1037 : i32 to vector<16xi32>
      %broadcast_in_dim3A_1040 = vector.broadcast %jit3A_1038 : i32 to vector<16xi32>
      %select_n3A_1041 = arith.select %ge3A_1036, %broadcast_in_dim3A_1039, %broadcast_in_dim3A_1040 : vector<16xi1>, vector<16xi32>
      %add3A_1042 = arith.addi %add3A_1032, %select_n3A_1041 : vector<16xi32>
      %broadcast_in_dim3A_1043 = arith.constant 14 : i32
      %broadcast_in_dim3A_1044 = vector.broadcast %broadcast_in_dim3A_1043 : i32 to vector<16xi32>
      %gather3A_1045 = tpu.vector_load_idx %arg11[%broadcast_in_dim3A_1044] : memref<16xi32, #tpu.memory_space<vmem>>[vector<16xi32>], vector<16xi32>,
      %ge3A_1046 = arith.cmpi sge, %mul3A_900, %gather3A_1045 : vector<16xi32>
      %jit3A_1047 = arith.constant 1 : i32
      %jit3A_1048 = arith.constant 0 : i32
      %broadcast_in_dim3A_1049 = vector.broadcast %jit3A_1047 : i32 to vector<16xi32>
      %broadcast_in_dim3A_1050 = vector.broadcast %jit3A_1048 : i32 to vector<16xi32>
      %select_n3A_1051 = arith.select %ge3A_1046, %broadcast_in_dim3A_1049, %broadcast_in_dim3A_1050 : vector<16xi1>, vector<16xi32>
      %add3A_1052 = arith.addi %add3A_1042, %select_n3A_1051 : vector<16xi32>
      %broadcast_in_dim3A_1053 = arith.constant 15 : i32
      %broadcast_in_dim3A_1054 = vector.broadcast %broadcast_in_dim3A_1053 : i32 to vector<16xi32>
      %gather3A_1055 = tpu.vector_load_idx %arg11[%broadcast_in_dim3A_1054] : memref<16xi32, #tpu.memory_space<vmem>>[vector<16xi32>], vector<16xi32>,
      %ge3A_1056 = arith.cmpi sge, %mul3A_900, %gather3A_1055 : vector<16xi32>
      %jit3A_1057 = arith.constant 1 : i32
      %jit3A_1058 = arith.constant 0 : i32
      %broadcast_in_dim3A_1059 = vector.broadcast %jit3A_1057 : i32 to vector<16xi32>
      %broadcast_in_dim3A_1060 = vector.broadcast %jit3A_1058 : i32 to vector<16xi32>
      %select_n3A_1061 = arith.select %ge3A_1056, %broadcast_in_dim3A_1059, %broadcast_in_dim3A_1060 : vector<16xi1>, vector<16xi32>
      %add3A_1062 = arith.addi %add3A_1052, %select_n3A_1061 : vector<16xi32>
      %swap3A_1063 = arith.constant 48 : index
      %swap3A_1064 = tpu.vector_load %arg18[%swap3A_1063] {strides = array<i32>} : memref<144xi32, #tpu.memory_space<vmem>>, vector<16xi32>,
      tpu.vector_store %arg18[%swap3A_1063], %add3A_1062 {strides = array<i32>} : memref<144xi32, #tpu.memory_space<vmem>>, vector<16xi32>,
      %add3A_1065 = arith.constant 64 : i32
      %add3A_1066 = vector.broadcast %add3A_1065 : i32 to vector<16xi32>
      %add3A_1067 = arith.addi %add3A_1066, %iota3A : vector<16xi32>
      %mul3A_1068 = arith.constant 256 : i32
      %mul3A_1069 = vector.broadcast %mul3A_1068 : i32 to vector<16xi32>
      %mul3A_1070 = arith.muli %add3A_1067, %mul3A_1069 : vector<16xi32>
      %broadcast_in_dim3A_1071 = arith.constant -1 : i32
      %broadcast_in_dim3A_1072 = vector.broadcast %broadcast_in_dim3A_1071 : i32 to vector<16xi32>
      %broadcast_in_dim3A_1073 = arith.constant 0 : i32
      %broadcast_in_dim3A_1074 = vector.broadcast %broadcast_in_dim3A_1073 : i32 to vector<16xi32>
      %gather3A_1075 = tpu.vector_load_idx %arg11[%broadcast_in_dim3A_1074] : memref<16xi32, #tpu.memory_space<vmem>>[vector<16xi32>], vector<16xi32>,
      %ge3A_1076 = arith.cmpi sge, %mul3A_1070, %gather3A_1075 : vector<16xi32>
      %jit3A_1077 = arith.constant 1 : i32
      %jit3A_1078 = arith.constant 0 : i32
      %broadcast_in_dim3A_1079 = vector.broadcast %jit3A_1077 : i32 to vector<16xi32>
      %broadcast_in_dim3A_1080 = vector.broadcast %jit3A_1078 : i32 to vector<16xi32>
      %select_n3A_1081 = arith.select %ge3A_1076, %broadcast_in_dim3A_1079, %broadcast_in_dim3A_1080 : vector<16xi1>, vector<16xi32>
      %add3A_1082 = arith.addi %broadcast_in_dim3A_1072, %select_n3A_1081 : vector<16xi32>
      %broadcast_in_dim3A_1083 = arith.constant 1 : i32
      %broadcast_in_dim3A_1084 = vector.broadcast %broadcast_in_dim3A_1083 : i32 to vector<16xi32>
      %gather3A_1085 = tpu.vector_load_idx %arg11[%broadcast_in_dim3A_1084] : memref<16xi32, #tpu.memory_space<vmem>>[vector<16xi32>], vector<16xi32>,
      %ge3A_1086 = arith.cmpi sge, %mul3A_1070, %gather3A_1085 : vector<16xi32>
      %jit3A_1087 = arith.constant 1 : i32
      %jit3A_1088 = arith.constant 0 : i32
      %broadcast_in_dim3A_1089 = vector.broadcast %jit3A_1087 : i32 to vector<16xi32>
      %broadcast_in_dim3A_1090 = vector.broadcast %jit3A_1088 : i32 to vector<16xi32>
      %select_n3A_1091 = arith.select %ge3A_1086, %broadcast_in_dim3A_1089, %broadcast_in_dim3A_1090 : vector<16xi1>, vector<16xi32>
      %add3A_1092 = arith.addi %add3A_1082, %select_n3A_1091 : vector<16xi32>
      %broadcast_in_dim3A_1093 = arith.constant 2 : i32
      %broadcast_in_dim3A_1094 = vector.broadcast %broadcast_in_dim3A_1093 : i32 to vector<16xi32>
      %gather3A_1095 = tpu.vector_load_idx %arg11[%broadcast_in_dim3A_1094] : memref<16xi32, #tpu.memory_space<vmem>>[vector<16xi32>], vector<16xi32>,
      %ge3A_1096 = arith.cmpi sge, %mul3A_1070, %gather3A_1095 : vector<16xi32>
      %jit3A_1097 = arith.constant 1 : i32
      %jit3A_1098 = arith.constant 0 : i32
      %broadcast_in_dim3A_1099 = vector.broadcast %jit3A_1097 : i32 to vector<16xi32>
      %broadcast_in_dim3A_1100 = vector.broadcast %jit3A_1098 : i32 to vector<16xi32>
      %select_n3A_1101 = arith.select %ge3A_1096, %broadcast_in_dim3A_1099, %broadcast_in_dim3A_1100 : vector<16xi1>, vector<16xi32>
      %add3A_1102 = arith.addi %add3A_1092, %select_n3A_1101 : vector<16xi32>
      %broadcast_in_dim3A_1103 = arith.constant 3 : i32
      %broadcast_in_dim3A_1104 = vector.broadcast %broadcast_in_dim3A_1103 : i32 to vector<16xi32>
      %gather3A_1105 = tpu.vector_load_idx %arg11[%broadcast_in_dim3A_1104] : memref<16xi32, #tpu.memory_space<vmem>>[vector<16xi32>], vector<16xi32>,
      %ge3A_1106 = arith.cmpi sge, %mul3A_1070, %gather3A_1105 : vector<16xi32>
      %jit3A_1107 = arith.constant 1 : i32
      %jit3A_1108 = arith.constant 0 : i32
      %broadcast_in_dim3A_1109 = vector.broadcast %jit3A_1107 : i32 to vector<16xi32>
      %broadcast_in_dim3A_1110 = vector.broadcast %jit3A_1108 : i32 to vector<16xi32>
      %select_n3A_1111 = arith.select %ge3A_1106, %broadcast_in_dim3A_1109, %broadcast_in_dim3A_1110 : vector<16xi1>, vector<16xi32>
      %add3A_1112 = arith.addi %add3A_1102, %select_n3A_1111 : vector<16xi32>
      %broadcast_in_dim3A_1113 = arith.constant 4 : i32
      %broadcast_in_dim3A_1114 = vector.broadcast %broadcast_in_dim3A_1113 : i32 to vector<16xi32>
      %gather3A_1115 = tpu.vector_load_idx %arg11[%broadcast_in_dim3A_1114] : memref<16xi32, #tpu.memory_space<vmem>>[vector<16xi32>], vector<16xi32>,
      %ge3A_1116 = arith.cmpi sge, %mul3A_1070, %gather3A_1115 : vector<16xi32>
      %jit3A_1117 = arith.constant 1 : i32
      %jit3A_1118 = arith.constant 0 : i32
      %broadcast_in_dim3A_1119 = vector.broadcast %jit3A_1117 : i32 to vector<16xi32>
      %broadcast_in_dim3A_1120 = vector.broadcast %jit3A_1118 : i32 to vector<16xi32>
      %select_n3A_1121 = arith.select %ge3A_1116, %broadcast_in_dim3A_1119, %broadcast_in_dim3A_1120 : vector<16xi1>, vector<16xi32>
      %add3A_1122 = arith.addi %add3A_1112, %select_n3A_1121 : vector<16xi32>
      %broadcast_in_dim3A_1123 = arith.constant 5 : i32
      %broadcast_in_dim3A_1124 = vector.broadcast %broadcast_in_dim3A_1123 : i32 to vector<16xi32>
      %gather3A_1125 = tpu.vector_load_idx %arg11[%broadcast_in_dim3A_1124] : memref<16xi32, #tpu.memory_space<vmem>>[vector<16xi32>], vector<16xi32>,
      %ge3A_1126 = arith.cmpi sge, %mul3A_1070, %gather3A_1125 : vector<16xi32>
      %jit3A_1127 = arith.constant 1 : i32
      %jit3A_1128 = arith.constant 0 : i32
      %broadcast_in_dim3A_1129 = vector.broadcast %jit3A_1127 : i32 to vector<16xi32>
      %broadcast_in_dim3A_1130 = vector.broadcast %jit3A_1128 : i32 to vector<16xi32>
      %select_n3A_1131 = arith.select %ge3A_1126, %broadcast_in_dim3A_1129, %broadcast_in_dim3A_1130 : vector<16xi1>, vector<16xi32>
      %add3A_1132 = arith.addi %add3A_1122, %select_n3A_1131 : vector<16xi32>
      %broadcast_in_dim3A_1133 = arith.constant 6 : i32
      %broadcast_in_dim3A_1134 = vector.broadcast %broadcast_in_dim3A_1133 : i32 to vector<16xi32>
      %gather3A_1135 = tpu.vector_load_idx %arg11[%broadcast_in_dim3A_1134] : memref<16xi32, #tpu.memory_space<vmem>>[vector<16xi32>], vector<16xi32>,
      %ge3A_1136 = arith.cmpi sge, %mul3A_1070, %gather3A_1135 : vector<16xi32>
      %jit3A_1137 = arith.constant 1 : i32
      %jit3A_1138 = arith.constant 0 : i32
      %broadcast_in_dim3A_1139 = vector.broadcast %jit3A_1137 : i32 to vector<16xi32>
      %broadcast_in_dim3A_1140 = vector.broadcast %jit3A_1138 : i32 to vector<16xi32>
      %select_n3A_1141 = arith.select %ge3A_1136, %broadcast_in_dim3A_1139, %broadcast_in_dim3A_1140 : vector<16xi1>, vector<16xi32>
      %add3A_1142 = arith.addi %add3A_1132, %select_n3A_1141 : vector<16xi32>
      %broadcast_in_dim3A_1143 = arith.constant 7 : i32
      %broadcast_in_dim3A_1144 = vector.broadcast %broadcast_in_dim3A_1143 : i32 to vector<16xi32>
      %gather3A_1145 = tpu.vector_load_idx %arg11[%broadcast_in_dim3A_1144] : memref<16xi32, #tpu.memory_space<vmem>>[vector<16xi32>], vector<16xi32>,
      %ge3A_1146 = arith.cmpi sge, %mul3A_1070, %gather3A_1145 : vector<16xi32>
      %jit3A_1147 = arith.constant 1 : i32
      %jit3A_1148 = arith.constant 0 : i32
      %broadcast_in_dim3A_1149 = vector.broadcast %jit3A_1147 : i32 to vector<16xi32>
      %broadcast_in_dim3A_1150 = vector.broadcast %jit3A_1148 : i32 to vector<16xi32>
      %select_n3A_1151 = arith.select %ge3A_1146, %broadcast_in_dim3A_1149, %broadcast_in_dim3A_1150 : vector<16xi1>, vector<16xi32>
      %add3A_1152 = arith.addi %add3A_1142, %select_n3A_1151 : vector<16xi32>
      %broadcast_in_dim3A_1153 = arith.constant 8 : i32
      %broadcast_in_dim3A_1154 = vector.broadcast %broadcast_in_dim3A_1153 : i32 to vector<16xi32>
      %gather3A_1155 = tpu.vector_load_idx %arg11[%broadcast_in_dim3A_1154] : memref<16xi32, #tpu.memory_space<vmem>>[vector<16xi32>], vector<16xi32>,
      %ge3A_1156 = arith.cmpi sge, %mul3A_1070, %gather3A_1155 : vector<16xi32>
      %jit3A_1157 = arith.constant 1 : i32
      %jit3A_1158 = arith.constant 0 : i32
      %broadcast_in_dim3A_1159 = vector.broadcast %jit3A_1157 : i32 to vector<16xi32>
      %broadcast_in_dim3A_1160 = vector.broadcast %jit3A_1158 : i32 to vector<16xi32>
      %select_n3A_1161 = arith.select %ge3A_1156, %broadcast_in_dim3A_1159, %broadcast_in_dim3A_1160 : vector<16xi1>, vector<16xi32>
      %add3A_1162 = arith.addi %add3A_1152, %select_n3A_1161 : vector<16xi32>
      %broadcast_in_dim3A_1163 = arith.constant 9 : i32
      %broadcast_in_dim3A_1164 = vector.broadcast %broadcast_in_dim3A_1163 : i32 to vector<16xi32>
      %gather3A_1165 = tpu.vector_load_idx %arg11[%broadcast_in_dim3A_1164] : memref<16xi32, #tpu.memory_space<vmem>>[vector<16xi32>], vector<16xi32>,
      %ge3A_1166 = arith.cmpi sge, %mul3A_1070, %gather3A_1165 : vector<16xi32>
      %jit3A_1167 = arith.constant 1 : i32
      %jit3A_1168 = arith.constant 0 : i32
      %broadcast_in_dim3A_1169 = vector.broadcast %jit3A_1167 : i32 to vector<16xi32>
      %broadcast_in_dim3A_1170 = vector.broadcast %jit3A_1168 : i32 to vector<16xi32>
      %select_n3A_1171 = arith.select %ge3A_1166, %broadcast_in_dim3A_1169, %broadcast_in_dim3A_1170 : vector<16xi1>, vector<16xi32>
      %add3A_1172 = arith.addi %add3A_1162, %select_n3A_1171 : vector<16xi32>
      %broadcast_in_dim3A_1173 = arith.constant 10 : i32
      %broadcast_in_dim3A_1174 = vector.broadcast %broadcast_in_dim3A_1173 : i32 to vector<16xi32>
      %gather3A_1175 = tpu.vector_load_idx %arg11[%broadcast_in_dim3A_1174] : memref<16xi32, #tpu.memory_space<vmem>>[vector<16xi32>], vector<16xi32>,
      %ge3A_1176 = arith.cmpi sge, %mul3A_1070, %gather3A_1175 : vector<16xi32>
      %jit3A_1177 = arith.constant 1 : i32
      %jit3A_1178 = arith.constant 0 : i32
      %broadcast_in_dim3A_1179 = vector.broadcast %jit3A_1177 : i32 to vector<16xi32>
      %broadcast_in_dim3A_1180 = vector.broadcast %jit3A_1178 : i32 to vector<16xi32>
      %select_n3A_1181 = arith.select %ge3A_1176, %broadcast_in_dim3A_1179, %broadcast_in_dim3A_1180 : vector<16xi1>, vector<16xi32>
      %add3A_1182 = arith.addi %add3A_1172, %select_n3A_1181 : vector<16xi32>
      %broadcast_in_dim3A_1183 = arith.constant 11 : i32
      %broadcast_in_dim3A_1184 = vector.broadcast %broadcast_in_dim3A_1183 : i32 to vector<16xi32>
      %gather3A_1185 = tpu.vector_load_idx %arg11[%broadcast_in_dim3A_1184] : memref<16xi32, #tpu.memory_space<vmem>>[vector<16xi32>], vector<16xi32>,
      %ge3A_1186 = arith.cmpi sge, %mul3A_1070, %gather3A_1185 : vector<16xi32>
      %jit3A_1187 = arith.constant 1 : i32
      %jit3A_1188 = arith.constant 0 : i32
      %broadcast_in_dim3A_1189 = vector.broadcast %jit3A_1187 : i32 to vector<16xi32>
      %broadcast_in_dim3A_1190 = vector.broadcast %jit3A_1188 : i32 to vector<16xi32>
      %select_n3A_1191 = arith.select %ge3A_1186, %broadcast_in_dim3A_1189, %broadcast_in_dim3A_1190 : vector<16xi1>, vector<16xi32>
      %add3A_1192 = arith.addi %add3A_1182, %select_n3A_1191 : vector<16xi32>
      %broadcast_in_dim3A_1193 = arith.constant 12 : i32
      %broadcast_in_dim3A_1194 = vector.broadcast %broadcast_in_dim3A_1193 : i32 to vector<16xi32>
      %gather3A_1195 = tpu.vector_load_idx %arg11[%broadcast_in_dim3A_1194] : memref<16xi32, #tpu.memory_space<vmem>>[vector<16xi32>], vector<16xi32>,
      %ge3A_1196 = arith.cmpi sge, %mul3A_1070, %gather3A_1195 : vector<16xi32>
      %jit3A_1197 = arith.constant 1 : i32
      %jit3A_1198 = arith.constant 0 : i32
      %broadcast_in_dim3A_1199 = vector.broadcast %jit3A_1197 : i32 to vector<16xi32>
      %broadcast_in_dim3A_1200 = vector.broadcast %jit3A_1198 : i32 to vector<16xi32>
      %select_n3A_1201 = arith.select %ge3A_1196, %broadcast_in_dim3A_1199, %broadcast_in_dim3A_1200 : vector<16xi1>, vector<16xi32>
      %add3A_1202 = arith.addi %add3A_1192, %select_n3A_1201 : vector<16xi32>
      %broadcast_in_dim3A_1203 = arith.constant 13 : i32
      %broadcast_in_dim3A_1204 = vector.broadcast %broadcast_in_dim3A_1203 : i32 to vector<16xi32>
      %gather3A_1205 = tpu.vector_load_idx %arg11[%broadcast_in_dim3A_1204] : memref<16xi32, #tpu.memory_space<vmem>>[vector<16xi32>], vector<16xi32>,
      %ge3A_1206 = arith.cmpi sge, %mul3A_1070, %gather3A_1205 : vector<16xi32>
      %jit3A_1207 = arith.constant 1 : i32
      %jit3A_1208 = arith.constant 0 : i32
      %broadcast_in_dim3A_1209 = vector.broadcast %jit3A_1207 : i32 to vector<16xi32>
      %broadcast_in_dim3A_1210 = vector.broadcast %jit3A_1208 : i32 to vector<16xi32>
      %select_n3A_1211 = arith.select %ge3A_1206, %broadcast_in_dim3A_1209, %broadcast_in_dim3A_1210 : vector<16xi1>, vector<16xi32>
      %add3A_1212 = arith.addi %add3A_1202, %select_n3A_1211 : vector<16xi32>
      %broadcast_in_dim3A_1213 = arith.constant 14 : i32
      %broadcast_in_dim3A_1214 = vector.broadcast %broadcast_in_dim3A_1213 : i32 to vector<16xi32>
      %gather3A_1215 = tpu.vector_load_idx %arg11[%broadcast_in_dim3A_1214] : memref<16xi32, #tpu.memory_space<vmem>>[vector<16xi32>], vector<16xi32>,
      %ge3A_1216 = arith.cmpi sge, %mul3A_1070, %gather3A_1215 : vector<16xi32>
      %jit3A_1217 = arith.constant 1 : i32
      %jit3A_1218 = arith.constant 0 : i32
      %broadcast_in_dim3A_1219 = vector.broadcast %jit3A_1217 : i32 to vector<16xi32>
      %broadcast_in_dim3A_1220 = vector.broadcast %jit3A_1218 : i32 to vector<16xi32>
      %select_n3A_1221 = arith.select %ge3A_1216, %broadcast_in_dim3A_1219, %broadcast_in_dim3A_1220 : vector<16xi1>, vector<16xi32>
      %add3A_1222 = arith.addi %add3A_1212, %select_n3A_1221 : vector<16xi32>
      %broadcast_in_dim3A_1223 = arith.constant 15 : i32
      %broadcast_in_dim3A_1224 = vector.broadcast %broadcast_in_dim3A_1223 : i32 to vector<16xi32>
      %gather3A_1225 = tpu.vector_load_idx %arg11[%broadcast_in_dim3A_1224] : memref<16xi32, #tpu.memory_space<vmem>>[vector<16xi32>], vector<16xi32>,
      %ge3A_1226 = arith.cmpi sge, %mul3A_1070, %gather3A_1225 : vector<16xi32>
      %jit3A_1227 = arith.constant 1 : i32
      %jit3A_1228 = arith.constant 0 : i32
      %broadcast_in_dim3A_1229 = vector.broadcast %jit3A_1227 : i32 to vector<16xi32>
      %broadcast_in_dim3A_1230 = vector.broadcast %jit3A_1228 : i32 to vector<16xi32>
      %select_n3A_1231 = arith.select %ge3A_1226, %broadcast_in_dim3A_1229, %broadcast_in_dim3A_1230 : vector<16xi1>, vector<16xi32>
      %add3A_1232 = arith.addi %add3A_1222, %select_n3A_1231 : vector<16xi32>
      %swap3A_1233 = arith.constant 64 : index
      %swap3A_1234 = tpu.vector_load %arg18[%swap3A_1233] {strides = array<i32>} : memref<144xi32, #tpu.memory_space<vmem>>, vector<16xi32>,
      tpu.vector_store %arg18[%swap3A_1233], %add3A_1232 {strides = array<i32>} : memref<144xi32, #tpu.memory_space<vmem>>, vector<16xi32>,
      %add3A_1235 = arith.constant 80 : i32
      %add3A_1236 = vector.broadcast %add3A_1235 : i32 to vector<16xi32>
      %add3A_1237 = arith.addi %add3A_1236, %iota3A : vector<16xi32>
      %mul3A_1238 = arith.constant 256 : i32
      %mul3A_1239 = vector.broadcast %mul3A_1238 : i32 to vector<16xi32>
      %mul3A_1240 = arith.muli %add3A_1237, %mul3A_1239 : vector<16xi32>
      %broadcast_in_dim3A_1241 = arith.constant -1 : i32
      %broadcast_in_dim3A_1242 = vector.broadcast %broadcast_in_dim3A_1241 : i32 to vector<16xi32>
      %broadcast_in_dim3A_1243 = arith.constant 0 : i32
      %broadcast_in_dim3A_1244 = vector.broadcast %broadcast_in_dim3A_1243 : i32 to vector<16xi32>
      %gather3A_1245 = tpu.vector_load_idx %arg11[%broadcast_in_dim3A_1244] : memref<16xi32, #tpu.memory_space<vmem>>[vector<16xi32>], vector<16xi32>,
      %ge3A_1246 = arith.cmpi sge, %mul3A_1240, %gather3A_1245 : vector<16xi32>
      %jit3A_1247 = arith.constant 1 : i32
      %jit3A_1248 = arith.constant 0 : i32
      %broadcast_in_dim3A_1249 = vector.broadcast %jit3A_1247 : i32 to vector<16xi32>
      %broadcast_in_dim3A_1250 = vector.broadcast %jit3A_1248 : i32 to vector<16xi32>
      %select_n3A_1251 = arith.select %ge3A_1246, %broadcast_in_dim3A_1249, %broadcast_in_dim3A_1250 : vector<16xi1>, vector<16xi32>
      %add3A_1252 = arith.addi %broadcast_in_dim3A_1242, %select_n3A_1251 : vector<16xi32>
      %broadcast_in_dim3A_1253 = arith.constant 1 : i32
      %broadcast_in_dim3A_1254 = vector.broadcast %broadcast_in_dim3A_1253 : i32 to vector<16xi32>
      %gather3A_1255 = tpu.vector_load_idx %arg11[%broadcast_in_dim3A_1254] : memref<16xi32, #tpu.memory_space<vmem>>[vector<16xi32>], vector<16xi32>,
      %ge3A_1256 = arith.cmpi sge, %mul3A_1240, %gather3A_1255 : vector<16xi32>
      %jit3A_1257 = arith.constant 1 : i32
      %jit3A_1258 = arith.constant 0 : i32
      %broadcast_in_dim3A_1259 = vector.broadcast %jit3A_1257 : i32 to vector<16xi32>
      %broadcast_in_dim3A_1260 = vector.broadcast %jit3A_1258 : i32 to vector<16xi32>
      %select_n3A_1261 = arith.select %ge3A_1256, %broadcast_in_dim3A_1259, %broadcast_in_dim3A_1260 : vector<16xi1>, vector<16xi32>
      %add3A_1262 = arith.addi %add3A_1252, %select_n3A_1261 : vector<16xi32>
      %broadcast_in_dim3A_1263 = arith.constant 2 : i32
      %broadcast_in_dim3A_1264 = vector.broadcast %broadcast_in_dim3A_1263 : i32 to vector<16xi32>
      %gather3A_1265 = tpu.vector_load_idx %arg11[%broadcast_in_dim3A_1264] : memref<16xi32, #tpu.memory_space<vmem>>[vector<16xi32>], vector<16xi32>,
      %ge3A_1266 = arith.cmpi sge, %mul3A_1240, %gather3A_1265 : vector<16xi32>
      %jit3A_1267 = arith.constant 1 : i32
      %jit3A_1268 = arith.constant 0 : i32
      %broadcast_in_dim3A_1269 = vector.broadcast %jit3A_1267 : i32 to vector<16xi32>
      %broadcast_in_dim3A_1270 = vector.broadcast %jit3A_1268 : i32 to vector<16xi32>
      %select_n3A_1271 = arith.select %ge3A_1266, %broadcast_in_dim3A_1269, %broadcast_in_dim3A_1270 : vector<16xi1>, vector<16xi32>
      %add3A_1272 = arith.addi %add3A_1262, %select_n3A_1271 : vector<16xi32>
      %broadcast_in_dim3A_1273 = arith.constant 3 : i32
      %broadcast_in_dim3A_1274 = vector.broadcast %broadcast_in_dim3A_1273 : i32 to vector<16xi32>
      %gather3A_1275 = tpu.vector_load_idx %arg11[%broadcast_in_dim3A_1274] : memref<16xi32, #tpu.memory_space<vmem>>[vector<16xi32>], vector<16xi32>,
      %ge3A_1276 = arith.cmpi sge, %mul3A_1240, %gather3A_1275 : vector<16xi32>
      %jit3A_1277 = arith.constant 1 : i32
      %jit3A_1278 = arith.constant 0 : i32
      %broadcast_in_dim3A_1279 = vector.broadcast %jit3A_1277 : i32 to vector<16xi32>
      %broadcast_in_dim3A_1280 = vector.broadcast %jit3A_1278 : i32 to vector<16xi32>
      %select_n3A_1281 = arith.select %ge3A_1276, %broadcast_in_dim3A_1279, %broadcast_in_dim3A_1280 : vector<16xi1>, vector<16xi32>
      %add3A_1282 = arith.addi %add3A_1272, %select_n3A_1281 : vector<16xi32>
      %broadcast_in_dim3A_1283 = arith.constant 4 : i32
      %broadcast_in_dim3A_1284 = vector.broadcast %broadcast_in_dim3A_1283 : i32 to vector<16xi32>
      %gather3A_1285 = tpu.vector_load_idx %arg11[%broadcast_in_dim3A_1284] : memref<16xi32, #tpu.memory_space<vmem>>[vector<16xi32>], vector<16xi32>,
      %ge3A_1286 = arith.cmpi sge, %mul3A_1240, %gather3A_1285 : vector<16xi32>
      %jit3A_1287 = arith.constant 1 : i32
      %jit3A_1288 = arith.constant 0 : i32
      %broadcast_in_dim3A_1289 = vector.broadcast %jit3A_1287 : i32 to vector<16xi32>
      %broadcast_in_dim3A_1290 = vector.broadcast %jit3A_1288 : i32 to vector<16xi32>
      %select_n3A_1291 = arith.select %ge3A_1286, %broadcast_in_dim3A_1289, %broadcast_in_dim3A_1290 : vector<16xi1>, vector<16xi32>
      %add3A_1292 = arith.addi %add3A_1282, %select_n3A_1291 : vector<16xi32>
      %broadcast_in_dim3A_1293 = arith.constant 5 : i32
      %broadcast_in_dim3A_1294 = vector.broadcast %broadcast_in_dim3A_1293 : i32 to vector<16xi32>
      %gather3A_1295 = tpu.vector_load_idx %arg11[%broadcast_in_dim3A_1294] : memref<16xi32, #tpu.memory_space<vmem>>[vector<16xi32>], vector<16xi32>,
      %ge3A_1296 = arith.cmpi sge, %mul3A_1240, %gather3A_1295 : vector<16xi32>
      %jit3A_1297 = arith.constant 1 : i32
      %jit3A_1298 = arith.constant 0 : i32
      %broadcast_in_dim3A_1299 = vector.broadcast %jit3A_1297 : i32 to vector<16xi32>
      %broadcast_in_dim3A_1300 = vector.broadcast %jit3A_1298 : i32 to vector<16xi32>
      %select_n3A_1301 = arith.select %ge3A_1296, %broadcast_in_dim3A_1299, %broadcast_in_dim3A_1300 : vector<16xi1>, vector<16xi32>
      %add3A_1302 = arith.addi %add3A_1292, %select_n3A_1301 : vector<16xi32>
      %broadcast_in_dim3A_1303 = arith.constant 6 : i32
      %broadcast_in_dim3A_1304 = vector.broadcast %broadcast_in_dim3A_1303 : i32 to vector<16xi32>
      %gather3A_1305 = tpu.vector_load_idx %arg11[%broadcast_in_dim3A_1304] : memref<16xi32, #tpu.memory_space<vmem>>[vector<16xi32>], vector<16xi32>,
      %ge3A_1306 = arith.cmpi sge, %mul3A_1240, %gather3A_1305 : vector<16xi32>
      %jit3A_1307 = arith.constant 1 : i32
      %jit3A_1308 = arith.constant 0 : i32
      %broadcast_in_dim3A_1309 = vector.broadcast %jit3A_1307 : i32 to vector<16xi32>
      %broadcast_in_dim3A_1310 = vector.broadcast %jit3A_1308 : i32 to vector<16xi32>
      %select_n3A_1311 = arith.select %ge3A_1306, %broadcast_in_dim3A_1309, %broadcast_in_dim3A_1310 : vector<16xi1>, vector<16xi32>
      %add3A_1312 = arith.addi %add3A_1302, %select_n3A_1311 : vector<16xi32>
      %broadcast_in_dim3A_1313 = arith.constant 7 : i32
      %broadcast_in_dim3A_1314 = vector.broadcast %broadcast_in_dim3A_1313 : i32 to vector<16xi32>
      %gather3A_1315 = tpu.vector_load_idx %arg11[%broadcast_in_dim3A_1314] : memref<16xi32, #tpu.memory_space<vmem>>[vector<16xi32>], vector<16xi32>,
      %ge3A_1316 = arith.cmpi sge, %mul3A_1240, %gather3A_1315 : vector<16xi32>
      %jit3A_1317 = arith.constant 1 : i32
      %jit3A_1318 = arith.constant 0 : i32
      %broadcast_in_dim3A_1319 = vector.broadcast %jit3A_1317 : i32 to vector<16xi32>
      %broadcast_in_dim3A_1320 = vector.broadcast %jit3A_1318 : i32 to vector<16xi32>
      %select_n3A_1321 = arith.select %ge3A_1316, %broadcast_in_dim3A_1319, %broadcast_in_dim3A_1320 : vector<16xi1>, vector<16xi32>
      %add3A_1322 = arith.addi %add3A_1312, %select_n3A_1321 : vector<16xi32>
      %broadcast_in_dim3A_1323 = arith.constant 8 : i32
      %broadcast_in_dim3A_1324 = vector.broadcast %broadcast_in_dim3A_1323 : i32 to vector<16xi32>
      %gather3A_1325 = tpu.vector_load_idx %arg11[%broadcast_in_dim3A_1324] : memref<16xi32, #tpu.memory_space<vmem>>[vector<16xi32>], vector<16xi32>,
      %ge3A_1326 = arith.cmpi sge, %mul3A_1240, %gather3A_1325 : vector<16xi32>
      %jit3A_1327 = arith.constant 1 : i32
      %jit3A_1328 = arith.constant 0 : i32
      %broadcast_in_dim3A_1329 = vector.broadcast %jit3A_1327 : i32 to vector<16xi32>
      %broadcast_in_dim3A_1330 = vector.broadcast %jit3A_1328 : i32 to vector<16xi32>
      %select_n3A_1331 = arith.select %ge3A_1326, %broadcast_in_dim3A_1329, %broadcast_in_dim3A_1330 : vector<16xi1>, vector<16xi32>
      %add3A_1332 = arith.addi %add3A_1322, %select_n3A_1331 : vector<16xi32>
      %broadcast_in_dim3A_1333 = arith.constant 9 : i32
      %broadcast_in_dim3A_1334 = vector.broadcast %broadcast_in_dim3A_1333 : i32 to vector<16xi32>
      %gather3A_1335 = tpu.vector_load_idx %arg11[%broadcast_in_dim3A_1334] : memref<16xi32, #tpu.memory_space<vmem>>[vector<16xi32>], vector<16xi32>,
      %ge3A_1336 = arith.cmpi sge, %mul3A_1240, %gather3A_1335 : vector<16xi32>
      %jit3A_1337 = arith.constant 1 : i32
      %jit3A_1338 = arith.constant 0 : i32
      %broadcast_in_dim3A_1339 = vector.broadcast %jit3A_1337 : i32 to vector<16xi32>
      %broadcast_in_dim3A_1340 = vector.broadcast %jit3A_1338 : i32 to vector<16xi32>
      %select_n3A_1341 = arith.select %ge3A_1336, %broadcast_in_dim3A_1339, %broadcast_in_dim3A_1340 : vector<16xi1>, vector<16xi32>
      %add3A_1342 = arith.addi %add3A_1332, %select_n3A_1341 : vector<16xi32>
      %broadcast_in_dim3A_1343 = arith.constant 10 : i32
      %broadcast_in_dim3A_1344 = vector.broadcast %broadcast_in_dim3A_1343 : i32 to vector<16xi32>
      %gather3A_1345 = tpu.vector_load_idx %arg11[%broadcast_in_dim3A_1344] : memref<16xi32, #tpu.memory_space<vmem>>[vector<16xi32>], vector<16xi32>,
      %ge3A_1346 = arith.cmpi sge, %mul3A_1240, %gather3A_1345 : vector<16xi32>
      %jit3A_1347 = arith.constant 1 : i32
      %jit3A_1348 = arith.constant 0 : i32
      %broadcast_in_dim3A_1349 = vector.broadcast %jit3A_1347 : i32 to vector<16xi32>
      %broadcast_in_dim3A_1350 = vector.broadcast %jit3A_1348 : i32 to vector<16xi32>
      %select_n3A_1351 = arith.select %ge3A_1346, %broadcast_in_dim3A_1349, %broadcast_in_dim3A_1350 : vector<16xi1>, vector<16xi32>
      %add3A_1352 = arith.addi %add3A_1342, %select_n3A_1351 : vector<16xi32>
      %broadcast_in_dim3A_1353 = arith.constant 11 : i32
      %broadcast_in_dim3A_1354 = vector.broadcast %broadcast_in_dim3A_1353 : i32 to vector<16xi32>
      %gather3A_1355 = tpu.vector_load_idx %arg11[%broadcast_in_dim3A_1354] : memref<16xi32, #tpu.memory_space<vmem>>[vector<16xi32>], vector<16xi32>,
      %ge3A_1356 = arith.cmpi sge, %mul3A_1240, %gather3A_1355 : vector<16xi32>
      %jit3A_1357 = arith.constant 1 : i32
      %jit3A_1358 = arith.constant 0 : i32
      %broadcast_in_dim3A_1359 = vector.broadcast %jit3A_1357 : i32 to vector<16xi32>
      %broadcast_in_dim3A_1360 = vector.broadcast %jit3A_1358 : i32 to vector<16xi32>
      %select_n3A_1361 = arith.select %ge3A_1356, %broadcast_in_dim3A_1359, %broadcast_in_dim3A_1360 : vector<16xi1>, vector<16xi32>
      %add3A_1362 = arith.addi %add3A_1352, %select_n3A_1361 : vector<16xi32>
      %broadcast_in_dim3A_1363 = arith.constant 12 : i32
      %broadcast_in_dim3A_1364 = vector.broadcast %broadcast_in_dim3A_1363 : i32 to vector<16xi32>
      %gather3A_1365 = tpu.vector_load_idx %arg11[%broadcast_in_dim3A_1364] : memref<16xi32, #tpu.memory_space<vmem>>[vector<16xi32>], vector<16xi32>,
      %ge3A_1366 = arith.cmpi sge, %mul3A_1240, %gather3A_1365 : vector<16xi32>
      %jit3A_1367 = arith.constant 1 : i32
      %jit3A_1368 = arith.constant 0 : i32
      %broadcast_in_dim3A_1369 = vector.broadcast %jit3A_1367 : i32 to vector<16xi32>
      %broadcast_in_dim3A_1370 = vector.broadcast %jit3A_1368 : i32 to vector<16xi32>
      %select_n3A_1371 = arith.select %ge3A_1366, %broadcast_in_dim3A_1369, %broadcast_in_dim3A_1370 : vector<16xi1>, vector<16xi32>
      %add3A_1372 = arith.addi %add3A_1362, %select_n3A_1371 : vector<16xi32>
      %broadcast_in_dim3A_1373 = arith.constant 13 : i32
      %broadcast_in_dim3A_1374 = vector.broadcast %broadcast_in_dim3A_1373 : i32 to vector<16xi32>
      %gather3A_1375 = tpu.vector_load_idx %arg11[%broadcast_in_dim3A_1374] : memref<16xi32, #tpu.memory_space<vmem>>[vector<16xi32>], vector<16xi32>,
      %ge3A_1376 = arith.cmpi sge, %mul3A_1240, %gather3A_1375 : vector<16xi32>
      %jit3A_1377 = arith.constant 1 : i32
      %jit3A_1378 = arith.constant 0 : i32
      %broadcast_in_dim3A_1379 = vector.broadcast %jit3A_1377 : i32 to vector<16xi32>
      %broadcast_in_dim3A_1380 = vector.broadcast %jit3A_1378 : i32 to vector<16xi32>
      %select_n3A_1381 = arith.select %ge3A_1376, %broadcast_in_dim3A_1379, %broadcast_in_dim3A_1380 : vector<16xi1>, vector<16xi32>
      %add3A_1382 = arith.addi %add3A_1372, %select_n3A_1381 : vector<16xi32>
      %broadcast_in_dim3A_1383 = arith.constant 14 : i32
      %broadcast_in_dim3A_1384 = vector.broadcast %broadcast_in_dim3A_1383 : i32 to vector<16xi32>
      %gather3A_1385 = tpu.vector_load_idx %arg11[%broadcast_in_dim3A_1384] : memref<16xi32, #tpu.memory_space<vmem>>[vector<16xi32>], vector<16xi32>,
      %ge3A_1386 = arith.cmpi sge, %mul3A_1240, %gather3A_1385 : vector<16xi32>
      %jit3A_1387 = arith.constant 1 : i32
      %jit3A_1388 = arith.constant 0 : i32
      %broadcast_in_dim3A_1389 = vector.broadcast %jit3A_1387 : i32 to vector<16xi32>
      %broadcast_in_dim3A_1390 = vector.broadcast %jit3A_1388 : i32 to vector<16xi32>
      %select_n3A_1391 = arith.select %ge3A_1386, %broadcast_in_dim3A_1389, %broadcast_in_dim3A_1390 : vector<16xi1>, vector<16xi32>
      %add3A_1392 = arith.addi %add3A_1382, %select_n3A_1391 : vector<16xi32>
      %broadcast_in_dim3A_1393 = arith.constant 15 : i32
      %broadcast_in_dim3A_1394 = vector.broadcast %broadcast_in_dim3A_1393 : i32 to vector<16xi32>
      %gather3A_1395 = tpu.vector_load_idx %arg11[%broadcast_in_dim3A_1394] : memref<16xi32, #tpu.memory_space<vmem>>[vector<16xi32>], vector<16xi32>,
      %ge3A_1396 = arith.cmpi sge, %mul3A_1240, %gather3A_1395 : vector<16xi32>
      %jit3A_1397 = arith.constant 1 : i32
      %jit3A_1398 = arith.constant 0 : i32
      %broadcast_in_dim3A_1399 = vector.broadcast %jit3A_1397 : i32 to vector<16xi32>
      %broadcast_in_dim3A_1400 = vector.broadcast %jit3A_1398 : i32 to vector<16xi32>
      %select_n3A_1401 = arith.select %ge3A_1396, %broadcast_in_dim3A_1399, %broadcast_in_dim3A_1400 : vector<16xi1>, vector<16xi32>
      %add3A_1402 = arith.addi %add3A_1392, %select_n3A_1401 : vector<16xi32>
      %swap3A_1403 = arith.constant 80 : index
      %swap3A_1404 = tpu.vector_load %arg18[%swap3A_1403] {strides = array<i32>} : memref<144xi32, #tpu.memory_space<vmem>>, vector<16xi32>,
      tpu.vector_store %arg18[%swap3A_1403], %add3A_1402 {strides = array<i32>} : memref<144xi32, #tpu.memory_space<vmem>>, vector<16xi32>,
      %add3A_1405 = arith.constant 96 : i32
      %add3A_1406 = vector.broadcast %add3A_1405 : i32 to vector<16xi32>
      %add3A_1407 = arith.addi %add3A_1406, %iota3A : vector<16xi32>
      %mul3A_1408 = arith.constant 256 : i32
      %mul3A_1409 = vector.broadcast %mul3A_1408 : i32 to vector<16xi32>
      %mul3A_1410 = arith.muli %add3A_1407, %mul3A_1409 : vector<16xi32>
      %broadcast_in_dim3A_1411 = arith.constant -1 : i32
      %broadcast_in_dim3A_1412 = vector.broadcast %broadcast_in_dim3A_1411 : i32 to vector<16xi32>
      %broadcast_in_dim3A_1413 = arith.constant 0 : i32
      %broadcast_in_dim3A_1414 = vector.broadcast %broadcast_in_dim3A_1413 : i32 to vector<16xi32>
      %gather3A_1415 = tpu.vector_load_idx %arg11[%broadcast_in_dim3A_1414] : memref<16xi32, #tpu.memory_space<vmem>>[vector<16xi32>], vector<16xi32>,
      %ge3A_1416 = arith.cmpi sge, %mul3A_1410, %gather3A_1415 : vector<16xi32>
      %jit3A_1417 = arith.constant 1 : i32
      %jit3A_1418 = arith.constant 0 : i32
      %broadcast_in_dim3A_1419 = vector.broadcast %jit3A_1417 : i32 to vector<16xi32>
      %broadcast_in_dim3A_1420 = vector.broadcast %jit3A_1418 : i32 to vector<16xi32>
      %select_n3A_1421 = arith.select %ge3A_1416, %broadcast_in_dim3A_1419, %broadcast_in_dim3A_1420 : vector<16xi1>, vector<16xi32>
      %add3A_1422 = arith.addi %broadcast_in_dim3A_1412, %select_n3A_1421 : vector<16xi32>
      %broadcast_in_dim3A_1423 = arith.constant 1 : i32
      %broadcast_in_dim3A_1424 = vector.broadcast %broadcast_in_dim3A_1423 : i32 to vector<16xi32>
      %gather3A_1425 = tpu.vector_load_idx %arg11[%broadcast_in_dim3A_1424] : memref<16xi32, #tpu.memory_space<vmem>>[vector<16xi32>], vector<16xi32>,
      %ge3A_1426 = arith.cmpi sge, %mul3A_1410, %gather3A_1425 : vector<16xi32>
      %jit3A_1427 = arith.constant 1 : i32
      %jit3A_1428 = arith.constant 0 : i32
      %broadcast_in_dim3A_1429 = vector.broadcast %jit3A_1427 : i32 to vector<16xi32>
      %broadcast_in_dim3A_1430 = vector.broadcast %jit3A_1428 : i32 to vector<16xi32>
      %select_n3A_1431 = arith.select %ge3A_1426, %broadcast_in_dim3A_1429, %broadcast_in_dim3A_1430 : vector<16xi1>, vector<16xi32>
      %add3A_1432 = arith.addi %add3A_1422, %select_n3A_1431 : vector<16xi32>
      %broadcast_in_dim3A_1433 = arith.constant 2 : i32
      %broadcast_in_dim3A_1434 = vector.broadcast %broadcast_in_dim3A_1433 : i32 to vector<16xi32>
      %gather3A_1435 = tpu.vector_load_idx %arg11[%broadcast_in_dim3A_1434] : memref<16xi32, #tpu.memory_space<vmem>>[vector<16xi32>], vector<16xi32>,
      %ge3A_1436 = arith.cmpi sge, %mul3A_1410, %gather3A_1435 : vector<16xi32>
      %jit3A_1437 = arith.constant 1 : i32
      %jit3A_1438 = arith.constant 0 : i32
      %broadcast_in_dim3A_1439 = vector.broadcast %jit3A_1437 : i32 to vector<16xi32>
      %broadcast_in_dim3A_1440 = vector.broadcast %jit3A_1438 : i32 to vector<16xi32>
      %select_n3A_1441 = arith.select %ge3A_1436, %broadcast_in_dim3A_1439, %broadcast_in_dim3A_1440 : vector<16xi1>, vector<16xi32>
      %add3A_1442 = arith.addi %add3A_1432, %select_n3A_1441 : vector<16xi32>
      %broadcast_in_dim3A_1443 = arith.constant 3 : i32
      %broadcast_in_dim3A_1444 = vector.broadcast %broadcast_in_dim3A_1443 : i32 to vector<16xi32>
      %gather3A_1445 = tpu.vector_load_idx %arg11[%broadcast_in_dim3A_1444] : memref<16xi32, #tpu.memory_space<vmem>>[vector<16xi32>], vector<16xi32>,
      %ge3A_1446 = arith.cmpi sge, %mul3A_1410, %gather3A_1445 : vector<16xi32>
      %jit3A_1447 = arith.constant 1 : i32
      %jit3A_1448 = arith.constant 0 : i32
      %broadcast_in_dim3A_1449 = vector.broadcast %jit3A_1447 : i32 to vector<16xi32>
      %broadcast_in_dim3A_1450 = vector.broadcast %jit3A_1448 : i32 to vector<16xi32>
      %select_n3A_1451 = arith.select %ge3A_1446, %broadcast_in_dim3A_1449, %broadcast_in_dim3A_1450 : vector<16xi1>, vector<16xi32>
      %add3A_1452 = arith.addi %add3A_1442, %select_n3A_1451 : vector<16xi32>
      %broadcast_in_dim3A_1453 = arith.constant 4 : i32
      %broadcast_in_dim3A_1454 = vector.broadcast %broadcast_in_dim3A_1453 : i32 to vector<16xi32>
      %gather3A_1455 = tpu.vector_load_idx %arg11[%broadcast_in_dim3A_1454] : memref<16xi32, #tpu.memory_space<vmem>>[vector<16xi32>], vector<16xi32>,
      %ge3A_1456 = arith.cmpi sge, %mul3A_1410, %gather3A_1455 : vector<16xi32>
      %jit3A_1457 = arith.constant 1 : i32
      %jit3A_1458 = arith.constant 0 : i32
      %broadcast_in_dim3A_1459 = vector.broadcast %jit3A_1457 : i32 to vector<16xi32>
      %broadcast_in_dim3A_1460 = vector.broadcast %jit3A_1458 : i32 to vector<16xi32>
      %select_n3A_1461 = arith.select %ge3A_1456, %broadcast_in_dim3A_1459, %broadcast_in_dim3A_1460 : vector<16xi1>, vector<16xi32>
      %add3A_1462 = arith.addi %add3A_1452, %select_n3A_1461 : vector<16xi32>
      %broadcast_in_dim3A_1463 = arith.constant 5 : i32
      %broadcast_in_dim3A_1464 = vector.broadcast %broadcast_in_dim3A_1463 : i32 to vector<16xi32>
      %gather3A_1465 = tpu.vector_load_idx %arg11[%broadcast_in_dim3A_1464] : memref<16xi32, #tpu.memory_space<vmem>>[vector<16xi32>], vector<16xi32>,
      %ge3A_1466 = arith.cmpi sge, %mul3A_1410, %gather3A_1465 : vector<16xi32>
      %jit3A_1467 = arith.constant 1 : i32
      %jit3A_1468 = arith.constant 0 : i32
      %broadcast_in_dim3A_1469 = vector.broadcast %jit3A_1467 : i32 to vector<16xi32>
      %broadcast_in_dim3A_1470 = vector.broadcast %jit3A_1468 : i32 to vector<16xi32>
      %select_n3A_1471 = arith.select %ge3A_1466, %broadcast_in_dim3A_1469, %broadcast_in_dim3A_1470 : vector<16xi1>, vector<16xi32>
      %add3A_1472 = arith.addi %add3A_1462, %select_n3A_1471 : vector<16xi32>
      %broadcast_in_dim3A_1473 = arith.constant 6 : i32
      %broadcast_in_dim3A_1474 = vector.broadcast %broadcast_in_dim3A_1473 : i32 to vector<16xi32>
      %gather3A_1475 = tpu.vector_load_idx %arg11[%broadcast_in_dim3A_1474] : memref<16xi32, #tpu.memory_space<vmem>>[vector<16xi32>], vector<16xi32>,
      %ge3A_1476 = arith.cmpi sge, %mul3A_1410, %gather3A_1475 : vector<16xi32>
      %jit3A_1477 = arith.constant 1 : i32
      %jit3A_1478 = arith.constant 0 : i32
      %broadcast_in_dim3A_1479 = vector.broadcast %jit3A_1477 : i32 to vector<16xi32>
      %broadcast_in_dim3A_1480 = vector.broadcast %jit3A_1478 : i32 to vector<16xi32>
      %select_n3A_1481 = arith.select %ge3A_1476, %broadcast_in_dim3A_1479, %broadcast_in_dim3A_1480 : vector<16xi1>, vector<16xi32>
      %add3A_1482 = arith.addi %add3A_1472, %select_n3A_1481 : vector<16xi32>
      %broadcast_in_dim3A_1483 = arith.constant 7 : i32
      %broadcast_in_dim3A_1484 = vector.broadcast %broadcast_in_dim3A_1483 : i32 to vector<16xi32>
      %gather3A_1485 = tpu.vector_load_idx %arg11[%broadcast_in_dim3A_1484] : memref<16xi32, #tpu.memory_space<vmem>>[vector<16xi32>], vector<16xi32>,
      %ge3A_1486 = arith.cmpi sge, %mul3A_1410, %gather3A_1485 : vector<16xi32>
      %jit3A_1487 = arith.constant 1 : i32
      %jit3A_1488 = arith.constant 0 : i32
      %broadcast_in_dim3A_1489 = vector.broadcast %jit3A_1487 : i32 to vector<16xi32>
      %broadcast_in_dim3A_1490 = vector.broadcast %jit3A_1488 : i32 to vector<16xi32>
      %select_n3A_1491 = arith.select %ge3A_1486, %broadcast_in_dim3A_1489, %broadcast_in_dim3A_1490 : vector<16xi1>, vector<16xi32>
      %add3A_1492 = arith.addi %add3A_1482, %select_n3A_1491 : vector<16xi32>
      %broadcast_in_dim3A_1493 = arith.constant 8 : i32
      %broadcast_in_dim3A_1494 = vector.broadcast %broadcast_in_dim3A_1493 : i32 to vector<16xi32>
      %gather3A_1495 = tpu.vector_load_idx %arg11[%broadcast_in_dim3A_1494] : memref<16xi32, #tpu.memory_space<vmem>>[vector<16xi32>], vector<16xi32>,
      %ge3A_1496 = arith.cmpi sge, %mul3A_1410, %gather3A_1495 : vector<16xi32>
      %jit3A_1497 = arith.constant 1 : i32
      %jit3A_1498 = arith.constant 0 : i32
      %broadcast_in_dim3A_1499 = vector.broadcast %jit3A_1497 : i32 to vector<16xi32>
      %broadcast_in_dim3A_1500 = vector.broadcast %jit3A_1498 : i32 to vector<16xi32>
      %select_n3A_1501 = arith.select %ge3A_1496, %broadcast_in_dim3A_1499, %broadcast_in_dim3A_1500 : vector<16xi1>, vector<16xi32>
      %add3A_1502 = arith.addi %add3A_1492, %select_n3A_1501 : vector<16xi32>
      %broadcast_in_dim3A_1503 = arith.constant 9 : i32
      %broadcast_in_dim3A_1504 = vector.broadcast %broadcast_in_dim3A_1503 : i32 to vector<16xi32>
      %gather3A_1505 = tpu.vector_load_idx %arg11[%broadcast_in_dim3A_1504] : memref<16xi32, #tpu.memory_space<vmem>>[vector<16xi32>], vector<16xi32>,
      %ge3A_1506 = arith.cmpi sge, %mul3A_1410, %gather3A_1505 : vector<16xi32>
      %jit3A_1507 = arith.constant 1 : i32
      %jit3A_1508 = arith.constant 0 : i32
      %broadcast_in_dim3A_1509 = vector.broadcast %jit3A_1507 : i32 to vector<16xi32>
      %broadcast_in_dim3A_1510 = vector.broadcast %jit3A_1508 : i32 to vector<16xi32>
      %select_n3A_1511 = arith.select %ge3A_1506, %broadcast_in_dim3A_1509, %broadcast_in_dim3A_1510 : vector<16xi1>, vector<16xi32>
      %add3A_1512 = arith.addi %add3A_1502, %select_n3A_1511 : vector<16xi32>
      %broadcast_in_dim3A_1513 = arith.constant 10 : i32
      %broadcast_in_dim3A_1514 = vector.broadcast %broadcast_in_dim3A_1513 : i32 to vector<16xi32>
      %gather3A_1515 = tpu.vector_load_idx %arg11[%broadcast_in_dim3A_1514] : memref<16xi32, #tpu.memory_space<vmem>>[vector<16xi32>], vector<16xi32>,
      %ge3A_1516 = arith.cmpi sge, %mul3A_1410, %gather3A_1515 : vector<16xi32>
      %jit3A_1517 = arith.constant 1 : i32
      %jit3A_1518 = arith.constant 0 : i32
      %broadcast_in_dim3A_1519 = vector.broadcast %jit3A_1517 : i32 to vector<16xi32>
      %broadcast_in_dim3A_1520 = vector.broadcast %jit3A_1518 : i32 to vector<16xi32>
      %select_n3A_1521 = arith.select %ge3A_1516, %broadcast_in_dim3A_1519, %broadcast_in_dim3A_1520 : vector<16xi1>, vector<16xi32>
      %add3A_1522 = arith.addi %add3A_1512, %select_n3A_1521 : vector<16xi32>
      %broadcast_in_dim3A_1523 = arith.constant 11 : i32
      %broadcast_in_dim3A_1524 = vector.broadcast %broadcast_in_dim3A_1523 : i32 to vector<16xi32>
      %gather3A_1525 = tpu.vector_load_idx %arg11[%broadcast_in_dim3A_1524] : memref<16xi32, #tpu.memory_space<vmem>>[vector<16xi32>], vector<16xi32>,
      %ge3A_1526 = arith.cmpi sge, %mul3A_1410, %gather3A_1525 : vector<16xi32>
      %jit3A_1527 = arith.constant 1 : i32
      %jit3A_1528 = arith.constant 0 : i32
      %broadcast_in_dim3A_1529 = vector.broadcast %jit3A_1527 : i32 to vector<16xi32>
      %broadcast_in_dim3A_1530 = vector.broadcast %jit3A_1528 : i32 to vector<16xi32>
      %select_n3A_1531 = arith.select %ge3A_1526, %broadcast_in_dim3A_1529, %broadcast_in_dim3A_1530 : vector<16xi1>, vector<16xi32>
      %add3A_1532 = arith.addi %add3A_1522, %select_n3A_1531 : vector<16xi32>
      %broadcast_in_dim3A_1533 = arith.constant 12 : i32
      %broadcast_in_dim3A_1534 = vector.broadcast %broadcast_in_dim3A_1533 : i32 to vector<16xi32>
      %gather3A_1535 = tpu.vector_load_idx %arg11[%broadcast_in_dim3A_1534] : memref<16xi32, #tpu.memory_space<vmem>>[vector<16xi32>], vector<16xi32>,
      %ge3A_1536 = arith.cmpi sge, %mul3A_1410, %gather3A_1535 : vector<16xi32>
      %jit3A_1537 = arith.constant 1 : i32
      %jit3A_1538 = arith.constant 0 : i32
      %broadcast_in_dim3A_1539 = vector.broadcast %jit3A_1537 : i32 to vector<16xi32>
      %broadcast_in_dim3A_1540 = vector.broadcast %jit3A_1538 : i32 to vector<16xi32>
      %select_n3A_1541 = arith.select %ge3A_1536, %broadcast_in_dim3A_1539, %broadcast_in_dim3A_1540 : vector<16xi1>, vector<16xi32>
      %add3A_1542 = arith.addi %add3A_1532, %select_n3A_1541 : vector<16xi32>
      %broadcast_in_dim3A_1543 = arith.constant 13 : i32
      %broadcast_in_dim3A_1544 = vector.broadcast %broadcast_in_dim3A_1543 : i32 to vector<16xi32>
      %gather3A_1545 = tpu.vector_load_idx %arg11[%broadcast_in_dim3A_1544] : memref<16xi32, #tpu.memory_space<vmem>>[vector<16xi32>], vector<16xi32>,
      %ge3A_1546 = arith.cmpi sge, %mul3A_1410, %gather3A_1545 : vector<16xi32>
      %jit3A_1547 = arith.constant 1 : i32
      %jit3A_1548 = arith.constant 0 : i32
      %broadcast_in_dim3A_1549 = vector.broadcast %jit3A_1547 : i32 to vector<16xi32>
      %broadcast_in_dim3A_1550 = vector.broadcast %jit3A_1548 : i32 to vector<16xi32>
      %select_n3A_1551 = arith.select %ge3A_1546, %broadcast_in_dim3A_1549, %broadcast_in_dim3A_1550 : vector<16xi1>, vector<16xi32>
      %add3A_1552 = arith.addi %add3A_1542, %select_n3A_1551 : vector<16xi32>
      %broadcast_in_dim3A_1553 = arith.constant 14 : i32
      %broadcast_in_dim3A_1554 = vector.broadcast %broadcast_in_dim3A_1553 : i32 to vector<16xi32>
      %gather3A_1555 = tpu.vector_load_idx %arg11[%broadcast_in_dim3A_1554] : memref<16xi32, #tpu.memory_space<vmem>>[vector<16xi32>], vector<16xi32>,
      %ge3A_1556 = arith.cmpi sge, %mul3A_1410, %gather3A_1555 : vector<16xi32>
      %jit3A_1557 = arith.constant 1 : i32
      %jit3A_1558 = arith.constant 0 : i32
      %broadcast_in_dim3A_1559 = vector.broadcast %jit3A_1557 : i32 to vector<16xi32>
      %broadcast_in_dim3A_1560 = vector.broadcast %jit3A_1558 : i32 to vector<16xi32>
      %select_n3A_1561 = arith.select %ge3A_1556, %broadcast_in_dim3A_1559, %broadcast_in_dim3A_1560 : vector<16xi1>, vector<16xi32>
      %add3A_1562 = arith.addi %add3A_1552, %select_n3A_1561 : vector<16xi32>
      %broadcast_in_dim3A_1563 = arith.constant 15 : i32
      %broadcast_in_dim3A_1564 = vector.broadcast %broadcast_in_dim3A_1563 : i32 to vector<16xi32>
      %gather3A_1565 = tpu.vector_load_idx %arg11[%broadcast_in_dim3A_1564] : memref<16xi32, #tpu.memory_space<vmem>>[vector<16xi32>], vector<16xi32>,
      %ge3A_1566 = arith.cmpi sge, %mul3A_1410, %gather3A_1565 : vector<16xi32>
      %jit3A_1567 = arith.constant 1 : i32
      %jit3A_1568 = arith.constant 0 : i32
      %broadcast_in_dim3A_1569 = vector.broadcast %jit3A_1567 : i32 to vector<16xi32>
      %broadcast_in_dim3A_1570 = vector.broadcast %jit3A_1568 : i32 to vector<16xi32>
      %select_n3A_1571 = arith.select %ge3A_1566, %broadcast_in_dim3A_1569, %broadcast_in_dim3A_1570 : vector<16xi1>, vector<16xi32>
      %add3A_1572 = arith.addi %add3A_1562, %select_n3A_1571 : vector<16xi32>
      %swap3A_1573 = arith.constant 96 : index
      %swap3A_1574 = tpu.vector_load %arg18[%swap3A_1573] {strides = array<i32>} : memref<144xi32, #tpu.memory_space<vmem>>, vector<16xi32>,
      tpu.vector_store %arg18[%swap3A_1573], %add3A_1572 {strides = array<i32>} : memref<144xi32, #tpu.memory_space<vmem>>, vector<16xi32>,
      %add3A_1575 = arith.constant 112 : i32
      %add3A_1576 = vector.broadcast %add3A_1575 : i32 to vector<16xi32>
      %add3A_1577 = arith.addi %add3A_1576, %iota3A : vector<16xi32>
      %mul3A_1578 = arith.constant 256 : i32
      %mul3A_1579 = vector.broadcast %mul3A_1578 : i32 to vector<16xi32>
      %mul3A_1580 = arith.muli %add3A_1577, %mul3A_1579 : vector<16xi32>
      %broadcast_in_dim3A_1581 = arith.constant -1 : i32
      %broadcast_in_dim3A_1582 = vector.broadcast %broadcast_in_dim3A_1581 : i32 to vector<16xi32>
      %broadcast_in_dim3A_1583 = arith.constant 0 : i32
      %broadcast_in_dim3A_1584 = vector.broadcast %broadcast_in_dim3A_1583 : i32 to vector<16xi32>
      %gather3A_1585 = tpu.vector_load_idx %arg11[%broadcast_in_dim3A_1584] : memref<16xi32, #tpu.memory_space<vmem>>[vector<16xi32>], vector<16xi32>,
      %ge3A_1586 = arith.cmpi sge, %mul3A_1580, %gather3A_1585 : vector<16xi32>
      %jit3A_1587 = arith.constant 1 : i32
      %jit3A_1588 = arith.constant 0 : i32
      %broadcast_in_dim3A_1589 = vector.broadcast %jit3A_1587 : i32 to vector<16xi32>
      %broadcast_in_dim3A_1590 = vector.broadcast %jit3A_1588 : i32 to vector<16xi32>
      %select_n3A_1591 = arith.select %ge3A_1586, %broadcast_in_dim3A_1589, %broadcast_in_dim3A_1590 : vector<16xi1>, vector<16xi32>
      %add3A_1592 = arith.addi %broadcast_in_dim3A_1582, %select_n3A_1591 : vector<16xi32>
      %broadcast_in_dim3A_1593 = arith.constant 1 : i32
      %broadcast_in_dim3A_1594 = vector.broadcast %broadcast_in_dim3A_1593 : i32 to vector<16xi32>
      %gather3A_1595 = tpu.vector_load_idx %arg11[%broadcast_in_dim3A_1594] : memref<16xi32, #tpu.memory_space<vmem>>[vector<16xi32>], vector<16xi32>,
      %ge3A_1596 = arith.cmpi sge, %mul3A_1580, %gather3A_1595 : vector<16xi32>
      %jit3A_1597 = arith.constant 1 : i32
      %jit3A_1598 = arith.constant 0 : i32
      %broadcast_in_dim3A_1599 = vector.broadcast %jit3A_1597 : i32 to vector<16xi32>
      %broadcast_in_dim3A_1600 = vector.broadcast %jit3A_1598 : i32 to vector<16xi32>
      %select_n3A_1601 = arith.select %ge3A_1596, %broadcast_in_dim3A_1599, %broadcast_in_dim3A_1600 : vector<16xi1>, vector<16xi32>
      %add3A_1602 = arith.addi %add3A_1592, %select_n3A_1601 : vector<16xi32>
      %broadcast_in_dim3A_1603 = arith.constant 2 : i32
      %broadcast_in_dim3A_1604 = vector.broadcast %broadcast_in_dim3A_1603 : i32 to vector<16xi32>
      %gather3A_1605 = tpu.vector_load_idx %arg11[%broadcast_in_dim3A_1604] : memref<16xi32, #tpu.memory_space<vmem>>[vector<16xi32>], vector<16xi32>,
      %ge3A_1606 = arith.cmpi sge, %mul3A_1580, %gather3A_1605 : vector<16xi32>
      %jit3A_1607 = arith.constant 1 : i32
      %jit3A_1608 = arith.constant 0 : i32
      %broadcast_in_dim3A_1609 = vector.broadcast %jit3A_1607 : i32 to vector<16xi32>
      %broadcast_in_dim3A_1610 = vector.broadcast %jit3A_1608 : i32 to vector<16xi32>
      %select_n3A_1611 = arith.select %ge3A_1606, %broadcast_in_dim3A_1609, %broadcast_in_dim3A_1610 : vector<16xi1>, vector<16xi32>
      %add3A_1612 = arith.addi %add3A_1602, %select_n3A_1611 : vector<16xi32>
      %broadcast_in_dim3A_1613 = arith.constant 3 : i32
      %broadcast_in_dim3A_1614 = vector.broadcast %broadcast_in_dim3A_1613 : i32 to vector<16xi32>
      %gather3A_1615 = tpu.vector_load_idx %arg11[%broadcast_in_dim3A_1614] : memref<16xi32, #tpu.memory_space<vmem>>[vector<16xi32>], vector<16xi32>,
      %ge3A_1616 = arith.cmpi sge, %mul3A_1580, %gather3A_1615 : vector<16xi32>
      %jit3A_1617 = arith.constant 1 : i32
      %jit3A_1618 = arith.constant 0 : i32
      %broadcast_in_dim3A_1619 = vector.broadcast %jit3A_1617 : i32 to vector<16xi32>
      %broadcast_in_dim3A_1620 = vector.broadcast %jit3A_1618 : i32 to vector<16xi32>
      %select_n3A_1621 = arith.select %ge3A_1616, %broadcast_in_dim3A_1619, %broadcast_in_dim3A_1620 : vector<16xi1>, vector<16xi32>
      %add3A_1622 = arith.addi %add3A_1612, %select_n3A_1621 : vector<16xi32>
      %broadcast_in_dim3A_1623 = arith.constant 4 : i32
      %broadcast_in_dim3A_1624 = vector.broadcast %broadcast_in_dim3A_1623 : i32 to vector<16xi32>
      %gather3A_1625 = tpu.vector_load_idx %arg11[%broadcast_in_dim3A_1624] : memref<16xi32, #tpu.memory_space<vmem>>[vector<16xi32>], vector<16xi32>,
      %ge3A_1626 = arith.cmpi sge, %mul3A_1580, %gather3A_1625 : vector<16xi32>
      %jit3A_1627 = arith.constant 1 : i32
      %jit3A_1628 = arith.constant 0 : i32
      %broadcast_in_dim3A_1629 = vector.broadcast %jit3A_1627 : i32 to vector<16xi32>
      %broadcast_in_dim3A_1630 = vector.broadcast %jit3A_1628 : i32 to vector<16xi32>
      %select_n3A_1631 = arith.select %ge3A_1626, %broadcast_in_dim3A_1629, %broadcast_in_dim3A_1630 : vector<16xi1>, vector<16xi32>
      %add3A_1632 = arith.addi %add3A_1622, %select_n3A_1631 : vector<16xi32>
      %broadcast_in_dim3A_1633 = arith.constant 5 : i32
      %broadcast_in_dim3A_1634 = vector.broadcast %broadcast_in_dim3A_1633 : i32 to vector<16xi32>
      %gather3A_1635 = tpu.vector_load_idx %arg11[%broadcast_in_dim3A_1634] : memref<16xi32, #tpu.memory_space<vmem>>[vector<16xi32>], vector<16xi32>,
      %ge3A_1636 = arith.cmpi sge, %mul3A_1580, %gather3A_1635 : vector<16xi32>
      %jit3A_1637 = arith.constant 1 : i32
      %jit3A_1638 = arith.constant 0 : i32
      %broadcast_in_dim3A_1639 = vector.broadcast %jit3A_1637 : i32 to vector<16xi32>
      %broadcast_in_dim3A_1640 = vector.broadcast %jit3A_1638 : i32 to vector<16xi32>
      %select_n3A_1641 = arith.select %ge3A_1636, %broadcast_in_dim3A_1639, %broadcast_in_dim3A_1640 : vector<16xi1>, vector<16xi32>
      %add3A_1642 = arith.addi %add3A_1632, %select_n3A_1641 : vector<16xi32>
      %broadcast_in_dim3A_1643 = arith.constant 6 : i32
      %broadcast_in_dim3A_1644 = vector.broadcast %broadcast_in_dim3A_1643 : i32 to vector<16xi32>
      %gather3A_1645 = tpu.vector_load_idx %arg11[%broadcast_in_dim3A_1644] : memref<16xi32, #tpu.memory_space<vmem>>[vector<16xi32>], vector<16xi32>,
      %ge3A_1646 = arith.cmpi sge, %mul3A_1580, %gather3A_1645 : vector<16xi32>
      %jit3A_1647 = arith.constant 1 : i32
      %jit3A_1648 = arith.constant 0 : i32
      %broadcast_in_dim3A_1649 = vector.broadcast %jit3A_1647 : i32 to vector<16xi32>
      %broadcast_in_dim3A_1650 = vector.broadcast %jit3A_1648 : i32 to vector<16xi32>
      %select_n3A_1651 = arith.select %ge3A_1646, %broadcast_in_dim3A_1649, %broadcast_in_dim3A_1650 : vector<16xi1>, vector<16xi32>
      %add3A_1652 = arith.addi %add3A_1642, %select_n3A_1651 : vector<16xi32>
      %broadcast_in_dim3A_1653 = arith.constant 7 : i32
      %broadcast_in_dim3A_1654 = vector.broadcast %broadcast_in_dim3A_1653 : i32 to vector<16xi32>
      %gather3A_1655 = tpu.vector_load_idx %arg11[%broadcast_in_dim3A_1654] : memref<16xi32, #tpu.memory_space<vmem>>[vector<16xi32>], vector<16xi32>,
      %ge3A_1656 = arith.cmpi sge, %mul3A_1580, %gather3A_1655 : vector<16xi32>
      %jit3A_1657 = arith.constant 1 : i32
      %jit3A_1658 = arith.constant 0 : i32
      %broadcast_in_dim3A_1659 = vector.broadcast %jit3A_1657 : i32 to vector<16xi32>
      %broadcast_in_dim3A_1660 = vector.broadcast %jit3A_1658 : i32 to vector<16xi32>
      %select_n3A_1661 = arith.select %ge3A_1656, %broadcast_in_dim3A_1659, %broadcast_in_dim3A_1660 : vector<16xi1>, vector<16xi32>
      %add3A_1662 = arith.addi %add3A_1652, %select_n3A_1661 : vector<16xi32>
      %broadcast_in_dim3A_1663 = arith.constant 8 : i32
      %broadcast_in_dim3A_1664 = vector.broadcast %broadcast_in_dim3A_1663 : i32 to vector<16xi32>
      %gather3A_1665 = tpu.vector_load_idx %arg11[%broadcast_in_dim3A_1664] : memref<16xi32, #tpu.memory_space<vmem>>[vector<16xi32>], vector<16xi32>,
      %ge3A_1666 = arith.cmpi sge, %mul3A_1580, %gather3A_1665 : vector<16xi32>
      %jit3A_1667 = arith.constant 1 : i32
      %jit3A_1668 = arith.constant 0 : i32
      %broadcast_in_dim3A_1669 = vector.broadcast %jit3A_1667 : i32 to vector<16xi32>
      %broadcast_in_dim3A_1670 = vector.broadcast %jit3A_1668 : i32 to vector<16xi32>
      %select_n3A_1671 = arith.select %ge3A_1666, %broadcast_in_dim3A_1669, %broadcast_in_dim3A_1670 : vector<16xi1>, vector<16xi32>
      %add3A_1672 = arith.addi %add3A_1662, %select_n3A_1671 : vector<16xi32>
      %broadcast_in_dim3A_1673 = arith.constant 9 : i32
      %broadcast_in_dim3A_1674 = vector.broadcast %broadcast_in_dim3A_1673 : i32 to vector<16xi32>
      %gather3A_1675 = tpu.vector_load_idx %arg11[%broadcast_in_dim3A_1674] : memref<16xi32, #tpu.memory_space<vmem>>[vector<16xi32>], vector<16xi32>,
      %ge3A_1676 = arith.cmpi sge, %mul3A_1580, %gather3A_1675 : vector<16xi32>
      %jit3A_1677 = arith.constant 1 : i32
      %jit3A_1678 = arith.constant 0 : i32
      %broadcast_in_dim3A_1679 = vector.broadcast %jit3A_1677 : i32 to vector<16xi32>
      %broadcast_in_dim3A_1680 = vector.broadcast %jit3A_1678 : i32 to vector<16xi32>
      %select_n3A_1681 = arith.select %ge3A_1676, %broadcast_in_dim3A_1679, %broadcast_in_dim3A_1680 : vector<16xi1>, vector<16xi32>
      %add3A_1682 = arith.addi %add3A_1672, %select_n3A_1681 : vector<16xi32>
      %broadcast_in_dim3A_1683 = arith.constant 10 : i32
      %broadcast_in_dim3A_1684 = vector.broadcast %broadcast_in_dim3A_1683 : i32 to vector<16xi32>
      %gather3A_1685 = tpu.vector_load_idx %arg11[%broadcast_in_dim3A_1684] : memref<16xi32, #tpu.memory_space<vmem>>[vector<16xi32>], vector<16xi32>,
      %ge3A_1686 = arith.cmpi sge, %mul3A_1580, %gather3A_1685 : vector<16xi32>
      %jit3A_1687 = arith.constant 1 : i32
      %jit3A_1688 = arith.constant 0 : i32
      %broadcast_in_dim3A_1689 = vector.broadcast %jit3A_1687 : i32 to vector<16xi32>
      %broadcast_in_dim3A_1690 = vector.broadcast %jit3A_1688 : i32 to vector<16xi32>
      %select_n3A_1691 = arith.select %ge3A_1686, %broadcast_in_dim3A_1689, %broadcast_in_dim3A_1690 : vector<16xi1>, vector<16xi32>
      %add3A_1692 = arith.addi %add3A_1682, %select_n3A_1691 : vector<16xi32>
      %broadcast_in_dim3A_1693 = arith.constant 11 : i32
      %broadcast_in_dim3A_1694 = vector.broadcast %broadcast_in_dim3A_1693 : i32 to vector<16xi32>
      %gather3A_1695 = tpu.vector_load_idx %arg11[%broadcast_in_dim3A_1694] : memref<16xi32, #tpu.memory_space<vmem>>[vector<16xi32>], vector<16xi32>,
      %ge3A_1696 = arith.cmpi sge, %mul3A_1580, %gather3A_1695 : vector<16xi32>
      %jit3A_1697 = arith.constant 1 : i32
      %jit3A_1698 = arith.constant 0 : i32
      %broadcast_in_dim3A_1699 = vector.broadcast %jit3A_1697 : i32 to vector<16xi32>
      %broadcast_in_dim3A_1700 = vector.broadcast %jit3A_1698 : i32 to vector<16xi32>
      %select_n3A_1701 = arith.select %ge3A_1696, %broadcast_in_dim3A_1699, %broadcast_in_dim3A_1700 : vector<16xi1>, vector<16xi32>
      %add3A_1702 = arith.addi %add3A_1692, %select_n3A_1701 : vector<16xi32>
      %broadcast_in_dim3A_1703 = arith.constant 12 : i32
      %broadcast_in_dim3A_1704 = vector.broadcast %broadcast_in_dim3A_1703 : i32 to vector<16xi32>
      %gather3A_1705 = tpu.vector_load_idx %arg11[%broadcast_in_dim3A_1704] : memref<16xi32, #tpu.memory_space<vmem>>[vector<16xi32>], vector<16xi32>,
      %ge3A_1706 = arith.cmpi sge, %mul3A_1580, %gather3A_1705 : vector<16xi32>
      %jit3A_1707 = arith.constant 1 : i32
      %jit3A_1708 = arith.constant 0 : i32
      %broadcast_in_dim3A_1709 = vector.broadcast %jit3A_1707 : i32 to vector<16xi32>
      %broadcast_in_dim3A_1710 = vector.broadcast %jit3A_1708 : i32 to vector<16xi32>
      %select_n3A_1711 = arith.select %ge3A_1706, %broadcast_in_dim3A_1709, %broadcast_in_dim3A_1710 : vector<16xi1>, vector<16xi32>
      %add3A_1712 = arith.addi %add3A_1702, %select_n3A_1711 : vector<16xi32>
      %broadcast_in_dim3A_1713 = arith.constant 13 : i32
      %broadcast_in_dim3A_1714 = vector.broadcast %broadcast_in_dim3A_1713 : i32 to vector<16xi32>
      %gather3A_1715 = tpu.vector_load_idx %arg11[%broadcast_in_dim3A_1714] : memref<16xi32, #tpu.memory_space<vmem>>[vector<16xi32>], vector<16xi32>,
      %ge3A_1716 = arith.cmpi sge, %mul3A_1580, %gather3A_1715 : vector<16xi32>
      %jit3A_1717 = arith.constant 1 : i32
      %jit3A_1718 = arith.constant 0 : i32
      %broadcast_in_dim3A_1719 = vector.broadcast %jit3A_1717 : i32 to vector<16xi32>
      %broadcast_in_dim3A_1720 = vector.broadcast %jit3A_1718 : i32 to vector<16xi32>
      %select_n3A_1721 = arith.select %ge3A_1716, %broadcast_in_dim3A_1719, %broadcast_in_dim3A_1720 : vector<16xi1>, vector<16xi32>
      %add3A_1722 = arith.addi %add3A_1712, %select_n3A_1721 : vector<16xi32>
      %broadcast_in_dim3A_1723 = arith.constant 14 : i32
      %broadcast_in_dim3A_1724 = vector.broadcast %broadcast_in_dim3A_1723 : i32 to vector<16xi32>
      %gather3A_1725 = tpu.vector_load_idx %arg11[%broadcast_in_dim3A_1724] : memref<16xi32, #tpu.memory_space<vmem>>[vector<16xi32>], vector<16xi32>,
      %ge3A_1726 = arith.cmpi sge, %mul3A_1580, %gather3A_1725 : vector<16xi32>
      %jit3A_1727 = arith.constant 1 : i32
      %jit3A_1728 = arith.constant 0 : i32
      %broadcast_in_dim3A_1729 = vector.broadcast %jit3A_1727 : i32 to vector<16xi32>
      %broadcast_in_dim3A_1730 = vector.broadcast %jit3A_1728 : i32 to vector<16xi32>
      %select_n3A_1731 = arith.select %ge3A_1726, %broadcast_in_dim3A_1729, %broadcast_in_dim3A_1730 : vector<16xi1>, vector<16xi32>
      %add3A_1732 = arith.addi %add3A_1722, %select_n3A_1731 : vector<16xi32>
      %broadcast_in_dim3A_1733 = arith.constant 15 : i32
      %broadcast_in_dim3A_1734 = vector.broadcast %broadcast_in_dim3A_1733 : i32 to vector<16xi32>
      %gather3A_1735 = tpu.vector_load_idx %arg11[%broadcast_in_dim3A_1734] : memref<16xi32, #tpu.memory_space<vmem>>[vector<16xi32>], vector<16xi32>,
      %ge3A_1736 = arith.cmpi sge, %mul3A_1580, %gather3A_1735 : vector<16xi32>
      %jit3A_1737 = arith.constant 1 : i32
      %jit3A_1738 = arith.constant 0 : i32
      %broadcast_in_dim3A_1739 = vector.broadcast %jit3A_1737 : i32 to vector<16xi32>
      %broadcast_in_dim3A_1740 = vector.broadcast %jit3A_1738 : i32 to vector<16xi32>
      %select_n3A_1741 = arith.select %ge3A_1736, %broadcast_in_dim3A_1739, %broadcast_in_dim3A_1740 : vector<16xi1>, vector<16xi32>
      %add3A_1742 = arith.addi %add3A_1732, %select_n3A_1741 : vector<16xi32>
      %swap3A_1743 = arith.constant 112 : index
      %swap3A_1744 = tpu.vector_load %arg18[%swap3A_1743] {strides = array<i32>} : memref<144xi32, #tpu.memory_space<vmem>>, vector<16xi32>,
      tpu.vector_store %arg18[%swap3A_1743], %add3A_1742 {strides = array<i32>} : memref<144xi32, #tpu.memory_space<vmem>>, vector<16xi32>,
      %add3A_1745 = arith.constant 128 : i32
      %add3A_1746 = vector.broadcast %add3A_1745 : i32 to vector<16xi32>
      %add3A_1747 = arith.addi %add3A_1746, %iota3A : vector<16xi32>
      %mul3A_1748 = arith.constant 256 : i32
      %mul3A_1749 = vector.broadcast %mul3A_1748 : i32 to vector<16xi32>
      %mul3A_1750 = arith.muli %add3A_1747, %mul3A_1749 : vector<16xi32>
      %broadcast_in_dim3A_1751 = arith.constant -1 : i32
      %broadcast_in_dim3A_1752 = vector.broadcast %broadcast_in_dim3A_1751 : i32 to vector<16xi32>
      %broadcast_in_dim3A_1753 = arith.constant 0 : i32
      %broadcast_in_dim3A_1754 = vector.broadcast %broadcast_in_dim3A_1753 : i32 to vector<16xi32>
      %gather3A_1755 = tpu.vector_load_idx %arg11[%broadcast_in_dim3A_1754] : memref<16xi32, #tpu.memory_space<vmem>>[vector<16xi32>], vector<16xi32>,
      %ge3A_1756 = arith.cmpi sge, %mul3A_1750, %gather3A_1755 : vector<16xi32>
      %jit3A_1757 = arith.constant 1 : i32
      %jit3A_1758 = arith.constant 0 : i32
      %broadcast_in_dim3A_1759 = vector.broadcast %jit3A_1757 : i32 to vector<16xi32>
      %broadcast_in_dim3A_1760 = vector.broadcast %jit3A_1758 : i32 to vector<16xi32>
      %select_n3A_1761 = arith.select %ge3A_1756, %broadcast_in_dim3A_1759, %broadcast_in_dim3A_1760 : vector<16xi1>, vector<16xi32>
      %add3A_1762 = arith.addi %broadcast_in_dim3A_1752, %select_n3A_1761 : vector<16xi32>
      %broadcast_in_dim3A_1763 = arith.constant 1 : i32
      %broadcast_in_dim3A_1764 = vector.broadcast %broadcast_in_dim3A_1763 : i32 to vector<16xi32>
      %gather3A_1765 = tpu.vector_load_idx %arg11[%broadcast_in_dim3A_1764] : memref<16xi32, #tpu.memory_space<vmem>>[vector<16xi32>], vector<16xi32>,
      %ge3A_1766 = arith.cmpi sge, %mul3A_1750, %gather3A_1765 : vector<16xi32>
      %jit3A_1767 = arith.constant 1 : i32
      %jit3A_1768 = arith.constant 0 : i32
      %broadcast_in_dim3A_1769 = vector.broadcast %jit3A_1767 : i32 to vector<16xi32>
      %broadcast_in_dim3A_1770 = vector.broadcast %jit3A_1768 : i32 to vector<16xi32>
      %select_n3A_1771 = arith.select %ge3A_1766, %broadcast_in_dim3A_1769, %broadcast_in_dim3A_1770 : vector<16xi1>, vector<16xi32>
      %add3A_1772 = arith.addi %add3A_1762, %select_n3A_1771 : vector<16xi32>
      %broadcast_in_dim3A_1773 = arith.constant 2 : i32
      %broadcast_in_dim3A_1774 = vector.broadcast %broadcast_in_dim3A_1773 : i32 to vector<16xi32>
      %gather3A_1775 = tpu.vector_load_idx %arg11[%broadcast_in_dim3A_1774] : memref<16xi32, #tpu.memory_space<vmem>>[vector<16xi32>], vector<16xi32>,
      %ge3A_1776 = arith.cmpi sge, %mul3A_1750, %gather3A_1775 : vector<16xi32>
      %jit3A_1777 = arith.constant 1 : i32
      %jit3A_1778 = arith.constant 0 : i32
      %broadcast_in_dim3A_1779 = vector.broadcast %jit3A_1777 : i32 to vector<16xi32>
      %broadcast_in_dim3A_1780 = vector.broadcast %jit3A_1778 : i32 to vector<16xi32>
      %select_n3A_1781 = arith.select %ge3A_1776, %broadcast_in_dim3A_1779, %broadcast_in_dim3A_1780 : vector<16xi1>, vector<16xi32>
      %add3A_1782 = arith.addi %add3A_1772, %select_n3A_1781 : vector<16xi32>
      %broadcast_in_dim3A_1783 = arith.constant 3 : i32
      %broadcast_in_dim3A_1784 = vector.broadcast %broadcast_in_dim3A_1783 : i32 to vector<16xi32>
      %gather3A_1785 = tpu.vector_load_idx %arg11[%broadcast_in_dim3A_1784] : memref<16xi32, #tpu.memory_space<vmem>>[vector<16xi32>], vector<16xi32>,
      %ge3A_1786 = arith.cmpi sge, %mul3A_1750, %gather3A_1785 : vector<16xi32>
      %jit3A_1787 = arith.constant 1 : i32
      %jit3A_1788 = arith.constant 0 : i32
      %broadcast_in_dim3A_1789 = vector.broadcast %jit3A_1787 : i32 to vector<16xi32>
      %broadcast_in_dim3A_1790 = vector.broadcast %jit3A_1788 : i32 to vector<16xi32>
      %select_n3A_1791 = arith.select %ge3A_1786, %broadcast_in_dim3A_1789, %broadcast_in_dim3A_1790 : vector<16xi1>, vector<16xi32>
      %add3A_1792 = arith.addi %add3A_1782, %select_n3A_1791 : vector<16xi32>
      %broadcast_in_dim3A_1793 = arith.constant 4 : i32
      %broadcast_in_dim3A_1794 = vector.broadcast %broadcast_in_dim3A_1793 : i32 to vector<16xi32>
      %gather3A_1795 = tpu.vector_load_idx %arg11[%broadcast_in_dim3A_1794] : memref<16xi32, #tpu.memory_space<vmem>>[vector<16xi32>], vector<16xi32>,
      %ge3A_1796 = arith.cmpi sge, %mul3A_1750, %gather3A_1795 : vector<16xi32>
      %jit3A_1797 = arith.constant 1 : i32
      %jit3A_1798 = arith.constant 0 : i32
      %broadcast_in_dim3A_1799 = vector.broadcast %jit3A_1797 : i32 to vector<16xi32>
      %broadcast_in_dim3A_1800 = vector.broadcast %jit3A_1798 : i32 to vector<16xi32>
      %select_n3A_1801 = arith.select %ge3A_1796, %broadcast_in_dim3A_1799, %broadcast_in_dim3A_1800 : vector<16xi1>, vector<16xi32>
      %add3A_1802 = arith.addi %add3A_1792, %select_n3A_1801 : vector<16xi32>
      %broadcast_in_dim3A_1803 = arith.constant 5 : i32
      %broadcast_in_dim3A_1804 = vector.broadcast %broadcast_in_dim3A_1803 : i32 to vector<16xi32>
      %gather3A_1805 = tpu.vector_load_idx %arg11[%broadcast_in_dim3A_1804] : memref<16xi32, #tpu.memory_space<vmem>>[vector<16xi32>], vector<16xi32>,
      %ge3A_1806 = arith.cmpi sge, %mul3A_1750, %gather3A_1805 : vector<16xi32>
      %jit3A_1807 = arith.constant 1 : i32
      %jit3A_1808 = arith.constant 0 : i32
      %broadcast_in_dim3A_1809 = vector.broadcast %jit3A_1807 : i32 to vector<16xi32>
      %broadcast_in_dim3A_1810 = vector.broadcast %jit3A_1808 : i32 to vector<16xi32>
      %select_n3A_1811 = arith.select %ge3A_1806, %broadcast_in_dim3A_1809, %broadcast_in_dim3A_1810 : vector<16xi1>, vector<16xi32>
      %add3A_1812 = arith.addi %add3A_1802, %select_n3A_1811 : vector<16xi32>
      %broadcast_in_dim3A_1813 = arith.constant 6 : i32
      %broadcast_in_dim3A_1814 = vector.broadcast %broadcast_in_dim3A_1813 : i32 to vector<16xi32>
      %gather3A_1815 = tpu.vector_load_idx %arg11[%broadcast_in_dim3A_1814] : memref<16xi32, #tpu.memory_space<vmem>>[vector<16xi32>], vector<16xi32>,
      %ge3A_1816 = arith.cmpi sge, %mul3A_1750, %gather3A_1815 : vector<16xi32>
      %jit3A_1817 = arith.constant 1 : i32
      %jit3A_1818 = arith.constant 0 : i32
      %broadcast_in_dim3A_1819 = vector.broadcast %jit3A_1817 : i32 to vector<16xi32>
      %broadcast_in_dim3A_1820 = vector.broadcast %jit3A_1818 : i32 to vector<16xi32>
      %select_n3A_1821 = arith.select %ge3A_1816, %broadcast_in_dim3A_1819, %broadcast_in_dim3A_1820 : vector<16xi1>, vector<16xi32>
      %add3A_1822 = arith.addi %add3A_1812, %select_n3A_1821 : vector<16xi32>
      %broadcast_in_dim3A_1823 = arith.constant 7 : i32
      %broadcast_in_dim3A_1824 = vector.broadcast %broadcast_in_dim3A_1823 : i32 to vector<16xi32>
      %gather3A_1825 = tpu.vector_load_idx %arg11[%broadcast_in_dim3A_1824] : memref<16xi32, #tpu.memory_space<vmem>>[vector<16xi32>], vector<16xi32>,
      %ge3A_1826 = arith.cmpi sge, %mul3A_1750, %gather3A_1825 : vector<16xi32>
      %jit3A_1827 = arith.constant 1 : i32
      %jit3A_1828 = arith.constant 0 : i32
      %broadcast_in_dim3A_1829 = vector.broadcast %jit3A_1827 : i32 to vector<16xi32>
      %broadcast_in_dim3A_1830 = vector.broadcast %jit3A_1828 : i32 to vector<16xi32>
      %select_n3A_1831 = arith.select %ge3A_1826, %broadcast_in_dim3A_1829, %broadcast_in_dim3A_1830 : vector<16xi1>, vector<16xi32>
      %add3A_1832 = arith.addi %add3A_1822, %select_n3A_1831 : vector<16xi32>
      %broadcast_in_dim3A_1833 = arith.constant 8 : i32
      %broadcast_in_dim3A_1834 = vector.broadcast %broadcast_in_dim3A_1833 : i32 to vector<16xi32>
      %gather3A_1835 = tpu.vector_load_idx %arg11[%broadcast_in_dim3A_1834] : memref<16xi32, #tpu.memory_space<vmem>>[vector<16xi32>], vector<16xi32>,
      %ge3A_1836 = arith.cmpi sge, %mul3A_1750, %gather3A_1835 : vector<16xi32>
      %jit3A_1837 = arith.constant 1 : i32
      %jit3A_1838 = arith.constant 0 : i32
      %broadcast_in_dim3A_1839 = vector.broadcast %jit3A_1837 : i32 to vector<16xi32>
      %broadcast_in_dim3A_1840 = vector.broadcast %jit3A_1838 : i32 to vector<16xi32>
      %select_n3A_1841 = arith.select %ge3A_1836, %broadcast_in_dim3A_1839, %broadcast_in_dim3A_1840 : vector<16xi1>, vector<16xi32>
      %add3A_1842 = arith.addi %add3A_1832, %select_n3A_1841 : vector<16xi32>
      %broadcast_in_dim3A_1843 = arith.constant 9 : i32
      %broadcast_in_dim3A_1844 = vector.broadcast %broadcast_in_dim3A_1843 : i32 to vector<16xi32>
      %gather3A_1845 = tpu.vector_load_idx %arg11[%broadcast_in_dim3A_1844] : memref<16xi32, #tpu.memory_space<vmem>>[vector<16xi32>], vector<16xi32>,
      %ge3A_1846 = arith.cmpi sge, %mul3A_1750, %gather3A_1845 : vector<16xi32>
      %jit3A_1847 = arith.constant 1 : i32
      %jit3A_1848 = arith.constant 0 : i32
      %broadcast_in_dim3A_1849 = vector.broadcast %jit3A_1847 : i32 to vector<16xi32>
      %broadcast_in_dim3A_1850 = vector.broadcast %jit3A_1848 : i32 to vector<16xi32>
      %select_n3A_1851 = arith.select %ge3A_1846, %broadcast_in_dim3A_1849, %broadcast_in_dim3A_1850 : vector<16xi1>, vector<16xi32>
      %add3A_1852 = arith.addi %add3A_1842, %select_n3A_1851 : vector<16xi32>
      %broadcast_in_dim3A_1853 = arith.constant 10 : i32
      %broadcast_in_dim3A_1854 = vector.broadcast %broadcast_in_dim3A_1853 : i32 to vector<16xi32>
      %gather3A_1855 = tpu.vector_load_idx %arg11[%broadcast_in_dim3A_1854] : memref<16xi32, #tpu.memory_space<vmem>>[vector<16xi32>], vector<16xi32>,
      %ge3A_1856 = arith.cmpi sge, %mul3A_1750, %gather3A_1855 : vector<16xi32>
      %jit3A_1857 = arith.constant 1 : i32
      %jit3A_1858 = arith.constant 0 : i32
      %broadcast_in_dim3A_1859 = vector.broadcast %jit3A_1857 : i32 to vector<16xi32>
      %broadcast_in_dim3A_1860 = vector.broadcast %jit3A_1858 : i32 to vector<16xi32>
      %select_n3A_1861 = arith.select %ge3A_1856, %broadcast_in_dim3A_1859, %broadcast_in_dim3A_1860 : vector<16xi1>, vector<16xi32>
      %add3A_1862 = arith.addi %add3A_1852, %select_n3A_1861 : vector<16xi32>
      %broadcast_in_dim3A_1863 = arith.constant 11 : i32
      %broadcast_in_dim3A_1864 = vector.broadcast %broadcast_in_dim3A_1863 : i32 to vector<16xi32>
      %gather3A_1865 = tpu.vector_load_idx %arg11[%broadcast_in_dim3A_1864] : memref<16xi32, #tpu.memory_space<vmem>>[vector<16xi32>], vector<16xi32>,
      %ge3A_1866 = arith.cmpi sge, %mul3A_1750, %gather3A_1865 : vector<16xi32>
      %jit3A_1867 = arith.constant 1 : i32
      %jit3A_1868 = arith.constant 0 : i32
      %broadcast_in_dim3A_1869 = vector.broadcast %jit3A_1867 : i32 to vector<16xi32>
      %broadcast_in_dim3A_1870 = vector.broadcast %jit3A_1868 : i32 to vector<16xi32>
      %select_n3A_1871 = arith.select %ge3A_1866, %broadcast_in_dim3A_1869, %broadcast_in_dim3A_1870 : vector<16xi1>, vector<16xi32>
      %add3A_1872 = arith.addi %add3A_1862, %select_n3A_1871 : vector<16xi32>
      %broadcast_in_dim3A_1873 = arith.constant 12 : i32
      %broadcast_in_dim3A_1874 = vector.broadcast %broadcast_in_dim3A_1873 : i32 to vector<16xi32>
      %gather3A_1875 = tpu.vector_load_idx %arg11[%broadcast_in_dim3A_1874] : memref<16xi32, #tpu.memory_space<vmem>>[vector<16xi32>], vector<16xi32>,
      %ge3A_1876 = arith.cmpi sge, %mul3A_1750, %gather3A_1875 : vector<16xi32>
      %jit3A_1877 = arith.constant 1 : i32
      %jit3A_1878 = arith.constant 0 : i32
      %broadcast_in_dim3A_1879 = vector.broadcast %jit3A_1877 : i32 to vector<16xi32>
      %broadcast_in_dim3A_1880 = vector.broadcast %jit3A_1878 : i32 to vector<16xi32>
      %select_n3A_1881 = arith.select %ge3A_1876, %broadcast_in_dim3A_1879, %broadcast_in_dim3A_1880 : vector<16xi1>, vector<16xi32>
      %add3A_1882 = arith.addi %add3A_1872, %select_n3A_1881 : vector<16xi32>
      %broadcast_in_dim3A_1883 = arith.constant 13 : i32
      %broadcast_in_dim3A_1884 = vector.broadcast %broadcast_in_dim3A_1883 : i32 to vector<16xi32>
      %gather3A_1885 = tpu.vector_load_idx %arg11[%broadcast_in_dim3A_1884] : memref<16xi32, #tpu.memory_space<vmem>>[vector<16xi32>], vector<16xi32>,
      %ge3A_1886 = arith.cmpi sge, %mul3A_1750, %gather3A_1885 : vector<16xi32>
      %jit3A_1887 = arith.constant 1 : i32
      %jit3A_1888 = arith.constant 0 : i32
      %broadcast_in_dim3A_1889 = vector.broadcast %jit3A_1887 : i32 to vector<16xi32>
      %broadcast_in_dim3A_1890 = vector.broadcast %jit3A_1888 : i32 to vector<16xi32>
      %select_n3A_1891 = arith.select %ge3A_1886, %broadcast_in_dim3A_1889, %broadcast_in_dim3A_1890 : vector<16xi1>, vector<16xi32>
      %add3A_1892 = arith.addi %add3A_1882, %select_n3A_1891 : vector<16xi32>
      %broadcast_in_dim3A_1893 = arith.constant 14 : i32
      %broadcast_in_dim3A_1894 = vector.broadcast %broadcast_in_dim3A_1893 : i32 to vector<16xi32>
      %gather3A_1895 = tpu.vector_load_idx %arg11[%broadcast_in_dim3A_1894] : memref<16xi32, #tpu.memory_space<vmem>>[vector<16xi32>], vector<16xi32>,
      %ge3A_1896 = arith.cmpi sge, %mul3A_1750, %gather3A_1895 : vector<16xi32>
      %jit3A_1897 = arith.constant 1 : i32
      %jit3A_1898 = arith.constant 0 : i32
      %broadcast_in_dim3A_1899 = vector.broadcast %jit3A_1897 : i32 to vector<16xi32>
      %broadcast_in_dim3A_1900 = vector.broadcast %jit3A_1898 : i32 to vector<16xi32>
      %select_n3A_1901 = arith.select %ge3A_1896, %broadcast_in_dim3A_1899, %broadcast_in_dim3A_1900 : vector<16xi1>, vector<16xi32>
      %add3A_1902 = arith.addi %add3A_1892, %select_n3A_1901 : vector<16xi32>
      %broadcast_in_dim3A_1903 = arith.constant 15 : i32
      %broadcast_in_dim3A_1904 = vector.broadcast %broadcast_in_dim3A_1903 : i32 to vector<16xi32>
      %gather3A_1905 = tpu.vector_load_idx %arg11[%broadcast_in_dim3A_1904] : memref<16xi32, #tpu.memory_space<vmem>>[vector<16xi32>], vector<16xi32>,
      %ge3A_1906 = arith.cmpi sge, %mul3A_1750, %gather3A_1905 : vector<16xi32>
      %jit3A_1907 = arith.constant 1 : i32
      %jit3A_1908 = arith.constant 0 : i32
      %broadcast_in_dim3A_1909 = vector.broadcast %jit3A_1907 : i32 to vector<16xi32>
      %broadcast_in_dim3A_1910 = vector.broadcast %jit3A_1908 : i32 to vector<16xi32>
      %select_n3A_1911 = arith.select %ge3A_1906, %broadcast_in_dim3A_1909, %broadcast_in_dim3A_1910 : vector<16xi1>, vector<16xi32>
      %add3A_1912 = arith.addi %add3A_1902, %select_n3A_1911 : vector<16xi32>
      %swap3A_1913 = arith.constant 128 : index
      %swap3A_1914 = tpu.vector_load %arg18[%swap3A_1913] {strides = array<i32>} : memref<144xi32, #tpu.memory_space<vmem>>, vector<16xi32>,
      tpu.vector_store %arg18[%swap3A_1913], %add3A_1912 {strides = array<i32>} : memref<144xi32, #tpu.memory_space<vmem>>, vector<16xi32>,
      "tpu.region"() ({
        %run_scoped3A = tpu.sem_alloc : memref<!tpu.dma_semaphore, #tpu.memory_space<semaphore_mem>>
        tpu.enqueue_dma source(%arg18 : memref<144xi32, #tpu.memory_space<vmem>>) target(%arg7 : memref<144xi32, #tpu.memory_space<hbm>>) target_semaphore(%run_scoped3A : memref<!tpu.dma_semaphore, #tpu.memory_space<semaphore_mem>>)
        tpu.wait_dma2 semaphore(%run_scoped3A : memref<!tpu.dma_semaphore, #tpu.memory_space<semaphore_mem>>) src(%arg18 : memref<144xi32, #tpu.memory_space<vmem>>) dst(%arg7 : memref<144xi32, #tpu.memory_space<hbm>>)
        tpu.yield
      }) : () -> ()
    } else {
    }
    return
  }
}

#map = affine_map<(d0, d1) -> (0)>
#map1 = affine_map<(d0, d1) -> (0, 0)>
module attributes {stable_mosaic.version = 14 : i64} {
  func.func @_sc_route(%arg0: i32, %arg1: i32, %arg2: memref<32768xf32, #tpu.memory_space<hbm>>, %arg3: memref<32768xf32, #tpu.memory_space<hbm>>, %arg4: memref<32x16384xi32, #tpu.memory_space<hbm>>, %arg5: memref<32x16xi32, #tpu.memory_space<hbm>>, %arg6: memref<16384xf32, #tpu.memory_space<vmem>>, %arg7: memref<16384xf32, #tpu.memory_space<vmem>>, %arg8: memref<16392xi32, #tpu.memory_space<vmem>>, %arg9: memref<16xi32, #tpu.memory_space<vmem>>) attributes {dimension_semantics = [#tpu.dimension_semantics<core_parallel>, #tpu.dimension_semantics<subcore_parallel>], iteration_bounds = array<i64: 2, 16>, scalar_prefetch = 0 : i64, scratch_operands = 4 : i64, tpu.core_type = #tpu.core_type<sc_vector_subcore>, window_params = [{transform_indices = #map}, {transform_indices = #map}, {transform_indices = #map1}, {transform_indices = #map1}]} {
    %mul3A = arith.constant 2 : i32
    %mul3A_0 = arith.muli %arg1, %mul3A : i32
    %add3A = arith.addi %mul3A_0, %arg0 : i32
    %jit3A = arith.constant 16 : i32
    %eq3A = arith.constant 0 : i32
    %eq3A_1 = arith.cmpi eq, %jit3A, %eq3A : i32
    %jit3A_2 = arith.constant 1 : i32
    %select_n3A = arith.select %eq3A_1, %jit3A_2, %jit3A : i32
    %rem3A = arith.remsi %add3A, %select_n3A : i32
    %ne3A = arith.constant 0 : i32
    %ne3A_3 = arith.cmpi ne, %rem3A, %ne3A : i32
    %lt3A = arith.constant 0 : i32
    %lt3A_4 = arith.cmpi slt, %rem3A, %lt3A : i32
    %lt3A_5 = arith.constant 0 : i32
    %lt3A_6 = arith.cmpi slt, %select_n3A, %lt3A_5 : i32
    %ne3A_7 = arith.xori %lt3A_4, %lt3A_6 : i1
    %and3A = arith.andi %ne3A_7, %ne3A_3 : i1
    %add3A_8 = arith.addi %rem3A, %select_n3A : i32
    %select_n3A_9 = arith.select %and3A, %add3A_8, %rem3A : i32
    %jit3A_10 = arith.constant 16 : i32
    %div3A = arith.divsi %add3A, %jit3A_10 : i32
    %sign3A = arith.constant 0 : i32
    %sign3A_11 = arith.cmpi sgt, %add3A, %sign3A : i32
    %sign3A_12 = arith.extui %sign3A_11 : i1 to i32
    %sign3A_13 = arith.constant 0 : i32
    %sign3A_14 = arith.cmpi slt, %add3A, %sign3A_13 : i32
    %sign3A_15 = arith.extui %sign3A_14 : i1 to i32
    %sign3A_16 = arith.subi %sign3A_12, %sign3A_15 : i32
    %sign3A_17 = arith.constant 0 : i32
    %sign3A_18 = arith.cmpi sgt, %jit3A_10, %sign3A_17 : i32
    %sign3A_19 = arith.extui %sign3A_18 : i1 to i32
    %sign3A_20 = arith.constant 0 : i32
    %sign3A_21 = arith.cmpi slt, %jit3A_10, %sign3A_20 : i32
    %sign3A_22 = arith.extui %sign3A_21 : i1 to i32
    %sign3A_23 = arith.subi %sign3A_19, %sign3A_22 : i32
    %ne3A_24 = arith.cmpi ne, %sign3A_16, %sign3A_23 : i32
    %rem3A_25 = arith.remsi %add3A, %jit3A_10 : i32
    %ne3A_26 = arith.constant 0 : i32
    %ne3A_27 = arith.cmpi ne, %rem3A_25, %ne3A_26 : i32
    %and3A_28 = arith.andi %ne3A_24, %ne3A_27 : i1
    %sub3A = arith.constant 1 : i32
    %sub3A_29 = arith.subi %div3A, %sub3A : i32
    %select_n3A_30 = arith.select %and3A_28, %sub3A_29, %div3A : i32
    %mul3A_31 = arith.constant 16384 : i32
    %mul3A_32 = arith.muli %select_n3A_30, %mul3A_31 : i32
    "tpu.region"() ({
      %run_scoped3A = tpu.sem_alloc : memref<!tpu.dma_semaphore, #tpu.memory_space<semaphore_mem>>
      %dma_start3A = tpu.memref_slice %arg2[%mul3A_32] : memref<32768xf32, #tpu.memory_space<hbm>> -> memref<16384xf32, #tpu.memory_space<hbm>>
      %dma_start3A_41 = tpu.memref_slice %arg2[%mul3A_32] : memref<32768xf32, #tpu.memory_space<hbm>> -> memref<16384xf32, #tpu.memory_space<hbm>>
      tpu.enqueue_dma source(%dma_start3A_41 : memref<16384xf32, #tpu.memory_space<hbm>>) target(%arg6 : memref<16384xf32, #tpu.memory_space<vmem>>) target_semaphore(%run_scoped3A : memref<!tpu.dma_semaphore, #tpu.memory_space<semaphore_mem>>)
      %dma_wait3A = tpu.memref_slice %arg2[%mul3A_32] : memref<32768xf32, #tpu.memory_space<hbm>> -> memref<16384xf32, #tpu.memory_space<hbm>>
      %dma_wait3A_42 = tpu.memref_slice %arg2[%mul3A_32] : memref<32768xf32, #tpu.memory_space<hbm>> -> memref<16384xf32, #tpu.memory_space<hbm>>
      tpu.wait_dma2 semaphore(%run_scoped3A : memref<!tpu.dma_semaphore, #tpu.memory_space<semaphore_mem>>) src(%dma_wait3A_42 : memref<16384xf32, #tpu.memory_space<hbm>>) dst(%arg6 : memref<16384xf32, #tpu.memory_space<vmem>>)
      tpu.yield
    }) : () -> ()
    "tpu.region"() ({
      %run_scoped3A = tpu.sem_alloc : memref<!tpu.dma_semaphore, #tpu.memory_space<semaphore_mem>>
      %dma_start3A = tpu.memref_slice %arg3[%mul3A_32] : memref<32768xf32, #tpu.memory_space<hbm>> -> memref<16384xf32, #tpu.memory_space<hbm>>
      %dma_start3A_41 = tpu.memref_slice %arg3[%mul3A_32] : memref<32768xf32, #tpu.memory_space<hbm>> -> memref<16384xf32, #tpu.memory_space<hbm>>
      tpu.enqueue_dma source(%dma_start3A_41 : memref<16384xf32, #tpu.memory_space<hbm>>) target(%arg7 : memref<16384xf32, #tpu.memory_space<vmem>>) target_semaphore(%run_scoped3A : memref<!tpu.dma_semaphore, #tpu.memory_space<semaphore_mem>>)
      %dma_wait3A = tpu.memref_slice %arg3[%mul3A_32] : memref<32768xf32, #tpu.memory_space<hbm>> -> memref<16384xf32, #tpu.memory_space<hbm>>
      %dma_wait3A_42 = tpu.memref_slice %arg3[%mul3A_32] : memref<32768xf32, #tpu.memory_space<hbm>> -> memref<16384xf32, #tpu.memory_space<hbm>>
      tpu.wait_dma2 semaphore(%run_scoped3A : memref<!tpu.dma_semaphore, #tpu.memory_space<semaphore_mem>>) src(%dma_wait3A_42 : memref<16384xf32, #tpu.memory_space<hbm>>) dst(%arg7 : memref<16384xf32, #tpu.memory_space<vmem>>)
      tpu.yield
    }) : () -> ()
    %iota3A = tpu.iota {dimensions = array<i32: 0>} : vector<16xi32>
    %broadcast_in_dim3A = vector.broadcast %select_n3A_9 : i32 to vector<16xi32>
    %broadcast_in_dim3A_33 = arith.constant 0 : i32
    %broadcast_in_dim3A_34 = vector.broadcast %broadcast_in_dim3A_33 : i32 to vector<16xi32>
    %scan3A = arith.constant 0 : i32
    %scan3A_35 = arith.constant 1024 : i32
    %scan3A_36 = arith.addi %scan3A, %scan3A_35 : i32
    %scan3A_37 = arith.constant 1 : i32
    %scan3A_38 = scf.for %scan3A_41 = %scan3A to %scan3A_36 step %scan3A_37 iter_args(%scan3A_42 = %broadcast_in_dim3A_34) -> (vector<16xi32>)  : i32 {
      %mul3A_43 = arith.constant 16 : i32
      %mul3A_44 = arith.muli %scan3A_41, %mul3A_43 : i32
      %get3A = arith.index_cast %mul3A_44 : i32 to index
      %get3A_45 = tpu.vector_load %arg6[%get3A] {strides = array<i32>} : memref<16384xf32, #tpu.memory_space<vmem>>, vector<16xf32>,
      %mul3A_46 = arith.constant 16 : i32
      %mul3A_47 = arith.muli %scan3A_41, %mul3A_46 : i32
      %get3A_48 = arith.index_cast %mul3A_47 : i32 to index
      %get3A_49 = tpu.vector_load %arg7[%get3A_48] {strides = array<i32>} : memref<16384xf32, #tpu.memory_space<vmem>>, vector<16xf32>,
      %mul3A_50 = arith.constant 4.000000e+00 : f32
      %mul3A_51 = vector.broadcast %mul3A_50 : f32 to vector<16xf32>
      %mul3A_52 = arith.mulf %get3A_45, %mul3A_51 : vector<16xf32>
      %convert_element_type3A = arith.fptosi %mul3A_52 : vector<16xf32> to vector<16xi32>
      %min3A = arith.constant 3 : i32
      %min3A_53 = vector.broadcast %min3A : i32 to vector<16xi32>
      %min3A_54 = arith.minsi %convert_element_type3A, %min3A_53 : vector<16xi32>
      %mul3A_55 = arith.constant 4.000000e+00 : f32
      %mul3A_56 = vector.broadcast %mul3A_55 : f32 to vector<16xf32>
      %mul3A_57 = arith.mulf %get3A_49, %mul3A_56 : vector<16xf32>
      %convert_element_type3A_58 = arith.fptosi %mul3A_57 : vector<16xf32> to vector<16xi32>
      %min3A_59 = arith.constant 3 : i32
      %min3A_60 = vector.broadcast %min3A_59 : i32 to vector<16xi32>
      %min3A_61 = arith.minsi %convert_element_type3A_58, %min3A_60 : vector<16xi32>
      %mul3A_62 = arith.constant 4 : i32
      %mul3A_63 = vector.broadcast %mul3A_62 : i32 to vector<16xi32>
      %mul3A_64 = arith.muli %min3A_61, %mul3A_63 : vector<16xi32>
      %add3A_65 = arith.addi %mul3A_64, %min3A_54 : vector<16xi32>
      %eq3A_66 = arith.cmpi eq, %add3A_65, %broadcast_in_dim3A : vector<16xi32>
      %mul3A_67 = arith.constant 16 : i32
      %mul3A_68 = arith.muli %scan3A_41, %mul3A_67 : i32
      %add3A_69 = arith.addi %mul3A_32, %mul3A_68 : i32
      %add3A_70 = vector.broadcast %add3A_69 : i32 to vector<16xi32>
      %add3A_71 = arith.addi %add3A_70, %iota3A : vector<16xi32>
      %jit3A_72 = arith.constant 1 : i32
      %jit3A_73 = arith.constant 0 : i32
      %broadcast_in_dim3A_74 = vector.broadcast %jit3A_72 : i32 to vector<16xi32>
      %broadcast_in_dim3A_75 = vector.broadcast %jit3A_73 : i32 to vector<16xi32>
      %select_n3A_76 = arith.select %eq3A_66, %broadcast_in_dim3A_74, %broadcast_in_dim3A_75 : vector<16xi1>, vector<16xi32>
      %iota3A_77 = tpu.iota {dimensions = array<i32: 0>} : vector<16xi32>
      %sub3A_78 = arith.constant 1 : i32
      %sub3A_79 = vector.broadcast %sub3A_78 : i32 to vector<16xi32>
      %sub3A_80 = arith.subi %iota3A_77, %sub3A_79 : vector<16xi32>
      %max3A = arith.constant 0 : i32
      %max3A_81 = vector.broadcast %max3A : i32 to vector<16xi32>
      %max3A_82 = arith.maxsi %sub3A_80, %max3A_81 : vector<16xi32>
      %broadcast_in_dim3A_83 = vector.shape_cast %max3A_82 : vector<16xi32> to vector<16x1xi32>
      %gather3A = vector.shape_cast %broadcast_in_dim3A_83 : vector<16x1xi32> to vector<16xi32>
      %gather3A_84 = tpu.dynamic_gather %select_n3A_76[%gather3A] in [0] : vector<16xi32>, vector<16xi32> -> vector<16xi32>
      %ge3A = arith.constant 1 : i32
      %ge3A_85 = vector.broadcast %ge3A : i32 to vector<16xi32>
      %ge3A_86 = arith.cmpi sge, %iota3A_77, %ge3A_85 : vector<16xi32>
      %jit3A_87 = arith.constant 0 : i32
      %broadcast_in_dim3A_88 = vector.broadcast %jit3A_87 : i32 to vector<16xi32>
      %select_n3A_89 = arith.select %ge3A_86, %gather3A_84, %broadcast_in_dim3A_88 : vector<16xi1>, vector<16xi32>
      %add3A_90 = arith.addi %select_n3A_76, %select_n3A_89 : vector<16xi32>
      %sub3A_91 = arith.constant 2 : i32
      %sub3A_92 = vector.broadcast %sub3A_91 : i32 to vector<16xi32>
      %sub3A_93 = arith.subi %iota3A_77, %sub3A_92 : vector<16xi32>
      %max3A_94 = arith.constant 0 : i32
      %max3A_95 = vector.broadcast %max3A_94 : i32 to vector<16xi32>
      %max3A_96 = arith.maxsi %sub3A_93, %max3A_95 : vector<16xi32>
      %broadcast_in_dim3A_97 = vector.shape_cast %max3A_96 : vector<16xi32> to vector<16x1xi32>
      %gather3A_98 = vector.shape_cast %broadcast_in_dim3A_97 : vector<16x1xi32> to vector<16xi32>
      %gather3A_99 = tpu.dynamic_gather %add3A_90[%gather3A_98] in [0] : vector<16xi32>, vector<16xi32> -> vector<16xi32>
      %ge3A_100 = arith.constant 2 : i32
      %ge3A_101 = vector.broadcast %ge3A_100 : i32 to vector<16xi32>
      %ge3A_102 = arith.cmpi sge, %iota3A_77, %ge3A_101 : vector<16xi32>
      %jit3A_103 = arith.constant 0 : i32
      %broadcast_in_dim3A_104 = vector.broadcast %jit3A_103 : i32 to vector<16xi32>
      %select_n3A_105 = arith.select %ge3A_102, %gather3A_99, %broadcast_in_dim3A_104 : vector<16xi1>, vector<16xi32>
      %add3A_106 = arith.addi %add3A_90, %select_n3A_105 : vector<16xi32>
      %sub3A_107 = arith.constant 4 : i32
      %sub3A_108 = vector.broadcast %sub3A_107 : i32 to vector<16xi32>
      %sub3A_109 = arith.subi %iota3A_77, %sub3A_108 : vector<16xi32>
      %max3A_110 = arith.constant 0 : i32
      %max3A_111 = vector.broadcast %max3A_110 : i32 to vector<16xi32>
      %max3A_112 = arith.maxsi %sub3A_109, %max3A_111 : vector<16xi32>
      %broadcast_in_dim3A_113 = vector.shape_cast %max3A_112 : vector<16xi32> to vector<16x1xi32>
      %gather3A_114 = vector.shape_cast %broadcast_in_dim3A_113 : vector<16x1xi32> to vector<16xi32>
      %gather3A_115 = tpu.dynamic_gather %add3A_106[%gather3A_114] in [0] : vector<16xi32>, vector<16xi32> -> vector<16xi32>
      %ge3A_116 = arith.constant 4 : i32
      %ge3A_117 = vector.broadcast %ge3A_116 : i32 to vector<16xi32>
      %ge3A_118 = arith.cmpi sge, %iota3A_77, %ge3A_117 : vector<16xi32>
      %jit3A_119 = arith.constant 0 : i32
      %broadcast_in_dim3A_120 = vector.broadcast %jit3A_119 : i32 to vector<16xi32>
      %select_n3A_121 = arith.select %ge3A_118, %gather3A_115, %broadcast_in_dim3A_120 : vector<16xi1>, vector<16xi32>
      %add3A_122 = arith.addi %add3A_106, %select_n3A_121 : vector<16xi32>
      %sub3A_123 = arith.constant 8 : i32
      %sub3A_124 = vector.broadcast %sub3A_123 : i32 to vector<16xi32>
      %sub3A_125 = arith.subi %iota3A_77, %sub3A_124 : vector<16xi32>
      %max3A_126 = arith.constant 0 : i32
      %max3A_127 = vector.broadcast %max3A_126 : i32 to vector<16xi32>
      %max3A_128 = arith.maxsi %sub3A_125, %max3A_127 : vector<16xi32>
      %broadcast_in_dim3A_129 = vector.shape_cast %max3A_128 : vector<16xi32> to vector<16x1xi32>
      %gather3A_130 = vector.shape_cast %broadcast_in_dim3A_129 : vector<16x1xi32> to vector<16xi32>
      %gather3A_131 = tpu.dynamic_gather %add3A_122[%gather3A_130] in [0] : vector<16xi32>, vector<16xi32> -> vector<16xi32>
      %ge3A_132 = arith.constant 8 : i32
      %ge3A_133 = vector.broadcast %ge3A_132 : i32 to vector<16xi32>
      %ge3A_134 = arith.cmpi sge, %iota3A_77, %ge3A_133 : vector<16xi32>
      %jit3A_135 = arith.constant 0 : i32
      %broadcast_in_dim3A_136 = vector.broadcast %jit3A_135 : i32 to vector<16xi32>
      %select_n3A_137 = arith.select %ge3A_134, %gather3A_131, %broadcast_in_dim3A_136 : vector<16xi1>, vector<16xi32>
      %add3A_138 = arith.addi %add3A_122, %select_n3A_137 : vector<16xi32>
      %add3A_139 = arith.addi %scan3A_42, %add3A_138 : vector<16xi32>
      %sub3A_140 = arith.subi %add3A_139, %select_n3A_76 : vector<16xi32>
      %jit3A_141 = arith.constant 16384 : i32
      %broadcast_in_dim3A_142 = vector.broadcast %jit3A_141 : i32 to vector<16xi32>
      %select_n3A_143 = arith.select %eq3A_66, %sub3A_140, %broadcast_in_dim3A_142 : vector<16xi1>, vector<16xi32>
      tpu.vector_store_idx %arg8[%select_n3A_143], %add3A_71 : memref<16392xi32, #tpu.memory_space<vmem>>[vector<16xi32>], vector<16xi32>,
      %broadcast_in_dim3A_144 = arith.constant 15 : i32
      %broadcast_in_dim3A_145 = vector.broadcast %broadcast_in_dim3A_144 : i32 to vector<16xi32>
      %broadcast_in_dim3A_146 = vector.shape_cast %broadcast_in_dim3A_145 : vector<16xi32> to vector<16x1xi32>
      %gather3A_147 = vector.shape_cast %broadcast_in_dim3A_146 : vector<16x1xi32> to vector<16xi32>
      %gather3A_148 = tpu.dynamic_gather %add3A_138[%gather3A_147] in [0] : vector<16xi32>, vector<16xi32> -> vector<16xi32>
      %add3A_149 = arith.addi %scan3A_42, %gather3A_148 : vector<16xi32>
      scf.yield %add3A_149 : vector<16xi32>
    }
    %scan3A_39 = arith.constant 1024 : i32
    %swap3A = arith.constant 0 : index
    %swap3A_40 = tpu.vector_load %arg9[%swap3A] {strides = array<i32>} : memref<16xi32, #tpu.memory_space<vmem>>, vector<16xi32>,
    tpu.vector_store %arg9[%swap3A], %scan3A_38 {strides = array<i32>} : memref<16xi32, #tpu.memory_space<vmem>>, vector<16xi32>,
    "tpu.region"() ({
      %run_scoped3A = tpu.sem_alloc : memref<!tpu.dma_semaphore, #tpu.memory_space<semaphore_mem>>
      %dma_start3A = arith.constant 0 : i32
      %dma_start3A_41 = tpu.memref_slice %arg8[%dma_start3A] : memref<16392xi32, #tpu.memory_space<vmem>> -> memref<16384xi32, #tpu.memory_space<vmem>>
      %dma_start3A_42 = arith.constant 0 : i32
      %dma_start3A_43 = tpu.memref_slice %arg4[%add3A, %dma_start3A_42] : memref<32x16384xi32, #tpu.memory_space<hbm>> -> memref<1x16384xi32, #tpu.memory_space<hbm>>
      %dma_start3A_44 = tpu.memref_squeeze %dma_start3A_43 : memref<1x16384xi32, #tpu.memory_space<hbm>> -> memref<16384xi32, #tpu.memory_space<hbm>>
      %dma_start3A_45 = arith.constant 0 : i32
      %dma_start3A_46 = tpu.memref_slice %arg4[%add3A, %dma_start3A_45] : memref<32x16384xi32, #tpu.memory_space<hbm>> -> memref<1x16384xi32, #tpu.memory_space<hbm>>
      %dma_start3A_47 = tpu.memref_squeeze %dma_start3A_46 : memref<1x16384xi32, #tpu.memory_space<hbm>> -> memref<16384xi32, #tpu.memory_space<hbm>>
      %dma_start3A_48 = arith.constant 0 : i32
      %dma_start3A_49 = tpu.memref_slice %arg8[%dma_start3A_48] : memref<16392xi32, #tpu.memory_space<vmem>> -> memref<16384xi32, #tpu.memory_space<vmem>>
      tpu.enqueue_dma source(%dma_start3A_49 : memref<16384xi32, #tpu.memory_space<vmem>>) target(%dma_start3A_47 : memref<16384xi32, #tpu.memory_space<hbm>>) target_semaphore(%run_scoped3A : memref<!tpu.dma_semaphore, #tpu.memory_space<semaphore_mem>>)
      %dma_wait3A = arith.constant 0 : i32
      %dma_wait3A_50 = tpu.memref_slice %arg8[%dma_wait3A] : memref<16392xi32, #tpu.memory_space<vmem>> -> memref<16384xi32, #tpu.memory_space<vmem>>
      %dma_wait3A_51 = arith.constant 0 : i32
      %dma_wait3A_52 = tpu.memref_slice %arg4[%add3A, %dma_wait3A_51] : memref<32x16384xi32, #tpu.memory_space<hbm>> -> memref<1x16384xi32, #tpu.memory_space<hbm>>
      %dma_wait3A_53 = tpu.memref_squeeze %dma_wait3A_52 : memref<1x16384xi32, #tpu.memory_space<hbm>> -> memref<16384xi32, #tpu.memory_space<hbm>>
      %dma_wait3A_54 = arith.constant 0 : i32
      %dma_wait3A_55 = tpu.memref_slice %arg4[%add3A, %dma_wait3A_54] : memref<32x16384xi32, #tpu.memory_space<hbm>> -> memref<1x16384xi32, #tpu.memory_space<hbm>>
      %dma_wait3A_56 = tpu.memref_squeeze %dma_wait3A_55 : memref<1x16384xi32, #tpu.memory_space<hbm>> -> memref<16384xi32, #tpu.memory_space<hbm>>
      %dma_wait3A_57 = arith.constant 0 : i32
      %dma_wait3A_58 = tpu.memref_slice %arg8[%dma_wait3A_57] : memref<16392xi32, #tpu.memory_space<vmem>> -> memref<16384xi32, #tpu.memory_space<vmem>>
      tpu.wait_dma2 semaphore(%run_scoped3A : memref<!tpu.dma_semaphore, #tpu.memory_space<semaphore_mem>>) src(%dma_wait3A_58 : memref<16384xi32, #tpu.memory_space<vmem>>) dst(%dma_wait3A_56 : memref<16384xi32, #tpu.memory_space<hbm>>)
      tpu.yield
    }) : () -> ()
    "tpu.region"() ({
      %run_scoped3A = tpu.sem_alloc : memref<!tpu.dma_semaphore, #tpu.memory_space<semaphore_mem>>
      %dma_start3A = arith.constant 0 : i32
      %dma_start3A_41 = tpu.memref_slice %arg5[%add3A, %dma_start3A] : memref<32x16xi32, #tpu.memory_space<hbm>> -> memref<1x16xi32, #tpu.memory_space<hbm>>
      %dma_start3A_42 = tpu.memref_squeeze %dma_start3A_41 : memref<1x16xi32, #tpu.memory_space<hbm>> -> memref<16xi32, #tpu.memory_space<hbm>>
      %dma_start3A_43 = arith.constant 0 : i32
      %dma_start3A_44 = tpu.memref_slice %arg5[%add3A, %dma_start3A_43] : memref<32x16xi32, #tpu.memory_space<hbm>> -> memref<1x16xi32, #tpu.memory_space<hbm>>
      %dma_start3A_45 = tpu.memref_squeeze %dma_start3A_44 : memref<1x16xi32, #tpu.memory_space<hbm>> -> memref<16xi32, #tpu.memory_space<hbm>>
      tpu.enqueue_dma source(%arg9 : memref<16xi32, #tpu.memory_space<vmem>>) target(%dma_start3A_45 : memref<16xi32, #tpu.memory_space<hbm>>) target_semaphore(%run_scoped3A : memref<!tpu.dma_semaphore, #tpu.memory_space<semaphore_mem>>)
      %dma_wait3A = arith.constant 0 : i32
      %dma_wait3A_46 = tpu.memref_slice %arg5[%add3A, %dma_wait3A] : memref<32x16xi32, #tpu.memory_space<hbm>> -> memref<1x16xi32, #tpu.memory_space<hbm>>
      %dma_wait3A_47 = tpu.memref_squeeze %dma_wait3A_46 : memref<1x16xi32, #tpu.memory_space<hbm>> -> memref<16xi32, #tpu.memory_space<hbm>>
      %dma_wait3A_48 = arith.constant 0 : i32
      %dma_wait3A_49 = tpu.memref_slice %arg5[%add3A, %dma_wait3A_48] : memref<32x16xi32, #tpu.memory_space<hbm>> -> memref<1x16xi32, #tpu.memory_space<hbm>>
      %dma_wait3A_50 = tpu.memref_squeeze %dma_wait3A_49 : memref<1x16xi32, #tpu.memory_space<hbm>> -> memref<16xi32, #tpu.memory_space<hbm>>
      tpu.wait_dma2 semaphore(%run_scoped3A : memref<!tpu.dma_semaphore, #tpu.memory_space<semaphore_mem>>) src(%arg9 : memref<16xi32, #tpu.memory_space<vmem>>) dst(%dma_wait3A_50 : memref<16xi32, #tpu.memory_space<hbm>>)
      tpu.yield
    }) : () -> ()
    return
  }
}

#map = affine_map<(d0, d1) -> (0, 0, 0)>
#map1 = affine_map<(d0, d1) -> (0, 0)>
module attributes {stable_mosaic.version = 14 : i64} {
  func.func @_sc_scatter(%arg0: i32, %arg1: i32, %arg2: memref<32x9x128xi32, #tpu.memory_space<hbm>>, %arg3: memref<36864x256xf32, #tpu.memory_space<hbm>>, %arg4: memref<32776x256xf32, #tpu.memory_space<hbm>>, %arg5: memref<9x128xi32, #tpu.memory_space<vmem>>, %arg6: memref<128x256xf32, #tpu.memory_space<vmem>>, %arg7: memref<128x256xf32, #tpu.memory_space<vmem>>, %arg8: memref<!tpu.dma_semaphore, #tpu.memory_space<semaphore_mem>>, %arg9: memref<!tpu.dma_semaphore, #tpu.memory_space<semaphore_mem>>, %arg10: memref<!tpu.dma_semaphore, #tpu.memory_space<semaphore_mem>>, %arg11: memref<!tpu.dma_semaphore, #tpu.memory_space<semaphore_mem>>) attributes {dimension_semantics = [#tpu.dimension_semantics<core_parallel>, #tpu.dimension_semantics<subcore_parallel>], iteration_bounds = array<i64: 2, 16>, scalar_prefetch = 0 : i64, scratch_operands = 7 : i64, tpu.core_type = #tpu.core_type<sc_vector_subcore>, window_params = [{transform_indices = #map}, {transform_indices = #map1}, {transform_indices = #map1}]} {
    %mul3A = arith.constant 2 : i32
    %mul3A_0 = arith.muli %arg1, %mul3A : i32
    %add3A = arith.addi %mul3A_0, %arg0 : i32
    "tpu.region"() ({
      %run_scoped3A = tpu.sem_alloc : memref<!tpu.dma_semaphore, #tpu.memory_space<semaphore_mem>>
      %dma_start3A_233 = arith.constant 0 : i32
      %dma_start3A_234 = arith.constant 0 : i32
      %dma_start3A_235 = tpu.memref_slice %arg2[%add3A, %dma_start3A_233, %dma_start3A_234] : memref<32x9x128xi32, #tpu.memory_space<hbm>> -> memref<1x9x128xi32, #tpu.memory_space<hbm>>
      %dma_start3A_236 = tpu.memref_squeeze %dma_start3A_235 : memref<1x9x128xi32, #tpu.memory_space<hbm>> -> memref<9x128xi32, #tpu.memory_space<hbm>>
      %dma_start3A_237 = arith.constant 0 : i32
      %dma_start3A_238 = arith.constant 0 : i32
      %dma_start3A_239 = tpu.memref_slice %arg2[%add3A, %dma_start3A_237, %dma_start3A_238] : memref<32x9x128xi32, #tpu.memory_space<hbm>> -> memref<1x9x128xi32, #tpu.memory_space<hbm>>
      %dma_start3A_240 = tpu.memref_squeeze %dma_start3A_239 : memref<1x9x128xi32, #tpu.memory_space<hbm>> -> memref<9x128xi32, #tpu.memory_space<hbm>>
      tpu.enqueue_dma source(%dma_start3A_240 : memref<9x128xi32, #tpu.memory_space<hbm>>) target(%arg5 : memref<9x128xi32, #tpu.memory_space<vmem>>) target_semaphore(%run_scoped3A : memref<!tpu.dma_semaphore, #tpu.memory_space<semaphore_mem>>)
      %dma_wait3A_241 = arith.constant 0 : i32
      %dma_wait3A_242 = arith.constant 0 : i32
      %dma_wait3A_243 = tpu.memref_slice %arg2[%add3A, %dma_wait3A_241, %dma_wait3A_242] : memref<32x9x128xi32, #tpu.memory_space<hbm>> -> memref<1x9x128xi32, #tpu.memory_space<hbm>>
      %dma_wait3A_244 = tpu.memref_squeeze %dma_wait3A_243 : memref<1x9x128xi32, #tpu.memory_space<hbm>> -> memref<9x128xi32, #tpu.memory_space<hbm>>
      %dma_wait3A_245 = arith.constant 0 : i32
      %dma_wait3A_246 = arith.constant 0 : i32
      %dma_wait3A_247 = tpu.memref_slice %arg2[%add3A, %dma_wait3A_245, %dma_wait3A_246] : memref<32x9x128xi32, #tpu.memory_space<hbm>> -> memref<1x9x128xi32, #tpu.memory_space<hbm>>
      %dma_wait3A_248 = tpu.memref_squeeze %dma_wait3A_247 : memref<1x9x128xi32, #tpu.memory_space<hbm>> -> memref<9x128xi32, #tpu.memory_space<hbm>>
      tpu.wait_dma2 semaphore(%run_scoped3A : memref<!tpu.dma_semaphore, #tpu.memory_space<semaphore_mem>>) src(%dma_wait3A_248 : memref<9x128xi32, #tpu.memory_space<hbm>>) dst(%arg5 : memref<9x128xi32, #tpu.memory_space<vmem>>)
      tpu.yield
    }) : () -> ()
    %mul3A_1 = arith.constant 1152 : i32
    %mul3A_2 = arith.muli %add3A, %mul3A_1 : i32
    %add3A_3 = arith.constant 0 : i32
    %add3A_4 = arith.addi %mul3A_2, %add3A_3 : i32
    %dma_start3A = arith.constant 0 : i32
    %dma_start3A_5 = tpu.memref_slice %arg3[%add3A_4, %dma_start3A] : memref<36864x256xf32, #tpu.memory_space<hbm>> -> memref<128x256xf32, #tpu.memory_space<hbm>>
    %dma_start3A_6 = arith.constant 0 : i32
    %dma_start3A_7 = tpu.memref_slice %arg3[%add3A_4, %dma_start3A_6] : memref<36864x256xf32, #tpu.memory_space<hbm>> -> memref<128x256xf32, #tpu.memory_space<hbm>>
    tpu.enqueue_dma source(%dma_start3A_7 : memref<128x256xf32, #tpu.memory_space<hbm>>) target(%arg6 : memref<128x256xf32, #tpu.memory_space<vmem>>) target_semaphore(%arg8 : memref<!tpu.dma_semaphore, #tpu.memory_space<semaphore_mem>>)
    %mul3A_8 = arith.constant 1152 : i32
    %mul3A_9 = arith.muli %add3A, %mul3A_8 : i32
    %add3A_10 = arith.constant 128 : i32
    %add3A_11 = arith.addi %mul3A_9, %add3A_10 : i32
    %dma_start3A_12 = arith.constant 0 : i32
    %dma_start3A_13 = tpu.memref_slice %arg3[%add3A_11, %dma_start3A_12] : memref<36864x256xf32, #tpu.memory_space<hbm>> -> memref<128x256xf32, #tpu.memory_space<hbm>>
    %dma_start3A_14 = arith.constant 0 : i32
    %dma_start3A_15 = tpu.memref_slice %arg3[%add3A_11, %dma_start3A_14] : memref<36864x256xf32, #tpu.memory_space<hbm>> -> memref<128x256xf32, #tpu.memory_space<hbm>>
    tpu.enqueue_dma source(%dma_start3A_15 : memref<128x256xf32, #tpu.memory_space<hbm>>) target(%arg7 : memref<128x256xf32, #tpu.memory_space<vmem>>) target_semaphore(%arg9 : memref<!tpu.dma_semaphore, #tpu.memory_space<semaphore_mem>>)
    %dma_wait3A = arith.constant 0 : i32
    %dma_wait3A_16 = tpu.memref_slice %arg3[%add3A_4, %dma_wait3A] : memref<36864x256xf32, #tpu.memory_space<hbm>> -> memref<128x256xf32, #tpu.memory_space<hbm>>
    %dma_wait3A_17 = arith.constant 0 : i32
    %dma_wait3A_18 = tpu.memref_slice %arg3[%add3A_4, %dma_wait3A_17] : memref<36864x256xf32, #tpu.memory_space<hbm>> -> memref<128x256xf32, #tpu.memory_space<hbm>>
    tpu.wait_dma2 semaphore(%arg8 : memref<!tpu.dma_semaphore, #tpu.memory_space<semaphore_mem>>) src(%dma_wait3A_18 : memref<128x256xf32, #tpu.memory_space<hbm>>) dst(%arg6 : memref<128x256xf32, #tpu.memory_space<vmem>>)
    %dma_start3A_19 = arith.constant 0 : i32
    %dma_start3A_20 = arith.constant 0 : i32
    %dma_start3A_21 = tpu.memref_slice %arg5[%dma_start3A_19, %dma_start3A_20] : memref<9x128xi32, #tpu.memory_space<vmem>> -> memref<1x128xi32, #tpu.memory_space<vmem>>
    %dma_start3A_22 = tpu.memref_squeeze %dma_start3A_21 : memref<1x128xi32, #tpu.memory_space<vmem>> -> memref<128xi32, #tpu.memory_space<vmem>>
    %dma_start3A_23 = arith.constant 0 : i32
    %dma_start3A_24 = arith.constant 0 : i32
    %dma_start3A_25 = tpu.memref_slice %arg4[%dma_start3A_23, %dma_start3A_24] : memref<32776x256xf32, #tpu.memory_space<hbm>> -> memref<32776x256xf32, #tpu.memory_space<hbm>>
    tpu.enqueue_indirect_dma source(%arg6 : memref<128x256xf32, #tpu.memory_space<vmem>>) target(%dma_start3A_25 : memref<32776x256xf32, #tpu.memory_space<hbm>>) offsets(%dma_start3A_22 : memref<128xi32, #tpu.memory_space<vmem>>) semaphore(%arg10 : memref<!tpu.dma_semaphore, #tpu.memory_space<semaphore_mem>>)
    %dma_wait3A_26 = arith.constant 0 : i32
    %dma_wait3A_27 = arith.constant 0 : i32
    %dma_wait3A_28 = tpu.memref_slice %arg5[%dma_wait3A_26, %dma_wait3A_27] : memref<9x128xi32, #tpu.memory_space<vmem>> -> memref<1x128xi32, #tpu.memory_space<vmem>>
    %dma_wait3A_29 = tpu.memref_squeeze %dma_wait3A_28 : memref<1x128xi32, #tpu.memory_space<vmem>> -> memref<128xi32, #tpu.memory_space<vmem>>
    %dma_wait3A_30 = arith.constant 0 : i32
    %dma_wait3A_31 = arith.constant 0 : i32
    %dma_wait3A_32 = tpu.memref_slice %arg4[%dma_wait3A_30, %dma_wait3A_31] : memref<32776x256xf32, #tpu.memory_space<hbm>> -> memref<32776x256xf32, #tpu.memory_space<hbm>>
    tpu.wait_indirect_dma semaphore(%arg10 : memref<!tpu.dma_semaphore, #tpu.memory_space<semaphore_mem>>) src(%arg6 : memref<128x256xf32, #tpu.memory_space<vmem>>) dst(%dma_wait3A_32 : memref<32776x256xf32, #tpu.memory_space<hbm>>)
    %mul3A_33 = arith.constant 1152 : i32
    %mul3A_34 = arith.muli %add3A, %mul3A_33 : i32
    %add3A_35 = arith.constant 256 : i32
    %add3A_36 = arith.addi %mul3A_34, %add3A_35 : i32
    %dma_start3A_37 = arith.constant 0 : i32
    %dma_start3A_38 = tpu.memref_slice %arg3[%add3A_36, %dma_start3A_37] : memref<36864x256xf32, #tpu.memory_space<hbm>> -> memref<128x256xf32, #tpu.memory_space<hbm>>
    %dma_start3A_39 = arith.constant 0 : i32
    %dma_start3A_40 = tpu.memref_slice %arg3[%add3A_36, %dma_start3A_39] : memref<36864x256xf32, #tpu.memory_space<hbm>> -> memref<128x256xf32, #tpu.memory_space<hbm>>
    tpu.enqueue_dma source(%dma_start3A_40 : memref<128x256xf32, #tpu.memory_space<hbm>>) target(%arg6 : memref<128x256xf32, #tpu.memory_space<vmem>>) target_semaphore(%arg8 : memref<!tpu.dma_semaphore, #tpu.memory_space<semaphore_mem>>)
    %dma_wait3A_41 = arith.constant 0 : i32
    %dma_wait3A_42 = tpu.memref_slice %arg3[%add3A_11, %dma_wait3A_41] : memref<36864x256xf32, #tpu.memory_space<hbm>> -> memref<128x256xf32, #tpu.memory_space<hbm>>
    %dma_wait3A_43 = arith.constant 0 : i32
    %dma_wait3A_44 = tpu.memref_slice %arg3[%add3A_11, %dma_wait3A_43] : memref<36864x256xf32, #tpu.memory_space<hbm>> -> memref<128x256xf32, #tpu.memory_space<hbm>>
    tpu.wait_dma2 semaphore(%arg9 : memref<!tpu.dma_semaphore, #tpu.memory_space<semaphore_mem>>) src(%dma_wait3A_44 : memref<128x256xf32, #tpu.memory_space<hbm>>) dst(%arg7 : memref<128x256xf32, #tpu.memory_space<vmem>>)
    %dma_start3A_45 = arith.constant 1 : i32
    %dma_start3A_46 = arith.constant 0 : i32
    %dma_start3A_47 = tpu.memref_slice %arg5[%dma_start3A_45, %dma_start3A_46] : memref<9x128xi32, #tpu.memory_space<vmem>> -> memref<1x128xi32, #tpu.memory_space<vmem>>
    %dma_start3A_48 = tpu.memref_squeeze %dma_start3A_47 : memref<1x128xi32, #tpu.memory_space<vmem>> -> memref<128xi32, #tpu.memory_space<vmem>>
    %dma_start3A_49 = arith.constant 0 : i32
    %dma_start3A_50 = arith.constant 0 : i32
    %dma_start3A_51 = tpu.memref_slice %arg4[%dma_start3A_49, %dma_start3A_50] : memref<32776x256xf32, #tpu.memory_space<hbm>> -> memref<32776x256xf32, #tpu.memory_space<hbm>>
    tpu.enqueue_indirect_dma source(%arg7 : memref<128x256xf32, #tpu.memory_space<vmem>>) target(%dma_start3A_51 : memref<32776x256xf32, #tpu.memory_space<hbm>>) offsets(%dma_start3A_48 : memref<128xi32, #tpu.memory_space<vmem>>) semaphore(%arg11 : memref<!tpu.dma_semaphore, #tpu.memory_space<semaphore_mem>>)
    %dma_wait3A_52 = arith.constant 1 : i32
    %dma_wait3A_53 = arith.constant 0 : i32
    %dma_wait3A_54 = tpu.memref_slice %arg5[%dma_wait3A_52, %dma_wait3A_53] : memref<9x128xi32, #tpu.memory_space<vmem>> -> memref<1x128xi32, #tpu.memory_space<vmem>>
    %dma_wait3A_55 = tpu.memref_squeeze %dma_wait3A_54 : memref<1x128xi32, #tpu.memory_space<vmem>> -> memref<128xi32, #tpu.memory_space<vmem>>
    %dma_wait3A_56 = arith.constant 0 : i32
    %dma_wait3A_57 = arith.constant 0 : i32
    %dma_wait3A_58 = tpu.memref_slice %arg4[%dma_wait3A_56, %dma_wait3A_57] : memref<32776x256xf32, #tpu.memory_space<hbm>> -> memref<32776x256xf32, #tpu.memory_space<hbm>>
    tpu.wait_indirect_dma semaphore(%arg11 : memref<!tpu.dma_semaphore, #tpu.memory_space<semaphore_mem>>) src(%arg7 : memref<128x256xf32, #tpu.memory_space<vmem>>) dst(%dma_wait3A_58 : memref<32776x256xf32, #tpu.memory_space<hbm>>)
    %mul3A_59 = arith.constant 1152 : i32
    %mul3A_60 = arith.muli %add3A, %mul3A_59 : i32
    %add3A_61 = arith.constant 384 : i32
    %add3A_62 = arith.addi %mul3A_60, %add3A_61 : i32
    %dma_start3A_63 = arith.constant 0 : i32
    %dma_start3A_64 = tpu.memref_slice %arg3[%add3A_62, %dma_start3A_63] : memref<36864x256xf32, #tpu.memory_space<hbm>> -> memref<128x256xf32, #tpu.memory_space<hbm>>
    %dma_start3A_65 = arith.constant 0 : i32
    %dma_start3A_66 = tpu.memref_slice %arg3[%add3A_62, %dma_start3A_65] : memref<36864x256xf32, #tpu.memory_space<hbm>> -> memref<128x256xf32, #tpu.memory_space<hbm>>
    tpu.enqueue_dma source(%dma_start3A_66 : memref<128x256xf32, #tpu.memory_space<hbm>>) target(%arg7 : memref<128x256xf32, #tpu.memory_space<vmem>>) target_semaphore(%arg9 : memref<!tpu.dma_semaphore, #tpu.memory_space<semaphore_mem>>)
    %dma_wait3A_67 = arith.constant 0 : i32
    %dma_wait3A_68 = tpu.memref_slice %arg3[%add3A_36, %dma_wait3A_67] : memref<36864x256xf32, #tpu.memory_space<hbm>> -> memref<128x256xf32, #tpu.memory_space<hbm>>
    %dma_wait3A_69 = arith.constant 0 : i32
    %dma_wait3A_70 = tpu.memref_slice %arg3[%add3A_36, %dma_wait3A_69] : memref<36864x256xf32, #tpu.memory_space<hbm>> -> memref<128x256xf32, #tpu.memory_space<hbm>>
    tpu.wait_dma2 semaphore(%arg8 : memref<!tpu.dma_semaphore, #tpu.memory_space<semaphore_mem>>) src(%dma_wait3A_70 : memref<128x256xf32, #tpu.memory_space<hbm>>) dst(%arg6 : memref<128x256xf32, #tpu.memory_space<vmem>>)
    %dma_start3A_71 = arith.constant 2 : i32
    %dma_start3A_72 = arith.constant 0 : i32
    %dma_start3A_73 = tpu.memref_slice %arg5[%dma_start3A_71, %dma_start3A_72] : memref<9x128xi32, #tpu.memory_space<vmem>> -> memref<1x128xi32, #tpu.memory_space<vmem>>
    %dma_start3A_74 = tpu.memref_squeeze %dma_start3A_73 : memref<1x128xi32, #tpu.memory_space<vmem>> -> memref<128xi32, #tpu.memory_space<vmem>>
    %dma_start3A_75 = arith.constant 0 : i32
    %dma_start3A_76 = arith.constant 0 : i32
    %dma_start3A_77 = tpu.memref_slice %arg4[%dma_start3A_75, %dma_start3A_76] : memref<32776x256xf32, #tpu.memory_space<hbm>> -> memref<32776x256xf32, #tpu.memory_space<hbm>>
    tpu.enqueue_indirect_dma source(%arg6 : memref<128x256xf32, #tpu.memory_space<vmem>>) target(%dma_start3A_77 : memref<32776x256xf32, #tpu.memory_space<hbm>>) offsets(%dma_start3A_74 : memref<128xi32, #tpu.memory_space<vmem>>) semaphore(%arg10 : memref<!tpu.dma_semaphore, #tpu.memory_space<semaphore_mem>>)
    %dma_wait3A_78 = arith.constant 2 : i32
    %dma_wait3A_79 = arith.constant 0 : i32
    %dma_wait3A_80 = tpu.memref_slice %arg5[%dma_wait3A_78, %dma_wait3A_79] : memref<9x128xi32, #tpu.memory_space<vmem>> -> memref<1x128xi32, #tpu.memory_space<vmem>>
    %dma_wait3A_81 = tpu.memref_squeeze %dma_wait3A_80 : memref<1x128xi32, #tpu.memory_space<vmem>> -> memref<128xi32, #tpu.memory_space<vmem>>
    %dma_wait3A_82 = arith.constant 0 : i32
    %dma_wait3A_83 = arith.constant 0 : i32
    %dma_wait3A_84 = tpu.memref_slice %arg4[%dma_wait3A_82, %dma_wait3A_83] : memref<32776x256xf32, #tpu.memory_space<hbm>> -> memref<32776x256xf32, #tpu.memory_space<hbm>>
    tpu.wait_indirect_dma semaphore(%arg10 : memref<!tpu.dma_semaphore, #tpu.memory_space<semaphore_mem>>) src(%arg6 : memref<128x256xf32, #tpu.memory_space<vmem>>) dst(%dma_wait3A_84 : memref<32776x256xf32, #tpu.memory_space<hbm>>)
    %mul3A_85 = arith.constant 1152 : i32
    %mul3A_86 = arith.muli %add3A, %mul3A_85 : i32
    %add3A_87 = arith.constant 512 : i32
    %add3A_88 = arith.addi %mul3A_86, %add3A_87 : i32
    %dma_start3A_89 = arith.constant 0 : i32
    %dma_start3A_90 = tpu.memref_slice %arg3[%add3A_88, %dma_start3A_89] : memref<36864x256xf32, #tpu.memory_space<hbm>> -> memref<128x256xf32, #tpu.memory_space<hbm>>
    %dma_start3A_91 = arith.constant 0 : i32
    %dma_start3A_92 = tpu.memref_slice %arg3[%add3A_88, %dma_start3A_91] : memref<36864x256xf32, #tpu.memory_space<hbm>> -> memref<128x256xf32, #tpu.memory_space<hbm>>
    tpu.enqueue_dma source(%dma_start3A_92 : memref<128x256xf32, #tpu.memory_space<hbm>>) target(%arg6 : memref<128x256xf32, #tpu.memory_space<vmem>>) target_semaphore(%arg8 : memref<!tpu.dma_semaphore, #tpu.memory_space<semaphore_mem>>)
    %dma_wait3A_93 = arith.constant 0 : i32
    %dma_wait3A_94 = tpu.memref_slice %arg3[%add3A_62, %dma_wait3A_93] : memref<36864x256xf32, #tpu.memory_space<hbm>> -> memref<128x256xf32, #tpu.memory_space<hbm>>
    %dma_wait3A_95 = arith.constant 0 : i32
    %dma_wait3A_96 = tpu.memref_slice %arg3[%add3A_62, %dma_wait3A_95] : memref<36864x256xf32, #tpu.memory_space<hbm>> -> memref<128x256xf32, #tpu.memory_space<hbm>>
    tpu.wait_dma2 semaphore(%arg9 : memref<!tpu.dma_semaphore, #tpu.memory_space<semaphore_mem>>) src(%dma_wait3A_96 : memref<128x256xf32, #tpu.memory_space<hbm>>) dst(%arg7 : memref<128x256xf32, #tpu.memory_space<vmem>>)
    %dma_start3A_97 = arith.constant 3 : i32
    %dma_start3A_98 = arith.constant 0 : i32
    %dma_start3A_99 = tpu.memref_slice %arg5[%dma_start3A_97, %dma_start3A_98] : memref<9x128xi32, #tpu.memory_space<vmem>> -> memref<1x128xi32, #tpu.memory_space<vmem>>
    %dma_start3A_100 = tpu.memref_squeeze %dma_start3A_99 : memref<1x128xi32, #tpu.memory_space<vmem>> -> memref<128xi32, #tpu.memory_space<vmem>>
    %dma_start3A_101 = arith.constant 0 : i32
    %dma_start3A_102 = arith.constant 0 : i32
    %dma_start3A_103 = tpu.memref_slice %arg4[%dma_start3A_101, %dma_start3A_102] : memref<32776x256xf32, #tpu.memory_space<hbm>> -> memref<32776x256xf32, #tpu.memory_space<hbm>>
    tpu.enqueue_indirect_dma source(%arg7 : memref<128x256xf32, #tpu.memory_space<vmem>>) target(%dma_start3A_103 : memref<32776x256xf32, #tpu.memory_space<hbm>>) offsets(%dma_start3A_100 : memref<128xi32, #tpu.memory_space<vmem>>) semaphore(%arg11 : memref<!tpu.dma_semaphore, #tpu.memory_space<semaphore_mem>>)
    %dma_wait3A_104 = arith.constant 3 : i32
    %dma_wait3A_105 = arith.constant 0 : i32
    %dma_wait3A_106 = tpu.memref_slice %arg5[%dma_wait3A_104, %dma_wait3A_105] : memref<9x128xi32, #tpu.memory_space<vmem>> -> memref<1x128xi32, #tpu.memory_space<vmem>>
    %dma_wait3A_107 = tpu.memref_squeeze %dma_wait3A_106 : memref<1x128xi32, #tpu.memory_space<vmem>> -> memref<128xi32, #tpu.memory_space<vmem>>
    %dma_wait3A_108 = arith.constant 0 : i32
    %dma_wait3A_109 = arith.constant 0 : i32
    %dma_wait3A_110 = tpu.memref_slice %arg4[%dma_wait3A_108, %dma_wait3A_109] : memref<32776x256xf32, #tpu.memory_space<hbm>> -> memref<32776x256xf32, #tpu.memory_space<hbm>>
    tpu.wait_indirect_dma semaphore(%arg11 : memref<!tpu.dma_semaphore, #tpu.memory_space<semaphore_mem>>) src(%arg7 : memref<128x256xf32, #tpu.memory_space<vmem>>) dst(%dma_wait3A_110 : memref<32776x256xf32, #tpu.memory_space<hbm>>)
    %mul3A_111 = arith.constant 1152 : i32
    %mul3A_112 = arith.muli %add3A, %mul3A_111 : i32
    %add3A_113 = arith.constant 640 : i32
    %add3A_114 = arith.addi %mul3A_112, %add3A_113 : i32
    %dma_start3A_115 = arith.constant 0 : i32
    %dma_start3A_116 = tpu.memref_slice %arg3[%add3A_114, %dma_start3A_115] : memref<36864x256xf32, #tpu.memory_space<hbm>> -> memref<128x256xf32, #tpu.memory_space<hbm>>
    %dma_start3A_117 = arith.constant 0 : i32
    %dma_start3A_118 = tpu.memref_slice %arg3[%add3A_114, %dma_start3A_117] : memref<36864x256xf32, #tpu.memory_space<hbm>> -> memref<128x256xf32, #tpu.memory_space<hbm>>
    tpu.enqueue_dma source(%dma_start3A_118 : memref<128x256xf32, #tpu.memory_space<hbm>>) target(%arg7 : memref<128x256xf32, #tpu.memory_space<vmem>>) target_semaphore(%arg9 : memref<!tpu.dma_semaphore, #tpu.memory_space<semaphore_mem>>)
    %dma_wait3A_119 = arith.constant 0 : i32
    %dma_wait3A_120 = tpu.memref_slice %arg3[%add3A_88, %dma_wait3A_119] : memref<36864x256xf32, #tpu.memory_space<hbm>> -> memref<128x256xf32, #tpu.memory_space<hbm>>
    %dma_wait3A_121 = arith.constant 0 : i32
    %dma_wait3A_122 = tpu.memref_slice %arg3[%add3A_88, %dma_wait3A_121] : memref<36864x256xf32, #tpu.memory_space<hbm>> -> memref<128x256xf32, #tpu.memory_space<hbm>>
    tpu.wait_dma2 semaphore(%arg8 : memref<!tpu.dma_semaphore, #tpu.memory_space<semaphore_mem>>) src(%dma_wait3A_122 : memref<128x256xf32, #tpu.memory_space<hbm>>) dst(%arg6 : memref<128x256xf32, #tpu.memory_space<vmem>>)
    %dma_start3A_123 = arith.constant 4 : i32
    %dma_start3A_124 = arith.constant 0 : i32
    %dma_start3A_125 = tpu.memref_slice %arg5[%dma_start3A_123, %dma_start3A_124] : memref<9x128xi32, #tpu.memory_space<vmem>> -> memref<1x128xi32, #tpu.memory_space<vmem>>
    %dma_start3A_126 = tpu.memref_squeeze %dma_start3A_125 : memref<1x128xi32, #tpu.memory_space<vmem>> -> memref<128xi32, #tpu.memory_space<vmem>>
    %dma_start3A_127 = arith.constant 0 : i32
    %dma_start3A_128 = arith.constant 0 : i32
    %dma_start3A_129 = tpu.memref_slice %arg4[%dma_start3A_127, %dma_start3A_128] : memref<32776x256xf32, #tpu.memory_space<hbm>> -> memref<32776x256xf32, #tpu.memory_space<hbm>>
    tpu.enqueue_indirect_dma source(%arg6 : memref<128x256xf32, #tpu.memory_space<vmem>>) target(%dma_start3A_129 : memref<32776x256xf32, #tpu.memory_space<hbm>>) offsets(%dma_start3A_126 : memref<128xi32, #tpu.memory_space<vmem>>) semaphore(%arg10 : memref<!tpu.dma_semaphore, #tpu.memory_space<semaphore_mem>>)
    %dma_wait3A_130 = arith.constant 4 : i32
    %dma_wait3A_131 = arith.constant 0 : i32
    %dma_wait3A_132 = tpu.memref_slice %arg5[%dma_wait3A_130, %dma_wait3A_131] : memref<9x128xi32, #tpu.memory_space<vmem>> -> memref<1x128xi32, #tpu.memory_space<vmem>>
    %dma_wait3A_133 = tpu.memref_squeeze %dma_wait3A_132 : memref<1x128xi32, #tpu.memory_space<vmem>> -> memref<128xi32, #tpu.memory_space<vmem>>
    %dma_wait3A_134 = arith.constant 0 : i32
    %dma_wait3A_135 = arith.constant 0 : i32
    %dma_wait3A_136 = tpu.memref_slice %arg4[%dma_wait3A_134, %dma_wait3A_135] : memref<32776x256xf32, #tpu.memory_space<hbm>> -> memref<32776x256xf32, #tpu.memory_space<hbm>>
    tpu.wait_indirect_dma semaphore(%arg10 : memref<!tpu.dma_semaphore, #tpu.memory_space<semaphore_mem>>) src(%arg6 : memref<128x256xf32, #tpu.memory_space<vmem>>) dst(%dma_wait3A_136 : memref<32776x256xf32, #tpu.memory_space<hbm>>)
    %mul3A_137 = arith.constant 1152 : i32
    %mul3A_138 = arith.muli %add3A, %mul3A_137 : i32
    %add3A_139 = arith.constant 768 : i32
    %add3A_140 = arith.addi %mul3A_138, %add3A_139 : i32
    %dma_start3A_141 = arith.constant 0 : i32
    %dma_start3A_142 = tpu.memref_slice %arg3[%add3A_140, %dma_start3A_141] : memref<36864x256xf32, #tpu.memory_space<hbm>> -> memref<128x256xf32, #tpu.memory_space<hbm>>
    %dma_start3A_143 = arith.constant 0 : i32
    %dma_start3A_144 = tpu.memref_slice %arg3[%add3A_140, %dma_start3A_143] : memref<36864x256xf32, #tpu.memory_space<hbm>> -> memref<128x256xf32, #tpu.memory_space<hbm>>
    tpu.enqueue_dma source(%dma_start3A_144 : memref<128x256xf32, #tpu.memory_space<hbm>>) target(%arg6 : memref<128x256xf32, #tpu.memory_space<vmem>>) target_semaphore(%arg8 : memref<!tpu.dma_semaphore, #tpu.memory_space<semaphore_mem>>)
    %dma_wait3A_145 = arith.constant 0 : i32
    %dma_wait3A_146 = tpu.memref_slice %arg3[%add3A_114, %dma_wait3A_145] : memref<36864x256xf32, #tpu.memory_space<hbm>> -> memref<128x256xf32, #tpu.memory_space<hbm>>
    %dma_wait3A_147 = arith.constant 0 : i32
    %dma_wait3A_148 = tpu.memref_slice %arg3[%add3A_114, %dma_wait3A_147] : memref<36864x256xf32, #tpu.memory_space<hbm>> -> memref<128x256xf32, #tpu.memory_space<hbm>>
    tpu.wait_dma2 semaphore(%arg9 : memref<!tpu.dma_semaphore, #tpu.memory_space<semaphore_mem>>) src(%dma_wait3A_148 : memref<128x256xf32, #tpu.memory_space<hbm>>) dst(%arg7 : memref<128x256xf32, #tpu.memory_space<vmem>>)
    %dma_start3A_149 = arith.constant 5 : i32
    %dma_start3A_150 = arith.constant 0 : i32
    %dma_start3A_151 = tpu.memref_slice %arg5[%dma_start3A_149, %dma_start3A_150] : memref<9x128xi32, #tpu.memory_space<vmem>> -> memref<1x128xi32, #tpu.memory_space<vmem>>
    %dma_start3A_152 = tpu.memref_squeeze %dma_start3A_151 : memref<1x128xi32, #tpu.memory_space<vmem>> -> memref<128xi32, #tpu.memory_space<vmem>>
    %dma_start3A_153 = arith.constant 0 : i32
    %dma_start3A_154 = arith.constant 0 : i32
    %dma_start3A_155 = tpu.memref_slice %arg4[%dma_start3A_153, %dma_start3A_154] : memref<32776x256xf32, #tpu.memory_space<hbm>> -> memref<32776x256xf32, #tpu.memory_space<hbm>>
    tpu.enqueue_indirect_dma source(%arg7 : memref<128x256xf32, #tpu.memory_space<vmem>>) target(%dma_start3A_155 : memref<32776x256xf32, #tpu.memory_space<hbm>>) offsets(%dma_start3A_152 : memref<128xi32, #tpu.memory_space<vmem>>) semaphore(%arg11 : memref<!tpu.dma_semaphore, #tpu.memory_space<semaphore_mem>>)
    %dma_wait3A_156 = arith.constant 5 : i32
    %dma_wait3A_157 = arith.constant 0 : i32
    %dma_wait3A_158 = tpu.memref_slice %arg5[%dma_wait3A_156, %dma_wait3A_157] : memref<9x128xi32, #tpu.memory_space<vmem>> -> memref<1x128xi32, #tpu.memory_space<vmem>>
    %dma_wait3A_159 = tpu.memref_squeeze %dma_wait3A_158 : memref<1x128xi32, #tpu.memory_space<vmem>> -> memref<128xi32, #tpu.memory_space<vmem>>
    %dma_wait3A_160 = arith.constant 0 : i32
    %dma_wait3A_161 = arith.constant 0 : i32
    %dma_wait3A_162 = tpu.memref_slice %arg4[%dma_wait3A_160, %dma_wait3A_161] : memref<32776x256xf32, #tpu.memory_space<hbm>> -> memref<32776x256xf32, #tpu.memory_space<hbm>>
    tpu.wait_indirect_dma semaphore(%arg11 : memref<!tpu.dma_semaphore, #tpu.memory_space<semaphore_mem>>) src(%arg7 : memref<128x256xf32, #tpu.memory_space<vmem>>) dst(%dma_wait3A_162 : memref<32776x256xf32, #tpu.memory_space<hbm>>)
    %mul3A_163 = arith.constant 1152 : i32
    %mul3A_164 = arith.muli %add3A, %mul3A_163 : i32
    %add3A_165 = arith.constant 896 : i32
    %add3A_166 = arith.addi %mul3A_164, %add3A_165 : i32
    %dma_start3A_167 = arith.constant 0 : i32
    %dma_start3A_168 = tpu.memref_slice %arg3[%add3A_166, %dma_start3A_167] : memref<36864x256xf32, #tpu.memory_space<hbm>> -> memref<128x256xf32, #tpu.memory_space<hbm>>
    %dma_start3A_169 = arith.constant 0 : i32
    %dma_start3A_170 = tpu.memref_slice %arg3[%add3A_166, %dma_start3A_169] : memref<36864x256xf32, #tpu.memory_space<hbm>> -> memref<128x256xf32, #tpu.memory_space<hbm>>
    tpu.enqueue_dma source(%dma_start3A_170 : memref<128x256xf32, #tpu.memory_space<hbm>>) target(%arg7 : memref<128x256xf32, #tpu.memory_space<vmem>>) target_semaphore(%arg9 : memref<!tpu.dma_semaphore, #tpu.memory_space<semaphore_mem>>)
    %dma_wait3A_171 = arith.constant 0 : i32
    %dma_wait3A_172 = tpu.memref_slice %arg3[%add3A_140, %dma_wait3A_171] : memref<36864x256xf32, #tpu.memory_space<hbm>> -> memref<128x256xf32, #tpu.memory_space<hbm>>
    %dma_wait3A_173 = arith.constant 0 : i32
    %dma_wait3A_174 = tpu.memref_slice %arg3[%add3A_140, %dma_wait3A_173] : memref<36864x256xf32, #tpu.memory_space<hbm>> -> memref<128x256xf32, #tpu.memory_space<hbm>>
    tpu.wait_dma2 semaphore(%arg8 : memref<!tpu.dma_semaphore, #tpu.memory_space<semaphore_mem>>) src(%dma_wait3A_174 : memref<128x256xf32, #tpu.memory_space<hbm>>) dst(%arg6 : memref<128x256xf32, #tpu.memory_space<vmem>>)
    %dma_start3A_175 = arith.constant 6 : i32
    %dma_start3A_176 = arith.constant 0 : i32
    %dma_start3A_177 = tpu.memref_slice %arg5[%dma_start3A_175, %dma_start3A_176] : memref<9x128xi32, #tpu.memory_space<vmem>> -> memref<1x128xi32, #tpu.memory_space<vmem>>
    %dma_start3A_178 = tpu.memref_squeeze %dma_start3A_177 : memref<1x128xi32, #tpu.memory_space<vmem>> -> memref<128xi32, #tpu.memory_space<vmem>>
    %dma_start3A_179 = arith.constant 0 : i32
    %dma_start3A_180 = arith.constant 0 : i32
    %dma_start3A_181 = tpu.memref_slice %arg4[%dma_start3A_179, %dma_start3A_180] : memref<32776x256xf32, #tpu.memory_space<hbm>> -> memref<32776x256xf32, #tpu.memory_space<hbm>>
    tpu.enqueue_indirect_dma source(%arg6 : memref<128x256xf32, #tpu.memory_space<vmem>>) target(%dma_start3A_181 : memref<32776x256xf32, #tpu.memory_space<hbm>>) offsets(%dma_start3A_178 : memref<128xi32, #tpu.memory_space<vmem>>) semaphore(%arg10 : memref<!tpu.dma_semaphore, #tpu.memory_space<semaphore_mem>>)
    %dma_wait3A_182 = arith.constant 6 : i32
    %dma_wait3A_183 = arith.constant 0 : i32
    %dma_wait3A_184 = tpu.memref_slice %arg5[%dma_wait3A_182, %dma_wait3A_183] : memref<9x128xi32, #tpu.memory_space<vmem>> -> memref<1x128xi32, #tpu.memory_space<vmem>>
    %dma_wait3A_185 = tpu.memref_squeeze %dma_wait3A_184 : memref<1x128xi32, #tpu.memory_space<vmem>> -> memref<128xi32, #tpu.memory_space<vmem>>
    %dma_wait3A_186 = arith.constant 0 : i32
    %dma_wait3A_187 = arith.constant 0 : i32
    %dma_wait3A_188 = tpu.memref_slice %arg4[%dma_wait3A_186, %dma_wait3A_187] : memref<32776x256xf32, #tpu.memory_space<hbm>> -> memref<32776x256xf32, #tpu.memory_space<hbm>>
    tpu.wait_indirect_dma semaphore(%arg10 : memref<!tpu.dma_semaphore, #tpu.memory_space<semaphore_mem>>) src(%arg6 : memref<128x256xf32, #tpu.memory_space<vmem>>) dst(%dma_wait3A_188 : memref<32776x256xf32, #tpu.memory_space<hbm>>)
    %mul3A_189 = arith.constant 1152 : i32
    %mul3A_190 = arith.muli %add3A, %mul3A_189 : i32
    %add3A_191 = arith.constant 1024 : i32
    %add3A_192 = arith.addi %mul3A_190, %add3A_191 : i32
    %dma_start3A_193 = arith.constant 0 : i32
    %dma_start3A_194 = tpu.memref_slice %arg3[%add3A_192, %dma_start3A_193] : memref<36864x256xf32, #tpu.memory_space<hbm>> -> memref<128x256xf32, #tpu.memory_space<hbm>>
    %dma_start3A_195 = arith.constant 0 : i32
    %dma_start3A_196 = tpu.memref_slice %arg3[%add3A_192, %dma_start3A_195] : memref<36864x256xf32, #tpu.memory_space<hbm>> -> memref<128x256xf32, #tpu.memory_space<hbm>>
    tpu.enqueue_dma source(%dma_start3A_196 : memref<128x256xf32, #tpu.memory_space<hbm>>) target(%arg6 : memref<128x256xf32, #tpu.memory_space<vmem>>) target_semaphore(%arg8 : memref<!tpu.dma_semaphore, #tpu.memory_space<semaphore_mem>>)
    %dma_wait3A_197 = arith.constant 0 : i32
    %dma_wait3A_198 = tpu.memref_slice %arg3[%add3A_166, %dma_wait3A_197] : memref<36864x256xf32, #tpu.memory_space<hbm>> -> memref<128x256xf32, #tpu.memory_space<hbm>>
    %dma_wait3A_199 = arith.constant 0 : i32
    %dma_wait3A_200 = tpu.memref_slice %arg3[%add3A_166, %dma_wait3A_199] : memref<36864x256xf32, #tpu.memory_space<hbm>> -> memref<128x256xf32, #tpu.memory_space<hbm>>
    tpu.wait_dma2 semaphore(%arg9 : memref<!tpu.dma_semaphore, #tpu.memory_space<semaphore_mem>>) src(%dma_wait3A_200 : memref<128x256xf32, #tpu.memory_space<hbm>>) dst(%arg7 : memref<128x256xf32, #tpu.memory_space<vmem>>)
    %dma_start3A_201 = arith.constant 7 : i32
    %dma_start3A_202 = arith.constant 0 : i32
    %dma_start3A_203 = tpu.memref_slice %arg5[%dma_start3A_201, %dma_start3A_202] : memref<9x128xi32, #tpu.memory_space<vmem>> -> memref<1x128xi32, #tpu.memory_space<vmem>>
    %dma_start3A_204 = tpu.memref_squeeze %dma_start3A_203 : memref<1x128xi32, #tpu.memory_space<vmem>> -> memref<128xi32, #tpu.memory_space<vmem>>
    %dma_start3A_205 = arith.constant 0 : i32
    %dma_start3A_206 = arith.constant 0 : i32
    %dma_start3A_207 = tpu.memref_slice %arg4[%dma_start3A_205, %dma_start3A_206] : memref<32776x256xf32, #tpu.memory_space<hbm>> -> memref<32776x256xf32, #tpu.memory_space<hbm>>
    tpu.enqueue_indirect_dma source(%arg7 : memref<128x256xf32, #tpu.memory_space<vmem>>) target(%dma_start3A_207 : memref<32776x256xf32, #tpu.memory_space<hbm>>) offsets(%dma_start3A_204 : memref<128xi32, #tpu.memory_space<vmem>>) semaphore(%arg11 : memref<!tpu.dma_semaphore, #tpu.memory_space<semaphore_mem>>)
    %dma_wait3A_208 = arith.constant 0 : i32
    %dma_wait3A_209 = tpu.memref_slice %arg3[%add3A_192, %dma_wait3A_208] : memref<36864x256xf32, #tpu.memory_space<hbm>> -> memref<128x256xf32, #tpu.memory_space<hbm>>
    %dma_wait3A_210 = arith.constant 0 : i32
    %dma_wait3A_211 = tpu.memref_slice %arg3[%add3A_192, %dma_wait3A_210] : memref<36864x256xf32, #tpu.memory_space<hbm>> -> memref<128x256xf32, #tpu.memory_space<hbm>>
    tpu.wait_dma2 semaphore(%arg8 : memref<!tpu.dma_semaphore, #tpu.memory_space<semaphore_mem>>) src(%dma_wait3A_211 : memref<128x256xf32, #tpu.memory_space<hbm>>) dst(%arg6 : memref<128x256xf32, #tpu.memory_space<vmem>>)
    %dma_start3A_212 = arith.constant 8 : i32
    %dma_start3A_213 = arith.constant 0 : i32
    %dma_start3A_214 = tpu.memref_slice %arg5[%dma_start3A_212, %dma_start3A_213] : memref<9x128xi32, #tpu.memory_space<vmem>> -> memref<1x128xi32, #tpu.memory_space<vmem>>
    %dma_start3A_215 = tpu.memref_squeeze %dma_start3A_214 : memref<1x128xi32, #tpu.memory_space<vmem>> -> memref<128xi32, #tpu.memory_space<vmem>>
    %dma_start3A_216 = arith.constant 0 : i32
    %dma_start3A_217 = arith.constant 0 : i32
    %dma_start3A_218 = tpu.memref_slice %arg4[%dma_start3A_216, %dma_start3A_217] : memref<32776x256xf32, #tpu.memory_space<hbm>> -> memref<32776x256xf32, #tpu.memory_space<hbm>>
    tpu.enqueue_indirect_dma source(%arg6 : memref<128x256xf32, #tpu.memory_space<vmem>>) target(%dma_start3A_218 : memref<32776x256xf32, #tpu.memory_space<hbm>>) offsets(%dma_start3A_215 : memref<128xi32, #tpu.memory_space<vmem>>) semaphore(%arg10 : memref<!tpu.dma_semaphore, #tpu.memory_space<semaphore_mem>>)
    %dma_wait3A_219 = arith.constant 8 : i32
    %dma_wait3A_220 = arith.constant 0 : i32
    %dma_wait3A_221 = tpu.memref_slice %arg5[%dma_wait3A_219, %dma_wait3A_220] : memref<9x128xi32, #tpu.memory_space<vmem>> -> memref<1x128xi32, #tpu.memory_space<vmem>>
    %dma_wait3A_222 = tpu.memref_squeeze %dma_wait3A_221 : memref<1x128xi32, #tpu.memory_space<vmem>> -> memref<128xi32, #tpu.memory_space<vmem>>
    %dma_wait3A_223 = arith.constant 0 : i32
    %dma_wait3A_224 = arith.constant 0 : i32
    %dma_wait3A_225 = tpu.memref_slice %arg4[%dma_wait3A_223, %dma_wait3A_224] : memref<32776x256xf32, #tpu.memory_space<hbm>> -> memref<32776x256xf32, #tpu.memory_space<hbm>>
    tpu.wait_indirect_dma semaphore(%arg10 : memref<!tpu.dma_semaphore, #tpu.memory_space<semaphore_mem>>) src(%arg6 : memref<128x256xf32, #tpu.memory_space<vmem>>) dst(%dma_wait3A_225 : memref<32776x256xf32, #tpu.memory_space<hbm>>)
    %dma_wait3A_226 = arith.constant 7 : i32
    %dma_wait3A_227 = arith.constant 0 : i32
    %dma_wait3A_228 = tpu.memref_slice %arg5[%dma_wait3A_226, %dma_wait3A_227] : memref<9x128xi32, #tpu.memory_space<vmem>> -> memref<1x128xi32, #tpu.memory_space<vmem>>
    %dma_wait3A_229 = tpu.memref_squeeze %dma_wait3A_228 : memref<1x128xi32, #tpu.memory_space<vmem>> -> memref<128xi32, #tpu.memory_space<vmem>>
    %dma_wait3A_230 = arith.constant 0 : i32
    %dma_wait3A_231 = arith.constant 0 : i32
    %dma_wait3A_232 = tpu.memref_slice %arg4[%dma_wait3A_230, %dma_wait3A_231] : memref<32776x256xf32, #tpu.memory_space<hbm>> -> memref<32776x256xf32, #tpu.memory_space<hbm>>
    tpu.wait_indirect_dma semaphore(%arg11 : memref<!tpu.dma_semaphore, #tpu.memory_space<semaphore_mem>>) src(%arg7 : memref<128x256xf32, #tpu.memory_space<vmem>>) dst(%dma_wait3A_232 : memref<32776x256xf32, #tpu.memory_space<hbm>>)
    return
  }
}

module attributes {stable_mosaic.version = 14 : i64} {
  func.func @_mlp_block(%arg0: i32, %arg1: memref<144xi32, #tpu.memory_space<smem>>, %arg2: memref<256x128xf32, #tpu.memory_space<vmem>>, %arg3: memref<1x128x1024xf32, #tpu.memory_space<vmem>>, %arg4: memref<1x1x1024xf32, #tpu.memory_space<vmem>>, %arg5: memref<1x1024x256xf32, #tpu.memory_space<vmem>>, %arg6: memref<1x1x256xf32, #tpu.memory_space<vmem>>, %arg7: memref<256x256xf32, #tpu.memory_space<vmem>>) attributes {dimension_semantics = [#tpu.dimension_semantics<arbitrary>], iteration_bounds = array<i64: 144>, scalar_prefetch = 1 : i64, scratch_operands = 0 : i64, tpu.core_type = #tpu.core_type<tc>, window_params = [{transform_indices = @transform_0, window_bounds = array<i64: 256, 128>}, {transform_indices = @transform_1, window_bounds = array<i64: 1, 128, 1024>}, {transform_indices = @transform_2, window_bounds = array<i64: 1, 1, 1024>}, {transform_indices = @transform_3, window_bounds = array<i64: 1, 1024, 256>}, {transform_indices = @transform_4, window_bounds = array<i64: 1, 1, 256>}, {transform_indices = @transform_5, window_bounds = array<i64: 256, 256>}]} {
    %get3A = arith.constant 0 : index
    %get3A_0 = arith.constant 0 : index
    %get3A_1 = vector.load %arg2[%get3A, %get3A_0] : memref<256x128xf32, #tpu.memory_space<vmem>>, vector<256x128xf32>
    %get3A_2 = arith.constant 0 : index
    %get3A_3 = arith.constant 0 : index
    %get3A_4 = arith.constant 0 : index
    %get3A_5 = vector.load %arg3[%get3A_2, %get3A_3, %get3A_4] : memref<1x128x1024xf32, #tpu.memory_space<vmem>>, vector<1x128x1024xf32>
    %get3A_6 = vector.shape_cast %get3A_5 : vector<1x128x1024xf32> to vector<128x1024xf32>
    %dot_general3A = arith.constant dense<0.000000e+00> : vector<256x1024xf32>
    %dot_general3A_7 = tpu.matmul %get3A_1, %get3A_6, %dot_general3A {dimension_numbers = #tpu.dot_dimension_numbers<[1], [0], [0], [1], [0, 0, 1, 1], [], []>, transpose_lhs_hint = false} : vector<256x128xf32>, vector<128x1024xf32>, vector<256x1024xf32> -> vector<256x1024xf32>
    %get3A_8 = arith.constant 0 : index
    %get3A_9 = arith.constant 0 : index
    %get3A_10 = arith.constant 0 : index
    %get3A_11 = vector.load %arg4[%get3A_8, %get3A_9, %get3A_10] : memref<1x1x1024xf32, #tpu.memory_space<vmem>>, vector<1x1x1024xf32>
    %get3A_12 = vector.shape_cast %get3A_11 : vector<1x1x1024xf32> to vector<1x1024xf32>
    %add3A = vector.broadcast %get3A_12 : vector<1x1024xf32> to vector<256x1024xf32>
    %add3A_13 = arith.addf %dot_general3A_7, %add3A : vector<256x1024xf32>
    %mul3A = arith.constant 5.000000e-01 : f32
    %mul3A_14 = vector.broadcast %mul3A : f32 to vector<256x1024xf32>
    %mul3A_15 = arith.mulf %mul3A_14, %add3A_13 : vector<256x1024xf32>
    %mul3A_16 = arith.constant 0.707106769 : f32
    %mul3A_17 = vector.broadcast %mul3A_16 : f32 to vector<256x1024xf32>
    %mul3A_18 = arith.mulf %add3A_13, %mul3A_17 : vector<256x1024xf32>
    %erf3A = math.erf %mul3A_18 : vector<256x1024xf32>
    %add3A_19 = arith.constant 1.000000e+00 : f32
    %add3A_20 = vector.broadcast %add3A_19 : f32 to vector<256x1024xf32>
    %add3A_21 = arith.addf %add3A_20, %erf3A : vector<256x1024xf32>
    %mul3A_22 = arith.mulf %mul3A_15, %add3A_21 : vector<256x1024xf32>
    %get3A_23 = arith.constant 0 : index
    %get3A_24 = arith.constant 0 : index
    %get3A_25 = arith.constant 0 : index
    %get3A_26 = vector.load %arg5[%get3A_23, %get3A_24, %get3A_25] : memref<1x1024x256xf32, #tpu.memory_space<vmem>>, vector<1x1024x256xf32>
    %get3A_27 = vector.shape_cast %get3A_26 : vector<1x1024x256xf32> to vector<1024x256xf32>
    %dot_general3A_28 = arith.constant dense<0.000000e+00> : vector<256x256xf32>
    %dot_general3A_29 = tpu.matmul %mul3A_22, %get3A_27, %dot_general3A_28 {dimension_numbers = #tpu.dot_dimension_numbers<[1], [0], [0], [1], [0, 0, 1, 1], [], []>, transpose_lhs_hint = false} : vector<256x1024xf32>, vector<1024x256xf32>, vector<256x256xf32> -> vector<256x256xf32>
    %get3A_30 = arith.constant 0 : index
    %get3A_31 = arith.constant 0 : index
    %get3A_32 = arith.constant 0 : index
    %get3A_33 = vector.load %arg6[%get3A_30, %get3A_31, %get3A_32] : memref<1x1x256xf32, #tpu.memory_space<vmem>>, vector<1x1x256xf32>
    %get3A_34 = vector.shape_cast %get3A_33 : vector<1x1x256xf32> to vector<1x256xf32>
    %add3A_35 = vector.broadcast %get3A_34 : vector<1x256xf32> to vector<256x256xf32>
    %add3A_36 = arith.addf %dot_general3A_29, %add3A_35 : vector<256x256xf32>
    %swap3A = arith.constant 0 : index
    %swap3A_37 = arith.constant 0 : index
    %swap3A_38 = vector.load %arg7[%swap3A, %swap3A_37] : memref<256x256xf32, #tpu.memory_space<vmem>>, vector<256x256xf32>
    tpu.vector_store %arg7[%swap3A, %swap3A_37], %add3A_36 {strides = array<i32>} : memref<256x256xf32, #tpu.memory_space<vmem>>, vector<256x256xf32>,
    return
  }
  func.func @transform_0(%arg0: i32, %arg1: memref<144xi32, #tpu.memory_space<smem>>) -> (i32, i32) {
    %c0_i32 = arith.constant 0 : i32
    %c0_i32_0 = arith.constant 0 : i32
    return %arg0, %c0_i32 : i32, i32
  }
  func.func @transform_1(%arg0: i32, %arg1: memref<144xi32, #tpu.memory_space<smem>>) -> (i32, i32, i32) {
    %get3A = arith.index_cast %arg0 : i32 to index
    %get3A_0 = memref.load %arg1[%get3A] : memref<144xi32, #tpu.memory_space<smem>>
    %c0_i32 = arith.constant 0 : i32
    %c0_i32_1 = arith.constant 0 : i32
    %c0_i32_2 = arith.constant 0 : i32
    return %get3A_0, %c0_i32, %c0_i32_1 : i32, i32, i32
  }
  func.func @transform_2(%arg0: i32, %arg1: memref<144xi32, #tpu.memory_space<smem>>) -> (i32, i32, i32) {
    %get3A = arith.index_cast %arg0 : i32 to index
    %get3A_0 = memref.load %arg1[%get3A] : memref<144xi32, #tpu.memory_space<smem>>
    %c0_i32 = arith.constant 0 : i32
    %c0_i32_1 = arith.constant 0 : i32
    %c0_i32_2 = arith.constant 0 : i32
    return %get3A_0, %c0_i32, %c0_i32_1 : i32, i32, i32
  }
  func.func @transform_3(%arg0: i32, %arg1: memref<144xi32, #tpu.memory_space<smem>>) -> (i32, i32, i32) {
    %get3A = arith.index_cast %arg0 : i32 to index
    %get3A_0 = memref.load %arg1[%get3A] : memref<144xi32, #tpu.memory_space<smem>>
    %c0_i32 = arith.constant 0 : i32
    %c0_i32_1 = arith.constant 0 : i32
    %c0_i32_2 = arith.constant 0 : i32
    return %get3A_0, %c0_i32, %c0_i32_1 : i32, i32, i32
  }
  func.func @transform_4(%arg0: i32, %arg1: memref<144xi32, #tpu.memory_space<smem>>) -> (i32, i32, i32) {
    %get3A = arith.index_cast %arg0 : i32 to index
    %get3A_0 = memref.load %arg1[%get3A] : memref<144xi32, #tpu.memory_space<smem>>
    %c0_i32 = arith.constant 0 : i32
    %c0_i32_1 = arith.constant 0 : i32
    %c0_i32_2 = arith.constant 0 : i32
    return %get3A_0, %c0_i32, %c0_i32_1 : i32, i32, i32
  }
  func.func @transform_5(%arg0: i32, %arg1: memref<144xi32, #tpu.memory_space<smem>>) -> (i32, i32) {
    %c0_i32 = arith.constant 0 : i32
    %c0_i32_0 = arith.constant 0 : i32
    return %arg0, %c0_i32 : i32, i32
  }
}

</mosaic_0001>

<sc_bundles>
// kernel: kernel.12.cloned.1.call-start
scs
__scs_entry_jumppad:
0x0: {  	(pc) =	sbr.rel $0x88, $3  }
0x1: {  	(tag) =	ssettag $0x0;
	lr =	simm.s32 $0x1  }
0x2: {  	[smem:$0x3F9C] =	sst lr;
	_ =	strace $0xD0000000  }
0x3: {  	_ = 	snop  }
0x4: {  	_ = 	snop  }
0x5: {  	_ = 	snop  }
0x6: {  	_ = 	snop  }
0x7: {  	_ = 	snop  }
__scs_overlays_trampoline_lowered:
0x8: {  	[smem:$0x3FAB] =	sst s0  }
0x9: {  	[smem:$0x3FAC] =	sst s1  }
0xa: {  	[smem:$0x3FAD] =	sst s2  }
0xb: {  	[smem:$0x3FAE] =	sst s3  }
0xc: {  	[smem:$0x3FAF] =	sst s4  }
0xd: {  	[smem:$0x3FB0] =	sst s5  }
0xe: {  	[smem:$0x3FB1] =	sst s6  }
0xf: {  	[smem:$0x3FB2] =	sst s7  }
0x10: {  	[smem:$0x3FB3] =	sst s8  }
0x11: {  	[smem:$0x3FB4] =	sst s9;
	s0 =	simm.s32 @!p0 $0x0  }
0x12: {  	s1 =	sld [smem:$0x3F9A];
	s0 =	simm.s32 @p0 $0x1  }
0x13: {  	[smem:$0x3FB5] =	sst s0;
	s0 =	simm.s32 @!p1 $0x0  }
0x14: {  	s2 =	sld [smem:$0x3F99];
	s0 =	simm.s32 @p1 $0x1  }
0x15: {  	[smem:$0x3FB6] =	sst s0;
	s0 =	simm.s32 @!p2 $0x0  }
0x16: {  	s3 =	sld [smem:$0x3FDB];
	s0 =	simm.s32 @p2 $0x1  }
0x17: {  	s4 =	simm.s32 $0x1BF5;
	[smem:$0x3FB8] =	sst s0  }
0x18: {  	s0 =	sld [smem:$0x3F9B];
	_ =	swait.ge [sflag:s4], $0x0  }
0x19: {  	s7 =	sld [smem:$0x3F9C]  }
0x1a: {  	s8 =	sadd.s32 $0xFFFFE003, lr  }
0x1b: {  	s9 =	sadd.s32 $0xFFFFFEF7, lr;
	s5 =	simm.s32 $0xFFFFFFFF;
	p2 =	slt.u32 s8, $0xFFFFF086  }
0x1c: {  	p1 =	slt.u32 s9, $0xF7A;
	s5 =	simm.s32 @!p2 $0x0  }
0x1d: {  	s5 =	simm.s32 @p1 $0x1;
	p0 =	seq.s32 s7, s2  }
0x1e: {  	s7 =	smul.u32 @!p0 $0xF7A, s2;
	p2 =	seq.s32 @!p0 s5, $0x0  }
0x1f: {  	s9 =	smul.u32 $0xF7A, s1;
	s8 =	simm.s32 @!p0 $0x1BF5;
	p2 =	por !p2, p0  }
0x20: {  	[sflag:s8] =	ssyncset.s32 @!p0 $0xFFFFF086;
	s6 =	sadd.s32 @!p0 s3, s7;
	s7 =	simm.s32 @!p0 $0x108  }
0x21: {  	s3 =	sadd.s32 s3, s9;
	s6 =	sadd.s32 @!p0 $0x88, s6;
	s7 =	simm.s32 @p2 $0x1082  }
0x22: {  	[simem:s7], [sflag:s8] =	dma.local @!p0 [hbm:s6], $0xF7A  }
0x23: {  	s9 =	sor.u32 $0xD0000000, s2;
	s6 =	simm.s32 $0x108;
	_ =	swait.ge @!p0 [sflag:s8], $0x0  }
0x24: {  	s3 =	sadd.s32 $0x88, s3;
	s6 =	simm.s32 @!p1 $0x1082;
	[sflag:s4] =	ssyncset.s32 $0xFFFFF086  }
0x25: {  	[simem:s6], [sflag:s4] =	dma.local [hbm:s3], $0xF7A  }
0x26: {  	[smem:$0x3F9C] =	sst s1;
	(tag) =	ssettag s2;
	_ =	strace s9  }
0x27: {  	s1 =	sld [smem:$0x3FAC]  }
0x28: {  	s2 =	sld [smem:$0x3FAD]  }
0x29: {  	s4 =	sld [smem:$0x3FAF]  }
0x2a: {  	p0 =	seq.s32 s5, $0x0;
	s5 =	sld [smem:$0x3FB0]  }
0x2b: {  	s6 =	sld [smem:$0x3FB1]  }
0x2c: {  	s7 =	sld [smem:$0x3FB2]  }
0x2d: {  	s3 =	simm.s32 $0x108;
	s8 =	sld [smem:$0x3FB3]  }
0x2e: {  	s3 =	simm.s32 @!p0 $0x1082;
	s9 =	sld [smem:$0x3FB4]  }
0x2f: {  	lr =	sadd.s32 s0, s3;
	s0 =	sld [smem:$0x3FAB]  }
0x30: {  	s3 =	sld [smem:$0x3FAE]  }
0x31: {  	[smem:$0x3FB7] =	sst s10  }
0x32: {  	s10 =	sld [smem:$0x3FB5];
	_ =	sdelay $0x3  }
0x33: {  	p0 =	seq.s32 s10, $0x1;
	s10 =	sld [smem:$0x3FB7];
	_ =	sdelay $0x3  }
0x34: {  	[smem:$0x3FB7] =	sst s10  }
0x35: {  	s10 =	sld [smem:$0x3FB6];
	_ =	sdelay $0x3  }
0x36: {  	p1 =	seq.s32 s10, $0x1;
	s10 =	sld [smem:$0x3FB7];
	_ =	sdelay $0x3  }
0x37: {  	[smem:$0x3FB7] =	sst s10  }
0x38: {  	s10 =	sld [smem:$0x3FB8]  }
0x39: {  	_ = 	snop;
	(pc) =	sbr.ind lr, $3  }
0x3a: {  	_ = 	snop  }
0x3b: {  	_ = 	snop  }
0x3c: {  	p2 =	seq.s32 s10, $0x1;
	s10 =	sld [smem:$0x3FB7]  }
0x3d: {  	_ =	shalt  }
0x3e: {  	_ =	shalt  }
0x3f: {  	_ =	shalt  }
0x40: {  	_ =	shalt  }
0x41: {  	_ =	shalt  }
0x42: {  	_ =	shalt  }
0x43: {  	_ =	shalt  }
0x44: {  	_ =	shalt  }
0x45: {  	_ =	shalt  }
0x46: {  	_ =	shalt  }
0x47: {  	_ =	shalt  }
0x48: {  	_ =	shalt  }
0x49: {  	_ =	shalt  }
0x4a: {  	_ =	shalt  }
0x4b: {  	_ =	shalt  }
0x4c: {  	_ =	shalt  }
0x4d: {  	_ =	shalt  }
0x4e: {  	_ =	shalt  }
0x4f: {  	_ =	shalt  }
0x50: {  	_ =	shalt  }
0x51: {  	_ =	shalt  }
0x52: {  	_ =	shalt  }
0x53: {  	_ =	shalt  }
0x54: {  	_ =	shalt  }
0x55: {  	_ =	shalt  }
0x56: {  	_ =	shalt  }
0x57: {  	_ =	shalt  }
0x58: {  	_ =	shalt  }
0x59: {  	_ =	shalt  }
0x5a: {  	_ =	shalt  }
0x5b: {  	_ =	shalt  }
0x5c: {  	_ =	shalt  }
0x5d: {  	_ =	shalt  }
0x5e: {  	_ =	shalt  }
0x5f: {  	_ =	shalt  }
0x60: {  	_ =	shalt  }
0x61: {  	_ =	shalt  }
0x62: {  	_ =	shalt  }
0x63: {  	_ =	shalt  }
0x64: {  	_ =	shalt  }
0x65: {  	_ =	shalt  }
0x66: {  	_ =	shalt  }
0x67: {  	_ =	shalt  }
0x68: {  	_ =	shalt  }
0x69: {  	_ =	shalt  }
0x6a: {  	_ =	shalt  }
0x6b: {  	_ =	shalt  }
0x6c: {  	_ =	shalt  }
0x6d: {  	_ =	shalt  }
0x6e: {  	_ =	shalt  }
0x6f: {  	_ =	shalt  }
0x70: {  	_ =	shalt  }
0x71: {  	_ =	shalt  }
0x72: {  	_ =	shalt  }
0x73: {  	_ =	shalt  }
0x74: {  	_ =	shalt  }
0x75: {  	_ =	shalt  }
0x76: {  	_ =	shalt  }
0x77: {  	_ =	shalt  }
0x78: {  	_ =	shalt  }
0x79: {  	_ =	shalt  }
0x7a: {  	_ =	shalt  }
0x7b: {  	_ =	shalt  }
0x7c: {  	_ =	shalt  }
0x7d: {  	_ =	shalt  }
0x7e: {  	_ =	shalt  }
0x7f: {  	_ =	shalt  }
0x80: {  	_ =	shalt  }
0x81: {  	_ =	shalt  }
0x82: {  	_ =	shalt  }
0x83: {  	_ =	shalt  }
0x84: {  	_ =	shalt  }
0x85: {  	_ =	shalt  }
0x86: {  	_ =	shalt  }
0x87: {  	_ =	shalt  }
.Lfunc_end0:
.L_simem_size_0:
called_computation.2_lowered:
.L_overlay_start_0:
0x88: {  	s2 =	sld [smem:$0x3FD9]  }
0x89: {  	s3 =	sld [smem:$0x3FFE];
	_ =	sdelay $0x1  }
0x8a: {  	s1 =	srdreg.scid  }
0x8b: {  	s0 =	sand.u32 $0x1, s1  }
0x8c: {  	s16 =	sshll.u32 s0, $0xA;
	s2 =	sadd.s32 s3, s2  }
0x8d: {  	s2 =	sadd.s32 s2, s16  }
0x8e: {  	[smem:$0x3FC3] =	sst s2  }
0x8f: {  	_ = 	snop  }
0x90: {  	(tm) =	ssettm $0x1  }
0x91: {  	s17 =	sld [smem:$0x3FFB];
	_ =	sdelay $0x3  }
0x92: {  	_ =	strace s17  }
0x93: {  	s2 =	sld [smem:$0x3FFC];
	_ =	sdelay $0x3  }
0x94: {  	_ =	strace s2  }
0x95: {  	s2 =	sld [smem:$0x3FFD];
	_ =	sdelay $0x3  }
0x96: {  	_ =	strace s2  }
0x97: {  	_ =	strace $0x8FFFFFFF  }
0x98: {  	s18 =	sld [smem:$0x3FDB];
	_ =	sdelay $0x1  }
0x99: {  	s19 =	simm.s32 $_scs_section_size  }
0x9a: {  	s4 =	simm.s32 $_size__tile_overlayer_lowered;
	s5 =	simm.s32 $_tile_overlayer_lowered  }
0x9b: {  	s22 =	simm.s32 $0x1BFF;
	s21 =	sshll.u32 s5, $0x1;
	s2 =	sadd.s32 s19, s18  }
0x9c: {  	s6 =	simm.s32 $0x0;
	s20 =	sshll.u32 s4, $0x1;
	s4 =	sadd.s32 s21, s2  }
0x9d: {  	[timem:s6], [sflag:s22] =	dma.local [hbm:s4], s20  }
0x9e: {  	_ =	swait.ge [sflag:s22], s20  }
0x9f: {  	s3 =	ssub.s32 $0x0, s20;
	[sflag:s22] =	ssyncset.done $0x0  }
0xa0: {  	[sflag:s22] =	ssyncadd.s32 s3;
	_ =	sdelay $0x1  }
0xa1: {  	s23 =	simm.s32 $0x1B8B  }
0xa2: {  	_ =	swait.ge [sflag:s23], $0x1  }
0xa3: {  	[sflag:s23] =	ssyncset.done $0x0  }
0xa4: {  	s25 =	simm.s32 $0x1B8E;
	s24 =	sld [smem:$0x3FFE];
	[sflag:s23] =	ssyncadd.s32 $0xFFFFFFFF  }
0xa5: {  	s26 =	simm.s32 $execute0_lowered;
	[smem:$0x3FD2] =	sst s25  }
0xa6: {  	s4 =	sshll.u32 s26, $0x1;
	_ =	strace $0x8000004C;
	[dreg:$0x1] =	wrdreg $0xFFFFFFFF  }
0xa7: {  	s28 =	simm.s32 $_size_execute0_lowered;
	s2 =	sadd.s32 s2, s4;
	[dreg:$0x0] =	wrdreg $0x0  }
0xa8: {  	s4 =	sshll.u32 s28, $0x1;
	[dreg:$0x2] =	wrdreg s2  }
0xa9: {  	[dreg:$0x3] =	wrdreg s4  }
0xaa: {  	[dreg:$0x4] =	wrdreg $0xC0  }
0xab: {  	_ =	task [dreg:s6], $0x5FFFF  }
0xac: {  	[dreg:$0x1] =	wrdreg $0xFFFFFFFF  }
0xad: {  	[dreg:$0x0] =	wrdreg $0x60  }
0xae: {  	[dreg:$0x2] =	wrdreg s24  }
0xaf: {  	[dreg:$0x3] =	wrdreg $0x9  }
0xb0: {  	_ =	task.clear_ibuf [dreg:s6], $0x4FFFF;
	_ =	strace $0x9000004C  }
0xb1: {  	s29 =	simm.s32 $0x9;
	_ =	strace $0x8000004E  }
0xb2: {  	_ =	swait.ge [sflag:s29], $0x1  }
0xb3: {  	[sflag:s29] =	ssyncadd.s32 $0xFFFFFFFF  }
0xb4: {  	_ =	strace $0x9000004E  }
0xb5: {  	_ =	sfence  }
0xb6: {  	s30 =	sld [smem:$0x0];
	_ =	sdelay $0x2  }
0xb7: {  	s31 =	sshll.u32 s1, $0xD;
	s1 =	sshrl.u32 s1, $0x2  }
0xb8: {  	s3 =	sand.u32 $0x4000, s31;
	s1 =	sadd.s32 s1, s30  }
0xb9: {  	s0 =	sor.u32 s3, s0;
	s1 =	sshll.u32 s1, $0x11  }
0xba: {  	s0 =	sor.u32 s1, s0  }
0xbb: {  	s0 =	sadd.s32 $0x8F2B, s0  }
0xbc: {  	[sflag:s0] =	ssyncadd.remote.s32 $0x1  }
0xbd: {  	_ =	sfence.sel $0xFFFF  }
0xbe: {  	[dreg:$0x0] =	wrdreg $0xFFFFFFFF;
	(pc) =	sbr.abs _section_cstart, $3  }
0xbf: {  	[dreg:$0x1] =	wrdreg $0xFFFFFFFF  }
0xc0: {  	_ =	task.clear_ibuf [dreg:s6], $0x2FFFF;
	_ =	strace $0x9FFFFFFF  }
0xc1: {  	(tm) =	ssettm $0x7FFFFFFF  }
tec
execute0_lowered:
.L_overlay_start_1:
0x0: {  	(tag) =	ssettag $0x1  }
0x1: {  	s0 =	srdreg.scid;
	s2 =	stileid.u32  }
0x2: {  	s0 =	sand.u32 $0x1, s0;
	s3 =	sshll.u32 s2, $0x1  }
0x3: {  	s1 =	rddreg [dreg:$0x0];
	s2 =	simm.s32 $0x0;
	s3 =	sor.u32 s0, s3  }
0x4: {  	s6 =	sadd.s32 $0x3A00, s1;
	s4 =	sshll.u32 s3, $0x8;
	s5 =	smul.u32 $0x48000, s3  }
0x5: {  	[smem:$0x7FF] =	sst s2;
	s3 =	smul.u32 $0x9000, s3;
	s4 =	sadd.s32 s4, s1  }
0x6: {  	_ =	strace $0x8000004D;
	s4 =	sadd.s32 $0x1A00, s4;
	s5 =	sshrl.u32 s5, $0x3  }
0x7: {  	s3 =	sadd.s32 s6, s3;
	[dreg:$0x2] =	wrdreg s4;
	s22 =	sadd.s32 s6, s5  }
0x8: {  	[dreg:$0x3] =	wrdreg s3;
	s23 =	sadd.s32 $0x1000, s22  }
0x9: {  	s8 =	simm.s32 $0x1;
	s24 =	sadd.s32 $0x2000, s22;
	[dreg:$0x4] =	wrdreg s23  }
0xa: {  	s0 =	ssub.s32 $0x2, s0;
	s25 =	sadd.s32 $0x3000, s22;
	[dreg:$0x5] =	wrdreg s24  }
0xb: {  	s29 =	sshrl.u32 s0, $0x1;
	s5 =	sadd.s32 $0x4000, s22;
	[dreg:$0x6] =	wrdreg s25  }
0xc: {  	s0 =	ssub.s32 s0, s29;
	s26 =	sadd.s32 $0x5000, s22;
	[dreg:$0x7] =	wrdreg s5  }
0xd: {  	s3 =	sadd.s32 $0x123A00, s1;
	s28 =	sadd.s32 $0x6000, s22;
	[dreg:$0x8] =	wrdreg s26  }
0xe: {  	v2 =	vlaneseq.u32;
	s4 =	smax.u32 s0, $0x1;
	s30 =	sadd.s32 $0x7000, s22;
	[dreg:$0x9] =	wrdreg s28  }
0xf: {  	vm0 =	vmmov $0xffff;
	v1 =	vshrl.u32 v2, $0x3;
	s1 =	simm.s32 $0x4;
	s31 =	sadd.s32 $0x8000, s22;
	[dreg:$0xa] =	wrdreg s30  }
0x10: {  	v0 =	vand.u32 $0x7, v2;
	v2 =	vor.u32 $0x8, v2;
	v1 =	vmul.u32 $0x8, v1;
	[dreg:$0xb] =	wrdreg s31;
	s24 =	simm.s32 $0x3;
	s25 =	simm.s32 $0x800  }
.LBB2_1:
0x11: {  	s26 =	rddreg [dreg:$0x2];
	s28 =	simm.s32 $0x5  }
0x12: {  	[tilespmem:s2], [sflag:$0x5] =	stream.linear.gather [hbm4b:s26+s2], $0x480, $0x38;
	[tilespmem:$0x10800] =	vst v63  }
0x13: {  	_ =	swait.ge [sflag:s28], $0x480  }
0x14: {  	[sflag:s28] =	ssyncset.done $0x0  }
0x15: {  	s21 =	rddreg [dreg:$0x3];
	[sflag:s28] =	ssyncadd.s32 $0xFFFFFB80  }
0x16: {  	[tilespmem:s25], [sflag:$0x1] =	stream.linear.gather [hbm4b:s21+s2], $0x8000, $0x38;
	[tilespmem:$0x10800] =	vst v63  }
0x17: {  	s0 =	simm.s32 $0x8800;
	s22 =	rddreg [dreg:$0x4]  }
0x18: {  	[tilespmem:s0], [sflag:$0x2] =	stream.linear.gather [hbm4b:s22+s2], $0x8000, $0x38;
	[tilespmem:$0x10800] =	vst v63  }
0x19: {  	_ =	swait.ge [sflag:s8], $0x8000  }
0x1a: {  	[sflag:s8] =	ssyncset.done $0x0  }
0x1b: {  	[sflag:s8] =	ssyncadd.s32 $0xFFFF8000  }
0x1c: {  	v3 =	vld [tilespmem:$0x0];
	_ =	sdelay $0x4  }
0x1d: {  	v4 =	vshll.u32 v3, $0x1  }
0x1e: {  	v3 =	vand.u32 $0x7, v3;
	v4 =	vand.u32 $0xFFFFFFF0, v4  }
0x1f: {  	v3 =	vor.u32 v3, v4  }
0x20: {  	v4 =	vperm.xlane v3, v0;
	_ =	sdelay $0x1  }
0x21: {  	v3 =	vperm.xlane v3, v2;
	v4 =	vadd.s32 v1, v4;
	_ =	sdelay $0x1  }
0x22: {  	v3 =	vadd.s32 v1, v3;
	_ =	sdelay $0x2  }
0x23: {  	[hbm4b:s3+s2] =	stream.indirect_vreg.scatter [tilespmem:s25], [sflag:$0x3], $0x80, v4, vm0, $0xb8;
	[tilespmem:$0x10800] =	vst v63  }
0x24: {  	s23 =	simm.s32 $0x1000  }
0x25: {  	[hbm4b:s3+s2] =	stream.indirect_vreg.scatter [tilespmem:s23], [sflag:$0x3], $0x80, v3, vm0, $0xb8;
	[tilespmem:$0x10800] =	vst v63  }
0x26: {  	v3 =	vld [tilespmem:$0x10];
	_ =	sdelay $0x4  }
0x27: {  	v49 =	vshll.u32 v3, $0x1  }
0x28: {  	v3 =	vand.u32 $0x7, v3;
	v4 =	vand.u32 $0xFFFFFFF0, v49  }
0x29: {  	v3 =	vor.u32 v3, v4  }
0x2a: {  	v4 =	vperm.xlane v3, v0;
	_ =	sdelay $0x1  }
0x2b: {  	v3 =	vperm.xlane v3, v2;
	v4 =	vadd.s32 v1, v4;
	_ =	sdelay $0x1  }
0x2c: {  	v3 =	vadd.s32 v1, v3;
	_ =	sdelay $0x1  }
0x2d: {  	s26 =	simm.s32 $0x1800  }
0x2e: {  	[hbm4b:s3+s2] =	stream.indirect_vreg.scatter [tilespmem:s26], [sflag:$0x3], $0x80, v4, vm0, $0xb8;
	[tilespmem:$0x10800] =	vst v63  }
0x2f: {  	s29 =	simm.s32 $0x2000  }
0x30: {  	[hbm4b:s3+s2] =	stream.indirect_vreg.scatter [tilespmem:s29], [sflag:$0x3], $0x80, v3, vm0, $0xb8;
	[tilespmem:$0x10800] =	vst v63  }
0x31: {  	v3 =	vld [tilespmem:$0x20];
	_ =	sdelay $0x4  }
0x32: {  	v50 =	vshll.u32 v3, $0x1  }
0x33: {  	v3 =	vand.u32 $0x7, v3;
	v4 =	vand.u32 $0xFFFFFFF0, v50  }
0x34: {  	v3 =	vor.u32 v3, v4  }
0x35: {  	v4 =	vperm.xlane v3, v0;
	_ =	sdelay $0x1  }
0x36: {  	v3 =	vperm.xlane v3, v2;
	v4 =	vadd.s32 v1, v4;
	_ =	sdelay $0x1  }
0x37: {  	v3 =	vadd.s32 v1, v3;
	_ =	sdelay $0x1  }
0x38: {  	s30 =	simm.s32 $0x2800  }
0x39: {  	[hbm4b:s3+s2] =	stream.indirect_vreg.scatter [tilespmem:s30], [sflag:$0x3], $0x80, v4, vm0, $0xb8;
	[tilespmem:$0x10800] =	vst v63  }
0x3a: {  	s31 =	simm.s32 $0x3000  }
0x3b: {  	[hbm4b:s3+s2] =	stream.indirect_vreg.scatter [tilespmem:s31], [sflag:$0x3], $0x80, v3, vm0, $0xb8;
	[tilespmem:$0x10800] =	vst v63  }
0x3c: {  	v3 =	vld [tilespmem:$0x30];
	_ =	sdelay $0x4  }
0x3d: {  	v51 =	vshll.u32 v3, $0x1  }
0x3e: {  	v3 =	vand.u32 $0x7, v3;
	v4 =	vand.u32 $0xFFFFFFF0, v51  }
0x3f: {  	v3 =	vor.u32 v3, v4  }
0x40: {  	v4 =	vperm.xlane v3, v0;
	_ =	sdelay $0x1  }
0x41: {  	v3 =	vperm.xlane v3, v2;
	v4 =	vadd.s32 v1, v4;
	_ =	sdelay $0x1  }
0x42: {  	v3 =	vadd.s32 v1, v3;
	_ =	sdelay $0x1  }
0x43: {  	s5 =	simm.s32 $0x3800  }
0x44: {  	[hbm4b:s3+s2] =	stream.indirect_vreg.scatter [tilespmem:s5], [sflag:$0x3], $0x80, v4, vm0, $0xb8;
	[tilespmem:$0x10800] =	vst v63  }
0x45: {  	s9 =	simm.s32 $0x4000  }
0x46: {  	[hbm4b:s3+s2] =	stream.indirect_vreg.scatter [tilespmem:s9], [sflag:$0x3], $0x80, v3, vm0, $0xb8;
	[tilespmem:$0x10800] =	vst v63  }
0x47: {  	v3 =	vld [tilespmem:$0x40];
	_ =	sdelay $0x4  }
0x48: {  	v52 =	vshll.u32 v3, $0x1  }
0x49: {  	v3 =	vand.u32 $0x7, v3;
	v4 =	vand.u32 $0xFFFFFFF0, v52  }
0x4a: {  	v3 =	vor.u32 v3, v4  }
0x4b: {  	v4 =	vperm.xlane v3, v0;
	_ =	sdelay $0x1  }
0x4c: {  	v3 =	vperm.xlane v3, v2;
	v4 =	vadd.s32 v1, v4;
	_ =	sdelay $0x1  }
0x4d: {  	v3 =	vadd.s32 v1, v3;
	_ =	sdelay $0x1  }
0x4e: {  	s10 =	simm.s32 $0x4800  }
0x4f: {  	[hbm4b:s3+s2] =	stream.indirect_vreg.scatter [tilespmem:s10], [sflag:$0x3], $0x80, v4, vm0, $0xb8;
	[tilespmem:$0x10800] =	vst v63  }
0x50: {  	s11 =	simm.s32 $0x5000  }
0x51: {  	[hbm4b:s3+s2] =	stream.indirect_vreg.scatter [tilespmem:s11], [sflag:$0x3], $0x80, v3, vm0, $0xb8;
	[tilespmem:$0x10800] =	vst v63  }
0x52: {  	v3 =	vld [tilespmem:$0x50];
	_ =	sdelay $0x4  }
0x53: {  	v53 =	vshll.u32 v3, $0x1  }
0x54: {  	v3 =	vand.u32 $0x7, v3;
	v4 =	vand.u32 $0xFFFFFFF0, v53  }
0x55: {  	v3 =	vor.u32 v3, v4  }
0x56: {  	v4 =	vperm.xlane v3, v0;
	_ =	sdelay $0x1  }
0x57: {  	v3 =	vperm.xlane v3, v2;
	v4 =	vadd.s32 v1, v4;
	_ =	sdelay $0x1  }
0x58: {  	v3 =	vadd.s32 v1, v3;
	_ =	sdelay $0x1  }
0x59: {  	s12 =	simm.s32 $0x5800  }
0x5a: {  	[hbm4b:s3+s2] =	stream.indirect_vreg.scatter [tilespmem:s12], [sflag:$0x3], $0x80, v4, vm0, $0xb8;
	[tilespmem:$0x10800] =	vst v63  }
0x5b: {  	s13 =	simm.s32 $0x6000  }
0x5c: {  	[hbm4b:s3+s2] =	stream.indirect_vreg.scatter [tilespmem:s13], [sflag:$0x3], $0x80, v3, vm0, $0xb8;
	[tilespmem:$0x10800] =	vst v63  }
0x5d: {  	v3 =	vld [tilespmem:$0x60];
	_ =	sdelay $0x4  }
0x5e: {  	v54 =	vshll.u32 v3, $0x1  }
0x5f: {  	v3 =	vand.u32 $0x7, v3;
	v4 =	vand.u32 $0xFFFFFFF0, v54  }
0x60: {  	v3 =	vor.u32 v3, v4  }
0x61: {  	v4 =	vperm.xlane v3, v0;
	_ =	sdelay $0x1  }
0x62: {  	v3 =	vperm.xlane v3, v2;
	v4 =	vadd.s32 v1, v4;
	_ =	sdelay $0x1  }
0x63: {  	v3 =	vadd.s32 v1, v3;
	_ =	sdelay $0x1  }
0x64: {  	s14 =	simm.s32 $0x6800  }
0x65: {  	[hbm4b:s3+s2] =	stream.indirect_vreg.scatter [tilespmem:s14], [sflag:$0x3], $0x80, v4, vm0, $0xb8;
	[tilespmem:$0x10800] =	vst v63  }
0x66: {  	s15 =	simm.s32 $0x7000  }
0x67: {  	[hbm4b:s3+s2] =	stream.indirect_vreg.scatter [tilespmem:s15], [sflag:$0x3], $0x80, v3, vm0, $0xb8;
	[tilespmem:$0x10800] =	vst v63  }
0x68: {  	v3 =	vld [tilespmem:$0x70];
	_ =	sdelay $0x4  }
0x69: {  	v55 =	vshll.u32 v3, $0x1  }
0x6a: {  	v3 =	vand.u32 $0x7, v3;
	v4 =	vand.u32 $0xFFFFFFF0, v55  }
0x6b: {  	v3 =	vor.u32 v3, v4  }
0x6c: {  	v4 =	vperm.xlane v3, v0;
	_ =	sdelay $0x1  }
0x6d: {  	v3 =	vperm.xlane v3, v2;
	v4 =	vadd.s32 v1, v4;
	_ =	sdelay $0x1  }
0x6e: {  	v3 =	vadd.s32 v1, v3;
	_ =	sdelay $0x1  }
0x6f: {  	s16 =	simm.s32 $0x7800  }
0x70: {  	[hbm4b:s3+s2] =	stream.indirect_vreg.scatter [tilespmem:s16], [sflag:$0x3], $0x80, v4, vm0, $0xb8;
	[tilespmem:$0x10800] =	vst v63  }
0x71: {  	s17 =	simm.s32 $0x8000  }
0x72: {  	[hbm4b:s3+s2] =	stream.indirect_vreg.scatter [tilespmem:s17], [sflag:$0x3], $0x80, v3, vm0, $0xb8;
	[tilespmem:$0x10800] =	vst v63  }
0x73: {  	_ =	swait.ge [sflag:s24], $0x8000  }
0x74: {  	[sflag:s24] =	ssyncset.done $0x0  }
0x75: {  	s5 =	simm.s32 $0x2;
	s18 =	rddreg [dreg:$0x5];
	[sflag:s24] =	ssyncadd.s32 $0xFFFF8000  }
0x76: {  	[tilespmem:s25], [sflag:$0x1] =	stream.linear.gather [hbm4b:s18+s2], $0x8000, $0x38;
	[tilespmem:$0x10800] =	vst v63  }
0x77: {  	_ =	swait.ge [sflag:s5], $0x8000  }
0x78: {  	[sflag:s5] =	ssyncset.done $0x0  }
0x79: {  	[sflag:s5] =	ssyncadd.s32 $0xFFFF8000  }
0x7a: {  	v3 =	vld [tilespmem:$0x80];
	_ =	sdelay $0x4  }
0x7b: {  	v56 =	vshll.u32 v3, $0x1  }
0x7c: {  	v3 =	vand.u32 $0x7, v3;
	v4 =	vand.u32 $0xFFFFFFF0, v56  }
0x7d: {  	v3 =	vor.u32 v3, v4  }
0x7e: {  	v4 =	vperm.xlane v3, v0;
	_ =	sdelay $0x1  }
0x7f: {  	v3 =	vperm.xlane v3, v2;
	v4 =	vadd.s32 v1, v4;
	_ =	sdelay $0x1  }
0x80: {  	v3 =	vadd.s32 v1, v3;
	_ =	sdelay $0x1  }
0x81: {  	s28 =	simm.s32 $0x8800  }
0x82: {  	[hbm4b:s3+s2] =	stream.indirect_vreg.scatter [tilespmem:s28], [sflag:$0x4], $0x80, v4, vm0, $0xb8;
	[tilespmem:$0x10800] =	vst v63  }
0x83: {  	s19 =	simm.s32 $0x9000  }
0x84: {  	[hbm4b:s3+s2] =	stream.indirect_vreg.scatter [tilespmem:s19], [sflag:$0x4], $0x80, v3, vm0, $0xb8;
	[tilespmem:$0x10800] =	vst v63  }
0x85: {  	v3 =	vld [tilespmem:$0x90];
	_ =	sdelay $0x4  }
0x86: {  	v57 =	vshll.u32 v3, $0x1  }
0x87: {  	v3 =	vand.u32 $0x7, v3;
	v4 =	vand.u32 $0xFFFFFFF0, v57  }
0x88: {  	v3 =	vor.u32 v3, v4  }
0x89: {  	v4 =	vperm.xlane v3, v0;
	_ =	sdelay $0x1  }
0x8a: {  	v3 =	vperm.xlane v3, v2;
	v4 =	vadd.s32 v1, v4;
	_ =	sdelay $0x1  }
0x8b: {  	v3 =	vadd.s32 v1, v3;
	_ =	sdelay $0x1  }
0x8c: {  	s26 =	simm.s32 $0x9800  }
0x8d: {  	[hbm4b:s3+s2] =	stream.indirect_vreg.scatter [tilespmem:s26], [sflag:$0x4], $0x80, v4, vm0, $0xb8;
	[tilespmem:$0x10800] =	vst v63  }
0x8e: {  	s29 =	simm.s32 $0xA000  }
0x8f: {  	[hbm4b:s3+s2] =	stream.indirect_vreg.scatter [tilespmem:s29], [sflag:$0x4], $0x80, v3, vm0, $0xb8;
	[tilespmem:$0x10800] =	vst v63  }
0x90: {  	v3 =	vld [tilespmem:$0xA0];
	_ =	sdelay $0x4  }
0x91: {  	v58 =	vshll.u32 v3, $0x1  }
0x92: {  	v3 =	vand.u32 $0x7, v3;
	v4 =	vand.u32 $0xFFFFFFF0, v58  }
0x93: {  	v3 =	vor.u32 v3, v4  }
0x94: {  	v4 =	vperm.xlane v3, v0;
	_ =	sdelay $0x1  }
0x95: {  	v3 =	vperm.xlane v3, v2;
	v4 =	vadd.s32 v1, v4;
	_ =	sdelay $0x1  }
0x96: {  	v3 =	vadd.s32 v1, v3;
	_ =	sdelay $0x1  }
0x97: {  	s31 =	simm.s32 $0xA800  }
0x98: {  	[hbm4b:s3+s2] =	stream.indirect_vreg.scatter [tilespmem:s31], [sflag:$0x4], $0x80, v4, vm0, $0xb8;
	[tilespmem:$0x10800] =	vst v63  }
0x99: {  	s10 =	simm.s32 $0xB000  }
0x9a: {  	[hbm4b:s3+s2] =	stream.indirect_vreg.scatter [tilespmem:s10], [sflag:$0x4], $0x80, v3, vm0, $0xb8;
	[tilespmem:$0x10800] =	vst v63  }
0x9b: {  	v3 =	vld [tilespmem:$0xB0];
	_ =	sdelay $0x4  }
0x9c: {  	v59 =	vshll.u32 v3, $0x1  }
0x9d: {  	v3 =	vand.u32 $0x7, v3;
	v4 =	vand.u32 $0xFFFFFFF0, v59  }
0x9e: {  	v3 =	vor.u32 v3, v4  }
0x9f: {  	v4 =	vperm.xlane v3, v0;
	_ =	sdelay $0x1  }
0xa0: {  	v3 =	vperm.xlane v3, v2;
	v4 =	vadd.s32 v1, v4;
	_ =	sdelay $0x1  }
0xa1: {  	v3 =	vadd.s32 v1, v3;
	_ =	sdelay $0x1  }
0xa2: {  	s11 =	simm.s32 $0xB800  }
0xa3: {  	[hbm4b:s3+s2] =	stream.indirect_vreg.scatter [tilespmem:s11], [sflag:$0x4], $0x80, v4, vm0, $0xb8;
	[tilespmem:$0x10800] =	vst v63  }
0xa4: {  	s12 =	simm.s32 $0xC000  }
0xa5: {  	[hbm4b:s3+s2] =	stream.indirect_vreg.scatter [tilespmem:s12], [sflag:$0x4], $0x80, v3, vm0, $0xb8;
	[tilespmem:$0x10800] =	vst v63  }
0xa6: {  	v3 =	vld [tilespmem:$0xC0];
	_ =	sdelay $0x4  }
0xa7: {  	v60 =	vshll.u32 v3, $0x1  }
0xa8: {  	v3 =	vand.u32 $0x7, v3;
	v4 =	vand.u32 $0xFFFFFFF0, v60  }
0xa9: {  	v3 =	vor.u32 v3, v4  }
0xaa: {  	v4 =	vperm.xlane v3, v0;
	_ =	sdelay $0x1  }
0xab: {  	v3 =	vperm.xlane v3, v2;
	v4 =	vadd.s32 v1, v4;
	_ =	sdelay $0x1  }
0xac: {  	v3 =	vadd.s32 v1, v3;
	_ =	sdelay $0x1  }
0xad: {  	s14 =	simm.s32 $0xC800  }
0xae: {  	[hbm4b:s3+s2] =	stream.indirect_vreg.scatter [tilespmem:s14], [sflag:$0x4], $0x80, v4, vm0, $0xb8;
	[tilespmem:$0x10800] =	vst v63  }
0xaf: {  	s16 =	simm.s32 $0xD000  }
0xb0: {  	[hbm4b:s3+s2] =	stream.indirect_vreg.scatter [tilespmem:s16], [sflag:$0x4], $0x80, v3, vm0, $0xb8;
	[tilespmem:$0x10800] =	vst v63  }
0xb1: {  	v3 =	vld [tilespmem:$0xD0];
	_ =	sdelay $0x4  }
0xb2: {  	v61 =	vshll.u32 v3, $0x1  }
0xb3: {  	v3 =	vand.u32 $0x7, v3;
	v4 =	vand.u32 $0xFFFFFFF0, v61  }
0xb4: {  	v3 =	vor.u32 v3, v4  }
0xb5: {  	v4 =	vperm.xlane v3, v0;
	_ =	sdelay $0x1  }
0xb6: {  	v3 =	vperm.xlane v3, v2;
	v4 =	vadd.s32 v1, v4;
	_ =	sdelay $0x1  }
0xb7: {  	v3 =	vadd.s32 v1, v3;
	_ =	sdelay $0x1  }
0xb8: {  	s17 =	simm.s32 $0xD800  }
0xb9: {  	[hbm4b:s3+s2] =	stream.indirect_vreg.scatter [tilespmem:s17], [sflag:$0x4], $0x80, v4, vm0, $0xb8;
	[tilespmem:$0x10800] =	vst v63  }
0xba: {  	s18 =	simm.s32 $0xE000  }
0xbb: {  	[hbm4b:s3+s2] =	stream.indirect_vreg.scatter [tilespmem:s18], [sflag:$0x4], $0x80, v3, vm0, $0xb8;
	[tilespmem:$0x10800] =	vst v63  }
0xbc: {  	v3 =	vld [tilespmem:$0xE0];
	_ =	sdelay $0x4  }
0xbd: {  	v62 =	vshll.u32 v3, $0x1  }
0xbe: {  	v3 =	vand.u32 $0x7, v3;
	v4 =	vand.u32 $0xFFFFFFF0, v62  }
0xbf: {  	v3 =	vor.u32 v3, v4  }
0xc0: {  	v4 =	vperm.xlane v3, v0;
	_ =	sdelay $0x1  }
0xc1: {  	v3 =	vperm.xlane v3, v2;
	v4 =	vadd.s32 v1, v4;
	_ =	sdelay $0x1  }
0xc2: {  	v3 =	vadd.s32 v1, v3;
	_ =	sdelay $0x1  }
0xc3: {  	s19 =	simm.s32 $0xE800  }
0xc4: {  	[hbm4b:s3+s2] =	stream.indirect_vreg.scatter [tilespmem:s19], [sflag:$0x4], $0x80, v4, vm0, $0xb8;
	[tilespmem:$0x10800] =	vst v63  }
0xc5: {  	s26 =	simm.s32 $0xF000  }
0xc6: {  	[hbm4b:s3+s2] =	stream.indirect_vreg.scatter [tilespmem:s26], [sflag:$0x4], $0x80, v3, vm0, $0xb8;
	[tilespmem:$0x10800] =	vst v63  }
0xc7: {  	v3 =	vld [tilespmem:$0xF0];
	_ =	sdelay $0x4  }
0xc8: {  	v63 =	vshll.u32 v3, $0x1  }
0xc9: {  	v3 =	vand.u32 $0x7, v3;
	v4 =	vand.u32 $0xFFFFFFF0, v63  }
0xca: {  	v3 =	vor.u32 v3, v4  }
0xcb: {  	v4 =	vperm.xlane v3, v0;
	_ =	sdelay $0x1  }
0xcc: {  	v3 =	vperm.xlane v3, v2;
	v4 =	vadd.s32 v1, v4;
	_ =	sdelay $0x1  }
0xcd: {  	v3 =	vadd.s32 v1, v3;
	_ =	sdelay $0x1  }
0xce: {  	s29 =	simm.s32 $0xF800  }
0xcf: {  	[hbm4b:s3+s2] =	stream.indirect_vreg.scatter [tilespmem:s29], [sflag:$0x4], $0x80, v4, vm0, $0xb8;
	[tilespmem:$0x10800] =	vst v63  }
0xd0: {  	s31 =	simm.s32 $0x10000  }
0xd1: {  	[hbm4b:s3+s2] =	stream.indirect_vreg.scatter [tilespmem:s31], [sflag:$0x4], $0x80, v3, vm0, $0xb8;
	[tilespmem:$0x10800] =	vst v63  }
0xd2: {  	_ =	swait.ge [sflag:s1], $0x8000  }
0xd3: {  	[sflag:s1] =	ssyncset.done $0x0  }
0xd4: {  	s0 =	rddreg [dreg:$0x6];
	[sflag:s1] =	ssyncadd.s32 $0xFFFF8000  }
0xd5: {  	[tilespmem:s28], [sflag:$0x2] =	stream.linear.gather [hbm4b:s0+s2], $0x8000, $0x38;
	[tilespmem:$0x10800] =	vst v63  }
0xd6: {  	_ =	swait.ge [sflag:s8], $0x8000  }
0xd7: {  	[sflag:s8] =	ssyncset.done $0x0  }
0xd8: {  	[sflag:s8] =	ssyncadd.s32 $0xFFFF8000  }
0xd9: {  	v3 =	vld [tilespmem:$0x100];
	_ =	sdelay $0x4  }
0xda: {  	v8 =	vshll.u32 v3, $0x1  }
0xdb: {  	v3 =	vand.u32 $0x7, v3;
	v4 =	vand.u32 $0xFFFFFFF0, v8  }
0xdc: {  	v3 =	vor.u32 v3, v4  }
0xdd: {  	v4 =	vperm.xlane v3, v0;
	_ =	sdelay $0x1  }
0xde: {  	v3 =	vperm.xlane v3, v2;
	v4 =	vadd.s32 v1, v4;
	_ =	sdelay $0x1  }
0xdf: {  	v3 =	vadd.s32 v1, v3;
	_ =	sdelay $0x2  }
0xe0: {  	[hbm4b:s3+s2] =	stream.indirect_vreg.scatter [tilespmem:s25], [sflag:$0x3], $0x80, v4, vm0, $0xb8;
	[tilespmem:$0x10800] =	vst v63  }
0xe1: {  	s6 =	simm.s32 $0x1000  }
0xe2: {  	[hbm4b:s3+s2] =	stream.indirect_vreg.scatter [tilespmem:s6], [sflag:$0x3], $0x80, v3, vm0, $0xb8;
	[tilespmem:$0x10800] =	vst v63  }
0xe3: {  	v3 =	vld [tilespmem:$0x110];
	_ =	sdelay $0x4  }
0xe4: {  	v9 =	vshll.u32 v3, $0x1  }
0xe5: {  	v3 =	vand.u32 $0x7, v3;
	v4 =	vand.u32 $0xFFFFFFF0, v9  }
0xe6: {  	v3 =	vor.u32 v3, v4  }
0xe7: {  	v4 =	vperm.xlane v3, v0;
	_ =	sdelay $0x1  }
0xe8: {  	v3 =	vperm.xlane v3, v2;
	v4 =	vadd.s32 v1, v4;
	_ =	sdelay $0x1  }
0xe9: {  	v3 =	vadd.s32 v1, v3;
	_ =	sdelay $0x1  }
0xea: {  	s0 =	simm.s32 $0x1800  }
0xeb: {  	[hbm4b:s3+s2] =	stream.indirect_vreg.scatter [tilespmem:s0], [sflag:$0x3], $0x80, v4, vm0, $0xb8;
	[tilespmem:$0x10800] =	vst v63  }
0xec: {  	s7 =	simm.s32 $0x2000  }
0xed: {  	[hbm4b:s3+s2] =	stream.indirect_vreg.scatter [tilespmem:s7], [sflag:$0x3], $0x80, v3, vm0, $0xb8;
	[tilespmem:$0x10800] =	vst v63  }
0xee: {  	v3 =	vld [tilespmem:$0x120];
	_ =	sdelay $0x4  }
0xef: {  	v10 =	vshll.u32 v3, $0x1  }
0xf0: {  	v3 =	vand.u32 $0x7, v3;
	v4 =	vand.u32 $0xFFFFFFF0, v10  }
0xf1: {  	v3 =	vor.u32 v3, v4  }
0xf2: {  	v4 =	vperm.xlane v3, v0;
	_ =	sdelay $0x1  }
0xf3: {  	v3 =	vperm.xlane v3, v2;
	v4 =	vadd.s32 v1, v4;
	_ =	sdelay $0x1  }
0xf4: {  	v3 =	vadd.s32 v1, v3;
	_ =	sdelay $0x1  }
0xf5: {  	s6 =	simm.s32 $0x2800  }
0xf6: {  	[hbm4b:s3+s2] =	stream.indirect_vreg.scatter [tilespmem:s6], [sflag:$0x3], $0x80, v4, vm0, $0xb8;
	[tilespmem:$0x10800] =	vst v63  }
0xf7: {  	s20 =	simm.s32 $0x3000  }
0xf8: {  	[hbm4b:s3+s2] =	stream.indirect_vreg.scatter [tilespmem:s20], [sflag:$0x3], $0x80, v3, vm0, $0xb8;
	[tilespmem:$0x10800] =	vst v63  }
0xf9: {  	v3 =	vld [tilespmem:$0x130];
	_ =	sdelay $0x4  }
0xfa: {  	v11 =	vshll.u32 v3, $0x1  }
0xfb: {  	v3 =	vand.u32 $0x7, v3;
	v4 =	vand.u32 $0xFFFFFFF0, v11  }
0xfc: {  	v3 =	vor.u32 v3, v4  }
0xfd: {  	v4 =	vperm.xlane v3, v0;
	_ =	sdelay $0x1  }
0xfe: {  	v3 =	vperm.xlane v3, v2;
	v4 =	vadd.s32 v1, v4;
	_ =	sdelay $0x1  }
0xff: {  	v3 =	vadd.s32 v1, v3;
	_ =	sdelay $0x1  }
0x100: {  	s7 =	simm.s32 $0x3800  }
0x101: {  	[hbm4b:s3+s2] =	stream.indirect_vreg.scatter [tilespmem:s7], [sflag:$0x3], $0x80, v4, vm0, $0xb8;
	[tilespmem:$0x10800] =	vst v63  }
0x102: {  	s21 =	simm.s32 $0x4000  }
0x103: {  	[hbm4b:s3+s2] =	stream.indirect_vreg.scatter [tilespmem:s21], [sflag:$0x3], $0x80, v3, vm0, $0xb8;
	[tilespmem:$0x10800] =	vst v63  }
0x104: {  	v3 =	vld [tilespmem:$0x140];
	_ =	sdelay $0x4  }
0x105: {  	v12 =	vshll.u32 v3, $0x1  }
0x106: {  	v3 =	vand.u32 $0x7, v3;
	v4 =	vand.u32 $0xFFFFFFF0, v12  }
0x107: {  	v3 =	vor.u32 v3, v4  }
0x108: {  	v4 =	vperm.xlane v3, v0;
	_ =	sdelay $0x1  }
0x109: {  	v3 =	vperm.xlane v3, v2;
	v4 =	vadd.s32 v1, v4;
	_ =	sdelay $0x1  }
0x10a: {  	v3 =	vadd.s32 v1, v3;
	_ =	sdelay $0x1  }
0x10b: {  	s20 =	simm.s32 $0x4800  }
0x10c: {  	[hbm4b:s3+s2] =	stream.indirect_vreg.scatter [tilespmem:s20], [sflag:$0x3], $0x80, v4, vm0, $0xb8;
	[tilespmem:$0x10800] =	vst v63  }
0x10d: {  	s22 =	simm.s32 $0x5000  }
0x10e: {  	[hbm4b:s3+s2] =	stream.indirect_vreg.scatter [tilespmem:s22], [sflag:$0x3], $0x80, v3, vm0, $0xb8;
	[tilespmem:$0x10800] =	vst v63  }
0x10f: {  	v3 =	vld [tilespmem:$0x150];
	_ =	sdelay $0x4  }
0x110: {  	v13 =	vshll.u32 v3, $0x1  }
0x111: {  	v3 =	vand.u32 $0x7, v3;
	v4 =	vand.u32 $0xFFFFFFF0, v13  }
0x112: {  	v3 =	vor.u32 v3, v4  }
0x113: {  	v4 =	vperm.xlane v3, v0;
	_ =	sdelay $0x1  }
0x114: {  	v3 =	vperm.xlane v3, v2;
	v4 =	vadd.s32 v1, v4;
	_ =	sdelay $0x1  }
0x115: {  	v3 =	vadd.s32 v1, v3;
	_ =	sdelay $0x1  }
0x116: {  	s21 =	simm.s32 $0x5800  }
0x117: {  	[hbm4b:s3+s2] =	stream.indirect_vreg.scatter [tilespmem:s21], [sflag:$0x3], $0x80, v4, vm0, $0xb8;
	[tilespmem:$0x10800] =	vst v63  }
0x118: {  	s23 =	simm.s32 $0x6000  }
0x119: {  	[hbm4b:s3+s2] =	stream.indirect_vreg.scatter [tilespmem:s23], [sflag:$0x3], $0x80, v3, vm0, $0xb8;
	[tilespmem:$0x10800] =	vst v63  }
0x11a: {  	v3 =	vld [tilespmem:$0x160];
	_ =	sdelay $0x4  }
0x11b: {  	v14 =	vshll.u32 v3, $0x1  }
0x11c: {  	v3 =	vand.u32 $0x7, v3;
	v4 =	vand.u32 $0xFFFFFFF0, v14  }
0x11d: {  	v3 =	vor.u32 v3, v4  }
0x11e: {  	v4 =	vperm.xlane v3, v0;
	_ =	sdelay $0x1  }
0x11f: {  	v3 =	vperm.xlane v3, v2;
	v4 =	vadd.s32 v1, v4;
	_ =	sdelay $0x1  }
0x120: {  	v3 =	vadd.s32 v1, v3;
	_ =	sdelay $0x1  }
0x121: {  	s22 =	simm.s32 $0x6800  }
0x122: {  	[hbm4b:s3+s2] =	stream.indirect_vreg.scatter [tilespmem:s22], [sflag:$0x3], $0x80, v4, vm0, $0xb8;
	[tilespmem:$0x10800] =	vst v63  }
0x123: {  	s10 =	simm.s32 $0x7000  }
0x124: {  	[hbm4b:s3+s2] =	stream.indirect_vreg.scatter [tilespmem:s10], [sflag:$0x3], $0x80, v3, vm0, $0xb8;
	[tilespmem:$0x10800] =	vst v63  }
0x125: {  	v3 =	vld [tilespmem:$0x170];
	_ =	sdelay $0x4  }
0x126: {  	v15 =	vshll.u32 v3, $0x1  }
0x127: {  	v3 =	vand.u32 $0x7, v3;
	v4 =	vand.u32 $0xFFFFFFF0, v15  }
0x128: {  	v3 =	vor.u32 v3, v4  }
0x129: {  	v4 =	vperm.xlane v3, v0;
	_ =	sdelay $0x1  }
0x12a: {  	v3 =	vperm.xlane v3, v2;
	v4 =	vadd.s32 v1, v4;
	_ =	sdelay $0x1  }
0x12b: {  	v3 =	vadd.s32 v1, v3;
	_ =	sdelay $0x1  }
0x12c: {  	s23 =	simm.s32 $0x7800  }
0x12d: {  	[hbm4b:s3+s2] =	stream.indirect_vreg.scatter [tilespmem:s23], [sflag:$0x3], $0x80, v4, vm0, $0xb8;
	[tilespmem:$0x10800] =	vst v63  }
0x12e: {  	s9 =	simm.s32 $0x8000  }
0x12f: {  	[hbm4b:s3+s2] =	stream.indirect_vreg.scatter [tilespmem:s9], [sflag:$0x3], $0x80, v3, vm0, $0xb8;
	[tilespmem:$0x10800] =	vst v63  }
0x130: {  	_ =	swait.ge [sflag:s24], $0x8000  }
0x131: {  	[sflag:s24] =	ssyncset.done $0x0  }
0x132: {  	s9 =	rddreg [dreg:$0x7];
	[sflag:s24] =	ssyncadd.s32 $0xFFFF8000  }
0x133: {  	[tilespmem:s25], [sflag:$0x1] =	stream.linear.gather [hbm4b:s9+s2], $0x8000, $0x38;
	[tilespmem:$0x10800] =	vst v63  }
0x134: {  	_ =	swait.ge [sflag:s5], $0x8000  }
0x135: {  	[sflag:s5] =	ssyncset.done $0x0  }
0x136: {  	[sflag:s5] =	ssyncadd.s32 $0xFFFF8000  }
0x137: {  	v3 =	vld [tilespmem:$0x180];
	_ =	sdelay $0x4  }
0x138: {  	v16 =	vshll.u32 v3, $0x1  }
0x139: {  	v3 =	vand.u32 $0x7, v3;
	v4 =	vand.u32 $0xFFFFFFF0, v16  }
0x13a: {  	v3 =	vor.u32 v3, v4  }
0x13b: {  	v4 =	vperm.xlane v3, v0;
	_ =	sdelay $0x1  }
0x13c: {  	v3 =	vperm.xlane v3, v2;
	v4 =	vadd.s32 v1, v4;
	_ =	sdelay $0x1  }
0x13d: {  	v3 =	vadd.s32 v1, v3;
	_ =	sdelay $0x2  }
0x13e: {  	[hbm4b:s3+s2] =	stream.indirect_vreg.scatter [tilespmem:s28], [sflag:$0x4], $0x80, v4, vm0, $0xb8;
	[tilespmem:$0x10800] =	vst v63  }
0x13f: {  	s30 =	simm.s32 $0x9000  }
0x140: {  	[hbm4b:s3+s2] =	stream.indirect_vreg.scatter [tilespmem:s30], [sflag:$0x4], $0x80, v3, vm0, $0xb8;
	[tilespmem:$0x10800] =	vst v63  }
0x141: {  	v3 =	vld [tilespmem:$0x190];
	_ =	sdelay $0x4  }
0x142: {  	v17 =	vshll.u32 v3, $0x1  }
0x143: {  	v3 =	vand.u32 $0x7, v3;
	v4 =	vand.u32 $0xFFFFFFF0, v17  }
0x144: {  	v3 =	vor.u32 v3, v4  }
0x145: {  	v4 =	vperm.xlane v3, v0;
	_ =	sdelay $0x1  }
0x146: {  	v3 =	vperm.xlane v3, v2;
	v4 =	vadd.s32 v1, v4;
	_ =	sdelay $0x1  }
0x147: {  	v3 =	vadd.s32 v1, v3;
	_ =	sdelay $0x1  }
0x148: {  	s15 =	simm.s32 $0x9800  }
0x149: {  	[hbm4b:s3+s2] =	stream.indirect_vreg.scatter [tilespmem:s15], [sflag:$0x4], $0x80, v4, vm0, $0xb8;
	[tilespmem:$0x10800] =	vst v63  }
0x14a: {  	s30 =	simm.s32 $0xA000  }
0x14b: {  	[hbm4b:s3+s2] =	stream.indirect_vreg.scatter [tilespmem:s30], [sflag:$0x4], $0x80, v3, vm0, $0xb8;
	[tilespmem:$0x10800] =	vst v63  }
0x14c: {  	v3 =	vld [tilespmem:$0x1A0];
	_ =	sdelay $0x4  }
0x14d: {  	v18 =	vshll.u32 v3, $0x1  }
0x14e: {  	v3 =	vand.u32 $0x7, v3;
	v4 =	vand.u32 $0xFFFFFFF0, v18  }
0x14f: {  	v3 =	vor.u32 v3, v4  }
0x150: {  	v4 =	vperm.xlane v3, v0;
	_ =	sdelay $0x1  }
0x151: {  	v3 =	vperm.xlane v3, v2;
	v4 =	vadd.s32 v1, v4;
	_ =	sdelay $0x1  }
0x152: {  	v3 =	vadd.s32 v1, v3;
	_ =	sdelay $0x1  }
0x153: {  	s31 =	simm.s32 $0xA800  }
0x154: {  	[hbm4b:s3+s2] =	stream.indirect_vreg.scatter [tilespmem:s31], [sflag:$0x4], $0x80, v4, vm0, $0xb8;
	[tilespmem:$0x10800] =	vst v63  }
0x155: {  	s13 =	simm.s32 $0xB000  }
0x156: {  	[hbm4b:s3+s2] =	stream.indirect_vreg.scatter [tilespmem:s13], [sflag:$0x4], $0x80, v3, vm0, $0xb8;
	[tilespmem:$0x10800] =	vst v63  }
0x157: {  	v3 =	vld [tilespmem:$0x1B0];
	_ =	sdelay $0x4  }
0x158: {  	v19 =	vshll.u32 v3, $0x1  }
0x159: {  	v3 =	vand.u32 $0x7, v3;
	v4 =	vand.u32 $0xFFFFFFF0, v19  }
0x15a: {  	v3 =	vor.u32 v3, v4  }
0x15b: {  	v4 =	vperm.xlane v3, v0;
	_ =	sdelay $0x1  }
0x15c: {  	v3 =	vperm.xlane v3, v2;
	v4 =	vadd.s32 v1, v4;
	_ =	sdelay $0x1  }
0x15d: {  	v3 =	vadd.s32 v1, v3;
	_ =	sdelay $0x1  }
0x15e: {  	s11 =	simm.s32 $0xB800  }
0x15f: {  	[hbm4b:s3+s2] =	stream.indirect_vreg.scatter [tilespmem:s11], [sflag:$0x4], $0x80, v4, vm0, $0xb8;
	[tilespmem:$0x10800] =	vst v63  }
0x160: {  	s11 =	simm.s32 $0xC000  }
0x161: {  	[hbm4b:s3+s2] =	stream.indirect_vreg.scatter [tilespmem:s11], [sflag:$0x4], $0x80, v3, vm0, $0xb8;
	[tilespmem:$0x10800] =	vst v63  }
0x162: {  	v3 =	vld [tilespmem:$0x1C0];
	_ =	sdelay $0x4  }
0x163: {  	v20 =	vshll.u32 v3, $0x1  }
0x164: {  	v3 =	vand.u32 $0x7, v3;
	v4 =	vand.u32 $0xFFFFFFF0, v20  }
0x165: {  	v3 =	vor.u32 v3, v4  }
0x166: {  	v4 =	vperm.xlane v3, v0;
	_ =	sdelay $0x1  }
0x167: {  	v3 =	vperm.xlane v3, v2;
	v4 =	vadd.s32 v1, v4;
	_ =	sdelay $0x1  }
0x168: {  	v3 =	vadd.s32 v1, v3;
	_ =	sdelay $0x1  }
0x169: {  	s9 =	simm.s32 $0xC800  }
0x16a: {  	[hbm4b:s3+s2] =	stream.indirect_vreg.scatter [tilespmem:s9], [sflag:$0x4], $0x80, v4, vm0, $0xb8;
	[tilespmem:$0x10800] =	vst v63  }
0x16b: {  	s13 =	simm.s32 $0xD000  }
0x16c: {  	[hbm4b:s3+s2] =	stream.indirect_vreg.scatter [tilespmem:s13], [sflag:$0x4], $0x80, v3, vm0, $0xb8;
	[tilespmem:$0x10800] =	vst v63  }
0x16d: {  	v3 =	vld [tilespmem:$0x1D0];
	_ =	sdelay $0x4  }
0x16e: {  	v21 =	vshll.u32 v3, $0x1  }
0x16f: {  	v3 =	vand.u32 $0x7, v3;
	v4 =	vand.u32 $0xFFFFFFF0, v21  }
0x170: {  	v3 =	vor.u32 v3, v4  }
0x171: {  	v4 =	vperm.xlane v3, v0;
	_ =	sdelay $0x1  }
0x172: {  	v3 =	vperm.xlane v3, v2;
	v4 =	vadd.s32 v1, v4;
	_ =	sdelay $0x1  }
0x173: {  	v3 =	vadd.s32 v1, v3;
	_ =	sdelay $0x1  }
0x174: {  	s26 =	simm.s32 $0xD800  }
0x175: {  	[hbm4b:s3+s2] =	stream.indirect_vreg.scatter [tilespmem:s26], [sflag:$0x4], $0x80, v4, vm0, $0xb8;
	[tilespmem:$0x10800] =	vst v63  }
0x176: {  	s15 =	simm.s32 $0xE000  }
0x177: {  	[hbm4b:s3+s2] =	stream.indirect_vreg.scatter [tilespmem:s15], [sflag:$0x4], $0x80, v3, vm0, $0xb8;
	[tilespmem:$0x10800] =	vst v63  }
0x178: {  	v3 =	vld [tilespmem:$0x1E0];
	_ =	sdelay $0x4  }
0x179: {  	v22 =	vshll.u32 v3, $0x1  }
0x17a: {  	v3 =	vand.u32 $0x7, v3;
	v4 =	vand.u32 $0xFFFFFFF0, v22  }
0x17b: {  	v3 =	vor.u32 v3, v4  }
0x17c: {  	v4 =	vperm.xlane v3, v0;
	_ =	sdelay $0x1  }
0x17d: {  	v3 =	vperm.xlane v3, v2;
	v4 =	vadd.s32 v1, v4;
	_ =	sdelay $0x1  }
0x17e: {  	v3 =	vadd.s32 v1, v3;
	_ =	sdelay $0x1  }
0x17f: {  	s14 =	simm.s32 $0xE800  }
0x180: {  	[hbm4b:s3+s2] =	stream.indirect_vreg.scatter [tilespmem:s14], [sflag:$0x4], $0x80, v4, vm0, $0xb8;
	[tilespmem:$0x10800] =	vst v63  }
0x181: {  	s14 =	simm.s32 $0xF000  }
0x182: {  	[hbm4b:s3+s2] =	stream.indirect_vreg.scatter [tilespmem:s14], [sflag:$0x4], $0x80, v3, vm0, $0xb8;
	[tilespmem:$0x10800] =	vst v63  }
0x183: {  	v3 =	vld [tilespmem:$0x1F0];
	_ =	sdelay $0x4  }
0x184: {  	v23 =	vshll.u32 v3, $0x1  }
0x185: {  	v3 =	vand.u32 $0x7, v3;
	v4 =	vand.u32 $0xFFFFFFF0, v23  }
0x186: {  	v3 =	vor.u32 v3, v4  }
0x187: {  	v4 =	vperm.xlane v3, v0;
	_ =	sdelay $0x1  }
0x188: {  	v3 =	vperm.xlane v3, v2;
	v4 =	vadd.s32 v1, v4;
	_ =	sdelay $0x1  }
0x189: {  	v3 =	vadd.s32 v1, v3;
	_ =	sdelay $0x1  }
0x18a: {  	s26 =	simm.s32 $0xF800  }
0x18b: {  	[hbm4b:s3+s2] =	stream.indirect_vreg.scatter [tilespmem:s26], [sflag:$0x4], $0x80, v4, vm0, $0xb8;
	[tilespmem:$0x10800] =	vst v63  }
0x18c: {  	s29 =	simm.s32 $0x10000  }
0x18d: {  	[hbm4b:s3+s2] =	stream.indirect_vreg.scatter [tilespmem:s29], [sflag:$0x4], $0x80, v3, vm0, $0xb8;
	[tilespmem:$0x10800] =	vst v63  }
0x18e: {  	_ =	swait.ge [sflag:s1], $0x8000  }
0x18f: {  	[sflag:s1] =	ssyncset.done $0x0  }
0x190: {  	s26 =	rddreg [dreg:$0x8];
	[sflag:s1] =	ssyncadd.s32 $0xFFFF8000  }
0x191: {  	[tilespmem:s28], [sflag:$0x2] =	stream.linear.gather [hbm4b:s26+s2], $0x8000, $0x38;
	[tilespmem:$0x10800] =	vst v63  }
0x192: {  	_ =	swait.ge [sflag:s8], $0x8000  }
0x193: {  	[sflag:s8] =	ssyncset.done $0x0  }
0x194: {  	[sflag:s8] =	ssyncadd.s32 $0xFFFF8000  }
0x195: {  	v3 =	vld [tilespmem:$0x200];
	_ =	sdelay $0x4  }
0x196: {  	v24 =	vshll.u32 v3, $0x1  }
0x197: {  	v3 =	vand.u32 $0x7, v3;
	v4 =	vand.u32 $0xFFFFFFF0, v24  }
0x198: {  	v3 =	vor.u32 v3, v4  }
0x199: {  	v4 =	vperm.xlane v3, v0;
	_ =	sdelay $0x1  }
0x19a: {  	v3 =	vperm.xlane v3, v2;
	v4 =	vadd.s32 v1, v4;
	_ =	sdelay $0x1  }
0x19b: {  	v3 =	vadd.s32 v1, v3;
	_ =	sdelay $0x2  }
0x19c: {  	[hbm4b:s3+s2] =	stream.indirect_vreg.scatter [tilespmem:s25], [sflag:$0x3], $0x80, v4, vm0, $0xb8;
	[tilespmem:$0x10800] =	vst v63  }
0x19d: {  	s17 =	simm.s32 $0x1000  }
0x19e: {  	[hbm4b:s3+s2] =	stream.indirect_vreg.scatter [tilespmem:s17], [sflag:$0x3], $0x80, v3, vm0, $0xb8;
	[tilespmem:$0x10800] =	vst v63  }
0x19f: {  	v3 =	vld [tilespmem:$0x210];
	_ =	sdelay $0x4  }
0x1a0: {  	v25 =	vshll.u32 v3, $0x1  }
0x1a1: {  	v3 =	vand.u32 $0x7, v3;
	v4 =	vand.u32 $0xFFFFFFF0, v25  }
0x1a2: {  	v3 =	vor.u32 v3, v4  }
0x1a3: {  	v4 =	vperm.xlane v3, v0;
	_ =	sdelay $0x1  }
0x1a4: {  	v3 =	vperm.xlane v3, v2;
	v4 =	vadd.s32 v1, v4;
	_ =	sdelay $0x1  }
0x1a5: {  	v3 =	vadd.s32 v1, v3;
	_ =	sdelay $0x2  }
0x1a6: {  	[hbm4b:s3+s2] =	stream.indirect_vreg.scatter [tilespmem:s0], [sflag:$0x3], $0x80, v4, vm0, $0xb8;
	[tilespmem:$0x10800] =	vst v63  }
0x1a7: {  	s19 =	simm.s32 $0x2000  }
0x1a8: {  	[hbm4b:s3+s2] =	stream.indirect_vreg.scatter [tilespmem:s19], [sflag:$0x3], $0x80, v3, vm0, $0xb8;
	[tilespmem:$0x10800] =	vst v63  }
0x1a9: {  	v3 =	vld [tilespmem:$0x220];
	_ =	sdelay $0x4  }
0x1aa: {  	v26 =	vshll.u32 v3, $0x1  }
0x1ab: {  	v3 =	vand.u32 $0x7, v3;
	v4 =	vand.u32 $0xFFFFFFF0, v26  }
0x1ac: {  	v3 =	vor.u32 v3, v4  }
0x1ad: {  	v4 =	vperm.xlane v3, v0;
	_ =	sdelay $0x1  }
0x1ae: {  	v3 =	vperm.xlane v3, v2;
	v4 =	vadd.s32 v1, v4;
	_ =	sdelay $0x1  }
0x1af: {  	v3 =	vadd.s32 v1, v3;
	_ =	sdelay $0x2  }
0x1b0: {  	[hbm4b:s3+s2] =	stream.indirect_vreg.scatter [tilespmem:s6], [sflag:$0x3], $0x80, v4, vm0, $0xb8;
	[tilespmem:$0x10800] =	vst v63  }
0x1b1: {  	s16 =	simm.s32 $0x3000  }
0x1b2: {  	[hbm4b:s3+s2] =	stream.indirect_vreg.scatter [tilespmem:s16], [sflag:$0x3], $0x80, v3, vm0, $0xb8;
	[tilespmem:$0x10800] =	vst v63  }
0x1b3: {  	v3 =	vld [tilespmem:$0x230];
	_ =	sdelay $0x4  }
0x1b4: {  	v27 =	vshll.u32 v3, $0x1  }
0x1b5: {  	v3 =	vand.u32 $0x7, v3;
	v4 =	vand.u32 $0xFFFFFFF0, v27  }
0x1b6: {  	v3 =	vor.u32 v3, v4  }
0x1b7: {  	v4 =	vperm.xlane v3, v0;
	_ =	sdelay $0x1  }
0x1b8: {  	v3 =	vperm.xlane v3, v2;
	v4 =	vadd.s32 v1, v4;
	_ =	sdelay $0x1  }
0x1b9: {  	v3 =	vadd.s32 v1, v3;
	_ =	sdelay $0x2  }
0x1ba: {  	[hbm4b:s3+s2] =	stream.indirect_vreg.scatter [tilespmem:s7], [sflag:$0x3], $0x80, v4, vm0, $0xb8;
	[tilespmem:$0x10800] =	vst v63  }
0x1bb: {  	s12 =	simm.s32 $0x4000  }
0x1bc: {  	[hbm4b:s3+s2] =	stream.indirect_vreg.scatter [tilespmem:s12], [sflag:$0x3], $0x80, v3, vm0, $0xb8;
	[tilespmem:$0x10800] =	vst v63  }
0x1bd: {  	v3 =	vld [tilespmem:$0x240];
	_ =	sdelay $0x4  }
0x1be: {  	v28 =	vshll.u32 v3, $0x1  }
0x1bf: {  	v3 =	vand.u32 $0x7, v3;
	v4 =	vand.u32 $0xFFFFFFF0, v28  }
0x1c0: {  	v3 =	vor.u32 v3, v4  }
0x1c1: {  	v4 =	vperm.xlane v3, v0;
	_ =	sdelay $0x1  }
0x1c2: {  	v3 =	vperm.xlane v3, v2;
	v4 =	vadd.s32 v1, v4;
	_ =	sdelay $0x1  }
0x1c3: {  	v3 =	vadd.s32 v1, v3;
	_ =	sdelay $0x2  }
0x1c4: {  	[hbm4b:s3+s2] =	stream.indirect_vreg.scatter [tilespmem:s20], [sflag:$0x3], $0x80, v4, vm0, $0xb8;
	[tilespmem:$0x10800] =	vst v63  }
0x1c5: {  	s7 =	simm.s32 $0x5000  }
0x1c6: {  	[hbm4b:s3+s2] =	stream.indirect_vreg.scatter [tilespmem:s7], [sflag:$0x3], $0x80, v3, vm0, $0xb8;
	[tilespmem:$0x10800] =	vst v63  }
0x1c7: {  	v3 =	vld [tilespmem:$0x250];
	_ =	sdelay $0x4  }
0x1c8: {  	v29 =	vshll.u32 v3, $0x1  }
0x1c9: {  	v3 =	vand.u32 $0x7, v3;
	v4 =	vand.u32 $0xFFFFFFF0, v29  }
0x1ca: {  	v3 =	vor.u32 v3, v4  }
0x1cb: {  	v4 =	vperm.xlane v3, v0;
	_ =	sdelay $0x1  }
0x1cc: {  	v3 =	vperm.xlane v3, v2;
	v4 =	vadd.s32 v1, v4;
	_ =	sdelay $0x1  }
0x1cd: {  	v3 =	vadd.s32 v1, v3;
	_ =	sdelay $0x2  }
0x1ce: {  	[hbm4b:s3+s2] =	stream.indirect_vreg.scatter [tilespmem:s21], [sflag:$0x3], $0x80, v4, vm0, $0xb8;
	[tilespmem:$0x10800] =	vst v63  }
0x1cf: {  	s12 =	simm.s32 $0x6000  }
0x1d0: {  	[hbm4b:s3+s2] =	stream.indirect_vreg.scatter [tilespmem:s12], [sflag:$0x3], $0x80, v3, vm0, $0xb8;
	[tilespmem:$0x10800] =	vst v63  }
0x1d1: {  	v3 =	vld [tilespmem:$0x260];
	_ =	sdelay $0x4  }
0x1d2: {  	v30 =	vshll.u32 v3, $0x1  }
0x1d3: {  	v3 =	vand.u32 $0x7, v3;
	v4 =	vand.u32 $0xFFFFFFF0, v30  }
0x1d4: {  	v3 =	vor.u32 v3, v4  }
0x1d5: {  	v4 =	vperm.xlane v3, v0;
	_ =	sdelay $0x1  }
0x1d6: {  	v3 =	vperm.xlane v3, v2;
	v4 =	vadd.s32 v1, v4;
	_ =	sdelay $0x1  }
0x1d7: {  	v3 =	vadd.s32 v1, v3;
	_ =	sdelay $0x2  }
0x1d8: {  	[hbm4b:s3+s2] =	stream.indirect_vreg.scatter [tilespmem:s22], [sflag:$0x3], $0x80, v4, vm0, $0xb8;
	[tilespmem:$0x10800] =	vst v63  }
0x1d9: {  	_ = 	snop  }
0x1da: {  	[hbm4b:s3+s2] =	stream.indirect_vreg.scatter [tilespmem:s10], [sflag:$0x3], $0x80, v3, vm0, $0xb8;
	[tilespmem:$0x10800] =	vst v63  }
0x1db: {  	v3 =	vld [tilespmem:$0x270];
	_ =	sdelay $0x4  }
0x1dc: {  	v31 =	vshll.u32 v3, $0x1  }
0x1dd: {  	v3 =	vand.u32 $0x7, v3;
	v4 =	vand.u32 $0xFFFFFFF0, v31  }
0x1de: {  	v3 =	vor.u32 v3, v4  }
0x1df: {  	v4 =	vperm.xlane v3, v0;
	_ =	sdelay $0x1  }
0x1e0: {  	v3 =	vperm.xlane v3, v2;
	v4 =	vadd.s32 v1, v4;
	_ =	sdelay $0x1  }
0x1e1: {  	v3 =	vadd.s32 v1, v3;
	_ =	sdelay $0x2  }
0x1e2: {  	[hbm4b:s3+s2] =	stream.indirect_vreg.scatter [tilespmem:s23], [sflag:$0x3], $0x80, v4, vm0, $0xb8;
	[tilespmem:$0x10800] =	vst v63  }
0x1e3: {  	s18 =	simm.s32 $0x8000  }
0x1e4: {  	[hbm4b:s3+s2] =	stream.indirect_vreg.scatter [tilespmem:s18], [sflag:$0x3], $0x80, v3, vm0, $0xb8;
	[tilespmem:$0x10800] =	vst v63  }
0x1e5: {  	_ =	swait.ge [sflag:s24], $0x8000  }
0x1e6: {  	[sflag:s24] =	ssyncset.done $0x0  }
0x1e7: {  	s18 =	rddreg [dreg:$0x9];
	[sflag:s24] =	ssyncadd.s32 $0xFFFF8000  }
0x1e8: {  	[tilespmem:s25], [sflag:$0x1] =	stream.linear.gather [hbm4b:s18+s2], $0x8000, $0x38;
	[tilespmem:$0x10800] =	vst v63  }
0x1e9: {  	_ =	swait.ge [sflag:s5], $0x8000  }
0x1ea: {  	[sflag:s5] =	ssyncset.done $0x0  }
0x1eb: {  	[sflag:s5] =	ssyncadd.s32 $0xFFFF8000  }
0x1ec: {  	v3 =	vld [tilespmem:$0x280];
	_ =	sdelay $0x4  }
0x1ed: {  	v32 =	vshll.u32 v3, $0x1  }
0x1ee: {  	v3 =	vand.u32 $0x7, v3;
	v4 =	vand.u32 $0xFFFFFFF0, v32  }
0x1ef: {  	v3 =	vor.u32 v3, v4  }
0x1f0: {  	v4 =	vperm.xlane v3, v0;
	_ =	sdelay $0x1  }
0x1f1: {  	v3 =	vperm.xlane v3, v2;
	v4 =	vadd.s32 v1, v4;
	_ =	sdelay $0x1  }
0x1f2: {  	v3 =	vadd.s32 v1, v3;
	_ =	sdelay $0x2  }
0x1f3: {  	[hbm4b:s3+s2] =	stream.indirect_vreg.scatter [tilespmem:s28], [sflag:$0x4], $0x80, v4, vm0, $0xb8;
	[tilespmem:$0x10800] =	vst v63  }
0x1f4: {  	s23 =	simm.s32 $0x9000  }
0x1f5: {  	[hbm4b:s3+s2] =	stream.indirect_vreg.scatter [tilespmem:s23], [sflag:$0x4], $0x80, v3, vm0, $0xb8;
	[tilespmem:$0x10800] =	vst v63  }
0x1f6: {  	v3 =	vld [tilespmem:$0x290];
	_ =	sdelay $0x4  }
0x1f7: {  	v33 =	vshll.u32 v3, $0x1  }
0x1f8: {  	v3 =	vand.u32 $0x7, v3;
	v4 =	vand.u32 $0xFFFFFFF0, v33  }
0x1f9: {  	v3 =	vor.u32 v3, v4  }
0x1fa: {  	v4 =	vperm.xlane v3, v0;
	_ =	sdelay $0x1  }
0x1fb: {  	v3 =	vperm.xlane v3, v2;
	v4 =	vadd.s32 v1, v4;
	_ =	sdelay $0x1  }
0x1fc: {  	v3 =	vadd.s32 v1, v3;
	_ =	sdelay $0x1  }
0x1fd: {  	s26 =	simm.s32 $0x9800  }
0x1fe: {  	[hbm4b:s3+s2] =	stream.indirect_vreg.scatter [tilespmem:s26], [sflag:$0x4], $0x80, v4, vm0, $0xb8;
	[tilespmem:$0x10800] =	vst v63  }
0x1ff: {  	_ = 	snop  }
0x200: {  	[hbm4b:s3+s2] =	stream.indirect_vreg.scatter [tilespmem:s30], [sflag:$0x4], $0x80, v3, vm0, $0xb8;
	[tilespmem:$0x10800] =	vst v63  }
0x201: {  	v3 =	vld [tilespmem:$0x2A0];
	_ =	sdelay $0x4  }
0x202: {  	v34 =	vshll.u32 v3, $0x1  }
0x203: {  	v3 =	vand.u32 $0x7, v3;
	v4 =	vand.u32 $0xFFFFFFF0, v34  }
0x204: {  	v3 =	vor.u32 v3, v4  }
0x205: {  	v4 =	vperm.xlane v3, v0;
	_ =	sdelay $0x1  }
0x206: {  	v3 =	vperm.xlane v3, v2;
	v4 =	vadd.s32 v1, v4;
	_ =	sdelay $0x1  }
0x207: {  	v3 =	vadd.s32 v1, v3;
	_ =	sdelay $0x2  }
0x208: {  	[hbm4b:s3+s2] =	stream.indirect_vreg.scatter [tilespmem:s31], [sflag:$0x4], $0x80, v4, vm0, $0xb8;
	[tilespmem:$0x10800] =	vst v63  }
0x209: {  	s6 =	simm.s32 $0xB000  }
0x20a: {  	[hbm4b:s3+s2] =	stream.indirect_vreg.scatter [tilespmem:s6], [sflag:$0x4], $0x80, v3, vm0, $0xb8;
	[tilespmem:$0x10800] =	vst v63  }
0x20b: {  	v3 =	vld [tilespmem:$0x2B0];
	_ =	sdelay $0x4  }
0x20c: {  	v35 =	vshll.u32 v3, $0x1  }
0x20d: {  	v3 =	vand.u32 $0x7, v3;
	v4 =	vand.u32 $0xFFFFFFF0, v35  }
0x20e: {  	v3 =	vor.u32 v3, v4  }
0x20f: {  	v4 =	vperm.xlane v3, v0;
	_ =	sdelay $0x1  }
0x210: {  	v3 =	vperm.xlane v3, v2;
	v4 =	vadd.s32 v1, v4;
	_ =	sdelay $0x1  }
0x211: {  	v3 =	vadd.s32 v1, v3;
	_ =	sdelay $0x1  }
0x212: {  	s7 =	simm.s32 $0xB800  }
0x213: {  	[hbm4b:s3+s2] =	stream.indirect_vreg.scatter [tilespmem:s7], [sflag:$0x4], $0x80, v4, vm0, $0xb8;
	[tilespmem:$0x10800] =	vst v63  }
0x214: {  	_ = 	snop  }
0x215: {  	[hbm4b:s3+s2] =	stream.indirect_vreg.scatter [tilespmem:s11], [sflag:$0x4], $0x80, v3, vm0, $0xb8;
	[tilespmem:$0x10800] =	vst v63  }
0x216: {  	v3 =	vld [tilespmem:$0x2C0];
	_ =	sdelay $0x4  }
0x217: {  	v36 =	vshll.u32 v3, $0x1  }
0x218: {  	v3 =	vand.u32 $0x7, v3;
	v4 =	vand.u32 $0xFFFFFFF0, v36  }
0x219: {  	v3 =	vor.u32 v3, v4  }
0x21a: {  	v4 =	vperm.xlane v3, v0;
	_ =	sdelay $0x1  }
0x21b: {  	v3 =	vperm.xlane v3, v2;
	v4 =	vadd.s32 v1, v4;
	_ =	sdelay $0x1  }
0x21c: {  	v3 =	vadd.s32 v1, v3;
	_ =	sdelay $0x2  }
0x21d: {  	[hbm4b:s3+s2] =	stream.indirect_vreg.scatter [tilespmem:s9], [sflag:$0x4], $0x80, v4, vm0, $0xb8;
	[tilespmem:$0x10800] =	vst v63  }
0x21e: {  	_ = 	snop  }
0x21f: {  	[hbm4b:s3+s2] =	stream.indirect_vreg.scatter [tilespmem:s13], [sflag:$0x4], $0x80, v3, vm0, $0xb8;
	[tilespmem:$0x10800] =	vst v63  }
0x220: {  	v3 =	vld [tilespmem:$0x2D0];
	_ =	sdelay $0x4  }
0x221: {  	v37 =	vshll.u32 v3, $0x1  }
0x222: {  	v3 =	vand.u32 $0x7, v3;
	v4 =	vand.u32 $0xFFFFFFF0, v37  }
0x223: {  	v3 =	vor.u32 v3, v4  }
0x224: {  	v4 =	vperm.xlane v3, v0;
	_ =	sdelay $0x1  }
0x225: {  	v3 =	vperm.xlane v3, v2;
	v4 =	vadd.s32 v1, v4;
	_ =	sdelay $0x1  }
0x226: {  	v3 =	vadd.s32 v1, v3;
	_ =	sdelay $0x1  }
0x227: {  	s10 =	simm.s32 $0xD800  }
0x228: {  	[hbm4b:s3+s2] =	stream.indirect_vreg.scatter [tilespmem:s10], [sflag:$0x4], $0x80, v4, vm0, $0xb8;
	[tilespmem:$0x10800] =	vst v63  }
0x229: {  	_ = 	snop  }
0x22a: {  	[hbm4b:s3+s2] =	stream.indirect_vreg.scatter [tilespmem:s15], [sflag:$0x4], $0x80, v3, vm0, $0xb8;
	[tilespmem:$0x10800] =	vst v63  }
0x22b: {  	v3 =	vld [tilespmem:$0x2E0];
	_ =	sdelay $0x4  }
0x22c: {  	v38 =	vshll.u32 v3, $0x1  }
0x22d: {  	v3 =	vand.u32 $0x7, v3;
	v4 =	vand.u32 $0xFFFFFFF0, v38  }
0x22e: {  	v3 =	vor.u32 v3, v4  }
0x22f: {  	v4 =	vperm.xlane v3, v0;
	_ =	sdelay $0x1  }
0x230: {  	v3 =	vperm.xlane v3, v2;
	v4 =	vadd.s32 v1, v4;
	_ =	sdelay $0x1  }
0x231: {  	v3 =	vadd.s32 v1, v3;
	_ =	sdelay $0x1  }
0x232: {  	s11 =	simm.s32 $0xE800  }
0x233: {  	[hbm4b:s3+s2] =	stream.indirect_vreg.scatter [tilespmem:s11], [sflag:$0x4], $0x80, v4, vm0, $0xb8;
	[tilespmem:$0x10800] =	vst v63  }
0x234: {  	_ = 	snop  }
0x235: {  	[hbm4b:s3+s2] =	stream.indirect_vreg.scatter [tilespmem:s14], [sflag:$0x4], $0x80, v3, vm0, $0xb8;
	[tilespmem:$0x10800] =	vst v63  }
0x236: {  	v3 =	vld [tilespmem:$0x2F0];
	_ =	sdelay $0x4  }
0x237: {  	v39 =	vshll.u32 v3, $0x1  }
0x238: {  	v3 =	vand.u32 $0x7, v3;
	v4 =	vand.u32 $0xFFFFFFF0, v39  }
0x239: {  	v3 =	vor.u32 v3, v4  }
0x23a: {  	v4 =	vperm.xlane v3, v0;
	_ =	sdelay $0x1  }
0x23b: {  	v3 =	vperm.xlane v3, v2;
	v4 =	vadd.s32 v1, v4;
	_ =	sdelay $0x1  }
0x23c: {  	v3 =	vadd.s32 v1, v3;
	_ =	sdelay $0x1  }
0x23d: {  	s12 =	simm.s32 $0xF800  }
0x23e: {  	[hbm4b:s3+s2] =	stream.indirect_vreg.scatter [tilespmem:s12], [sflag:$0x4], $0x80, v4, vm0, $0xb8;
	[tilespmem:$0x10800] =	vst v63  }
0x23f: {  	s29 =	simm.s32 $0x10000  }
0x240: {  	[hbm4b:s3+s2] =	stream.indirect_vreg.scatter [tilespmem:s29], [sflag:$0x4], $0x80, v3, vm0, $0xb8;
	[tilespmem:$0x10800] =	vst v63  }
0x241: {  	_ =	swait.ge [sflag:s1], $0x8000  }
0x242: {  	[sflag:s1] =	ssyncset.done $0x0  }
0x243: {  	s18 =	rddreg [dreg:$0xa];
	[sflag:s1] =	ssyncadd.s32 $0xFFFF8000  }
0x244: {  	[tilespmem:s28], [sflag:$0x2] =	stream.linear.gather [hbm4b:s18+s2], $0x8000, $0x38;
	[tilespmem:$0x10800] =	vst v63  }
0x245: {  	_ =	swait.ge [sflag:s8], $0x8000  }
0x246: {  	[sflag:s8] =	ssyncset.done $0x0  }
0x247: {  	[sflag:s8] =	ssyncadd.s32 $0xFFFF8000  }
0x248: {  	v3 =	vld [tilespmem:$0x300];
	_ =	sdelay $0x4  }
0x249: {  	v40 =	vshll.u32 v3, $0x1  }
0x24a: {  	v3 =	vand.u32 $0x7, v3;
	v4 =	vand.u32 $0xFFFFFFF0, v40  }
0x24b: {  	v3 =	vor.u32 v3, v4  }
0x24c: {  	v4 =	vperm.xlane v3, v0;
	_ =	sdelay $0x1  }
0x24d: {  	v3 =	vperm.xlane v3, v2;
	v4 =	vadd.s32 v1, v4;
	_ =	sdelay $0x1  }
0x24e: {  	v3 =	vadd.s32 v1, v3;
	_ =	sdelay $0x2  }
0x24f: {  	[hbm4b:s3+s2] =	stream.indirect_vreg.scatter [tilespmem:s25], [sflag:$0x3], $0x80, v4, vm0, $0xb8;
	[tilespmem:$0x10800] =	vst v63  }
0x250: {  	s7 =	simm.s32 $0x1000  }
0x251: {  	[hbm4b:s3+s2] =	stream.indirect_vreg.scatter [tilespmem:s7], [sflag:$0x3], $0x80, v3, vm0, $0xb8;
	[tilespmem:$0x10800] =	vst v63  }
0x252: {  	v3 =	vld [tilespmem:$0x310];
	_ =	sdelay $0x4  }
0x253: {  	v41 =	vshll.u32 v3, $0x1  }
0x254: {  	v3 =	vand.u32 $0x7, v3;
	v4 =	vand.u32 $0xFFFFFFF0, v41  }
0x255: {  	v3 =	vor.u32 v3, v4  }
0x256: {  	v4 =	vperm.xlane v3, v0;
	_ =	sdelay $0x1  }
0x257: {  	v3 =	vperm.xlane v3, v2;
	v4 =	vadd.s32 v1, v4;
	_ =	sdelay $0x1  }
0x258: {  	v3 =	vadd.s32 v1, v3;
	_ =	sdelay $0x1  }
0x259: {  	s17 =	simm.s32 $0x1800  }
0x25a: {  	[hbm4b:s3+s2] =	stream.indirect_vreg.scatter [tilespmem:s17], [sflag:$0x3], $0x80, v4, vm0, $0xb8;
	[tilespmem:$0x10800] =	vst v63  }
0x25b: {  	s29 =	simm.s32 $0x2000  }
0x25c: {  	[hbm4b:s3+s2] =	stream.indirect_vreg.scatter [tilespmem:s29], [sflag:$0x3], $0x80, v3, vm0, $0xb8;
	[tilespmem:$0x10800] =	vst v63  }
0x25d: {  	v3 =	vld [tilespmem:$0x320];
	_ =	sdelay $0x4  }
0x25e: {  	v42 =	vshll.u32 v3, $0x1  }
0x25f: {  	v3 =	vand.u32 $0x7, v3;
	v4 =	vand.u32 $0xFFFFFFF0, v42  }
0x260: {  	v3 =	vor.u32 v3, v4  }
0x261: {  	v4 =	vperm.xlane v3, v0;
	_ =	sdelay $0x1  }
0x262: {  	v3 =	vperm.xlane v3, v2;
	v4 =	vadd.s32 v1, v4;
	_ =	sdelay $0x1  }
0x263: {  	v3 =	vadd.s32 v1, v3;
	_ =	sdelay $0x1  }
0x264: {  	s19 =	simm.s32 $0x2800  }
0x265: {  	[hbm4b:s3+s2] =	stream.indirect_vreg.scatter [tilespmem:s19], [sflag:$0x3], $0x80, v4, vm0, $0xb8;
	[tilespmem:$0x10800] =	vst v63  }
0x266: {  	s16 =	simm.s32 $0x3000  }
0x267: {  	[hbm4b:s3+s2] =	stream.indirect_vreg.scatter [tilespmem:s16], [sflag:$0x3], $0x80, v3, vm0, $0xb8;
	[tilespmem:$0x10800] =	vst v63  }
0x268: {  	v3 =	vld [tilespmem:$0x330];
	_ =	sdelay $0x4  }
0x269: {  	v43 =	vshll.u32 v3, $0x1  }
0x26a: {  	v3 =	vand.u32 $0x7, v3;
	v4 =	vand.u32 $0xFFFFFFF0, v43  }
0x26b: {  	v3 =	vor.u32 v3, v4  }
0x26c: {  	v4 =	vperm.xlane v3, v0;
	_ =	sdelay $0x1  }
0x26d: {  	v3 =	vperm.xlane v3, v2;
	v4 =	vadd.s32 v1, v4;
	_ =	sdelay $0x1  }
0x26e: {  	v3 =	vadd.s32 v1, v3;
	_ =	sdelay $0x1  }
0x26f: {  	s19 =	simm.s32 $0x3800  }
0x270: {  	[hbm4b:s3+s2] =	stream.indirect_vreg.scatter [tilespmem:s19], [sflag:$0x3], $0x80, v4, vm0, $0xb8;
	[tilespmem:$0x10800] =	vst v63  }
0x271: {  	s17 =	simm.s32 $0x4000  }
0x272: {  	[hbm4b:s3+s2] =	stream.indirect_vreg.scatter [tilespmem:s17], [sflag:$0x3], $0x80, v3, vm0, $0xb8;
	[tilespmem:$0x10800] =	vst v63  }
0x273: {  	v3 =	vld [tilespmem:$0x340];
	_ =	sdelay $0x4  }
0x274: {  	v44 =	vshll.u32 v3, $0x1  }
0x275: {  	v3 =	vand.u32 $0x7, v3;
	v4 =	vand.u32 $0xFFFFFFF0, v44  }
0x276: {  	v3 =	vor.u32 v3, v4  }
0x277: {  	v4 =	vperm.xlane v3, v0;
	_ =	sdelay $0x1  }
0x278: {  	v3 =	vperm.xlane v3, v2;
	v4 =	vadd.s32 v1, v4;
	_ =	sdelay $0x1  }
0x279: {  	v3 =	vadd.s32 v1, v3;
	_ =	sdelay $0x1  }
0x27a: {  	s20 =	simm.s32 $0x4800  }
0x27b: {  	[hbm4b:s3+s2] =	stream.indirect_vreg.scatter [tilespmem:s20], [sflag:$0x3], $0x80, v4, vm0, $0xb8;
	[tilespmem:$0x10800] =	vst v63  }
0x27c: {  	s6 =	simm.s32 $0x5000  }
0x27d: {  	[hbm4b:s3+s2] =	stream.indirect_vreg.scatter [tilespmem:s6], [sflag:$0x3], $0x80, v3, vm0, $0xb8;
	[tilespmem:$0x10800] =	vst v63  }
0x27e: {  	v3 =	vld [tilespmem:$0x350];
	_ =	sdelay $0x4  }
0x27f: {  	v45 =	vshll.u32 v3, $0x1  }
0x280: {  	v3 =	vand.u32 $0x7, v3;
	v4 =	vand.u32 $0xFFFFFFF0, v45  }
0x281: {  	v3 =	vor.u32 v3, v4  }
0x282: {  	v4 =	vperm.xlane v3, v0;
	_ =	sdelay $0x1  }
0x283: {  	v3 =	vperm.xlane v3, v2;
	v4 =	vadd.s32 v1, v4;
	_ =	sdelay $0x1  }
0x284: {  	v3 =	vadd.s32 v1, v3;
	_ =	sdelay $0x1  }
0x285: {  	s21 =	simm.s32 $0x5800  }
0x286: {  	[hbm4b:s3+s2] =	stream.indirect_vreg.scatter [tilespmem:s21], [sflag:$0x3], $0x80, v4, vm0, $0xb8;
	[tilespmem:$0x10800] =	vst v63  }
0x287: {  	s0 =	simm.s32 $0x6000  }
0x288: {  	[hbm4b:s3+s2] =	stream.indirect_vreg.scatter [tilespmem:s0], [sflag:$0x3], $0x80, v3, vm0, $0xb8;
	[tilespmem:$0x10800] =	vst v63  }
0x289: {  	v3 =	vld [tilespmem:$0x360];
	_ =	sdelay $0x4  }
0x28a: {  	v46 =	vshll.u32 v3, $0x1  }
0x28b: {  	v3 =	vand.u32 $0x7, v3;
	v4 =	vand.u32 $0xFFFFFFF0, v46  }
0x28c: {  	v3 =	vor.u32 v3, v4  }
0x28d: {  	v4 =	vperm.xlane v3, v0;
	_ =	sdelay $0x1  }
0x28e: {  	v3 =	vperm.xlane v3, v2;
	v4 =	vadd.s32 v1, v4;
	_ =	sdelay $0x1  }
0x28f: {  	v3 =	vadd.s32 v1, v3;
	_ =	sdelay $0x1  }
0x290: {  	s22 =	simm.s32 $0x6800  }
0x291: {  	[hbm4b:s3+s2] =	stream.indirect_vreg.scatter [tilespmem:s22], [sflag:$0x3], $0x80, v4, vm0, $0xb8;
	[tilespmem:$0x10800] =	vst v63  }
0x292: {  	s16 =	simm.s32 $0x7000  }
0x293: {  	[hbm4b:s3+s2] =	stream.indirect_vreg.scatter [tilespmem:s16], [sflag:$0x3], $0x80, v3, vm0, $0xb8;
	[tilespmem:$0x10800] =	vst v63  }
0x294: {  	v3 =	vld [tilespmem:$0x370];
	_ =	sdelay $0x4  }
0x295: {  	v47 =	vshll.u32 v3, $0x1  }
0x296: {  	v3 =	vand.u32 $0x7, v3;
	v4 =	vand.u32 $0xFFFFFFF0, v47  }
0x297: {  	v3 =	vor.u32 v3, v4  }
0x298: {  	v4 =	vperm.xlane v3, v0;
	_ =	sdelay $0x1  }
0x299: {  	v3 =	vperm.xlane v3, v2;
	v4 =	vadd.s32 v1, v4;
	_ =	sdelay $0x1  }
0x29a: {  	v3 =	vadd.s32 v1, v3;
	_ =	sdelay $0x1  }
0x29b: {  	s9 =	simm.s32 $0x7800  }
0x29c: {  	[hbm4b:s3+s2] =	stream.indirect_vreg.scatter [tilespmem:s9], [sflag:$0x3], $0x80, v4, vm0, $0xb8;
	[tilespmem:$0x10800] =	vst v63  }
0x29d: {  	s18 =	simm.s32 $0x8000  }
0x29e: {  	[hbm4b:s3+s2] =	stream.indirect_vreg.scatter [tilespmem:s18], [sflag:$0x3], $0x80, v3, vm0, $0xb8;
	[tilespmem:$0x10800] =	vst v63  }
0x29f: {  	_ =	swait.ge [sflag:s24], $0x8000  }
0x2a0: {  	[sflag:s24] =	ssyncset.done $0x0  }
0x2a1: {  	s26 =	rddreg [dreg:$0xb];
	[sflag:s24] =	ssyncadd.s32 $0xFFFF8000  }
0x2a2: {  	[tilespmem:s25], [sflag:$0x1] =	stream.linear.gather [hbm4b:s26+s2], $0x8000, $0x38;
	[tilespmem:$0x10800] =	vst v63  }
0x2a3: {  	_ =	swait.ge [sflag:s5], $0x8000  }
0x2a4: {  	[sflag:s5] =	ssyncset.done $0x0  }
0x2a5: {  	[sflag:s5] =	ssyncadd.s32 $0xFFFF8000  }
0x2a6: {  	v3 =	vld [tilespmem:$0x380];
	_ =	sdelay $0x4  }
0x2a7: {  	v48 =	vshll.u32 v3, $0x1  }
0x2a8: {  	v3 =	vand.u32 $0x7, v3;
	v4 =	vand.u32 $0xFFFFFFF0, v48  }
0x2a9: {  	v3 =	vor.u32 v3, v4  }
0x2aa: {  	v4 =	vperm.xlane v3, v0;
	_ =	sdelay $0x1  }
0x2ab: {  	v3 =	vperm.xlane v3, v2;
	v4 =	vadd.s32 v1, v4;
	_ =	sdelay $0x1  }
0x2ac: {  	v3 =	vadd.s32 v1, v3;
	_ =	sdelay $0x2  }
0x2ad: {  	[hbm4b:s3+s2] =	stream.indirect_vreg.scatter [tilespmem:s28], [sflag:$0x4], $0x80, v4, vm0, $0xb8;
	[tilespmem:$0x10800] =	vst v63  }
0x2ae: {  	s26 =	simm.s32 $0x9000  }
0x2af: {  	[hbm4b:s3+s2] =	stream.indirect_vreg.scatter [tilespmem:s26], [sflag:$0x4], $0x80, v3, vm0, $0xb8;
	[tilespmem:$0x10800] =	vst v63  }
0x2b0: {  	v3 =	vld [tilespmem:$0x390];
	_ =	sdelay $0x4  }
0x2b1: {  	v49 =	vshll.u32 v3, $0x1  }
0x2b2: {  	v3 =	vand.u32 $0x7, v3;
	v4 =	vand.u32 $0xFFFFFFF0, v49  }
0x2b3: {  	v3 =	vor.u32 v3, v4  }
0x2b4: {  	v4 =	vperm.xlane v3, v0;
	_ =	sdelay $0x1  }
0x2b5: {  	v3 =	vperm.xlane v3, v2;
	v4 =	vadd.s32 v1, v4;
	_ =	sdelay $0x1  }
0x2b6: {  	v3 =	vadd.s32 v1, v3;
	_ =	sdelay $0x1  }
0x2b7: {  	s28 =	simm.s32 $0x9800  }
0x2b8: {  	[hbm4b:s3+s2] =	stream.indirect_vreg.scatter [tilespmem:s28], [sflag:$0x4], $0x80, v4, vm0, $0xb8;
	[tilespmem:$0x10800] =	vst v63  }
0x2b9: {  	s23 =	simm.s32 $0xA000  }
0x2ba: {  	[hbm4b:s3+s2] =	stream.indirect_vreg.scatter [tilespmem:s23], [sflag:$0x4], $0x80, v3, vm0, $0xb8;
	[tilespmem:$0x10800] =	vst v63  }
0x2bb: {  	v3 =	vld [tilespmem:$0x3A0];
	_ =	sdelay $0x4  }
0x2bc: {  	v50 =	vshll.u32 v3, $0x1  }
0x2bd: {  	v3 =	vand.u32 $0x7, v3;
	v4 =	vand.u32 $0xFFFFFFF0, v50  }
0x2be: {  	v3 =	vor.u32 v3, v4  }
0x2bf: {  	v4 =	vperm.xlane v3, v0;
	_ =	sdelay $0x1  }
0x2c0: {  	v3 =	vperm.xlane v3, v2;
	v4 =	vadd.s32 v1, v4;
	_ =	sdelay $0x1  }
0x2c1: {  	v3 =	vadd.s32 v1, v3;
	_ =	sdelay $0x1  }
0x2c2: {  	s23 =	simm.s32 $0xA800  }
0x2c3: {  	[hbm4b:s3+s2] =	stream.indirect_vreg.scatter [tilespmem:s23], [sflag:$0x4], $0x80, v4, vm0, $0xb8;
	[tilespmem:$0x10800] =	vst v63  }
0x2c4: {  	s26 =	simm.s32 $0xB000  }
0x2c5: {  	[hbm4b:s3+s2] =	stream.indirect_vreg.scatter [tilespmem:s26], [sflag:$0x4], $0x80, v3, vm0, $0xb8;
	[tilespmem:$0x10800] =	vst v63  }
0x2c6: {  	v3 =	vld [tilespmem:$0x3B0];
	_ =	sdelay $0x4  }
0x2c7: {  	v51 =	vshll.u32 v3, $0x1  }
0x2c8: {  	v3 =	vand.u32 $0x7, v3;
	v4 =	vand.u32 $0xFFFFFFF0, v51  }
0x2c9: {  	v3 =	vor.u32 v3, v4  }
0x2ca: {  	v4 =	vperm.xlane v3, v0;
	_ =	sdelay $0x1  }
0x2cb: {  	v3 =	vperm.xlane v3, v2;
	v4 =	vadd.s32 v1, v4;
	_ =	sdelay $0x1  }
0x2cc: {  	v3 =	vadd.s32 v1, v3;
	_ =	sdelay $0x1  }
0x2cd: {  	s28 =	simm.s32 $0xB800  }
0x2ce: {  	[hbm4b:s3+s2] =	stream.indirect_vreg.scatter [tilespmem:s28], [sflag:$0x4], $0x80, v4, vm0, $0xb8;
	[tilespmem:$0x10800] =	vst v63  }
0x2cf: {  	s23 =	simm.s32 $0xC000  }
0x2d0: {  	[hbm4b:s3+s2] =	stream.indirect_vreg.scatter [tilespmem:s23], [sflag:$0x4], $0x80, v3, vm0, $0xb8;
	[tilespmem:$0x10800] =	vst v63  }
0x2d1: {  	v3 =	vld [tilespmem:$0x3C0];
	_ =	sdelay $0x4  }
0x2d2: {  	v52 =	vshll.u32 v3, $0x1  }
0x2d3: {  	v3 =	vand.u32 $0x7, v3;
	v4 =	vand.u32 $0xFFFFFFF0, v52  }
0x2d4: {  	v3 =	vor.u32 v3, v4  }
0x2d5: {  	v4 =	vperm.xlane v3, v0;
	_ =	sdelay $0x1  }
0x2d6: {  	v3 =	vperm.xlane v3, v2;
	v4 =	vadd.s32 v1, v4;
	_ =	sdelay $0x1  }
0x2d7: {  	v3 =	vadd.s32 v1, v3;
	_ =	sdelay $0x1  }
0x2d8: {  	s26 =	simm.s32 $0xC800  }
0x2d9: {  	[hbm4b:s3+s2] =	stream.indirect_vreg.scatter [tilespmem:s26], [sflag:$0x4], $0x80, v4, vm0, $0xb8;
	[tilespmem:$0x10800] =	vst v63  }
0x2da: {  	s28 =	simm.s32 $0xD000  }
0x2db: {  	[hbm4b:s3+s2] =	stream.indirect_vreg.scatter [tilespmem:s28], [sflag:$0x4], $0x80, v3, vm0, $0xb8;
	[tilespmem:$0x10800] =	vst v63  }
0x2dc: {  	v3 =	vld [tilespmem:$0x3D0];
	_ =	sdelay $0x4  }
0x2dd: {  	v53 =	vshll.u32 v3, $0x1  }
0x2de: {  	v3 =	vand.u32 $0x7, v3;
	v4 =	vand.u32 $0xFFFFFFF0, v53  }
0x2df: {  	v3 =	vor.u32 v3, v4  }
0x2e0: {  	v4 =	vperm.xlane v3, v0;
	_ =	sdelay $0x1  }
0x2e1: {  	v3 =	vperm.xlane v3, v2;
	v4 =	vadd.s32 v1, v4;
	_ =	sdelay $0x1  }
0x2e2: {  	v3 =	vadd.s32 v1, v3;
	_ =	sdelay $0x1  }
0x2e3: {  	s30 =	simm.s32 $0xD800  }
0x2e4: {  	[hbm4b:s3+s2] =	stream.indirect_vreg.scatter [tilespmem:s30], [sflag:$0x4], $0x80, v4, vm0, $0xb8;
	[tilespmem:$0x10800] =	vst v63  }
0x2e5: {  	s13 =	simm.s32 $0xE000  }
0x2e6: {  	[hbm4b:s3+s2] =	stream.indirect_vreg.scatter [tilespmem:s13], [sflag:$0x4], $0x80, v3, vm0, $0xb8;
	[tilespmem:$0x10800] =	vst v63  }
0x2e7: {  	v3 =	vld [tilespmem:$0x3E0];
	_ =	sdelay $0x4  }
0x2e8: {  	v54 =	vshll.u32 v3, $0x1  }
0x2e9: {  	v3 =	vand.u32 $0x7, v3;
	v4 =	vand.u32 $0xFFFFFFF0, v54  }
0x2ea: {  	v3 =	vor.u32 v3, v4  }
0x2eb: {  	v4 =	vperm.xlane v3, v0;
	_ =	sdelay $0x1  }
0x2ec: {  	v3 =	vperm.xlane v3, v2;
	v4 =	vadd.s32 v1, v4;
	_ =	sdelay $0x1  }
0x2ed: {  	v3 =	vadd.s32 v1, v3;
	_ =	sdelay $0x1  }
0x2ee: {  	s15 =	simm.s32 $0xE800  }
0x2ef: {  	[hbm4b:s3+s2] =	stream.indirect_vreg.scatter [tilespmem:s15], [sflag:$0x4], $0x80, v4, vm0, $0xb8;
	[tilespmem:$0x10800] =	vst v63  }
0x2f0: {  	s14 =	simm.s32 $0xF000  }
0x2f1: {  	[hbm4b:s3+s2] =	stream.indirect_vreg.scatter [tilespmem:s14], [sflag:$0x4], $0x80, v3, vm0, $0xb8;
	[tilespmem:$0x10800] =	vst v63  }
0x2f2: {  	v3 =	vld [tilespmem:$0x3F0];
	_ =	sdelay $0x4  }
0x2f3: {  	v55 =	vshll.u32 v3, $0x1  }
0x2f4: {  	v3 =	vand.u32 $0x7, v3;
	v4 =	vand.u32 $0xFFFFFFF0, v55  }
0x2f5: {  	v3 =	vor.u32 v3, v4  }
0x2f6: {  	v4 =	vperm.xlane v3, v0;
	_ =	sdelay $0x1  }
0x2f7: {  	v3 =	vperm.xlane v3, v2;
	v4 =	vadd.s32 v1, v4;
	_ =	sdelay $0x1  }
0x2f8: {  	v3 =	vadd.s32 v1, v3;
	_ =	sdelay $0x1  }
0x2f9: {  	s31 =	simm.s32 $0xF800  }
0x2fa: {  	[hbm4b:s3+s2] =	stream.indirect_vreg.scatter [tilespmem:s31], [sflag:$0x4], $0x80, v4, vm0, $0xb8;
	[tilespmem:$0x10800] =	vst v63  }
0x2fb: {  	s31 =	simm.s32 $0x10000  }
0x2fc: {  	[hbm4b:s3+s2] =	stream.indirect_vreg.scatter [tilespmem:s31], [sflag:$0x4], $0x80, v3, vm0, $0xb8;
	[tilespmem:$0x10800] =	vst v63  }
0x2fd: {  	_ =	swait.ge [sflag:s8], $0x8000  }
0x2fe: {  	[sflag:s8] =	ssyncset.done $0x0  }
0x2ff: {  	[sflag:s8] =	ssyncadd.s32 $0xFFFF8000  }
0x300: {  	v3 =	vld [tilespmem:$0x400];
	_ =	sdelay $0x4  }
0x301: {  	v56 =	vshll.u32 v3, $0x1  }
0x302: {  	v3 =	vand.u32 $0x7, v3;
	v4 =	vand.u32 $0xFFFFFFF0, v56  }
0x303: {  	v3 =	vor.u32 v3, v4  }
0x304: {  	v4 =	vperm.xlane v3, v0;
	_ =	sdelay $0x1  }
0x305: {  	v3 =	vperm.xlane v3, v2;
	v4 =	vadd.s32 v1, v4;
	_ =	sdelay $0x1  }
0x306: {  	v3 =	vadd.s32 v1, v3;
	_ =	sdelay $0x2  }
0x307: {  	[hbm4b:s3+s2] =	stream.indirect_vreg.scatter [tilespmem:s25], [sflag:$0x3], $0x80, v4, vm0, $0xb8;
	[tilespmem:$0x10800] =	vst v63  }
0x308: {  	_ = 	snop  }
0x309: {  	[hbm4b:s3+s2] =	stream.indirect_vreg.scatter [tilespmem:s7], [sflag:$0x3], $0x80, v3, vm0, $0xb8;
	[tilespmem:$0x10800] =	vst v63  }
0x30a: {  	v3 =	vld [tilespmem:$0x410];
	_ =	sdelay $0x4  }
0x30b: {  	v57 =	vshll.u32 v3, $0x1  }
0x30c: {  	v3 =	vand.u32 $0x7, v3;
	v4 =	vand.u32 $0xFFFFFFF0, v57  }
0x30d: {  	v3 =	vor.u32 v3, v4  }
0x30e: {  	v4 =	vperm.xlane v3, v0;
	_ =	sdelay $0x1  }
0x30f: {  	v3 =	vperm.xlane v3, v2;
	v4 =	vadd.s32 v1, v4;
	_ =	sdelay $0x1  }
0x310: {  	v3 =	vadd.s32 v1, v3;
	_ =	sdelay $0x1  }
0x311: {  	s11 =	simm.s32 $0x1800  }
0x312: {  	[hbm4b:s3+s2] =	stream.indirect_vreg.scatter [tilespmem:s11], [sflag:$0x3], $0x80, v4, vm0, $0xb8;
	[tilespmem:$0x10800] =	vst v63  }
0x313: {  	_ = 	snop  }
0x314: {  	[hbm4b:s3+s2] =	stream.indirect_vreg.scatter [tilespmem:s29], [sflag:$0x3], $0x80, v3, vm0, $0xb8;
	[tilespmem:$0x10800] =	vst v63  }
0x315: {  	v3 =	vld [tilespmem:$0x420];
	_ =	sdelay $0x4  }
0x316: {  	v58 =	vshll.u32 v3, $0x1  }
0x317: {  	v3 =	vand.u32 $0x7, v3;
	v4 =	vand.u32 $0xFFFFFFF0, v58  }
0x318: {  	v3 =	vor.u32 v3, v4  }
0x319: {  	v4 =	vperm.xlane v3, v0;
	_ =	sdelay $0x1  }
0x31a: {  	v3 =	vperm.xlane v3, v2;
	v4 =	vadd.s32 v1, v4;
	_ =	sdelay $0x1  }
0x31b: {  	v3 =	vadd.s32 v1, v3;
	_ =	sdelay $0x1  }
0x31c: {  	s10 =	simm.s32 $0x2800  }
0x31d: {  	[hbm4b:s3+s2] =	stream.indirect_vreg.scatter [tilespmem:s10], [sflag:$0x3], $0x80, v4, vm0, $0xb8;
	[tilespmem:$0x10800] =	vst v63  }
0x31e: {  	s12 =	simm.s32 $0x3000  }
0x31f: {  	[hbm4b:s3+s2] =	stream.indirect_vreg.scatter [tilespmem:s12], [sflag:$0x3], $0x80, v3, vm0, $0xb8;
	[tilespmem:$0x10800] =	vst v63  }
0x320: {  	v3 =	vld [tilespmem:$0x430];
	_ =	sdelay $0x4  }
0x321: {  	v59 =	vshll.u32 v3, $0x1  }
0x322: {  	v3 =	vand.u32 $0x7, v3;
	v4 =	vand.u32 $0xFFFFFFF0, v59  }
0x323: {  	v3 =	vor.u32 v3, v4  }
0x324: {  	v4 =	vperm.xlane v3, v0;
	_ =	sdelay $0x1  }
0x325: {  	v3 =	vperm.xlane v3, v2;
	v4 =	vadd.s32 v1, v4;
	_ =	sdelay $0x1  }
0x326: {  	v3 =	vadd.s32 v1, v3;
	_ =	sdelay $0x2  }
0x327: {  	[hbm4b:s3+s2] =	stream.indirect_vreg.scatter [tilespmem:s19], [sflag:$0x3], $0x80, v4, vm0, $0xb8;
	[tilespmem:$0x10800] =	vst v63  }
0x328: {  	_ = 	snop  }
0x329: {  	[hbm4b:s3+s2] =	stream.indirect_vreg.scatter [tilespmem:s17], [sflag:$0x3], $0x80, v3, vm0, $0xb8;
	[tilespmem:$0x10800] =	vst v63  }
0x32a: {  	v3 =	vld [tilespmem:$0x440];
	_ =	sdelay $0x4  }
0x32b: {  	v60 =	vshll.u32 v3, $0x1  }
0x32c: {  	v3 =	vand.u32 $0x7, v3;
	v4 =	vand.u32 $0xFFFFFFF0, v60  }
0x32d: {  	v3 =	vor.u32 v3, v4  }
0x32e: {  	v4 =	vperm.xlane v3, v0;
	_ =	sdelay $0x1  }
0x32f: {  	v3 =	vperm.xlane v3, v2;
	v4 =	vadd.s32 v1, v4;
	_ =	sdelay $0x1  }
0x330: {  	v3 =	vadd.s32 v1, v3;
	_ =	sdelay $0x1  }
0x331: {  	s20 =	simm.s32 $0x4800  }
0x332: {  	[hbm4b:s3+s2] =	stream.indirect_vreg.scatter [tilespmem:s20], [sflag:$0x3], $0x80, v4, vm0, $0xb8;
	[tilespmem:$0x10800] =	vst v63  }
0x333: {  	_ = 	snop  }
0x334: {  	[hbm4b:s3+s2] =	stream.indirect_vreg.scatter [tilespmem:s6], [sflag:$0x3], $0x80, v3, vm0, $0xb8;
	[tilespmem:$0x10800] =	vst v63  }
0x335: {  	v3 =	vld [tilespmem:$0x450];
	_ =	sdelay $0x4  }
0x336: {  	v61 =	vshll.u32 v3, $0x1  }
0x337: {  	v3 =	vand.u32 $0x7, v3;
	v4 =	vand.u32 $0xFFFFFFF0, v61  }
0x338: {  	v3 =	vor.u32 v3, v4  }
0x339: {  	v4 =	vperm.xlane v3, v0;
	_ =	sdelay $0x1  }
0x33a: {  	v3 =	vperm.xlane v3, v2;
	v4 =	vadd.s32 v1, v4;
	_ =	sdelay $0x1  }
0x33b: {  	v3 =	vadd.s32 v1, v3;
	_ =	sdelay $0x1  }
0x33c: {  	s21 =	simm.s32 $0x5800  }
0x33d: {  	[hbm4b:s3+s2] =	stream.indirect_vreg.scatter [tilespmem:s21], [sflag:$0x3], $0x80, v4, vm0, $0xb8;
	[tilespmem:$0x10800] =	vst v63  }
0x33e: {  	_ = 	snop  }
0x33f: {  	[hbm4b:s3+s2] =	stream.indirect_vreg.scatter [tilespmem:s0], [sflag:$0x3], $0x80, v3, vm0, $0xb8;
	[tilespmem:$0x10800] =	vst v63  }
0x340: {  	v3 =	vld [tilespmem:$0x460];
	_ =	sdelay $0x4  }
0x341: {  	v62 =	vshll.u32 v3, $0x1  }
0x342: {  	v3 =	vand.u32 $0x7, v3;
	v4 =	vand.u32 $0xFFFFFFF0, v62  }
0x343: {  	v3 =	vor.u32 v3, v4  }
0x344: {  	v4 =	vperm.xlane v3, v0;
	_ =	sdelay $0x1  }
0x345: {  	v3 =	vperm.xlane v3, v2;
	v4 =	vadd.s32 v1, v4;
	_ =	sdelay $0x1  }
0x346: {  	v3 =	vadd.s32 v1, v3;
	_ =	sdelay $0x1  }
0x347: {  	s22 =	simm.s32 $0x6800  }
0x348: {  	[hbm4b:s3+s2] =	stream.indirect_vreg.scatter [tilespmem:s22], [sflag:$0x3], $0x80, v4, vm0, $0xb8;
	[tilespmem:$0x10800] =	vst v63  }
0x349: {  	_ = 	snop  }
0x34a: {  	[hbm4b:s3+s2] =	stream.indirect_vreg.scatter [tilespmem:s16], [sflag:$0x3], $0x80, v3, vm0, $0xb8;
	[tilespmem:$0x10800] =	vst v63  }
0x34b: {  	v3 =	vld [tilespmem:$0x470];
	_ =	sdelay $0x4  }
0x34c: {  	v63 =	vshll.u32 v3, $0x1  }
0x34d: {  	v3 =	vand.u32 $0x7, v3;
	v4 =	vand.u32 $0xFFFFFFF0, v63  }
0x34e: {  	v3 =	vor.u32 v3, v4  }
0x34f: {  	v4 =	vperm.xlane v3, v0;
	_ =	sdelay $0x1  }
0x350: {  	v3 =	vperm.xlane v3, v2;
	v4 =	vadd.s32 v1, v4;
	_ =	sdelay $0x1  }
0x351: {  	v3 =	vadd.s32 v1, v3;
	_ =	sdelay $0x2  }
0x352: {  	[hbm4b:s3+s2] =	stream.indirect_vreg.scatter [tilespmem:s9], [sflag:$0x3], $0x80, v4, vm0, $0xb8;
	[tilespmem:$0x10800] =	vst v63  }
0x353: {  	_ = 	snop  }
0x354: {  	[hbm4b:s3+s2] =	stream.indirect_vreg.scatter [tilespmem:s18], [sflag:$0x3], $0x80, v3, vm0, $0xb8;
	[tilespmem:$0x10800] =	vst v63  }
0x355: {  	p0 =	sne.s32 s4, $0x1;
	_ =	swait.ge [sflag:s24], $0x8000  }
.Ltmp0:
0x356: {  	[sflag:s24] =	ssyncset.done $0x0;
	(pc) =	sbr.rel @p0 .LBB2_1-.Ltmp0, $4  }
0x357: {  	[sflag:s24] =	ssyncadd.s32 $0xFFFF8000  }
0x358: {  	_ =	swait.ge [sflag:s1], $0x8000  }
0x359: {  	[sflag:s1] =	ssyncset.done $0x0  }
0x35a: {  	s4 =	sadd.s32 $0xFFFFFFFF, s4;
	[sflag:s1] =	ssyncadd.s32 $0xFFFF8000  }
0x35b: {  	_ =	sfence.sel $0x180000  }
0x35c: {  	[bflag:$0x0] =	sbarrier.arrive $0xFFFF  }
0x35d: {  	_ =	strace $0x9000004D  }
0x35e: {  	s0 =	stileid.u32;
	[bflag:$0x2] =	sbarrier.arrive $0xFFFF  }
0x35f: {  	p0 =	sne.s32 s0, $0x0;
	s0 =	rddreg [dreg:$0x1]  }
0x360: {  	s0 =	sadd.s32 @!p0 $0x100000, s0  }
0x361: {  	[sflag:s0] =	ssyncadd.tile.s32 @!p0 $0x1;
	_ =	shalt  }
.Lfunc_end2:
_tile_overlayer_lowered:
.L_overlay_start_2:
0x362: {  	(tag) =	ssettag $0x2  }
0x363: {  	s0 =	rddreg [dreg:$0x0];
	s2 =	stileid.u32  }
0x364: {  	s1 =	rddreg [dreg:$0x1];
	p0 =	sne.s32 s2, $0x0  }
0x365: {  	s3 =	rddreg [dreg:$0x2];
	[bflag:$0x3] =	sbarrier.arrive $0xFFFF;
	s2 =	simm.s32 @!p0 $0x1C05  }
0x366: {  	[timem:s3], [sflag:s2] =	dma.local @!p0 [hbm:s0], s1  }
0x367: {  	s0 =	simm.s32 @!p0 $0x5  }
0x368: {  	_ =	swait.ge @!p0 [sflag:s0], s1  }
0x369: {  	s1 =	ssub.s32 @!p0 $0x0, s1;
	[sflag:s0] =	ssyncset.done @!p0 $0x0  }
0x36a: {  	[sflag:s0] =	ssyncadd.s32 @!p0 s1  }
0x36b: {  	[bflag:$0x3] =	sbarrier.arrive $0xFFFF  }
0x36c: {  	_ =	shalt  }

// kernel: kernel.6.cloned.1.call-start
scs
__scs_entry_jumppad:
0x0: {  	(pc) =	sbr.rel $0x88, $3  }
0x1: {  	(tag) =	ssettag $0x0;
	lr =	simm.s32 $0x1  }
0x2: {  	[smem:$0x3F9C] =	sst lr;
	_ =	strace $0xD0000000  }
0x3: {  	_ = 	snop  }
0x4: {  	_ = 	snop  }
0x5: {  	_ = 	snop  }
0x6: {  	_ = 	snop  }
0x7: {  	_ = 	snop  }
__scs_overlays_trampoline_lowered:
0x8: {  	[smem:$0x3FAB] =	sst s0  }
0x9: {  	[smem:$0x3FAC] =	sst s1  }
0xa: {  	[smem:$0x3FAD] =	sst s2  }
0xb: {  	[smem:$0x3FAE] =	sst s3  }
0xc: {  	[smem:$0x3FAF] =	sst s4  }
0xd: {  	[smem:$0x3FB0] =	sst s5  }
0xe: {  	[smem:$0x3FB1] =	sst s6  }
0xf: {  	[smem:$0x3FB2] =	sst s7  }
0x10: {  	[smem:$0x3FB3] =	sst s8  }
0x11: {  	[smem:$0x3FB4] =	sst s9;
	s0 =	simm.s32 @!p0 $0x0  }
0x12: {  	s1 =	sld [smem:$0x3F9A];
	s0 =	simm.s32 @p0 $0x1  }
0x13: {  	[smem:$0x3FB5] =	sst s0;
	s0 =	simm.s32 @!p1 $0x0  }
0x14: {  	s2 =	sld [smem:$0x3F99];
	s0 =	simm.s32 @p1 $0x1  }
0x15: {  	[smem:$0x3FB6] =	sst s0;
	s0 =	simm.s32 @!p2 $0x0  }
0x16: {  	s3 =	sld [smem:$0x3FDB];
	s0 =	simm.s32 @p2 $0x1  }
0x17: {  	s4 =	simm.s32 $0x1BF5;
	[smem:$0x3FB8] =	sst s0  }
0x18: {  	s0 =	sld [smem:$0x3F9B];
	_ =	swait.ge [sflag:s4], $0x0  }
0x19: {  	s7 =	sld [smem:$0x3F9C]  }
0x1a: {  	s8 =	sadd.s32 $0xFFFFE003, lr  }
0x1b: {  	s9 =	sadd.s32 $0xFFFFFEF7, lr;
	s5 =	simm.s32 $0xFFFFFFFF;
	p2 =	slt.u32 s8, $0xFFFFF086  }
0x1c: {  	p1 =	slt.u32 s9, $0xF7A;
	s5 =	simm.s32 @!p2 $0x0  }
0x1d: {  	s5 =	simm.s32 @p1 $0x1;
	p0 =	seq.s32 s7, s2  }
0x1e: {  	s7 =	smul.u32 @!p0 $0xF7A, s2;
	p2 =	seq.s32 @!p0 s5, $0x0  }
0x1f: {  	s9 =	smul.u32 $0xF7A, s1;
	s8 =	simm.s32 @!p0 $0x1BF5;
	p2 =	por !p2, p0  }
0x20: {  	[sflag:s8] =	ssyncset.s32 @!p0 $0xFFFFF086;
	s6 =	sadd.s32 @!p0 s3, s7;
	s7 =	simm.s32 @!p0 $0x108  }
0x21: {  	s3 =	sadd.s32 s3, s9;
	s6 =	sadd.s32 @!p0 $0x88, s6;
	s7 =	simm.s32 @p2 $0x1082  }
0x22: {  	[simem:s7], [sflag:s8] =	dma.local @!p0 [hbm:s6], $0xF7A  }
0x23: {  	s9 =	sor.u32 $0xD0000000, s2;
	s6 =	simm.s32 $0x108;
	_ =	swait.ge @!p0 [sflag:s8], $0x0  }
0x24: {  	s3 =	sadd.s32 $0x88, s3;
	s6 =	simm.s32 @!p1 $0x1082;
	[sflag:s4] =	ssyncset.s32 $0xFFFFF086  }
0x25: {  	[simem:s6], [sflag:s4] =	dma.local [hbm:s3], $0xF7A  }
0x26: {  	[smem:$0x3F9C] =	sst s1;
	(tag) =	ssettag s2;
	_ =	strace s9  }
0x27: {  	s1 =	sld [smem:$0x3FAC]  }
0x28: {  	s2 =	sld [smem:$0x3FAD]  }
0x29: {  	s4 =	sld [smem:$0x3FAF]  }
0x2a: {  	p0 =	seq.s32 s5, $0x0;
	s5 =	sld [smem:$0x3FB0]  }
0x2b: {  	s6 =	sld [smem:$0x3FB1]  }
0x2c: {  	s7 =	sld [smem:$0x3FB2]  }
0x2d: {  	s3 =	simm.s32 $0x108;
	s8 =	sld [smem:$0x3FB3]  }
0x2e: {  	s3 =	simm.s32 @!p0 $0x1082;
	s9 =	sld [smem:$0x3FB4]  }
0x2f: {  	lr =	sadd.s32 s0, s3;
	s0 =	sld [smem:$0x3FAB]  }
0x30: {  	s3 =	sld [smem:$0x3FAE]  }
0x31: {  	[smem:$0x3FB7] =	sst s10  }
0x32: {  	s10 =	sld [smem:$0x3FB5];
	_ =	sdelay $0x3  }
0x33: {  	p0 =	seq.s32 s10, $0x1;
	s10 =	sld [smem:$0x3FB7];
	_ =	sdelay $0x3  }
0x34: {  	[smem:$0x3FB7] =	sst s10  }
0x35: {  	s10 =	sld [smem:$0x3FB6];
	_ =	sdelay $0x3  }
0x36: {  	p1 =	seq.s32 s10, $0x1;
	s10 =	sld [smem:$0x3FB7];
	_ =	sdelay $0x3  }
0x37: {  	[smem:$0x3FB7] =	sst s10  }
0x38: {  	s10 =	sld [smem:$0x3FB8]  }
0x39: {  	_ = 	snop;
	(pc) =	sbr.ind lr, $3  }
0x3a: {  	_ = 	snop  }
0x3b: {  	_ = 	snop  }
0x3c: {  	p2 =	seq.s32 s10, $0x1;
	s10 =	sld [smem:$0x3FB7]  }
0x3d: {  	_ =	shalt  }
0x3e: {  	_ =	shalt  }
0x3f: {  	_ =	shalt  }
0x40: {  	_ =	shalt  }
0x41: {  	_ =	shalt  }
0x42: {  	_ =	shalt  }
0x43: {  	_ =	shalt  }
0x44: {  	_ =	shalt  }
0x45: {  	_ =	shalt  }
0x46: {  	_ =	shalt  }
0x47: {  	_ =	shalt  }
0x48: {  	_ =	shalt  }
0x49: {  	_ =	shalt  }
0x4a: {  	_ =	shalt  }
0x4b: {  	_ =	shalt  }
0x4c: {  	_ =	shalt  }
0x4d: {  	_ =	shalt  }
0x4e: {  	_ =	shalt  }
0x4f: {  	_ =	shalt  }
0x50: {  	_ =	shalt  }
0x51: {  	_ =	shalt  }
0x52: {  	_ =	shalt  }
0x53: {  	_ =	shalt  }
0x54: {  	_ =	shalt  }
0x55: {  	_ =	shalt  }
0x56: {  	_ =	shalt  }
0x57: {  	_ =	shalt  }
0x58: {  	_ =	shalt  }
0x59: {  	_ =	shalt  }
0x5a: {  	_ =	shalt  }
0x5b: {  	_ =	shalt  }
0x5c: {  	_ =	shalt  }
0x5d: {  	_ =	shalt  }
0x5e: {  	_ =	shalt  }
0x5f: {  	_ =	shalt  }
0x60: {  	_ =	shalt  }
0x61: {  	_ =	shalt  }
0x62: {  	_ =	shalt  }
0x63: {  	_ =	shalt  }
0x64: {  	_ =	shalt  }
0x65: {  	_ =	shalt  }
0x66: {  	_ =	shalt  }
0x67: {  	_ =	shalt  }
0x68: {  	_ =	shalt  }
0x69: {  	_ =	shalt  }
0x6a: {  	_ =	shalt  }
0x6b: {  	_ =	shalt  }
0x6c: {  	_ =	shalt  }
0x6d: {  	_ =	shalt  }
0x6e: {  	_ =	shalt  }
0x6f: {  	_ =	shalt  }
0x70: {  	_ =	shalt  }
0x71: {  	_ =	shalt  }
0x72: {  	_ =	shalt  }
0x73: {  	_ =	shalt  }
0x74: {  	_ =	shalt  }
0x75: {  	_ =	shalt  }
0x76: {  	_ =	shalt  }
0x77: {  	_ =	shalt  }
0x78: {  	_ =	shalt  }
0x79: {  	_ =	shalt  }
0x7a: {  	_ =	shalt  }
0x7b: {  	_ =	shalt  }
0x7c: {  	_ =	shalt  }
0x7d: {  	_ =	shalt  }
0x7e: {  	_ =	shalt  }
0x7f: {  	_ =	shalt  }
0x80: {  	_ =	shalt  }
0x81: {  	_ =	shalt  }
0x82: {  	_ =	shalt  }
0x83: {  	_ =	shalt  }
0x84: {  	_ =	shalt  }
0x85: {  	_ =	shalt  }
0x86: {  	_ =	shalt  }
0x87: {  	_ =	shalt  }
.Lfunc_end0:
.L_simem_size_0:
called_computation_lowered:
.L_overlay_start_0:
0x88: {  	s2 =	sld [smem:$0x3FD9]  }
0x89: {  	s3 =	sld [smem:$0x3FFE];
	_ =	sdelay $0x1  }
0x8a: {  	s1 =	srdreg.scid  }
0x8b: {  	s0 =	sand.u32 $0x1, s1  }
0x8c: {  	s17 =	sshll.u32 s0, $0xA;
	s2 =	sadd.s32 s3, s2  }
0x8d: {  	s2 =	sadd.s32 s2, s17  }
0x8e: {  	[smem:$0x3FC3] =	sst s2  }
0x8f: {  	_ = 	snop  }
0x90: {  	s2 =	sld [smem:$0x3FD0];
	(tm) =	ssettm $0x1  }
0x91: {  	s18 =	sld [smem:$0x3FFB];
	_ =	sdelay $0x3  }
0x92: {  	_ =	strace s18  }
0x93: {  	s3 =	sld [smem:$0x3FFC];
	_ =	sdelay $0x3  }
0x94: {  	_ =	strace s3  }
0x95: {  	s3 =	sld [smem:$0x3FFD];
	_ =	sdelay $0x3  }
0x96: {  	_ =	strace s3  }
0x97: {  	_ =	strace $0x8FFFFFFF  }
0x98: {  	s19 =	sld [smem:$0x3FDB];
	_ =	sdelay $0x1  }
0x99: {  	s4 =	simm.s32 $_scs_section_size  }
0x9a: {  	s5 =	simm.s32 $_size__tile_overlayer_lowered;
	s6 =	simm.s32 $_tile_overlayer_lowered  }
0x9b: {  	s22 =	simm.s32 $0x1BFF;
	s21 =	sshll.u32 s6, $0x1;
	s3 =	sadd.s32 s4, s19  }
0x9c: {  	s7 =	simm.s32 $0x0;
	s20 =	sshll.u32 s5, $0x1;
	s5 =	sadd.s32 s21, s3  }
0x9d: {  	[timem:s7], [sflag:s22] =	dma.local [hbm:s5], s20  }
0x9e: {  	_ =	swait.ge [sflag:s22], s20  }
0x9f: {  	s4 =	ssub.s32 $0x0, s20;
	[sflag:s22] =	ssyncset.done $0x0  }
0xa0: {  	[sflag:s22] =	ssyncadd.s32 s4;
	_ =	sdelay $0x1  }
0xa1: {  	s23 =	simm.s32 $0x1B8B  }
0xa2: {  	_ =	swait.ge [sflag:s23], $0x1  }
0xa3: {  	[sflag:s23] =	ssyncset.done $0x0  }
0xa4: {  	s25 =	simm.s32 $0x1B8E;
	s24 =	sld [smem:$0x3FFE];
	[sflag:s23] =	ssyncadd.s32 $0xFFFFFFFF  }
0xa5: {  	s26 =	simm.s32 $execute0_lowered;
	[smem:$0x3FD2] =	sst s25  }
0xa6: {  	s5 =	sshll.u32 s26, $0x1;
	_ =	strace $0x80000046;
	[dreg:$0x1] =	wrdreg $0xFFFFFFFF  }
0xa7: {  	s28 =	simm.s32 $_size_execute0_lowered;
	s3 =	sadd.s32 s3, s5;
	[dreg:$0x0] =	wrdreg $0x0  }
0xa8: {  	s5 =	sshll.u32 s28, $0x1;
	[dreg:$0x2] =	wrdreg s3  }
0xa9: {  	[dreg:$0x3] =	wrdreg s5  }
0xaa: {  	[dreg:$0x4] =	wrdreg $0xC0  }
0xab: {  	_ =	task [dreg:s7], $0x5FFFF  }
0xac: {  	[dreg:$0x1] =	wrdreg $0xFFFFFFFF  }
0xad: {  	[dreg:$0x0] =	wrdreg $0x60  }
0xae: {  	[dreg:$0x2] =	wrdreg s24  }
0xaf: {  	[dreg:$0x3] =	wrdreg s2  }
0xb0: {  	[dreg:$0x4] =	wrdreg $0x9  }
0xb1: {  	_ =	task.clear_ibuf [dreg:s7], $0x5FFFF;
	_ =	strace $0x90000046  }
0xb2: {  	s29 =	simm.s32 $0x9;
	_ =	strace $0x80000048  }
0xb3: {  	_ =	swait.ge [sflag:s29], $0x1  }
0xb4: {  	[sflag:s29] =	ssyncadd.s32 $0xFFFFFFFF  }
0xb5: {  	_ =	strace $0x90000048  }
0xb6: {  	_ =	sfence  }
0xb7: {  	s30 =	sld [smem:$0x0];
	_ =	sdelay $0x2  }
0xb8: {  	s31 =	sshll.u32 s1, $0xD;
	s1 =	sshrl.u32 s1, $0x2  }
0xb9: {  	s3 =	sand.u32 $0x4000, s31;
	s1 =	sadd.s32 s1, s30  }
0xba: {  	s0 =	sor.u32 s3, s0;
	s1 =	sshll.u32 s1, $0x11  }
0xbb: {  	s0 =	sor.u32 s1, s0  }
0xbc: {  	s0 =	sadd.s32 $0x8F2B, s0  }
0xbd: {  	[sflag:s0] =	ssyncadd.remote.s32 $0x1  }
0xbe: {  	_ =	sfence.sel $0xFFFF  }
0xbf: {  	[dreg:$0x0] =	wrdreg $0xFFFFFFFF;
	(pc) =	sbr.abs _section_cstart, $3  }
0xc0: {  	[dreg:$0x1] =	wrdreg $0xFFFFFFFF  }
0xc1: {  	_ =	task.clear_ibuf [dreg:s7], $0x2FFFF;
	_ =	strace $0x9FFFFFFF  }
0xc2: {  	(tm) =	ssettm $0x7FFFFFFF  }
0xc3: {  	_ =	shalt  }
tec
execute0_lowered:
.L_overlay_start_1:
0x0: {  	(tag) =	ssettag $0x1  }
0x1: {  	s0 =	stileid.u32;
	v0 =	vimm.s32 $0xEDCBA987;
	s5 =	rddreg [dreg:$0x0]  }
0x2: {  	s1 =	srdreg.scid;
	v1 =	vimm.s32 $0x65432100;
	s7 =	rddreg [dreg:$0x1];
	s2 =	simm.s32 $0x0;
	v3 =	vimm.s32 $0x54321000;
	v4 =	vimm.s32 $0xDCBA9876  }
0x3: {  	v5 =	vimm.s32 $0xBA987654;
	v6 =	vimm.s32 $0x32100000;
	v7 =	vimm.s32 $0xE40000;
	s12 =	simm.s32 $0x80;
	s13 =	simm.s32 $0x400;
	s14 =	simm.s32 $0xC080  }
0x4: {  	vm0 =	vmmov $0x3;
	vm1 =	vmmov $0xf;
	s15 =	simm.s32 $0x0;
	s4 =	sand.u32 $0x1, s1;
	v0 =	vunpack.c.l.s4.s8 v0;
	s1 =	rddreg [dreg:$0x2]  }
0x5: {  	s28 =	sshll.u32 s0, $0x1;
	v1 =	vunpack.c.l.s4.s8 v1;
	[smem:$0x7FF] =	sst s2;
	s29 =	sshll.u32 s0, $0xB;
	v3 =	vunpack.c.l.s4.s8 v3;
	v4 =	vunpack.c.l.s4.s8 v4  }
0x6: {  	s9 =	sshrl.u32 s0, $0x2;
	v5 =	vunpack.c.l.s4.s8 v5;
	v6 =	vunpack.c.l.s4.s8 v6;
	v7 =	vunpack.c.l.s2.s4 v7;
	s6 =	sor.u32 s4, s28;
	_ =	strace $0x80000047  }
0x7: {  	s10 =	sshll.u32 s9, $0xA;
	s4 =	ssub.s32 $0x2, s4;
	s9 =	sshll.u32 s9, $0x11;
	v2 =	vunpack.c.0.s8.s32 v0;
	v1 =	vunpack.c.0.s8.s32 v1;
	v4 =	vunpack.c.0.s8.s32 v4  }
0x8: {  	s3 =	sand.u32 $0xF, s6;
	s6 =	sshll.u32 s6, $0x7;
	v3 =	vunpack.c.0.s8.s32 v3;
	v5 =	vunpack.c.0.s8.s32 v5;
	s11 =	sshrl.u32 s4, $0x1;
	v6 =	vunpack.c.0.s8.s32 v6  }
0x9: {  	v7 =	vunpack.c.l.s4.s8 v7;
	v0 =	vmov s3;
	s3 =	sand.u32 $0x4000, s29;
	s6 =	sand.u32 $0x380, s6;
	s31 =	ssub.s32 s4, s11;
	v4 =	vand.u32 $0xF, v4  }
0xa: {  	s11 =	simm.s32 $0x8000;
	v2 =	vand.u32 $0xF, v2;
	s8 =	sshrl.u32 s3, $0x3;
	s10 =	sor.u32 s10, s6;
	v3 =	vcombine.low v3, v4;
	v4 =	vand.u32 $0xF, v5  }
0xb: {  	s6 =	sor.u32 s9, s6;
	v7 =	vunpack.c.0.s8.s32 v7;
	s9 =	simm.s32 $0x1;
	s10 =	sshrl.u32 s10, $0x3;
	v4 =	vcombine.low v6, v4;
	v6 =	vimm.s32 $0x7060504  }
0xc: {  	vm2 =	vcmask $0x3F30;
	s8 =	sadd.s32 s8, s5;
	v1 =	vcombine.low v1, v2;
	s6 =	sshrl.u32 s6, $0x3;
	s30 =	sadd.s32 s10, s5;
	v6 =	vunpack.c.0.s8.s32 v6  }
0xd: {  	v2 =	vlaneseq.u32;
	v5 =	vimm.s32 $0x0;
	s4 =	sadd.s32 $0x2A00, s8;
	s5 =	sadd.s32 $0x1A00, s8;
	s6 =	sadd.s32 s7, s6;
	v7 =	vand.u32 $0x3, v7  }
0xe: {  	s8 =	smax.u32 s31, $0x1;
	s10 =	simm.s32 $0x4000;
	s7 =	sadd.s32 $0x3A00, s30;
	v6 =	vsel vm2, v6, v7;
	vm2 =	vmmov $0xff;
	v7 =	vimm.s32 $0xF  }
.LBB2_1:
0xf: {  	[tilespmem:s2], [sflag:$0x1] =	stream.linear.gather [hbm4b:s4+s2], $0x4000, $0x38;
	[tilespmem:$0xC100] =	vst v63  }
0x10: {  	_ =	swait.ge [sflag:s9], $0x4000  }
0x11: {  	[sflag:s9] =	ssyncset.done $0x0  }
0x12: {  	[sflag:s9] =	ssyncadd.s32 $0xFFFFC000  }
0x13: {  	[tilespmem:s10], [sflag:$0x1] =	stream.linear.gather [hbm4b:s5+s2], $0x4000, $0x38;
	[tilespmem:$0xC100] =	vst v63  }
0x14: {  	_ =	swait.ge [sflag:s9], $0x4000  }
0x15: {  	[sflag:s9] =	ssyncset.done $0x0  }
0x16: {  	s16 =	simm.s32 $0x0;
	[sflag:s9] =	ssyncadd.s32 $0xFFFFC000  }
0x17: {  	v8 =	vld [tilespmem:s16+$0x4000]  }
0x18: {  	v9 =	vld [tilespmem:s16+$0x0];
	_ =	sdelay $0x3  }
0x19: {  	v8 =	vmul.f32 $4.000000000e+00, v8  }
0x1a: {  	v9 =	vmul.f32 $4.000000000e+00, v9  }
0x1b: {  	v8 =	vtrunc.f32 v8  }
0x1c: {  	v9 =	vtrunc.f32 v9;
	v8 =	vcvt.f32.s32 v8  }
0x1d: {  	v9 =	vcvt.f32.s32 v9  }
0x1e: {  	vm3 =	vlt.s32 v8, $0x3  }
0x1f: {  	vm4 =	vlt.s32 v9, $0x3;
	v8 =	vnsel vm3, $0x3, v8  }
0x20: {  	v9 =	vnsel vm4, $0x3, v9;
	v8 =	vshll.u32 v8, $0x2  }
0x21: {  	v8 =	vadd.s32 v9, v8  }
0x22: {  	vm4 =	veq.s32 v8, v0  }
0x23: {  	v8 =	vsel vm4, $0x1, v5  }
0x24: {  	v9 =	vperm.xlane v8, v1  }
0x25: {  	vm3 =	veq.s32 v2, $0x0  }
0x26: {  	v9 =	vsel vm3, $0x0, v9  }
0x27: {  	v8 =	vadd.s32 v8, v9  }
0x28: {  	v9 =	vperm.xlane v8, v3;
	_ =	sdelay $0x1  }
0x29: {  	v9 =	vsel vm0, $0x0, v9  }
0x2a: {  	v8 =	vadd.s32 v9, v8  }
0x2b: {  	v9 =	vperm.xlane v8, v4;
	_ =	sdelay $0x1  }
0x2c: {  	v9 =	vsel vm1, $0x0, v9  }
0x2d: {  	v8 =	vadd.s32 v9, v8  }
0x2e: {  	v9 =	vperm.xlane v8, v6;
	_ =	sdelay $0x1  }
0x2f: {  	v10 =	vsel vm4, $0xFFFFFFFF, v5;
	v9 =	vsel vm2, $0x0, v9  }
0x30: {  	v8 =	vadd.s32 v9, v8;
	v9 =	vadd.s32 v10, v5  }
0x31: {  	v9 =	vadd.s32 v8, v9  }
0x32: {  	v9 =	vnsel vm4, $0x4000, v9;
	_ =	sdelay $0x2  }
0x33: {  	v8 =	vperm.xlane v8, v7  }
0x34: {  	v10 =	vor.u32 s3, v2  }
0x35: {  	s18 =	simm.s32 $0x10;
	s17 =	simm.s32 $0x80;
	s16 =	smov.u32 s3;
	v8 =	vadd.s32 v5, v8;
	[tilespmem:v9+s11+$0x0] =	vst.idx.msk $0xffff, v10  }
.LBB2_2:
0x36: {  	p0 =	sne.s32 s17, $0xFFC0;
	v9 =	vld [tilespmem:s18+$0x4000]  }
0x37: {  	v10 =	vld [tilespmem:s18+$0x0];
	_ =	sdelay $0x3  }
0x38: {  	v9 =	vmul.f32 $4.000000000e+00, v9  }
0x39: {  	v10 =	vmul.f32 $4.000000000e+00, v10  }
0x3a: {  	v9 =	vtrunc.f32 v9  }
0x3b: {  	v10 =	vtrunc.f32 v10;
	v9 =	vcvt.f32.s32 v9  }
0x3c: {  	v10 =	vcvt.f32.s32 v10  }
0x3d: {  	vm4 =	vlt.s32 v9, $0x3  }
0x3e: {  	vm5 =	vlt.s32 v10, $0x3;
	v9 =	vnsel vm4, $0x3, v9  }
0x3f: {  	v10 =	vnsel vm5, $0x3, v10;
	v9 =	vshll.u32 v9, $0x2  }
0x40: {  	v9 =	vadd.s32 v10, v9  }
0x41: {  	vm4 =	veq.s32 v9, v0  }
0x42: {  	v9 =	vsel vm4, $0xFFFFFFFF, v5;
	v10 =	vsel vm4, $0x1, v5  }
0x43: {  	v11 =	vperm.xlane v10, v1;
	_ =	sdelay $0x1  }
0x44: {  	v11 =	vsel vm3, $0x0, v11  }
0x45: {  	v10 =	vadd.s32 v10, v11  }
0x46: {  	v11 =	vperm.xlane v10, v3;
	_ =	sdelay $0x1  }
0x47: {  	v11 =	vsel vm0, $0x0, v11  }
0x48: {  	v10 =	vadd.s32 v11, v10  }
0x49: {  	v11 =	vperm.xlane v10, v4;
	_ =	sdelay $0x1  }
0x4a: {  	v11 =	vsel vm1, $0x0, v11  }
0x4b: {  	v10 =	vadd.s32 v11, v10  }
0x4c: {  	v11 =	vperm.xlane v10, v6;
	_ =	sdelay $0x1  }
0x4d: {  	v11 =	vsel vm2, $0x0, v11  }
0x4e: {  	v9 =	vadd.s32 v9, v8;
	v10 =	vadd.s32 v11, v10  }
0x4f: {  	v9 =	vadd.s32 v10, v9;
	v10 =	vperm.xlane v10, v7  }
0x50: {  	v9 =	vnsel vm4, $0x4000, v9  }
.Ltmp0:
0x51: {  	v8 =	vadd.s32 v8, v10;
	(pc) =	sbr.rel @p0 .LBB2_2-.Ltmp0, $4  }
0x52: {  	_ = 	snop  }
0x53: {  	s16 =	sadd.s32 $0x10, s16  }
0x54: {  	v10 =	vor.u32 s16, v2  }
0x55: {  	s18 =	sshra.s32 s17, $0x2;
	s17 =	sadd.s32 $0x40, s17;
	[tilespmem:v9+s11+$0x0] =	vst.idx.msk $0xffff, v10  }
0x56: {  	v9 =	vld [tilespmem:s18+$0x4000]  }
0x57: {  	v10 =	vld [tilespmem:s18+$0x0];
	_ =	sdelay $0x3  }
0x58: {  	v9 =	vmul.f32 $4.000000000e+00, v9  }
0x59: {  	v10 =	vmul.f32 $4.000000000e+00, v10  }
0x5a: {  	v9 =	vtrunc.f32 v9  }
0x5b: {  	v10 =	vtrunc.f32 v10;
	v9 =	vcvt.f32.s32 v9  }
0x5c: {  	v10 =	vcvt.f32.s32 v10  }
0x5d: {  	vm3 =	vlt.s32 v9, $0x3  }
0x5e: {  	vm4 =	vlt.s32 v10, $0x3;
	v9 =	vnsel vm3, $0x3, v9  }
0x5f: {  	v10 =	vnsel vm4, $0x3, v10;
	v9 =	vshll.u32 v9, $0x2  }
0x60: {  	v9 =	vadd.s32 v10, v9  }
0x61: {  	vm3 =	veq.s32 v9, v0  }
0x62: {  	v9 =	vsel vm3, $0x1, v5  }
0x63: {  	v61 =	vperm.xlane v9, v1  }
0x64: {  	vm15 =	veq.s32 v2, $0x0  }
0x65: {  	v10 =	vsel vm15, $0x0, v61  }
0x66: {  	v9 =	vadd.s32 v9, v10  }
0x67: {  	v10 =	vperm.xlane v9, v3;
	_ =	sdelay $0x1  }
0x68: {  	v10 =	vsel vm0, $0x0, v10  }
0x69: {  	v9 =	vadd.s32 v10, v9  }
0x6a: {  	v10 =	vperm.xlane v9, v4;
	_ =	sdelay $0x1  }
0x6b: {  	v10 =	vsel vm1, $0x0, v10  }
0x6c: {  	v9 =	vadd.s32 v10, v9  }
0x6d: {  	v10 =	vperm.xlane v9, v6;
	_ =	sdelay $0x1  }
0x6e: {  	v11 =	vsel vm3, $0xFFFFFFFF, v5;
	v10 =	vsel vm2, $0x0, v10  }
0x6f: {  	v62 =	vadd.s32 v11, v8;
	v9 =	vadd.s32 v10, v9  }
0x70: {  	v10 =	vadd.s32 v9, v62  }
0x71: {  	v10 =	vnsel vm3, $0x4000, v10;
	_ =	sdelay $0x2  }
0x72: {  	s16 =	sadd.s32 $0x10, s16;
	v9 =	vperm.xlane v9, v7  }
0x73: {  	v63 =	vor.u32 s16, v2  }
0x74: {  	v8 =	vadd.s32 v8, v9;
	[tilespmem:v10+s11+$0x0] =	vst.idx.msk $0xffff, v63  }
0x75: {  	[tilespmem:$0xC080] =	vst v8  }
0x76: {  	[hbm4b:s6+s12] =	stream.strided.scatter [tilespmem:s11], [sflag:$0x1], $0x4000, s13, s12, $0x38;
	[tilespmem:$0xC100] =	vst v63  }
0x77: {  	s15 =	sadd.s32 $0x1, s15;
	_ =	swait.ge [sflag:s9], $0x4000  }
0x78: {  	p0 =	sne.s32 s15, s8;
	[sflag:s9] =	ssyncset.done $0x0  }
.Ltmp1:
0x79: {  	[sflag:s9] =	ssyncadd.s32 $0xFFFFC000;
	(pc) =	sbr.rel @p0 .LBB2_1-.Ltmp1, $4  }
0x7a: {  	[hbm4b:s7+s2] =	stream.linear.scatter [tilespmem:s14], [sflag:$0x1], $0x80, $0x38;
	[tilespmem:$0xC100] =	vst v63  }
0x7b: {  	_ =	swait.ge [sflag:s9], $0x80  }
0x7c: {  	[sflag:s9] =	ssyncset.done $0x0  }
0x7d: {  	[sflag:s9] =	ssyncadd.s32 $0xFFFFFF80  }
0x7e: {  	_ =	sfence.sel $0x180000  }
0x7f: {  	[bflag:$0x0] =	sbarrier.arrive $0xFFFF  }
0x80: {  	p0 =	sne.s32 s0, $0x0;
	_ =	strace $0x90000047  }
0x81: {  	s0 =	sadd.s32 @!p0 $0x100000, s1;
	[bflag:$0x2] =	sbarrier.arrive $0xFFFF  }
0x82: {  	[sflag:s0] =	ssyncadd.tile.s32 @!p0 $0x1;
	_ =	shalt  }
.Lfunc_end2:
_tile_overlayer_lowered:
.L_overlay_start_2:
0x83: {  	(tag) =	ssettag $0x2  }
0x84: {  	s0 =	rddreg [dreg:$0x0];
	s2 =	stileid.u32  }
0x85: {  	s1 =	rddreg [dreg:$0x1];
	p0 =	sne.s32 s2, $0x0  }
0x86: {  	s3 =	rddreg [dreg:$0x2];
	[bflag:$0x3] =	sbarrier.arrive $0xFFFF;
	s2 =	simm.s32 @!p0 $0x1C01  }
0x87: {  	[timem:s3], [sflag:s2] =	dma.local @!p0 [hbm:s0], s1  }
0x88: {  	s0 =	simm.s32 @!p0 $0x1  }
0x89: {  	_ =	swait.ge @!p0 [sflag:s0], s1  }
0x8a: {  	s1 =	ssub.s32 @!p0 $0x0, s1;
	[sflag:s0] =	ssyncset.done @!p0 $0x0  }
0x8b: {  	[sflag:s0] =	ssyncadd.s32 @!p0 s1  }
0x8c: {  	[bflag:$0x3] =	sbarrier.arrive $0xFFFF  }
0x8d: {  	_ =	shalt  }

// kernel: kernel.9.cloned.1.call-start
scs
__scs_entry_jumppad:
0x0: {  	(pc) =	sbr.rel $0x88, $3  }
0x1: {  	(tag) =	ssettag $0x0;
	lr =	simm.s32 $0x1  }
0x2: {  	[smem:$0x3F9C] =	sst lr;
	_ =	strace $0xD0000000  }
0x3: {  	_ = 	snop  }
0x4: {  	_ = 	snop  }
0x5: {  	_ = 	snop  }
0x6: {  	_ = 	snop  }
0x7: {  	_ = 	snop  }
__scs_overlays_trampoline_lowered:
0x8: {  	[smem:$0x3FAB] =	sst s0  }
0x9: {  	[smem:$0x3FAC] =	sst s1  }
0xa: {  	[smem:$0x3FAD] =	sst s2  }
0xb: {  	[smem:$0x3FAE] =	sst s3  }
0xc: {  	[smem:$0x3FAF] =	sst s4  }
0xd: {  	[smem:$0x3FB0] =	sst s5  }
0xe: {  	[smem:$0x3FB1] =	sst s6  }
0xf: {  	[smem:$0x3FB2] =	sst s7  }
0x10: {  	[smem:$0x3FB3] =	sst s8  }
0x11: {  	[smem:$0x3FB4] =	sst s9;
	s0 =	simm.s32 @!p0 $0x0  }
0x12: {  	s1 =	sld [smem:$0x3F9A];
	s0 =	simm.s32 @p0 $0x1  }
0x13: {  	[smem:$0x3FB5] =	sst s0;
	s0 =	simm.s32 @!p1 $0x0  }
0x14: {  	s2 =	sld [smem:$0x3F99];
	s0 =	simm.s32 @p1 $0x1  }
0x15: {  	[smem:$0x3FB6] =	sst s0;
	s0 =	simm.s32 @!p2 $0x0  }
0x16: {  	s3 =	sld [smem:$0x3FDB];
	s0 =	simm.s32 @p2 $0x1  }
0x17: {  	s4 =	simm.s32 $0x1BF5;
	[smem:$0x3FB8] =	sst s0  }
0x18: {  	s0 =	sld [smem:$0x3F9B];
	_ =	swait.ge [sflag:s4], $0x0  }
0x19: {  	s7 =	sld [smem:$0x3F9C]  }
0x1a: {  	s8 =	sadd.s32 $0xFFFFE003, lr  }
0x1b: {  	s9 =	sadd.s32 $0xFFFFFEF7, lr;
	s5 =	simm.s32 $0xFFFFFFFF;
	p2 =	slt.u32 s8, $0xFFFFF086  }
0x1c: {  	p1 =	slt.u32 s9, $0xF7A;
	s5 =	simm.s32 @!p2 $0x0  }
0x1d: {  	s5 =	simm.s32 @p1 $0x1;
	p0 =	seq.s32 s7, s2  }
0x1e: {  	s7 =	smul.u32 @!p0 $0xF7A, s2;
	p2 =	seq.s32 @!p0 s5, $0x0  }
0x1f: {  	s9 =	smul.u32 $0xF7A, s1;
	s8 =	simm.s32 @!p0 $0x1BF5;
	p2 =	por !p2, p0  }
0x20: {  	[sflag:s8] =	ssyncset.s32 @!p0 $0xFFFFF086;
	s6 =	sadd.s32 @!p0 s3, s7;
	s7 =	simm.s32 @!p0 $0x108  }
0x21: {  	s3 =	sadd.s32 s3, s9;
	s6 =	sadd.s32 @!p0 $0x88, s6;
	s7 =	simm.s32 @p2 $0x1082  }
0x22: {  	[simem:s7], [sflag:s8] =	dma.local @!p0 [hbm:s6], $0xF7A  }
0x23: {  	s9 =	sor.u32 $0xD0000000, s2;
	s6 =	simm.s32 $0x108;
	_ =	swait.ge @!p0 [sflag:s8], $0x0  }
0x24: {  	s3 =	sadd.s32 $0x88, s3;
	s6 =	simm.s32 @!p1 $0x1082;
	[sflag:s4] =	ssyncset.s32 $0xFFFFF086  }
0x25: {  	[simem:s6], [sflag:s4] =	dma.local [hbm:s3], $0xF7A  }
0x26: {  	[smem:$0x3F9C] =	sst s1;
	(tag) =	ssettag s2;
	_ =	strace s9  }
0x27: {  	s1 =	sld [smem:$0x3FAC]  }
0x28: {  	s2 =	sld [smem:$0x3FAD]  }
0x29: {  	s4 =	sld [smem:$0x3FAF]  }
0x2a: {  	p0 =	seq.s32 s5, $0x0;
	s5 =	sld [smem:$0x3FB0]  }
0x2b: {  	s6 =	sld [smem:$0x3FB1]  }
0x2c: {  	s7 =	sld [smem:$0x3FB2]  }
0x2d: {  	s3 =	simm.s32 $0x108;
	s8 =	sld [smem:$0x3FB3]  }
0x2e: {  	s3 =	simm.s32 @!p0 $0x1082;
	s9 =	sld [smem:$0x3FB4]  }
0x2f: {  	lr =	sadd.s32 s0, s3;
	s0 =	sld [smem:$0x3FAB]  }
0x30: {  	s3 =	sld [smem:$0x3FAE]  }
0x31: {  	[smem:$0x3FB7] =	sst s10  }
0x32: {  	s10 =	sld [smem:$0x3FB5];
	_ =	sdelay $0x3  }
0x33: {  	p0 =	seq.s32 s10, $0x1;
	s10 =	sld [smem:$0x3FB7];
	_ =	sdelay $0x3  }
0x34: {  	[smem:$0x3FB7] =	sst s10  }
0x35: {  	s10 =	sld [smem:$0x3FB6];
	_ =	sdelay $0x3  }
0x36: {  	p1 =	seq.s32 s10, $0x1;
	s10 =	sld [smem:$0x3FB7];
	_ =	sdelay $0x3  }
0x37: {  	[smem:$0x3FB7] =	sst s10  }
0x38: {  	s10 =	sld [smem:$0x3FB8]  }
0x39: {  	_ = 	snop;
	(pc) =	sbr.ind lr, $3  }
0x3a: {  	_ = 	snop  }
0x3b: {  	_ = 	snop  }
0x3c: {  	p2 =	seq.s32 s10, $0x1;
	s10 =	sld [smem:$0x3FB7]  }
0x3d: {  	_ =	shalt  }
0x3e: {  	_ =	shalt  }
0x3f: {  	_ =	shalt  }
0x40: {  	_ =	shalt  }
0x41: {  	_ =	shalt  }
0x42: {  	_ =	shalt  }
0x43: {  	_ =	shalt  }
0x44: {  	_ =	shalt  }
0x45: {  	_ =	shalt  }
0x46: {  	_ =	shalt  }
0x47: {  	_ =	shalt  }
0x48: {  	_ =	shalt  }
0x49: {  	_ =	shalt  }
0x4a: {  	_ =	shalt  }
0x4b: {  	_ =	shalt  }
0x4c: {  	_ =	shalt  }
0x4d: {  	_ =	shalt  }
0x4e: {  	_ =	shalt  }
0x4f: {  	_ =	shalt  }
0x50: {  	_ =	shalt  }
0x51: {  	_ =	shalt  }
0x52: {  	_ =	shalt  }
0x53: {  	_ =	shalt  }
0x54: {  	_ =	shalt  }
0x55: {  	_ =	shalt  }
0x56: {  	_ =	shalt  }
0x57: {  	_ =	shalt  }
0x58: {  	_ =	shalt  }
0x59: {  	_ =	shalt  }
0x5a: {  	_ =	shalt  }
0x5b: {  	_ =	shalt  }
0x5c: {  	_ =	shalt  }
0x5d: {  	_ =	shalt  }
0x5e: {  	_ =	shalt  }
0x5f: {  	_ =	shalt  }
0x60: {  	_ =	shalt  }
0x61: {  	_ =	shalt  }
0x62: {  	_ =	shalt  }
0x63: {  	_ =	shalt  }
0x64: {  	_ =	shalt  }
0x65: {  	_ =	shalt  }
0x66: {  	_ =	shalt  }
0x67: {  	_ =	shalt  }
0x68: {  	_ =	shalt  }
0x69: {  	_ =	shalt  }
0x6a: {  	_ =	shalt  }
0x6b: {  	_ =	shalt  }
0x6c: {  	_ =	shalt  }
0x6d: {  	_ =	shalt  }
0x6e: {  	_ =	shalt  }
0x6f: {  	_ =	shalt  }
0x70: {  	_ =	shalt  }
0x71: {  	_ =	shalt  }
0x72: {  	_ =	shalt  }
0x73: {  	_ =	shalt  }
0x74: {  	_ =	shalt  }
0x75: {  	_ =	shalt  }
0x76: {  	_ =	shalt  }
0x77: {  	_ =	shalt  }
0x78: {  	_ =	shalt  }
0x79: {  	_ =	shalt  }
0x7a: {  	_ =	shalt  }
0x7b: {  	_ =	shalt  }
0x7c: {  	_ =	shalt  }
0x7d: {  	_ =	shalt  }
0x7e: {  	_ =	shalt  }
0x7f: {  	_ =	shalt  }
0x80: {  	_ =	shalt  }
0x81: {  	_ =	shalt  }
0x82: {  	_ =	shalt  }
0x83: {  	_ =	shalt  }
0x84: {  	_ =	shalt  }
0x85: {  	_ =	shalt  }
0x86: {  	_ =	shalt  }
0x87: {  	_ =	shalt  }
.Lfunc_end0:
.L_simem_size_0:
called_computation.1_lowered:
.L_overlay_start_0:
0x88: {  	s2 =	sld [smem:$0x3FD9]  }
0x89: {  	s3 =	sld [smem:$0x3FFE];
	_ =	sdelay $0x1  }
0x8a: {  	s1 =	srdreg.scid  }
0x8b: {  	s0 =	sand.u32 $0x1, s1  }
0x8c: {  	s17 =	sshll.u32 s0, $0xA;
	s2 =	sadd.s32 s3, s2  }
0x8d: {  	s2 =	sadd.s32 s2, s17  }
0x8e: {  	[smem:$0x3FC3] =	sst s2  }
0x8f: {  	_ = 	snop  }
0x90: {  	s2 =	sld [smem:$0x3FC9]  }
0x91: {  	s18 =	sld [smem:$0x3FD0];
	(tm) =	ssettm $0x1  }
0x92: {  	s4 =	sld [smem:$0x3FFB];
	_ =	sdelay $0x3  }
0x93: {  	_ =	strace s4  }
0x94: {  	s4 =	sld [smem:$0x3FFC];
	_ =	sdelay $0x3  }
0x95: {  	_ =	strace s4  }
0x96: {  	s4 =	sld [smem:$0x3FFD];
	_ =	sdelay $0x3  }
0x97: {  	_ =	strace s4  }
0x98: {  	_ =	strace $0x8FFFFFFF  }
0x99: {  	s19 =	sld [smem:$0x3FDB];
	_ =	sdelay $0x1  }
0x9a: {  	s5 =	simm.s32 $_scs_section_size  }
0x9b: {  	s6 =	simm.s32 $_size__tile_overlayer_lowered;
	s7 =	simm.s32 $_tile_overlayer_lowered  }
0x9c: {  	s22 =	simm.s32 $0x1BFF;
	s21 =	sshll.u32 s7, $0x1;
	s4 =	sadd.s32 s5, s19  }
0x9d: {  	s8 =	simm.s32 $0x0;
	s20 =	sshll.u32 s6, $0x1;
	s6 =	sadd.s32 s21, s4  }
0x9e: {  	[timem:s8], [sflag:s22] =	dma.local [hbm:s6], s20  }
0x9f: {  	_ =	swait.ge [sflag:s22], s20  }
0xa0: {  	s5 =	ssub.s32 $0x0, s20;
	[sflag:s22] =	ssyncset.done $0x0  }
0xa1: {  	[sflag:s22] =	ssyncadd.s32 s5;
	_ =	sdelay $0x1  }
0xa2: {  	s23 =	simm.s32 $0x1B8B  }
0xa3: {  	_ =	swait.ge [sflag:s23], $0x1  }
0xa4: {  	[sflag:s23] =	ssyncset.done $0x0  }
0xa5: {  	s25 =	simm.s32 $0x1B8E;
	s24 =	sld [smem:$0x3FFE];
	[sflag:s23] =	ssyncadd.s32 $0xFFFFFFFF  }
0xa6: {  	s26 =	simm.s32 $execute0_lowered;
	[smem:$0x3FD2] =	sst s25  }
0xa7: {  	s6 =	sshll.u32 s26, $0x1;
	_ =	strace $0x80000049;
	[dreg:$0x1] =	wrdreg $0xFFFFFFFF  }
0xa8: {  	s28 =	simm.s32 $_size_execute0_lowered;
	s4 =	sadd.s32 s4, s6;
	[dreg:$0x0] =	wrdreg $0x0  }
0xa9: {  	s6 =	sshll.u32 s28, $0x1;
	[dreg:$0x2] =	wrdreg s4  }
0xaa: {  	[dreg:$0x3] =	wrdreg s6  }
0xab: {  	[dreg:$0x4] =	wrdreg $0xC0  }
0xac: {  	_ =	task [dreg:s8], $0x5FFFF  }
0xad: {  	[dreg:$0x1] =	wrdreg $0xFFFFFFFF  }
0xae: {  	[dreg:$0x0] =	wrdreg $0x60  }
0xaf: {  	[dreg:$0x2] =	wrdreg s24  }
0xb0: {  	[dreg:$0x3] =	wrdreg s2  }
0xb1: {  	[dreg:$0x4] =	wrdreg s18  }
0xb2: {  	[dreg:$0x5] =	wrdreg $0x9  }
0xb3: {  	_ =	task.clear_ibuf [dreg:s8], $0x6FFFF;
	_ =	strace $0x90000049  }
0xb4: {  	s29 =	simm.s32 $0x9;
	_ =	strace $0x8000004B  }
0xb5: {  	_ =	swait.ge [sflag:s29], $0x1  }
0xb6: {  	[sflag:s29] =	ssyncadd.s32 $0xFFFFFFFF  }
0xb7: {  	_ =	strace $0x9000004B  }
0xb8: {  	_ =	sfence  }
0xb9: {  	s30 =	sld [smem:$0x0];
	_ =	sdelay $0x2  }
0xba: {  	s31 =	sshll.u32 s1, $0xD;
	s1 =	sshrl.u32 s1, $0x2  }
0xbb: {  	s3 =	sand.u32 $0x4000, s31;
	s1 =	sadd.s32 s1, s30  }
0xbc: {  	s0 =	sor.u32 s3, s0;
	s1 =	sshll.u32 s1, $0x11  }
0xbd: {  	s0 =	sor.u32 s1, s0  }
0xbe: {  	s0 =	sadd.s32 $0x8F2B, s0  }
0xbf: {  	[sflag:s0] =	ssyncadd.remote.s32 $0x1  }
0xc0: {  	_ =	sfence.sel $0xFFFF  }
0xc1: {  	[dreg:$0x0] =	wrdreg $0xFFFFFFFF;
	(pc) =	sbr.abs _section_cstart, $3  }
0xc2: {  	[dreg:$0x1] =	wrdreg $0xFFFFFFFF  }
0xc3: {  	_ =	task.clear_ibuf [dreg:s8], $0x2FFFF;
	_ =	strace $0x9FFFFFFF  }
0xc4: {  	(tm) =	ssettm $0x7FFFFFFF  }
0xc5: {  	_ =	shalt  }
tec
execute0_lowered:
.L_overlay_start_1:
0x0: {  	(tag) =	ssettag $0x1  }
0x1: {  	s2 =	rddreg [dreg:$0x0];
	v0 =	vlaneseq.u32  }
0x2: {  	s1 =	rddreg [dreg:$0x1];
	s0 =	srdreg.scid;
	v2 =	vimm.s32 $0x65432100;
	v3 =	vimm.s32 $0xEDCBA987;
	v5 =	vimm.s32 $0xDCBA9876  }
0x3: {  	s12 =	stileid.u32;
	s4 =	rddreg [dreg:$0x2];
	s3 =	simm.s32 $0x0;
	v6 =	vimm.s32 $0x54321000;
	v7 =	vimm.s32 $0xBA987654;
	v8 =	vimm.s32 $0xE40000  }
0x4: {  	v9 =	vimm.s32 $0x32100000;
	vm0 =	vmmov $0x3;
	vm1 =	vmmov $0xf;
	s31 =	simm.s32 $0xF80;
	s29 =	simm.s32 $0x1;
	s6 =	sand.u32 $0x1, s0  }
0x5: {  	vm2 =	vcmask $0x3F30;
	v10 =	vimm.s32 $0x1;
	v12 =	vimm.s32 $0x2;
	s17 =	sshll.u32 s12, $0x1;
	[smem:$0x7FF] =	sst s3;
	s23 =	smul.u32 $0x900, s12  }
0x6: {  	v13 =	vimm.s32 $0x3;
	v14 =	vimm.s32 $0x4;
	v15 =	vimm.s32 $0x5;
	s0 =	sor.u32 s6, s17;
	s9 =	ssub.s32 $0x2, s6;
	s6 =	smul.u32 $0x480, s6  }
0x7: {  	v16 =	vimm.s32 $0x6;
	v17 =	vimm.s32 $0x7;
	v18 =	vimm.s32 $0x8;
	s7 =	sadd.s32 $0x1A00, s2;
	s12 =	simm.s32 $0x0;
	s5 =	smul.u32 $0x480, s0  }
0x8: {  	v19 =	vimm.s32 $0x9;
	v20 =	vimm.s32 $0xA;
	v21 =	vimm.s32 $0xB;
	_ =	strace $0x8000004A;
	[dreg:$0x4] =	wrdreg s7;
	s8 =	smul.u32 $0x24000, s0  }
0x9: {  	v4 =	vunpack.c.l.s4.s8 v2;
	v3 =	vunpack.c.l.s4.s8 v3;
	v5 =	vunpack.c.l.s4.s8 v5;
	s10 =	sshrl.u32 s9, $0x1;
	s11 =	smul.u32 $0x4800, s0;
	p0 =	sne.s32 s0, $0x0  }
0xa: {  	v6 =	vunpack.c.l.s4.s8 v6;
	v7 =	vunpack.c.l.s4.s8 v7;
	v8 =	vunpack.c.l.s2.s4 v8;
	s0 =	simm.s32 $0x1080;
	s18 =	sshrl.u32 s5, $0x3;
	s5 =	sadd.s32 $0x1C00, s2  }
0xb: {  	v9 =	vunpack.c.l.s4.s8 v9;
	v3 =	vunpack.c.0.s8.s32 v3;
	v5 =	vunpack.c.0.s8.s32 v5;
	s8 =	sshrl.u32 s8, $0x3;
	s7 =	sadd.s32 s18, s2;
	s2 =	sadd.s32 $0x12E00, s2  }
0xc: {  	v4 =	vunpack.c.0.s8.s32 v4;
	v6 =	vunpack.c.0.s8.s32 v6;
	v7 =	vunpack.c.0.s8.s32 v7;
	s8 =	sadd.s32 s4, s8;
	s4 =	sadd.s32 s4, s11;
	[dreg:$0x5] =	wrdreg s2  }
0xd: {  	v8 =	vunpack.c.l.s4.s8 v8;
	s19 =	ssub.s32 s9, s10;
	v3 =	vand.u32 $0xF, v3;
	v5 =	vand.u32 $0xF, v5;
	s7 =	sadd.s32 $0x11C00, s7;
	[dreg:$0x7] =	wrdreg s4  }
0xe: {  	s9 =	simm.s32 $0x4;
	v3 =	vcombine.low v4, v3;
	v4 =	vcombine.low v6, v5;
	v5 =	vunpack.c.0.s8.s32 v9;
	s20 =	sadd.s32 $0x800, s8;
	[dreg:$0x6] =	wrdreg s7  }
0xf: {  	s10 =	simm.s32 $0x3;
	v8 =	vunpack.c.0.s8.s32 v8;
	v6 =	vand.u32 $0xF, v7;
	v7 =	vimm.s32 $0x7060504;
	s21 =	sadd.s32 $0x1000, s8;
	[dreg:$0x8] =	wrdreg s20  }
0x10: {  	v22 =	vimm.s32 $0xC;
	s18 =	sadd.s32 s6, s23;
	s22 =	sadd.s32 $0x1800, s8;
	[dreg:$0x9] =	wrdreg s21;
	v5 =	vcombine.low v5, v6;
	v6 =	vunpack.c.0.s8.s32 v7  }
0x11: {  	v23 =	vimm.s32 $0xD;
	v1 =	vmul.u32 $0x10, v0;
	s23 =	simm.s32 $0x80;
	s24 =	sadd.s32 $0x2000, s8;
	[dreg:$0xa] =	wrdreg s22;
	v7 =	vand.u32 $0x3, v8  }
0x12: {  	v24 =	vimm.s32 $0xE;
	s6 =	simm.s32 $0xE80;
	s25 =	sadd.s32 $0x2800, s8;
	[dreg:$0xb] =	wrdreg s24;
	v6 =	vsel vm2, v6, v7;
	v7 =	vmul.u32 $0x100, v0  }
0x13: {  	v2 =	vor.u32 $0x100, v1;
	v9 =	vimm.s32 $0xF;
	s11 =	simm.s32 $0x5;
	s26 =	sadd.s32 $0x3000, s8;
	[dreg:$0xc] =	wrdreg s25;
	v8 =	vimm.s32 $0x0  }
0x14: {  	s28 =	sadd.s32 $0x3800, s8;
	s30 =	sadd.s32 $0x4000, s8;
	[dreg:$0xd] =	wrdreg s26;
	vm2 =	vmmov $0xff;
	v11 =	vor.u32 $0x1, v7;
	v25 =	vor.u32 $0x1000, v7  }
.Ltmp0:
0x15: {  	s2 =	smax.u32 s19, $0x1;
	[dreg:$0xe] =	wrdreg s28;
	v26 =	vor.u32 $0x1001, v7;
	v27 =	vor.u32 $0x2000, v7;
	v28 =	vor.u32 $0x2001, v7;
	(pc) =	sbr.rel .LBB2_1-.Ltmp0, $4  }
0x16: {  	s19 =	simm.s32 $0x6;
	s4 =	simm.s32 $0x1580;
	[dreg:$0xf] =	wrdreg s30;
	v29 =	vor.u32 $0x3000, v7;
	v30 =	vor.u32 $0x3001, v7;
	v31 =	vor.u32 $0x4000, v7  }
0x17: {  	s8 =	simm.s32 $0x2;
	[dreg:$0x10] =	wrdreg s2;
	s20 =	simm.s32 $0x300;
	v32 =	vor.u32 $0x4001, v7;
	v33 =	vor.u32 $0x5000, v7;
	v34 =	vor.u32 $0x5001, v7  }
0x18: {  	s21 =	simm.s32 $0x200;
	s22 =	simm.s32 $0x280;
	s2 =	simm.s32 $0xE00;
	v35 =	vor.u32 $0x6000, v7;
	v36 =	vor.u32 $0x6001, v7;
	v37 =	vor.u32 $0x7000, v7  }
0x19: {  	s26 =	simm.s32 $0xF00;
	s24 =	simm.s32 $0x1000;
	s7 =	simm.s32 $0x5580;
	v38 =	vor.u32 $0x7001, v7;
	v39 =	vor.u32 $0x8000, v7;
	v40 =	vor.u32 $0x8001, v7  }
.LBB2_7:
0x1a: {  	s12 =	sadd.s32 $0x1, s12;
	s13 =	rddreg [dreg:$0x10]  }
0x1b: {  	p1 =	sne.s32 s12, s13  }
.Ltmp1:
0x1c: {  	_ = 	snop;
	(pc) =	sbr.rel @!p1 .LBB2_8-.Ltmp1, $1  }
0x1d: {  	_ =	sdelay $0x3  }
.LBB2_1:
0x1e: {  	s13 =	rddreg [dreg:$0x4]  }
0x1f: {  	[tilespmem:s3], [sflag:$0x6] =	stream.linear.gather [hbm4b:s13+s3], $0x200, $0x38;
	[tilespmem:$0x9680] =	vst v63  }
0x20: {  	_ =	swait.ge [sflag:s19], $0x200  }
0x21: {  	[sflag:s19] =	ssyncset.done $0x0  }
0x22: {  	[sflag:s19] =	ssyncadd.s32 $0xFFFFFE00  }
0x23: {  	v42 =	vld.idx.msk [tilespmem:v1+s3+$0x0], $0xffff  }
0x24: {  	v43 =	vld.idx.msk [tilespmem:v2+s3+$0x0], $0xffff;
	_ =	sdelay $0x4  }
0x25: {  	v41 =	vadd.s32 v43, v42  }
0x26: {  	v41 =	vadd.s32 $0xFF, v41  }
0x27: {  	v41 =	vand.u32 $0xFFFFFF00, v41  }
0x28: {  	v44 =	vperm.xlane v41, v3  }
0x29: {  	vm3 =	veq.s32 v0, $0x0  }
0x2a: {  	v44 =	vsel vm3, $0x0, v44  }
0x2b: {  	v44 =	vadd.s32 v44, v41  }
0x2c: {  	v45 =	vperm.xlane v44, v4;
	_ =	sdelay $0x1  }
0x2d: {  	v45 =	vsel vm0, $0x0, v45  }
0x2e: {  	v44 =	vadd.s32 v45, v44  }
0x2f: {  	v45 =	vperm.xlane v44, v5;
	_ =	sdelay $0x1  }
0x30: {  	v45 =	vsel vm1, $0x0, v45  }
0x31: {  	v44 =	vadd.s32 v45, v44  }
0x32: {  	v45 =	vperm.xlane v44, v6;
	_ =	sdelay $0x1  }
0x33: {  	v45 =	vsel vm2, $0x0, v45  }
0x34: {  	v41 =	vsub.s32 v45, v41  }
0x35: {  	v41 =	vadd.s32 v44, v41  }
0x36: {  	vm4 =	vle.s32 v41, s18  }
0x37: {  	v53 =	vsel vm4, $0x1, v8  }
0x38: {  	v54 =	vperm.xlane v53, v3;
	_ =	sdelay $0x1  }
0x39: {  	v45 =	vsel vm3, $0x0, v54  }
0x3a: {  	v44 =	vadd.s32 v53, v45  }
0x3b: {  	v45 =	vperm.xlane v44, v4;
	_ =	sdelay $0x1  }
0x3c: {  	v45 =	vsel vm0, $0x0, v45  }
0x3d: {  	v44 =	vadd.s32 v45, v44  }
0x3e: {  	s13 =	sadd.s32 $0x10, s18;
	v45 =	vperm.xlane v44, v5  }
0x3f: {  	vm4 =	vle.s32 v41, s13  }
0x40: {  	v55 =	vsel vm4, $0x1, v8;
	v45 =	vsel vm1, $0x0, v45  }
0x41: {  	v47 =	vperm.xlane v55, v3;
	v44 =	vadd.s32 v45, v44  }
0x42: {  	v46 =	vperm.xlane v44, v6  }
0x43: {  	v47 =	vsel vm3, $0x0, v47  }
0x44: {  	v45 =	vadd.s32 v55, v47;
	v46 =	vsel vm2, $0x0, v46  }
0x45: {  	v56 =	vperm.xlane v45, v4;
	v44 =	vadd.s32 v46, v44  }
0x46: {  	v44 =	vperm.xlane v44, v9  }
0x47: {  	v46 =	vsel vm0, $0x0, v56  }
0x48: {  	v45 =	vadd.s32 v46, v45;
	v44 =	vadd.s32 $0xFFFFFFFF, v44  }
0x49: {  	v57 =	vperm.xlane v45, v5  }
0x4a: {  	[tilespmem:$0x200] =	vst v42  }
0x4b: {  	s16 =	sadd.s32 $0x10, s13;
	[tilespmem:$0x280] =	vst v43;
	v42 =	vsel vm1, $0x0, v57  }
0x4c: {  	[tilespmem:$0x300] =	vst v41;
	vm4 =	vle.s32 v41, s16;
	v42 =	vadd.s32 v42, v45  }
0x4d: {  	v59 =	vsel vm4, $0x1, v8;
	v60 =	vperm.xlane v42, v6;
	v43 =	vld.idx.msk [tilespmem:v44+s20+$0x0], $0xffff  }
0x4e: {  	v49 =	vperm.xlane v59, v3;
	v58 =	vld.idx.msk [tilespmem:v44+s21+$0x0], $0xffff  }
0x4f: {  	v48 =	vld.idx.msk [tilespmem:v44+s22+$0x0], $0xffff;
	v47 =	vsel vm2, $0x0, v60  }
0x50: {  	v49 =	vsel vm3, $0x0, v49;
	v42 =	vadd.s32 v47, v42  }
0x51: {  	v46 =	vadd.s32 v59, v49;
	v42 =	vperm.xlane v42, v9  }
0x52: {  	v50 =	vor.u32 s18, v0;
	v62 =	vperm.xlane v46, v4;
	v44 =	vshll.u32 v44, $0xE  }
0x53: {  	v42 =	vadd.s32 $0xFFFFFFFF, v42;
	v61 =	vsub.s32 v50, v43;
	v63 =	vsub.s32 v44, v58  }
0x54: {  	v45 =	vadd.s32 v58, v48;
	vm4 =	vlt.s32 v61, v58;
	v49 =	vadd.s32 $0x40000, v63  }
0x55: {  	s15 =	simm.s32 $0x40;
	s14 =	simm.s32 $0x80;
	v43 =	vsel vm0, $0x0, v62;
	v44 =	vsel vm4, v44, v49;
	vm4 =	vlt.s32 v61, v45  }
0x56: {  	s25 =	simm.s32 $0xC0;
	s28 =	simm.s32 $0x0;
	s17 =	smov.u32 s16;
	v43 =	vadd.s32 v43, v46;
	v44 =	vadd.s32 v61, v44;
	v45 =	vsel vm4, $0x1, v8  }
.LBB2_2:
0x57: {  	p1 =	sne.s32 s25, $0x11C0;
	v46 =	vperm.xlane v43, v5;
	v44 =	vnsel vm4, $0x0, v44;
	[tilespmem:s28+$0x800] =	vst v45;
	s30 =	smov.u32 s25;
	s25 =	sadd.s32 $0x40, s25  }
0x58: {  	[tilespmem:s28+$0x380] =	vst v44  }
0x59: {  	s16 =	sadd.s32 $0x10, s16;
	v44 =	vsel vm1, $0x0, v46;
	v45 =	vld.idx.msk [tilespmem:v42+s20+$0x0], $0xffff  }
0x5a: {  	vm4 =	vle.s32 v41, s16;
	v43 =	vadd.s32 v44, v43;
	v44 =	vld.idx.msk [tilespmem:v42+s21+$0x0], $0xffff  }
0x5b: {  	v46 =	vsel vm4, $0x1, v8;
	v47 =	vperm.xlane v43, v6;
	v48 =	vld.idx.msk [tilespmem:v42+s22+$0x0], $0xffff  }
0x5c: {  	v49 =	vperm.xlane v46, v3  }
0x5d: {  	v50 =	vor.u32 s13, v0;
	s13 =	smov.u32 s17;
	s17 =	smov.u32 s16;
	v47 =	vsel vm2, $0x0, v47  }
0x5e: {  	v49 =	vsel vm3, $0x0, v49;
	v43 =	vadd.s32 v47, v43;
	v47 =	vshll.u32 v42, $0xE  }
.Ltmp2:
0x5f: {  	v46 =	vadd.s32 v46, v49;
	v45 =	vsub.s32 v50, v45;
	v42 =	vperm.xlane v43, v9;
	(pc) =	sbr.rel @p1 .LBB2_2-.Ltmp2, $4  }
0x60: {  	v43 =	vperm.xlane v46, v4;
	vm4 =	vlt.s32 v45, v44;
	v49 =	vsub.s32 v47, v44  }
0x61: {  	v49 =	vadd.s32 $0x40000, v49;
	v44 =	vadd.s32 v44, v48;
	v42 =	vadd.s32 $0xFFFFFFFF, v42  }
0x62: {  	v43 =	vsel vm0, $0x0, v43;
	v47 =	vsel vm4, v47, v49;
	vm4 =	vlt.s32 v45, v44  }
0x63: {  	s28 =	sshra.s32 s15, $0x2;
	s15 =	smov.u32 s14;
	s14 =	smov.u32 s30;
	v43 =	vadd.s32 v43, v46;
	v44 =	vadd.s32 v45, v47;
	v45 =	vsel vm4, $0x1, v8  }
0x64: {  	_ =	sdelay $0x1  }
0x65: {  	v41 =	vperm.xlane v43, v5;
	v44 =	vnsel vm4, $0x0, v44;
	[tilespmem:s28+$0x800] =	vst v45  }
0x66: {  	[tilespmem:s28+$0x380] =	vst v44  }
0x67: {  	v41 =	vsel vm1, $0x0, v41;
	v44 =	vld.idx.msk [tilespmem:v42+s20+$0x0], $0xffff  }
0x68: {  	v54 =	vld.idx.msk [tilespmem:v42+s21+$0x0], $0xffff;
	v41 =	vadd.s32 v41, v43  }
0x69: {  	v46 =	vld.idx.msk [tilespmem:v42+s22+$0x0], $0xffff;
	v55 =	vperm.xlane v41, v6;
	_ =	sdelay $0x1  }
0x6a: {  	v45 =	vsel vm2, $0x0, v55  }
0x6b: {  	v41 =	vadd.s32 v45, v41  }
0x6c: {  	v47 =	vor.u32 s13, v0;
	v56 =	vshll.u32 v42, $0xE;
	v41 =	vperm.xlane v41, v9  }
0x6d: {  	v44 =	vsub.s32 v47, v44;
	v57 =	vsub.s32 v56, v54;
	v43 =	vadd.s32 v54, v46  }
0x6e: {  	vm3 =	vlt.s32 v44, v54;
	v45 =	vadd.s32 $0x40000, v57;
	v41 =	vadd.s32 $0xFFFFFFFF, v41  }
0x6f: {  	v42 =	vsel vm3, v56, v45;
	vm3 =	vlt.s32 v44, v43  }
0x70: {  	s25 =	sshra.s32 s15, $0x2;
	v42 =	vadd.s32 v44, v42;
	v43 =	vsel vm3, $0x1, v8  }
0x71: {  	v42 =	vnsel vm3, $0x0, v42;
	[tilespmem:s25+$0x800] =	vst v43  }
0x72: {  	[tilespmem:s25+$0x380] =	vst v42  }
0x73: {  	v42 =	vld.idx.msk [tilespmem:v41+s20+$0x0], $0xffff  }
0x74: {  	v43 =	vld.idx.msk [tilespmem:v41+s21+$0x0], $0xffff  }
0x75: {  	v58 =	vld.idx.msk [tilespmem:v41+s22+$0x0], $0xffff;
	_ =	sdelay $0x2  }
0x76: {  	v59 =	vor.u32 s17, v0;
	v41 =	vshll.u32 v41, $0xE  }
0x77: {  	v42 =	vsub.s32 v59, v42;
	v60 =	vsub.s32 v41, v43  }
0x78: {  	vm3 =	vlt.s32 v42, v43;
	v45 =	vadd.s32 $0x40000, v60;
	v43 =	vadd.s32 v43, v58  }
0x79: {  	v41 =	vsel vm3, v41, v45;
	vm3 =	vlt.s32 v42, v43  }
0x7a: {  	s28 =	sshra.s32 s14, $0x2;
	v41 =	vadd.s32 v42, v41;
	v61 =	vsel vm3, $0x1, v8  }
0x7b: {  	v41 =	vnsel vm3, $0x0, v41;
	[tilespmem:s28+$0x800] =	vst v61  }
0x7c: {  	s30 =	simm.s32 $0x380;
	s16 =	simm.s32 $0xC80;
	[tilespmem:s28+$0x380] =	vst v41  }
0x7d: {  	[tilespmem:s16], [sflag:$0x1] =	stream.indirect.gather [hbm4b:s5+s23], $0x1, s30, s23, $0xb8;
	[tilespmem:$0x9680] =	vst v63  }
0x7e: {  	s17 =	simm.s32 $0xD00;
	s14 =	simm.s32 $0x400  }
0x7f: {  	[tilespmem:s17], [sflag:$0x1] =	stream.indirect.gather [hbm4b:s5+s23], $0x1, s14, s23, $0xb8;
	[tilespmem:$0x9680] =	vst v63  }
0x80: {  	s15 =	simm.s32 $0x480;
	s25 =	simm.s32 $0xD80  }
0x81: {  	[tilespmem:s25], [sflag:$0x1] =	stream.indirect.gather [hbm4b:s5+s23], $0x1, s15, s23, $0xb8;
	[tilespmem:$0x9680] =	vst v63  }
0x82: {  	s28 =	simm.s32 $0x500  }
0x83: {  	[tilespmem:s2], [sflag:$0x1] =	stream.indirect.gather [hbm4b:s5+s23], $0x1, s28, s23, $0xb8;
	[tilespmem:$0x9680] =	vst v63  }
0x84: {  	s30 =	simm.s32 $0x580  }
0x85: {  	[tilespmem:s6], [sflag:$0x1] =	stream.indirect.gather [hbm4b:s5+s23], $0x1, s30, s23, $0xb8;
	[tilespmem:$0x9680] =	vst v63  }
0x86: {  	s14 =	simm.s32 $0x600  }
0x87: {  	[tilespmem:s26], [sflag:$0x1] =	stream.indirect.gather [hbm4b:s5+s23], $0x1, s14, s23, $0xb8;
	[tilespmem:$0x9680] =	vst v63  }
0x88: {  	s15 =	simm.s32 $0x680  }
0x89: {  	[tilespmem:s31], [sflag:$0x1] =	stream.indirect.gather [hbm4b:s5+s23], $0x1, s15, s23, $0xb8;
	[tilespmem:$0x9680] =	vst v63  }
0x8a: {  	s28 =	simm.s32 $0x700  }
0x8b: {  	[tilespmem:s24], [sflag:$0x1] =	stream.indirect.gather [hbm4b:s5+s23], $0x1, s28, s23, $0xb8;
	[tilespmem:$0x9680] =	vst v63  }
0x8c: {  	s30 =	simm.s32 $0x780  }
0x8d: {  	[tilespmem:s0], [sflag:$0x1] =	stream.indirect.gather [hbm4b:s5+s23], $0x1, s30, s23, $0xb8;
	[tilespmem:$0x9680] =	vst v63  }
0x8e: {  	_ =	swait.ge [sflag:s29], $0x80  }
0x8f: {  	[sflag:s29] =	ssyncset.done $0x0  }
0x90: {  	[sflag:s29] =	ssyncadd.s32 $0xFFFFFF80  }
0x91: {  	_ =	swait.ge [sflag:s29], $0x80  }
0x92: {  	[sflag:s29] =	ssyncset.done $0x0  }
0x93: {  	[sflag:s29] =	ssyncadd.s32 $0xFFFFFF80  }
0x94: {  	_ =	swait.ge [sflag:s29], $0x80  }
0x95: {  	[sflag:s29] =	ssyncset.done $0x0  }
0x96: {  	[sflag:s29] =	ssyncadd.s32 $0xFFFFFF80  }
0x97: {  	_ =	swait.ge [sflag:s29], $0x80  }
0x98: {  	[sflag:s29] =	ssyncset.done $0x0  }
0x99: {  	[sflag:s29] =	ssyncadd.s32 $0xFFFFFF80  }
0x9a: {  	_ =	swait.ge [sflag:s29], $0x80  }
0x9b: {  	[sflag:s29] =	ssyncset.done $0x0  }
0x9c: {  	[sflag:s29] =	ssyncadd.s32 $0xFFFFFF80  }
0x9d: {  	_ =	swait.ge [sflag:s29], $0x80  }
0x9e: {  	[sflag:s29] =	ssyncset.done $0x0  }
0x9f: {  	[sflag:s29] =	ssyncadd.s32 $0xFFFFFF80  }
0xa0: {  	_ =	swait.ge [sflag:s29], $0x80  }
0xa1: {  	[sflag:s29] =	ssyncset.done $0x0  }
0xa2: {  	[sflag:s29] =	ssyncadd.s32 $0xFFFFFF80  }
0xa3: {  	_ =	swait.ge [sflag:s29], $0x80  }
0xa4: {  	[sflag:s29] =	ssyncset.done $0x0  }
0xa5: {  	[sflag:s29] =	ssyncadd.s32 $0xFFFFFF80  }
0xa6: {  	_ =	swait.ge [sflag:s29], $0x80  }
0xa7: {  	[sflag:s29] =	ssyncset.done $0x0  }
0xa8: {  	s13 =	simm.s32 $0x0;
	[sflag:s29] =	ssyncadd.s32 $0xFFFFFF80  }
0xa9: {  	v62 =	vld [tilespmem:s13+$0xC80];
	_ =	sdelay $0x1  }
0xaa: {  	v63 =	vld [tilespmem:s13+$0x800];
	_ =	sdelay $0x2  }
0xab: {  	vm3 =	vgt.s32 v62, $0x0  }
0xac: {  	v41 =	vnsel vm3, $0x0, v62  }
0xad: {  	vm3 =	vgt.s32 v63, $0x0;
	v41 =	vmin.u32 v41, $0x7FFF  }
0xae: {  	v42 =	vnsel vm3, $0x0, v41  }
0xaf: {  	s14 =	simm.s32 $0x80;
	s15 =	simm.s32 $0x10;
	v41 =	vnsel vm3, $0x8000, v41;
	[tilespmem:s13+$0xC80] =	vst v42  }
.LBB2_4:
0xb0: {  	p1 =	sne.s32 s14, $0x11C0;
	v42 =	vld [tilespmem:s15+$0xC80];
	[tilespmem:s13+$0x1100] =	vst v41;
	s13 =	smov.u32 s15;
	_ =	sdelay $0x1  }
0xb1: {  	v41 =	vld [tilespmem:s13+$0x800];
	_ =	sdelay $0x2  }
.Ltmp3:
0xb2: {  	vm3 =	vgt.s32 v42, $0x0;
	(pc) =	sbr.rel @p1 .LBB2_4-.Ltmp3, $4  }
0xb3: {  	v42 =	vnsel vm3, $0x0, v42  }
0xb4: {  	v42 =	vmin.u32 v42, $0x7FFF;
	vm3 =	vgt.s32 v41, $0x0  }
0xb5: {  	v41 =	vnsel vm3, $0x8000, v42;
	v42 =	vnsel vm3, $0x0, v42  }
0xb6: {  	s15 =	sshra.s32 s14, $0x2;
	s14 =	sadd.s32 $0x40, s14;
	[tilespmem:s13+$0xC80] =	vst v42  }
0xb7: {  	v42 =	vld [tilespmem:s15+$0xC80]  }
0xb8: {  	[tilespmem:s13+$0x1100] =	vst v41  }
0xb9: {  	v41 =	vld [tilespmem:s15+$0x800];
	_ =	sdelay $0x2  }
0xba: {  	vm3 =	vgt.s32 v42, $0x0  }
0xbb: {  	v42 =	vnsel vm3, $0x0, v42  }
0xbc: {  	vm3 =	vgt.s32 v41, $0x0;
	v42 =	vmin.u32 v42, $0x7FFF  }
0xbd: {  	v41 =	vnsel vm3, $0x0, v42  }
0xbe: {  	v42 =	vnsel vm3, $0x8000, v42;
	[tilespmem:s15+$0xC80] =	vst v41  }
0xbf: {  	s14 =	simm.s32 $0x1100;
	[tilespmem:s15+$0x1100] =	vst v42;
	s15 =	rddreg [dreg:$0x6]  }
0xc0: {  	[hbm4b:s15+s3] =	stream.linear.scatter [tilespmem:s14], [sflag:$0x6], $0x480, $0x38;
	[tilespmem:$0x9680] =	vst v63  }
0xc1: {  	_ =	swait.ge [sflag:s19], $0x480  }
0xc2: {  	[sflag:s19] =	ssyncset.done $0x0  }
0xc3: {  	[sflag:s19] =	ssyncadd.s32 $0xFFFFFB80  }
0xc4: {  	[tilespmem:s4], [sflag:$0x2] =	stream.indirect.gather [hbm4b:s1+s23], $0x80, s16, s23, $0xb8;
	[tilespmem:$0x9680] =	vst v63  }
0xc5: {  	_ = 	snop  }
0xc6: {  	[tilespmem:s7], [sflag:$0x3] =	stream.indirect.gather [hbm4b:s1+s23], $0x80, s17, s23, $0xb8;
	[tilespmem:$0x9680] =	vst v63  }
0xc7: {  	_ =	swait.ge [sflag:s8], $0x4000  }
0xc8: {  	[sflag:s8] =	ssyncset.done $0x0  }
0xc9: {  	s28 =	rddreg [dreg:$0x7];
	[sflag:s8] =	ssyncadd.s32 $0xFFFFC000  }
0xca: {  	[hbm4b:s28+s3] =	stream.linear.scatter [tilespmem:s4], [sflag:$0x4], $0x4000, $0x38;
	[tilespmem:$0x9680] =	vst v63  }
0xcb: {  	_ =	swait.ge [sflag:s9], $0x4000  }
0xcc: {  	[sflag:s9] =	ssyncset.done $0x0  }
0xcd: {  	[sflag:s9] =	ssyncadd.s32 $0xFFFFC000  }
0xce: {  	[tilespmem:s4], [sflag:$0x2] =	stream.indirect.gather [hbm4b:s1+s23], $0x80, s25, s23, $0xb8;
	[tilespmem:$0x9680] =	vst v63  }
0xcf: {  	_ =	swait.ge [sflag:s10], $0x4000  }
0xd0: {  	[sflag:s10] =	ssyncset.done $0x0  }
0xd1: {  	s30 =	rddreg [dreg:$0x8];
	[sflag:s10] =	ssyncadd.s32 $0xFFFFC000  }
0xd2: {  	[hbm4b:s30+s3] =	stream.linear.scatter [tilespmem:s7], [sflag:$0x5], $0x4000, $0x38;
	[tilespmem:$0x9680] =	vst v63  }
0xd3: {  	_ =	swait.ge [sflag:s11], $0x4000  }
0xd4: {  	[sflag:s11] =	ssyncset.done $0x0  }
0xd5: {  	[sflag:s11] =	ssyncadd.s32 $0xFFFFC000  }
0xd6: {  	[tilespmem:s7], [sflag:$0x3] =	stream.indirect.gather [hbm4b:s1+s23], $0x80, s2, s23, $0xb8;
	[tilespmem:$0x9680] =	vst v63  }
0xd7: {  	_ =	swait.ge [sflag:s8], $0x4000  }
0xd8: {  	[sflag:s8] =	ssyncset.done $0x0  }
0xd9: {  	s14 =	rddreg [dreg:$0x9];
	[sflag:s8] =	ssyncadd.s32 $0xFFFFC000  }
0xda: {  	[hbm4b:s14+s3] =	stream.linear.scatter [tilespmem:s4], [sflag:$0x4], $0x4000, $0x38;
	[tilespmem:$0x9680] =	vst v63  }
0xdb: {  	_ =	swait.ge [sflag:s9], $0x4000  }
0xdc: {  	[sflag:s9] =	ssyncset.done $0x0  }
0xdd: {  	[sflag:s9] =	ssyncadd.s32 $0xFFFFC000  }
0xde: {  	[tilespmem:s4], [sflag:$0x2] =	stream.indirect.gather [hbm4b:s1+s23], $0x80, s6, s23, $0xb8;
	[tilespmem:$0x9680] =	vst v63  }
0xdf: {  	_ =	swait.ge [sflag:s10], $0x4000  }
0xe0: {  	[sflag:s10] =	ssyncset.done $0x0  }
0xe1: {  	s15 =	rddreg [dreg:$0xa];
	[sflag:s10] =	ssyncadd.s32 $0xFFFFC000  }
0xe2: {  	[hbm4b:s15+s3] =	stream.linear.scatter [tilespmem:s7], [sflag:$0x5], $0x4000, $0x38;
	[tilespmem:$0x9680] =	vst v63  }
0xe3: {  	_ =	swait.ge [sflag:s11], $0x4000  }
0xe4: {  	[sflag:s11] =	ssyncset.done $0x0  }
0xe5: {  	[sflag:s11] =	ssyncadd.s32 $0xFFFFC000  }
0xe6: {  	[tilespmem:s7], [sflag:$0x3] =	stream.indirect.gather [hbm4b:s1+s23], $0x80, s26, s23, $0xb8;
	[tilespmem:$0x9680] =	vst v63  }
0xe7: {  	_ =	swait.ge [sflag:s8], $0x4000  }
0xe8: {  	[sflag:s8] =	ssyncset.done $0x0  }
0xe9: {  	s16 =	rddreg [dreg:$0xb];
	[sflag:s8] =	ssyncadd.s32 $0xFFFFC000  }
0xea: {  	[hbm4b:s16+s3] =	stream.linear.scatter [tilespmem:s4], [sflag:$0x4], $0x4000, $0x38;
	[tilespmem:$0x9680] =	vst v63  }
0xeb: {  	_ =	swait.ge [sflag:s9], $0x4000  }
0xec: {  	[sflag:s9] =	ssyncset.done $0x0  }
0xed: {  	[sflag:s9] =	ssyncadd.s32 $0xFFFFC000  }
0xee: {  	[tilespmem:s4], [sflag:$0x2] =	stream.indirect.gather [hbm4b:s1+s23], $0x80, s31, s23, $0xb8;
	[tilespmem:$0x9680] =	vst v63  }
0xef: {  	_ =	swait.ge [sflag:s10], $0x4000  }
0xf0: {  	[sflag:s10] =	ssyncset.done $0x0  }
0xf1: {  	s17 =	rddreg [dreg:$0xc];
	[sflag:s10] =	ssyncadd.s32 $0xFFFFC000  }
0xf2: {  	[hbm4b:s17+s3] =	stream.linear.scatter [tilespmem:s7], [sflag:$0x5], $0x4000, $0x38;
	[tilespmem:$0x9680] =	vst v63  }
0xf3: {  	_ =	swait.ge [sflag:s11], $0x4000  }
0xf4: {  	[sflag:s11] =	ssyncset.done $0x0  }
0xf5: {  	[sflag:s11] =	ssyncadd.s32 $0xFFFFC000  }
0xf6: {  	[tilespmem:s7], [sflag:$0x3] =	stream.indirect.gather [hbm4b:s1+s23], $0x80, s24, s23, $0xb8;
	[tilespmem:$0x9680] =	vst v63  }
0xf7: {  	_ =	swait.ge [sflag:s8], $0x4000  }
0xf8: {  	[sflag:s8] =	ssyncset.done $0x0  }
0xf9: {  	s25 =	rddreg [dreg:$0xd];
	[sflag:s8] =	ssyncadd.s32 $0xFFFFC000  }
0xfa: {  	[hbm4b:s25+s3] =	stream.linear.scatter [tilespmem:s4], [sflag:$0x4], $0x4000, $0x38;
	[tilespmem:$0x9680] =	vst v63  }
0xfb: {  	_ =	swait.ge [sflag:s9], $0x4000  }
0xfc: {  	[sflag:s9] =	ssyncset.done $0x0  }
0xfd: {  	[sflag:s9] =	ssyncadd.s32 $0xFFFFC000  }
0xfe: {  	[tilespmem:s4], [sflag:$0x2] =	stream.indirect.gather [hbm4b:s1+s23], $0x80, s0, s23, $0xb8;
	[tilespmem:$0x9680] =	vst v63  }
0xff: {  	_ =	swait.ge [sflag:s10], $0x4000  }
0x100: {  	[sflag:s10] =	ssyncset.done $0x0  }
0x101: {  	s28 =	rddreg [dreg:$0xe];
	[sflag:s10] =	ssyncadd.s32 $0xFFFFC000  }
0x102: {  	[hbm4b:s28+s3] =	stream.linear.scatter [tilespmem:s7], [sflag:$0x5], $0x4000, $0x38;
	[tilespmem:$0x9680] =	vst v63  }
0x103: {  	_ =	swait.ge [sflag:s8], $0x4000  }
0x104: {  	[sflag:s8] =	ssyncset.done $0x0  }
0x105: {  	s30 =	rddreg [dreg:$0xf];
	[sflag:s8] =	ssyncadd.s32 $0xFFFFC000  }
0x106: {  	[hbm4b:s30+s3] =	stream.linear.scatter [tilespmem:s4], [sflag:$0x4], $0x4000, $0x38;
	[tilespmem:$0x9680] =	vst v63  }
0x107: {  	_ =	swait.ge [sflag:s9], $0x4000  }
.Ltmp4:
0x108: {  	[sflag:s9] =	ssyncset.done $0x0;
	(pc) =	sbr.rel @p0 .LBB2_7-.Ltmp4, $4  }
0x109: {  	[sflag:s9] =	ssyncadd.s32 $0xFFFFC000  }
0x10a: {  	_ =	swait.ge [sflag:s11], $0x4000  }
0x10b: {  	[sflag:s11] =	ssyncset.done $0x0  }
0x10c: {  	[sflag:s11] =	ssyncadd.s32 $0xFFFFC000  }
0x10d: {  	_ =	sdelay $0x2  }
0x10e: {  	v41 =	vld.msk [tilespmem:s20+$0x0], $0xffff  }
0x10f: {  	v42 =	vld.idx.msk [tilespmem:v10+s20+$0x0], $0xffff  }
0x110: {  	v43 =	vld.idx.msk [tilespmem:v12+s20+$0x0], $0xffff  }
0x111: {  	v44 =	vld.idx.msk [tilespmem:v13+s20+$0x0], $0xffff  }
0x112: {  	v45 =	vld.idx.msk [tilespmem:v14+s20+$0x0], $0xffff  }
0x113: {  	v46 =	vld.idx.msk [tilespmem:v15+s20+$0x0], $0xffff  }
0x114: {  	v60 =	vld.idx.msk [tilespmem:v16+s20+$0x0], $0xffff;
	vm3 =	vgt.s32 v41, v7;
	vm4 =	vlt.s32 v42, v11  }
0x115: {  	v62 =	vld.idx.msk [tilespmem:v17+s20+$0x0], $0xffff;
	v61 =	vsel vm3, $0xFFFFFFFF, v8;
	v47 =	vsel vm4, $0x1, v8;
	vm3 =	vlt.s32 v43, v11  }
0x116: {  	v48 =	vld.idx.msk [tilespmem:v18+s20+$0x0], $0xffff;
	v42 =	vadd.s32 v61, v47;
	v63 =	vsel vm3, $0x1, v8;
	vm3 =	vlt.s32 v44, v11  }
0x117: {  	v50 =	vld.idx.msk [tilespmem:v19+s20+$0x0], $0xffff;
	v42 =	vadd.s32 v63, v42;
	v49 =	vsel vm3, $0x1, v8;
	vm3 =	vlt.s32 v45, v11  }
0x118: {  	v52 =	vld.idx.msk [tilespmem:v20+s20+$0x0], $0xffff;
	v42 =	vadd.s32 v49, v42;
	v51 =	vsel vm3, $0x1, v8;
	vm3 =	vlt.s32 v46, v11  }
0x119: {  	v54 =	vld.idx.msk [tilespmem:v21+s20+$0x0], $0xffff;
	v42 =	vadd.s32 v51, v42;
	v53 =	vsel vm3, $0x1, v8;
	vm3 =	vlt.s32 v60, v11  }
0x11a: {  	v56 =	vld.idx.msk [tilespmem:v22+s20+$0x0], $0xffff;
	v42 =	vadd.s32 v53, v42;
	v55 =	vsel vm3, $0x1, v8;
	vm3 =	vlt.s32 v62, v11  }
0x11b: {  	v58 =	vld.idx.msk [tilespmem:v23+s20+$0x0], $0xffff;
	v42 =	vadd.s32 v55, v42;
	v57 =	vsel vm3, $0x1, v8;
	vm3 =	vlt.s32 v48, v11  }
0x11c: {  	v60 =	vld.idx.msk [tilespmem:v24+s20+$0x0], $0xffff;
	v42 =	vadd.s32 v57, v42;
	v59 =	vsel vm3, $0x1, v8;
	vm3 =	vlt.s32 v50, v11  }
0x11d: {  	v62 =	vld.idx.msk [tilespmem:v9+s20+$0x0], $0xffff;
	v42 =	vadd.s32 v59, v42;
	v61 =	vsel vm3, $0x1, v8;
	vm3 =	vlt.s32 v52, v11  }
0x11e: {  	v42 =	vadd.s32 v61, v42;
	v63 =	vsel vm3, $0x1, v8;
	vm3 =	vlt.s32 v54, v11  }
0x11f: {  	v48 =	vadd.s32 v63, v42;
	v49 =	vsel vm3, $0x1, v8;
	vm3 =	vlt.s32 v56, v11  }
0x120: {  	v41 =	vadd.s32 v49, v48;
	v50 =	vsel vm3, $0x1, v8;
	vm3 =	vlt.s32 v58, v11  }
0x121: {  	v41 =	vadd.s32 v50, v41;
	v51 =	vsel vm3, $0x1, v8;
	vm3 =	vlt.s32 v60, v11  }
0x122: {  	v41 =	vadd.s32 v51, v41;
	v52 =	vsel vm3, $0x1, v8;
	vm3 =	vlt.s32 v62, v11  }
0x123: {  	v41 =	vadd.s32 v52, v41;
	v53 =	vsel vm3, $0x1, v8  }
0x124: {  	v41 =	vadd.s32 v53, v41  }
0x125: {  	[tilespmem:$0x9580] =	vst v41  }
0x126: {  	v41 =	vld.msk [tilespmem:s20+$0x0], $0xffff  }
0x127: {  	v54 =	vld.idx.msk [tilespmem:v10+s20+$0x0], $0xffff  }
0x128: {  	v55 =	vld.idx.msk [tilespmem:v12+s20+$0x0], $0xffff  }
0x129: {  	v56 =	vld.idx.msk [tilespmem:v13+s20+$0x0], $0xffff  }
0x12a: {  	v57 =	vld.idx.msk [tilespmem:v14+s20+$0x0], $0xffff  }
0x12b: {  	v58 =	vld.idx.msk [tilespmem:v15+s20+$0x0], $0xffff  }
0x12c: {  	v59 =	vld.idx.msk [tilespmem:v16+s20+$0x0], $0xffff;
	vm3 =	vgt.s32 v41, v25;
	vm8 =	vlt.s32 v54, v26  }
0x12d: {  	v62 =	vld.idx.msk [tilespmem:v17+s20+$0x0], $0xffff;
	v60 =	vsel vm3, $0xFFFFFFFF, v8;
	v61 =	vsel vm8, $0x1, v8;
	vm3 =	vlt.s32 v55, v26  }
0x12e: {  	v48 =	vld.idx.msk [tilespmem:v18+s20+$0x0], $0xffff;
	v42 =	vadd.s32 v60, v61;
	v63 =	vsel vm3, $0x1, v8;
	vm3 =	vlt.s32 v56, v26  }
0x12f: {  	v50 =	vld.idx.msk [tilespmem:v19+s20+$0x0], $0xffff;
	v42 =	vadd.s32 v63, v42;
	v49 =	vsel vm3, $0x1, v8;
	vm3 =	vlt.s32 v57, v26  }
0x130: {  	v52 =	vld.idx.msk [tilespmem:v20+s20+$0x0], $0xffff;
	v42 =	vadd.s32 v49, v42;
	v51 =	vsel vm3, $0x1, v8;
	vm3 =	vlt.s32 v58, v26  }
0x131: {  	v54 =	vld.idx.msk [tilespmem:v21+s20+$0x0], $0xffff;
	v42 =	vadd.s32 v51, v42;
	v53 =	vsel vm3, $0x1, v8;
	vm3 =	vlt.s32 v59, v26  }
0x132: {  	v56 =	vld.idx.msk [tilespmem:v22+s20+$0x0], $0xffff;
	v42 =	vadd.s32 v53, v42;
	v55 =	vsel vm3, $0x1, v8;
	vm3 =	vlt.s32 v62, v26  }
0x133: {  	v58 =	vld.idx.msk [tilespmem:v23+s20+$0x0], $0xffff;
	v42 =	vadd.s32 v55, v42;
	v57 =	vsel vm3, $0x1, v8;
	vm3 =	vlt.s32 v48, v26  }
0x134: {  	v60 =	vld.idx.msk [tilespmem:v24+s20+$0x0], $0xffff;
	v42 =	vadd.s32 v57, v42;
	v59 =	vsel vm3, $0x1, v8;
	vm3 =	vlt.s32 v50, v26  }
0x135: {  	v62 =	vld.idx.msk [tilespmem:v9+s20+$0x0], $0xffff;
	v42 =	vadd.s32 v59, v42;
	v61 =	vsel vm3, $0x1, v8;
	vm3 =	vlt.s32 v52, v26  }
0x136: {  	v42 =	vadd.s32 v61, v42;
	v63 =	vsel vm3, $0x1, v8;
	vm3 =	vlt.s32 v54, v26  }
0x137: {  	v48 =	vadd.s32 v63, v42;
	v49 =	vsel vm3, $0x1, v8;
	vm3 =	vlt.s32 v56, v26  }
0x138: {  	v41 =	vadd.s32 v49, v48;
	v50 =	vsel vm3, $0x1, v8;
	vm3 =	vlt.s32 v58, v26  }
0x139: {  	v41 =	vadd.s32 v50, v41;
	v51 =	vsel vm3, $0x1, v8;
	vm3 =	vlt.s32 v60, v26  }
0x13a: {  	v41 =	vadd.s32 v51, v41;
	v52 =	vsel vm3, $0x1, v8;
	vm3 =	vlt.s32 v62, v26  }
0x13b: {  	v41 =	vadd.s32 v52, v41;
	v53 =	vsel vm3, $0x1, v8  }
0x13c: {  	v41 =	vadd.s32 v53, v41  }
0x13d: {  	[tilespmem:$0x9590] =	vst v41  }
0x13e: {  	v41 =	vld.msk [tilespmem:s20+$0x0], $0xffff  }
0x13f: {  	v54 =	vld.idx.msk [tilespmem:v10+s20+$0x0], $0xffff  }
0x140: {  	v55 =	vld.idx.msk [tilespmem:v12+s20+$0x0], $0xffff  }
0x141: {  	v56 =	vld.idx.msk [tilespmem:v13+s20+$0x0], $0xffff  }
0x142: {  	v57 =	vld.idx.msk [tilespmem:v14+s20+$0x0], $0xffff  }
0x143: {  	v58 =	vld.idx.msk [tilespmem:v15+s20+$0x0], $0xffff  }
0x144: {  	v59 =	vld.idx.msk [tilespmem:v16+s20+$0x0], $0xffff;
	vm3 =	vgt.s32 v41, v27;
	vm9 =	vlt.s32 v54, v28  }
0x145: {  	v62 =	vld.idx.msk [tilespmem:v17+s20+$0x0], $0xffff;
	v60 =	vsel vm3, $0xFFFFFFFF, v8;
	v61 =	vsel vm9, $0x1, v8;
	vm3 =	vlt.s32 v55, v28  }
0x146: {  	v48 =	vld.idx.msk [tilespmem:v18+s20+$0x0], $0xffff;
	v42 =	vadd.s32 v60, v61;
	v63 =	vsel vm3, $0x1, v8;
	vm3 =	vlt.s32 v56, v28  }
0x147: {  	v50 =	vld.idx.msk [tilespmem:v19+s20+$0x0], $0xffff;
	v42 =	vadd.s32 v63, v42;
	v49 =	vsel vm3, $0x1, v8;
	vm3 =	vlt.s32 v57, v28  }
0x148: {  	v52 =	vld.idx.msk [tilespmem:v20+s20+$0x0], $0xffff;
	v42 =	vadd.s32 v49, v42;
	v51 =	vsel vm3, $0x1, v8;
	vm3 =	vlt.s32 v58, v28  }
0x149: {  	v54 =	vld.idx.msk [tilespmem:v21+s20+$0x0], $0xffff;
	v42 =	vadd.s32 v51, v42;
	v53 =	vsel vm3, $0x1, v8;
	vm3 =	vlt.s32 v59, v28  }
0x14a: {  	v56 =	vld.idx.msk [tilespmem:v22+s20+$0x0], $0xffff;
	v42 =	vadd.s32 v53, v42;
	v55 =	vsel vm3, $0x1, v8;
	vm3 =	vlt.s32 v62, v28  }
0x14b: {  	v58 =	vld.idx.msk [tilespmem:v23+s20+$0x0], $0xffff;
	v42 =	vadd.s32 v55, v42;
	v57 =	vsel vm3, $0x1, v8;
	vm3 =	vlt.s32 v48, v28  }
0x14c: {  	v60 =	vld.idx.msk [tilespmem:v24+s20+$0x0], $0xffff;
	v42 =	vadd.s32 v57, v42;
	v59 =	vsel vm3, $0x1, v8;
	vm3 =	vlt.s32 v50, v28  }
0x14d: {  	v62 =	vld.idx.msk [tilespmem:v9+s20+$0x0], $0xffff;
	v42 =	vadd.s32 v59, v42;
	v61 =	vsel vm3, $0x1, v8;
	vm3 =	vlt.s32 v52, v28  }
0x14e: {  	v42 =	vadd.s32 v61, v42;
	v63 =	vsel vm3, $0x1, v8;
	vm3 =	vlt.s32 v54, v28  }
0x14f: {  	v48 =	vadd.s32 v63, v42;
	v49 =	vsel vm3, $0x1, v8;
	vm3 =	vlt.s32 v56, v28  }
0x150: {  	v41 =	vadd.s32 v49, v48;
	v50 =	vsel vm3, $0x1, v8;
	vm3 =	vlt.s32 v58, v28  }
0x151: {  	v41 =	vadd.s32 v50, v41;
	v51 =	vsel vm3, $0x1, v8;
	vm3 =	vlt.s32 v60, v28  }
0x152: {  	v41 =	vadd.s32 v51, v41;
	v52 =	vsel vm3, $0x1, v8;
	vm3 =	vlt.s32 v62, v28  }
0x153: {  	v41 =	vadd.s32 v52, v41;
	v53 =	vsel vm3, $0x1, v8  }
0x154: {  	v41 =	vadd.s32 v53, v41  }
0x155: {  	[tilespmem:$0x95A0] =	vst v41  }
0x156: {  	v41 =	vld.msk [tilespmem:s20+$0x0], $0xffff  }
0x157: {  	v54 =	vld.idx.msk [tilespmem:v10+s20+$0x0], $0xffff  }
0x158: {  	v55 =	vld.idx.msk [tilespmem:v12+s20+$0x0], $0xffff  }
0x159: {  	v56 =	vld.idx.msk [tilespmem:v13+s20+$0x0], $0xffff  }
0x15a: {  	v57 =	vld.idx.msk [tilespmem:v14+s20+$0x0], $0xffff  }
0x15b: {  	v58 =	vld.idx.msk [tilespmem:v15+s20+$0x0], $0xffff  }
0x15c: {  	v59 =	vld.idx.msk [tilespmem:v16+s20+$0x0], $0xffff;
	vm3 =	vgt.s32 v41, v29;
	vm10 =	vlt.s32 v54, v30  }
0x15d: {  	v62 =	vld.idx.msk [tilespmem:v17+s20+$0x0], $0xffff;
	v60 =	vsel vm3, $0xFFFFFFFF, v8;
	v61 =	vsel vm10, $0x1, v8;
	vm3 =	vlt.s32 v55, v30  }
0x15e: {  	v48 =	vld.idx.msk [tilespmem:v18+s20+$0x0], $0xffff;
	v42 =	vadd.s32 v60, v61;
	v63 =	vsel vm3, $0x1, v8;
	vm3 =	vlt.s32 v56, v30  }
0x15f: {  	v50 =	vld.idx.msk [tilespmem:v19+s20+$0x0], $0xffff;
	v42 =	vadd.s32 v63, v42;
	v49 =	vsel vm3, $0x1, v8;
	vm3 =	vlt.s32 v57, v30  }
0x160: {  	v52 =	vld.idx.msk [tilespmem:v20+s20+$0x0], $0xffff;
	v42 =	vadd.s32 v49, v42;
	v51 =	vsel vm3, $0x1, v8;
	vm3 =	vlt.s32 v58, v30  }
0x161: {  	v54 =	vld.idx.msk [tilespmem:v21+s20+$0x0], $0xffff;
	v42 =	vadd.s32 v51, v42;
	v53 =	vsel vm3, $0x1, v8;
	vm3 =	vlt.s32 v59, v30  }
0x162: {  	v56 =	vld.idx.msk [tilespmem:v22+s20+$0x0], $0xffff;
	v42 =	vadd.s32 v53, v42;
	v55 =	vsel vm3, $0x1, v8;
	vm3 =	vlt.s32 v62, v30  }
0x163: {  	v58 =	vld.idx.msk [tilespmem:v23+s20+$0x0], $0xffff;
	v42 =	vadd.s32 v55, v42;
	v57 =	vsel vm3, $0x1, v8;
	vm3 =	vlt.s32 v48, v30  }
0x164: {  	v60 =	vld.idx.msk [tilespmem:v24+s20+$0x0], $0xffff;
	v42 =	vadd.s32 v57, v42;
	v59 =	vsel vm3, $0x1, v8;
	vm3 =	vlt.s32 v50, v30  }
0x165: {  	v62 =	vld.idx.msk [tilespmem:v9+s20+$0x0], $0xffff;
	v42 =	vadd.s32 v59, v42;
	v61 =	vsel vm3, $0x1, v8;
	vm3 =	vlt.s32 v52, v30  }
0x166: {  	v42 =	vadd.s32 v61, v42;
	v63 =	vsel vm3, $0x1, v8;
	vm3 =	vlt.s32 v54, v30  }
0x167: {  	v47 =	vadd.s32 v63, v42;
	v48 =	vsel vm3, $0x1, v8;
	vm3 =	vlt.s32 v56, v30  }
0x168: {  	v41 =	vadd.s32 v48, v47;
	v49 =	vsel vm3, $0x1, v8;
	vm3 =	vlt.s32 v58, v30  }
0x169: {  	v41 =	vadd.s32 v49, v41;
	v50 =	vsel vm3, $0x1, v8;
	vm3 =	vlt.s32 v60, v30  }
0x16a: {  	v41 =	vadd.s32 v50, v41;
	v51 =	vsel vm3, $0x1, v8;
	vm3 =	vlt.s32 v62, v30  }
0x16b: {  	v41 =	vadd.s32 v51, v41;
	v52 =	vsel vm3, $0x1, v8  }
0x16c: {  	v41 =	vadd.s32 v52, v41  }
0x16d: {  	[tilespmem:$0x95B0] =	vst v41  }
0x16e: {  	v41 =	vld.msk [tilespmem:s20+$0x0], $0xffff  }
0x16f: {  	v53 =	vld.idx.msk [tilespmem:v10+s20+$0x0], $0xffff  }
0x170: {  	v54 =	vld.idx.msk [tilespmem:v12+s20+$0x0], $0xffff  }
0x171: {  	v55 =	vld.idx.msk [tilespmem:v13+s20+$0x0], $0xffff  }
0x172: {  	v56 =	vld.idx.msk [tilespmem:v14+s20+$0x0], $0xffff  }
0x173: {  	v57 =	vld.idx.msk [tilespmem:v15+s20+$0x0], $0xffff  }
0x174: {  	v58 =	vld.idx.msk [tilespmem:v16+s20+$0x0], $0xffff;
	vm3 =	vgt.s32 v41, v31;
	vm11 =	vlt.s32 v53, v32  }
0x175: {  	v61 =	vld.idx.msk [tilespmem:v17+s20+$0x0], $0xffff;
	v59 =	vsel vm3, $0xFFFFFFFF, v8;
	v60 =	vsel vm11, $0x1, v8;
	vm3 =	vlt.s32 v54, v32  }
0x176: {  	v63 =	vld.idx.msk [tilespmem:v18+s20+$0x0], $0xffff;
	v42 =	vadd.s32 v59, v60;
	v62 =	vsel vm3, $0x1, v8;
	vm3 =	vlt.s32 v55, v32  }
0x177: {  	v49 =	vld.idx.msk [tilespmem:v19+s20+$0x0], $0xffff;
	v42 =	vadd.s32 v62, v42;
	v48 =	vsel vm3, $0x1, v8;
	vm3 =	vlt.s32 v56, v32  }
0x178: {  	v51 =	vld.idx.msk [tilespmem:v20+s20+$0x0], $0xffff;
	v42 =	vadd.s32 v48, v42;
	v50 =	vsel vm3, $0x1, v8;
	vm3 =	vlt.s32 v57, v32  }
0x179: {  	v53 =	vld.idx.msk [tilespmem:v21+s20+$0x0], $0xffff;
	v42 =	vadd.s32 v50, v42;
	v52 =	vsel vm3, $0x1, v8;
	vm3 =	vlt.s32 v58, v32  }
0x17a: {  	v55 =	vld.idx.msk [tilespmem:v22+s20+$0x0], $0xffff;
	v42 =	vadd.s32 v52, v42;
	v54 =	vsel vm3, $0x1, v8;
	vm3 =	vlt.s32 v61, v32  }
0x17b: {  	v57 =	vld.idx.msk [tilespmem:v23+s20+$0x0], $0xffff;
	v42 =	vadd.s32 v54, v42;
	v56 =	vsel vm3, $0x1, v8;
	vm3 =	vlt.s32 v63, v32  }
0x17c: {  	v59 =	vld.idx.msk [tilespmem:v24+s20+$0x0], $0xffff;
	v42 =	vadd.s32 v56, v42;
	v58 =	vsel vm3, $0x1, v8;
	vm3 =	vlt.s32 v49, v32  }
0x17d: {  	v61 =	vld.idx.msk [tilespmem:v9+s20+$0x0], $0xffff;
	v42 =	vadd.s32 v58, v42;
	v60 =	vsel vm3, $0x1, v8;
	vm3 =	vlt.s32 v51, v32  }
0x17e: {  	v42 =	vadd.s32 v60, v42;
	v62 =	vsel vm3, $0x1, v8;
	vm3 =	vlt.s32 v53, v32  }
0x17f: {  	v63 =	vadd.s32 v62, v42;
	v47 =	vsel vm3, $0x1, v8;
	vm3 =	vlt.s32 v55, v32  }
0x180: {  	v41 =	vadd.s32 v47, v63;
	v48 =	vsel vm3, $0x1, v8;
	vm3 =	vlt.s32 v57, v32  }
0x181: {  	v41 =	vadd.s32 v48, v41;
	v49 =	vsel vm3, $0x1, v8;
	vm3 =	vlt.s32 v59, v32  }
0x182: {  	v41 =	vadd.s32 v49, v41;
	v50 =	vsel vm3, $0x1, v8;
	vm3 =	vlt.s32 v61, v32  }
0x183: {  	v41 =	vadd.s32 v50, v41;
	v51 =	vsel vm3, $0x1, v8  }
0x184: {  	v41 =	vadd.s32 v51, v41  }
0x185: {  	[tilespmem:$0x95C0] =	vst v41  }
0x186: {  	v41 =	vld.msk [tilespmem:s20+$0x0], $0xffff  }
0x187: {  	v52 =	vld.idx.msk [tilespmem:v10+s20+$0x0], $0xffff  }
0x188: {  	v53 =	vld.idx.msk [tilespmem:v12+s20+$0x0], $0xffff  }
0x189: {  	v54 =	vld.idx.msk [tilespmem:v13+s20+$0x0], $0xffff  }
0x18a: {  	v55 =	vld.idx.msk [tilespmem:v14+s20+$0x0], $0xffff  }
0x18b: {  	v56 =	vld.idx.msk [tilespmem:v15+s20+$0x0], $0xffff  }
0x18c: {  	v57 =	vld.idx.msk [tilespmem:v16+s20+$0x0], $0xffff;
	vm3 =	vgt.s32 v41, v33;
	vm12 =	vlt.s32 v52, v34  }
0x18d: {  	v60 =	vld.idx.msk [tilespmem:v17+s20+$0x0], $0xffff;
	v58 =	vsel vm3, $0xFFFFFFFF, v8;
	v59 =	vsel vm12, $0x1, v8;
	vm3 =	vlt.s32 v53, v34  }
0x18e: {  	v62 =	vld.idx.msk [tilespmem:v18+s20+$0x0], $0xffff;
	v42 =	vadd.s32 v58, v59;
	v61 =	vsel vm3, $0x1, v8;
	vm3 =	vlt.s32 v54, v34  }
0x18f: {  	v48 =	vld.idx.msk [tilespmem:v19+s20+$0x0], $0xffff;
	v42 =	vadd.s32 v61, v42;
	v63 =	vsel vm3, $0x1, v8;
	vm3 =	vlt.s32 v55, v34  }
0x190: {  	v50 =	vld.idx.msk [tilespmem:v20+s20+$0x0], $0xffff;
	v42 =	vadd.s32 v63, v42;
	v49 =	vsel vm3, $0x1, v8;
	vm3 =	vlt.s32 v56, v34  }
0x191: {  	v52 =	vld.idx.msk [tilespmem:v21+s20+$0x0], $0xffff;
	v42 =	vadd.s32 v49, v42;
	v51 =	vsel vm3, $0x1, v8;
	vm3 =	vlt.s32 v57, v34  }
0x192: {  	v54 =	vld.idx.msk [tilespmem:v22+s20+$0x0], $0xffff;
	v42 =	vadd.s32 v51, v42;
	v53 =	vsel vm3, $0x1, v8;
	vm3 =	vlt.s32 v60, v34  }
0x193: {  	v56 =	vld.idx.msk [tilespmem:v23+s20+$0x0], $0xffff;
	v42 =	vadd.s32 v53, v42;
	v55 =	vsel vm3, $0x1, v8;
	vm3 =	vlt.s32 v62, v34  }
0x194: {  	v58 =	vld.idx.msk [tilespmem:v24+s20+$0x0], $0xffff;
	v42 =	vadd.s32 v55, v42;
	v57 =	vsel vm3, $0x1, v8;
	vm3 =	vlt.s32 v48, v34  }
0x195: {  	v60 =	vld.idx.msk [tilespmem:v9+s20+$0x0], $0xffff;
	v42 =	vadd.s32 v57, v42;
	v59 =	vsel vm3, $0x1, v8;
	vm3 =	vlt.s32 v50, v34  }
0x196: {  	v42 =	vadd.s32 v59, v42;
	v61 =	vsel vm3, $0x1, v8;
	vm3 =	vlt.s32 v52, v34  }
0x197: {  	v62 =	vadd.s32 v61, v42;
	v63 =	vsel vm3, $0x1, v8;
	vm3 =	vlt.s32 v54, v34  }
0x198: {  	v41 =	vadd.s32 v63, v62;
	v47 =	vsel vm3, $0x1, v8;
	vm3 =	vlt.s32 v56, v34  }
0x199: {  	v41 =	vadd.s32 v47, v41;
	v48 =	vsel vm3, $0x1, v8;
	vm3 =	vlt.s32 v58, v34  }
0x19a: {  	v41 =	vadd.s32 v48, v41;
	v49 =	vsel vm3, $0x1, v8;
	vm3 =	vlt.s32 v60, v34  }
0x19b: {  	v41 =	vadd.s32 v49, v41;
	v50 =	vsel vm3, $0x1, v8  }
0x19c: {  	v41 =	vadd.s32 v50, v41  }
0x19d: {  	[tilespmem:$0x95D0] =	vst v41  }
0x19e: {  	v41 =	vld.msk [tilespmem:s20+$0x0], $0xffff  }
0x19f: {  	v51 =	vld.idx.msk [tilespmem:v10+s20+$0x0], $0xffff  }
0x1a0: {  	v52 =	vld.idx.msk [tilespmem:v12+s20+$0x0], $0xffff  }
0x1a1: {  	v53 =	vld.idx.msk [tilespmem:v13+s20+$0x0], $0xffff  }
0x1a2: {  	v54 =	vld.idx.msk [tilespmem:v14+s20+$0x0], $0xffff  }
0x1a3: {  	v55 =	vld.idx.msk [tilespmem:v15+s20+$0x0], $0xffff  }
0x1a4: {  	v56 =	vld.idx.msk [tilespmem:v16+s20+$0x0], $0xffff;
	vm3 =	vgt.s32 v41, v35;
	vm13 =	vlt.s32 v51, v36  }
0x1a5: {  	v59 =	vld.idx.msk [tilespmem:v17+s20+$0x0], $0xffff;
	v57 =	vsel vm3, $0xFFFFFFFF, v8;
	v58 =	vsel vm13, $0x1, v8;
	vm3 =	vlt.s32 v52, v36  }
0x1a6: {  	v61 =	vld.idx.msk [tilespmem:v18+s20+$0x0], $0xffff;
	v42 =	vadd.s32 v57, v58;
	v60 =	vsel vm3, $0x1, v8;
	vm3 =	vlt.s32 v53, v36  }
0x1a7: {  	v63 =	vld.idx.msk [tilespmem:v19+s20+$0x0], $0xffff;
	v42 =	vadd.s32 v60, v42;
	v62 =	vsel vm3, $0x1, v8;
	vm3 =	vlt.s32 v54, v36  }
0x1a8: {  	v49 =	vld.idx.msk [tilespmem:v20+s20+$0x0], $0xffff;
	v42 =	vadd.s32 v62, v42;
	v48 =	vsel vm3, $0x1, v8;
	vm3 =	vlt.s32 v55, v36  }
0x1a9: {  	v51 =	vld.idx.msk [tilespmem:v21+s20+$0x0], $0xffff;
	v42 =	vadd.s32 v48, v42;
	v50 =	vsel vm3, $0x1, v8;
	vm3 =	vlt.s32 v56, v36  }
0x1aa: {  	v53 =	vld.idx.msk [tilespmem:v22+s20+$0x0], $0xffff;
	v42 =	vadd.s32 v50, v42;
	v52 =	vsel vm3, $0x1, v8;
	vm3 =	vlt.s32 v59, v36  }
0x1ab: {  	v55 =	vld.idx.msk [tilespmem:v23+s20+$0x0], $0xffff;
	v42 =	vadd.s32 v52, v42;
	v54 =	vsel vm3, $0x1, v8;
	vm3 =	vlt.s32 v61, v36  }
0x1ac: {  	v57 =	vld.idx.msk [tilespmem:v24+s20+$0x0], $0xffff;
	v42 =	vadd.s32 v54, v42;
	v56 =	vsel vm3, $0x1, v8;
	vm3 =	vlt.s32 v63, v36  }
0x1ad: {  	v59 =	vld.idx.msk [tilespmem:v9+s20+$0x0], $0xffff;
	v42 =	vadd.s32 v56, v42;
	v58 =	vsel vm3, $0x1, v8;
	vm3 =	vlt.s32 v49, v36  }
0x1ae: {  	v42 =	vadd.s32 v58, v42;
	v60 =	vsel vm3, $0x1, v8;
	vm3 =	vlt.s32 v51, v36  }
0x1af: {  	v61 =	vadd.s32 v60, v42;
	v62 =	vsel vm3, $0x1, v8;
	vm3 =	vlt.s32 v53, v36  }
0x1b0: {  	v41 =	vadd.s32 v62, v61;
	v63 =	vsel vm3, $0x1, v8;
	vm3 =	vlt.s32 v55, v36  }
0x1b1: {  	v41 =	vadd.s32 v63, v41;
	v47 =	vsel vm3, $0x1, v8;
	vm3 =	vlt.s32 v57, v36  }
0x1b2: {  	v41 =	vadd.s32 v47, v41;
	v48 =	vsel vm3, $0x1, v8;
	vm3 =	vlt.s32 v59, v36  }
0x1b3: {  	v41 =	vadd.s32 v48, v41;
	v49 =	vsel vm3, $0x1, v8  }
0x1b4: {  	v41 =	vadd.s32 v49, v41  }
0x1b5: {  	[tilespmem:$0x95E0] =	vst v41  }
0x1b6: {  	v41 =	vld.msk [tilespmem:s20+$0x0], $0xffff  }
0x1b7: {  	v50 =	vld.idx.msk [tilespmem:v10+s20+$0x0], $0xffff  }
0x1b8: {  	v51 =	vld.idx.msk [tilespmem:v12+s20+$0x0], $0xffff  }
0x1b9: {  	v52 =	vld.idx.msk [tilespmem:v13+s20+$0x0], $0xffff  }
0x1ba: {  	v53 =	vld.idx.msk [tilespmem:v14+s20+$0x0], $0xffff  }
0x1bb: {  	v54 =	vld.idx.msk [tilespmem:v15+s20+$0x0], $0xffff  }
0x1bc: {  	v55 =	vld.idx.msk [tilespmem:v16+s20+$0x0], $0xffff;
	vm3 =	vgt.s32 v41, v37;
	vm14 =	vlt.s32 v50, v38  }
0x1bd: {  	v58 =	vld.idx.msk [tilespmem:v17+s20+$0x0], $0xffff;
	v56 =	vsel vm3, $0xFFFFFFFF, v8;
	v57 =	vsel vm14, $0x1, v8;
	vm3 =	vlt.s32 v51, v38  }
0x1be: {  	v60 =	vld.idx.msk [tilespmem:v18+s20+$0x0], $0xffff;
	v42 =	vadd.s32 v56, v57;
	v59 =	vsel vm3, $0x1, v8;
	vm3 =	vlt.s32 v52, v38  }
0x1bf: {  	v62 =	vld.idx.msk [tilespmem:v19+s20+$0x0], $0xffff;
	v42 =	vadd.s32 v59, v42;
	v61 =	vsel vm3, $0x1, v8;
	vm3 =	vlt.s32 v53, v38  }
0x1c0: {  	v48 =	vld.idx.msk [tilespmem:v20+s20+$0x0], $0xffff;
	v42 =	vadd.s32 v61, v42;
	v63 =	vsel vm3, $0x1, v8;
	vm3 =	vlt.s32 v54, v38  }
0x1c1: {  	v50 =	vld.idx.msk [tilespmem:v21+s20+$0x0], $0xffff;
	v42 =	vadd.s32 v63, v42;
	v49 =	vsel vm3, $0x1, v8;
	vm3 =	vlt.s32 v55, v38  }
0x1c2: {  	v52 =	vld.idx.msk [tilespmem:v22+s20+$0x0], $0xffff;
	v42 =	vadd.s32 v49, v42;
	v51 =	vsel vm3, $0x1, v8;
	vm3 =	vlt.s32 v58, v38  }
0x1c3: {  	v54 =	vld.idx.msk [tilespmem:v23+s20+$0x0], $0xffff;
	v42 =	vadd.s32 v51, v42;
	v53 =	vsel vm3, $0x1, v8;
	vm3 =	vlt.s32 v60, v38  }
0x1c4: {  	v56 =	vld.idx.msk [tilespmem:v24+s20+$0x0], $0xffff;
	v42 =	vadd.s32 v53, v42;
	v55 =	vsel vm3, $0x1, v8;
	vm3 =	vlt.s32 v62, v38  }
0x1c5: {  	v58 =	vld.idx.msk [tilespmem:v9+s20+$0x0], $0xffff;
	v42 =	vadd.s32 v55, v42;
	v57 =	vsel vm3, $0x1, v8;
	vm3 =	vlt.s32 v48, v38  }
0x1c6: {  	v42 =	vadd.s32 v57, v42;
	v59 =	vsel vm3, $0x1, v8;
	vm3 =	vlt.s32 v50, v38  }
0x1c7: {  	v60 =	vadd.s32 v59, v42;
	v61 =	vsel vm3, $0x1, v8;
	vm3 =	vlt.s32 v52, v38  }
0x1c8: {  	v41 =	vadd.s32 v61, v60;
	v62 =	vsel vm3, $0x1, v8;
	vm3 =	vlt.s32 v54, v38  }
0x1c9: {  	v41 =	vadd.s32 v62, v41;
	v63 =	vsel vm3, $0x1, v8;
	vm3 =	vlt.s32 v56, v38  }
0x1ca: {  	v41 =	vadd.s32 v63, v41;
	v45 =	vsel vm3, $0x1, v8;
	vm3 =	vlt.s32 v58, v38  }
0x1cb: {  	v41 =	vadd.s32 v45, v41;
	v47 =	vsel vm3, $0x1, v8  }
0x1cc: {  	v41 =	vadd.s32 v47, v41  }
0x1cd: {  	[tilespmem:$0x95F0] =	vst v41  }
0x1ce: {  	v41 =	vld.msk [tilespmem:s20+$0x0], $0xffff  }
0x1cf: {  	v48 =	vld.idx.msk [tilespmem:v10+s20+$0x0], $0xffff  }
0x1d0: {  	v49 =	vld.idx.msk [tilespmem:v12+s20+$0x0], $0xffff  }
0x1d1: {  	v50 =	vld.idx.msk [tilespmem:v13+s20+$0x0], $0xffff  }
0x1d2: {  	v51 =	vld.idx.msk [tilespmem:v14+s20+$0x0], $0xffff  }
0x1d3: {  	v52 =	vld.idx.msk [tilespmem:v15+s20+$0x0], $0xffff  }
0x1d4: {  	v53 =	vld.idx.msk [tilespmem:v16+s20+$0x0], $0xffff;
	vm3 =	vgt.s32 v41, v39;
	vm15 =	vlt.s32 v48, v40  }
0x1d5: {  	v56 =	vld.idx.msk [tilespmem:v17+s20+$0x0], $0xffff;
	v54 =	vsel vm3, $0xFFFFFFFF, v8;
	v55 =	vsel vm15, $0x1, v8;
	vm3 =	vlt.s32 v49, v40  }
0x1d6: {  	v58 =	vld.idx.msk [tilespmem:v18+s20+$0x0], $0xffff;
	v42 =	vadd.s32 v54, v55;
	v57 =	vsel vm3, $0x1, v8;
	vm3 =	vlt.s32 v50, v40  }
0x1d7: {  	v60 =	vld.idx.msk [tilespmem:v19+s20+$0x0], $0xffff;
	v42 =	vadd.s32 v57, v42;
	v59 =	vsel vm3, $0x1, v8;
	vm3 =	vlt.s32 v51, v40  }
0x1d8: {  	v62 =	vld.idx.msk [tilespmem:v20+s20+$0x0], $0xffff;
	v42 =	vadd.s32 v59, v42;
	v61 =	vsel vm3, $0x1, v8;
	vm3 =	vlt.s32 v52, v40  }
0x1d9: {  	v48 =	vld.idx.msk [tilespmem:v21+s20+$0x0], $0xffff;
	v42 =	vadd.s32 v61, v42;
	v63 =	vsel vm3, $0x1, v8;
	vm3 =	vlt.s32 v53, v40  }
0x1da: {  	v50 =	vld.idx.msk [tilespmem:v22+s20+$0x0], $0xffff;
	v42 =	vadd.s32 v63, v42;
	v49 =	vsel vm3, $0x1, v8;
	vm3 =	vlt.s32 v56, v40  }
0x1db: {  	v52 =	vld.idx.msk [tilespmem:v23+s20+$0x0], $0xffff;
	v42 =	vadd.s32 v49, v42;
	v51 =	vsel vm3, $0x1, v8;
	vm3 =	vlt.s32 v58, v40  }
0x1dc: {  	v54 =	vld.idx.msk [tilespmem:v24+s20+$0x0], $0xffff;
	v42 =	vadd.s32 v51, v42;
	v53 =	vsel vm3, $0x1, v8;
	vm3 =	vlt.s32 v60, v40  }
0x1dd: {  	v56 =	vld.idx.msk [tilespmem:v9+s20+$0x0], $0xffff;
	v42 =	vadd.s32 v53, v42;
	v55 =	vsel vm3, $0x1, v8;
	vm3 =	vlt.s32 v62, v40  }
0x1de: {  	v42 =	vadd.s32 v55, v42;
	v57 =	vsel vm3, $0x1, v8;
	vm3 =	vlt.s32 v48, v40  }
0x1df: {  	v58 =	vadd.s32 v57, v42;
	v59 =	vsel vm3, $0x1, v8;
	vm3 =	vlt.s32 v50, v40  }
0x1e0: {  	v41 =	vadd.s32 v59, v58;
	v60 =	vsel vm3, $0x1, v8;
	vm3 =	vlt.s32 v52, v40  }
0x1e1: {  	v41 =	vadd.s32 v60, v41;
	v61 =	vsel vm3, $0x1, v8;
	vm3 =	vlt.s32 v54, v40  }
0x1e2: {  	v41 =	vadd.s32 v61, v41;
	v62 =	vsel vm3, $0x1, v8;
	vm3 =	vlt.s32 v56, v40  }
0x1e3: {  	v41 =	vadd.s32 v62, v41;
	v63 =	vsel vm3, $0x1, v8  }
0x1e4: {  	v41 =	vadd.s32 v63, v41  }
.Ltmp5:
0x1e5: {  	s13 =	rddreg [dreg:$0x5];
	s14 =	simm.s32 $0x9580;
	[tilespmem:$0x9600] =	vst v41;
	(pc) =	sbr.rel .LBB2_7-.Ltmp5, $4  }
0x1e6: {  	[hbm4b:s13+s3] =	stream.linear.scatter [tilespmem:s14], [sflag:$0x6], $0x100, $0x38;
	[tilespmem:$0x9680] =	vst v63  }
0x1e7: {  	_ =	swait.ge [sflag:s19], $0x100  }
0x1e8: {  	[sflag:s19] =	ssyncset.done $0x0  }
0x1e9: {  	[sflag:s19] =	ssyncadd.s32 $0xFFFFFF00  }
.LBB2_8:
0x1ea: {  	_ =	sfence.sel $0x180000  }
0x1eb: {  	[bflag:$0x0] =	sbarrier.arrive $0xFFFF  }
0x1ec: {  	_ =	strace $0x9000004A  }
0x1ed: {  	s0 =	stileid.u32;
	[bflag:$0x2] =	sbarrier.arrive $0xFFFF  }
0x1ee: {  	p0 =	sne.s32 s0, $0x0;
	s0 =	rddreg [dreg:$0x3]  }
0x1ef: {  	s0 =	sadd.s32 @!p0 $0x100000, s0  }
0x1f0: {  	[sflag:s0] =	ssyncadd.tile.s32 @!p0 $0x1;
	_ =	shalt  }
.Lfunc_end2:
_tile_overlayer_lowered:
.L_overlay_start_2:
0x1f1: {  	(tag) =	ssettag $0x2  }
0x1f2: {  	s0 =	rddreg [dreg:$0x0];
	s2 =	stileid.u32  }
0x1f3: {  	s1 =	rddreg [dreg:$0x1];
	p0 =	sne.s32 s2, $0x0  }
0x1f4: {  	s3 =	rddreg [dreg:$0x2];
	[bflag:$0x3] =	sbarrier.arrive $0xFFFF;
	s2 =	simm.s32 @!p0 $0x1C06  }
0x1f5: {  	[timem:s3], [sflag:s2] =	dma.local @!p0 [hbm:s0], s1  }
0x1f6: {  	s0 =	simm.s32 @!p0 $0x6  }
0x1f7: {  	_ =	swait.ge @!p0 [sflag:s0], s1  }
0x1f8: {  	s1 =	ssub.s32 @!p0 $0x0, s1;
	[sflag:s0] =	ssyncset.done @!p0 $0x0  }
0x1f9: {  	[sflag:s0] =	ssyncadd.s32 @!p0 s1  }
0x1fa: {  	[bflag:$0x3] =	sbarrier.arrive $0xFFFF  }
0x1fb: {  	_ =	shalt  }

</sc_bundles>
